<compile_context>
chip_gen: v7x
topology: tpu7x:2x2x1
jax: 0.10.2.dev20260603
libtpu: 0.0.44.dev20260713+nightly
codegen_flags: <defaults>
</compile_context>

<pallas_src>
import functools

import jax
import jax.numpy as jnp
from jax import lax
from jax.experimental import pallas as pl
from jax.experimental.pallas import tpu as pltpu
from jax.experimental.pallas import tpu_sc as plsc

N = 10000
D = 128
E = 320000
NC = 2
NS = 16
NW = NC * NS
EPW = E // NW
CH = 128
HALF = N // 2
NPH = 5632
RPS = NPH // NS
ZB = 16
CAP = 10112
TRASHM = 511
NP2 = 10240

_mesh = plsc.VectorSubcoreMesh(core_axis_name="c", subcore_axis_name="s",
                               num_cores=NC)


@functools.partial(
    pl.kernel,
    out_type=(
        jax.ShapeDtypeStruct((NC * NP2,), jnp.float32),
        jax.ShapeDtypeStruct((2 * NW * CAP,), jnp.int32),
        jax.ShapeDtypeStruct((2 * NW * CAP,), jnp.int32),
        jax.ShapeDtypeStruct((2 * NW * 16,), jnp.int32),
    ),
    mesh=_mesh,
    scratch_types=[
        pltpu.VMEM((EPW,), jnp.int32),
        pltpu.VMEM((EPW,), jnp.int32),
        pltpu.VMEM((NP2,), jnp.float32),
        pltpu.VMEM((CAP,), jnp.int32),
        pltpu.VMEM((CAP,), jnp.int32),
        pltpu.VMEM((CAP,), jnp.int32),
        pltpu.VMEM((CAP,), jnp.int32),
        pltpu.VMEM((16,), jnp.int32),
        pltpu.VMEM((NP2 // NS,), jnp.float32),
        pltpu.VMEM_SHARED((NS, 1, NP2), jnp.float32),
    ],
    compiler_params=pltpu.CompilerParams(needs_layout_passes=False),
)
def _route_kernel(src_hbm, dst_hbm, deg_hbm, rsrc_hbm, rdst_hbm, cnt_hbm,
                  src_v, dst_v, hist_v, os0_v, od0_v, os1_v, od1_v, cnt_v,
                  macc_v, stage_sh):
    cid = lax.axis_index("c")
    sid = lax.axis_index("s")
    wid = sid * NC + cid
    pltpu.sync_copy(src_hbm.at[pl.ds(wid * EPW, EPW)], src_v)
    pltpu.sync_copy(dst_hbm.at[pl.ds(wid * EPW, EPW)], dst_v)

    zeros16 = jnp.zeros((16,), jnp.float32)

    def zbody(i, carry):
        hist_v[pl.ds(i * 16, 16)] = zeros16
        return carry

    lax.fori_loop(0, NP2 // 16, zbody, 0)

    ones16 = jnp.ones((16,), jnp.float32)

    def hbody(i, carry):
        idx16 = dst_v[pl.ds(i * 16, 16)]
        plsc.addupdate_scatter(hist_v, [idx16], ones16)
        return carry

    lax.fori_loop(0, EPW // 16, hbody, 0)
    pltpu.sync_copy(hist_v, stage_sh.at[sid, 0])

    def rbody(i, offs):
        off0, off1 = offs
        s16 = src_v[pl.ds(i * 16, 16)]
        d16 = dst_v[pl.ds(i * 16, 16)]
        m0 = d16 < HALF
        m1 = jnp.logical_not(m0)
        m0i = m0.astype(jnp.int32)
        m1i = m1.astype(jnp.int32)
        pos0 = off0 + plsc.cumsum(m0i) - 1
        plsc.store_scatter(os0_v, [pos0], s16, mask=m0)
        plsc.store_scatter(od0_v, [pos0], d16, mask=m0)
        pos1 = off1 + plsc.cumsum(m1i) - 1
        plsc.store_scatter(os1_v, [pos1], s16, mask=m1)
        plsc.store_scatter(od1_v, [pos1], d16 - HALF, mask=m1)
        return off0 + jnp.sum(m0i), off1 + jnp.sum(m1i)

    off0, off1 = lax.fori_loop(0, EPW // 16, rbody,
                               (jnp.int32(0), jnp.int32(0)))

    iota16 = lax.iota(jnp.int32, 16)
    for t, (off, os_v, od_v) in enumerate(
            ((off0, os0_v, od0_v), (off1, os1_v, od1_v))):
        npad = lax.rem(CH - lax.rem(off, CH), CH)
        pc = off + npad
        for k in range(CH // 16):
            lane = off + k * 16 + iota16
            mpad = lane < pc
            plsc.store_scatter(os_v, [lane], lane & TRASHM, mask=mpad)
            plsc.store_scatter(od_v, [lane], HALF + (lane & TRASHM), mask=mpad)
        base = (t * NW + wid) * CAP
        pltpu.sync_copy(os_v, rsrc_hbm.at[pl.ds(base, CAP)])
        pltpu.sync_copy(od_v, rdst_hbm.at[pl.ds(base, CAP)])
        cnt_v[...] = jnp.broadcast_to(pc, (16,))
        pltpu.sync_copy(cnt_v, cnt_hbm.at[pl.ds((t * NW + wid) * 16, 16)])

    plsc.subcore_barrier()
    SLB = NP2 // NS
    for k in range(NS):
        pltpu.sync_copy(stage_sh.at[k, 0, pl.ds(sid * SLB, SLB)],
                        hist_v.at[pl.ds(k * SLB, SLB)])

    def mbody(v, carry):
        acc = hist_v[pl.ds(v * 16, 16)]
        for k in range(1, NS):
            acc = acc + hist_v[pl.ds(k * SLB + v * 16, 16)]
        macc_v[pl.ds(v * 16, 16)] = acc
        return carry

    lax.fori_loop(0, SLB // 16, mbody, 0)
    pltpu.sync_copy(macc_v, deg_hbm.at[pl.ds(cid * NP2 + sid * SLB, SLB)])


@functools.partial(
    pl.kernel,
    out_type=jax.ShapeDtypeStruct((NC, NPH, D), jnp.float32),
    mesh=_mesh,
    scratch_types=[
        [pltpu.VMEM((CH,), jnp.int32)] * 4,
        [pltpu.VMEM((CH,), jnp.int32)] * 4,
        [pltpu.VMEM((CH, D), jnp.float32)] * 4,
        pltpu.VMEM((16,), jnp.int32),
        pltpu.VMEM_SHARED((NPH, D), jnp.float32),
        [pltpu.SemaphoreType.DMA] * 4,
        [pltpu.SemaphoreType.DMA] * 4,
    ],
)
def _propagate_kernel(g_hbm, rsrc_hbm, rdst_hbm, cnt_hbm, zeros_hbm, out_hbm,
                      s_vs, d_vs, r_vs, cnt_v, acc_sh, sis, sgs):
    cid = lax.axis_index("c")
    sid = lax.axis_index("s")
    NB = 4
    pltpu.sync_copy(zeros_hbm, acc_sh.at[pl.ds(sid * RPS, RPS)])
    plsc.subcore_barrier()

    for li in range(2):
        lw = sid * 2 + li
        base = (cid * NW + lw) * CAP
        pltpu.sync_copy(cnt_hbm.at[pl.ds((cid * NW + lw) * 16, 16)], cnt_v)
        nch = lax.div(cnt_v[...][0], CH)

        def start_idx(c, b):
            pltpu.async_copy(rsrc_hbm.at[pl.ds(base + c * CH, CH)],
                             s_vs[b], sis[b])
            pltpu.async_copy(rdst_hbm.at[pl.ds(base + c * CH, CH)],
                             d_vs[b], sis[b])

        def wait_idx(b):
            pltpu.make_async_copy(rsrc_hbm.at[pl.ds(base, CH)],
                                  s_vs[b], sis[b]).wait()
            pltpu.make_async_copy(rdst_hbm.at[pl.ds(base, CH)],
                                  d_vs[b], sis[b]).wait()

        def start_gather(b):
            pltpu.async_copy(g_hbm.at[s_vs[b]], r_vs[b], sgs[b])

        def wait_gather(b):
            pltpu.make_async_copy(g_hbm.at[s_vs[b]], r_vs[b], sgs[b]).wait()

        def scatter(b):
            pltpu.sync_copy(r_vs[b], acc_sh.at[d_vs[b]], add=True)

        for p in range(NB - 1):
            @pl.when(p < nch)
            def _(p=p):
                start_idx(p, p)
                wait_idx(p)
                start_gather(p)

        @pl.when(NB - 1 < nch)
        def _():
            start_idx(NB - 1, NB - 1)

        def body(c, carry):
            for b in range(NB):
                @pl.when(lax.rem(c, NB) == b)
                def _(b=b):
                    bn = (b + NB - 1) % NB

                    @pl.when(c + NB - 1 < nch)
                    def _():
                        wait_idx(bn)
                        start_gather(bn)

                    wait_gather(b)
                    scatter(b)

                    @pl.when(c + NB < nch)
                    def _():
                        start_idx(c + NB, b)
            return carry

        lax.fori_loop(0, nch, body, 0)

    plsc.subcore_barrier()
    pltpu.sync_copy(acc_sh.at[pl.ds(sid * RPS, RPS)],
                    out_hbm.at[cid, pl.ds(sid * RPS, RPS)])


BNM = 400


def _matmul_body(x_ref, w_ref, deg_ref, g_ref):
    deg = deg_ref[:, 0:1] + deg_ref[:, 1:2] + 1.0
    dinv = lax.rsqrt(deg)
    h = jnp.dot(x_ref[...], w_ref[...], preferred_element_type=jnp.float32)
    g_ref[...] = h * dinv


_matmul_call = pl.pallas_call(
    _matmul_body,
    grid=(N // BNM,),
    in_specs=[
        pl.BlockSpec((BNM, D), lambda i: (i, 0)),
        pl.BlockSpec((D, D), lambda i: (0, 0)),
        pl.BlockSpec((BNM, 2), lambda i: (i, 0)),
    ],
    out_specs=pl.BlockSpec((BNM, D), lambda i: (i, 0)),
    out_shape=jax.ShapeDtypeStruct((N, D), jnp.float32),
)

BNF = 200


def _finalize_body(accp_ref, g_ref, deg_ref, b_ref, out_ref):
    deg = deg_ref[:, 0:1] + deg_ref[:, 1:2] + 1.0
    dinv = lax.rsqrt(deg)
    out_ref[...] = (accp_ref[0] + g_ref[...]) * dinv + b_ref[...]


_finalize_call = pl.pallas_call(
    _finalize_body,
    grid=(N // BNF,),
    in_specs=[
        pl.BlockSpec((1, BNF, D), lambda i: (i // 25, i % 25, 0)),
        pl.BlockSpec((BNF, D), lambda i: (i, 0)),
        pl.BlockSpec((BNF, 2), lambda i: (i, 0)),
        pl.BlockSpec((1, D), lambda i: (0, 0)),
    ],
    out_specs=pl.BlockSpec((BNF, D), lambda i: (i, 0)),
    out_shape=jax.ShapeDtypeStruct((N, D), jnp.float32),
)


def kernel(x, edge_index, W, b):
    src = edge_index[0].reshape(E)
    dst = edge_index[1].reshape(E)
    zeros_acc = jnp.zeros((RPS, D), jnp.float32)
    degp, rsrc, rdst, cnts = _route_kernel(src, dst)
    deg = degp.reshape(NC, NP2)[:, :N].T
    g = _matmul_call(x, W, deg)
    accp = _propagate_kernel(g, rsrc, rdst, cnts, zeros_acc)
    return _finalize_call(accp, g, deg, b.reshape(1, D))

# --- scband reference (transcript-rebuilt; emitter-appended) ---
"""Pipeline reference for scband-basic-gcn-76476187673147 (READ-ONLY COPY).

The authoritative reference and input builder live on the scoring server;
editing this copy changes nothing except your own understanding.
"""

import jax, jax.numpy as jnp
import numpy as np

N = 10000
E = 320000
D_IN = 128
D_OUT = 128


def setup_inputs(seed: int = 0) -> dict:
    key = jax.random.key(seed)
    k1, k2, k3, k4 = jax.random.split(key, 4)
    x = jax.random.normal(k1, (N, D_IN), dtype=jnp.float32)
    edge_index = jax.random.randint(k2, (2, E), 0, N, dtype=jnp.int32)
    # GCNConv learned params (glorot weight, zero bias as in PyG defaults)
    limit = float(np.sqrt(6.0 / (D_IN + D_OUT)))
    W = jax.random.uniform(k3, (D_IN, D_OUT), dtype=jnp.float32, minval=-limit, maxval=limit)
    b = jnp.zeros((D_OUT,), dtype=jnp.float32)
    return {"x": x, "edge_index": edge_index, "W": W, "b": b}


def reference(x, edge_index, W, b):
    # GCNConv with add_self_loops=True, normalize=True (PyG defaults)
    src = edge_index[0]
    dst = edge_index[1]
    loop = jnp.arange(N, dtype=src.dtype)
    src = jnp.concatenate([src, loop])
    dst = jnp.concatenate([dst, loop])
    ew = jnp.ones(src.shape[0], dtype=x.dtype)
    # symmetric normalization: deg computed on dst (col)
    deg = jnp.zeros((N,), dtype=x.dtype).at[dst].add(ew)
    deg_inv_sqrt = jnp.where(deg > 0, 1.0 / jnp.sqrt(deg), 0.0)
    norm = deg_inv_sqrt[src] * ew * deg_inv_sqrt[dst]
    # linear transform then propagate (gather -> scale -> scatter-add)
    h = x @ W
    msg = h[src] * norm[:, None]
    out = jnp.zeros((N, D_OUT), dtype=x.dtype).at[dst].add(msg)
    out = out + b
    # activation=None, dropout inactive in eval -> identity
    return out

if __name__ == "__main__":
    import jax
    _d = setup_inputs()
    print(jax.jit(kernel)(*tuple(_d.values())))

</pallas_src>

<mosaic_0001>
#map = affine_map<(d0, d1) -> (0)>
module attributes {stable_mosaic.version = 14 : i64} {
  func.func @_route_kernel(%arg0: i32, %arg1: i32, %arg2: memref<320000xi32, #tpu.memory_space<hbm>>, %arg3: memref<320000xi32, #tpu.memory_space<hbm>>, %arg4: memref<20480xf32, #tpu.memory_space<hbm>>, %arg5: memref<647168xi32, #tpu.memory_space<hbm>>, %arg6: memref<647168xi32, #tpu.memory_space<hbm>>, %arg7: memref<1024xi32, #tpu.memory_space<hbm>>, %arg8: memref<10000xi32, #tpu.memory_space<vmem>>, %arg9: memref<10000xi32, #tpu.memory_space<vmem>>, %arg10: memref<10240xf32, #tpu.memory_space<vmem>>, %arg11: memref<10112xi32, #tpu.memory_space<vmem>>, %arg12: memref<10112xi32, #tpu.memory_space<vmem>>, %arg13: memref<10112xi32, #tpu.memory_space<vmem>>, %arg14: memref<10112xi32, #tpu.memory_space<vmem>>, %arg15: memref<16xi32, #tpu.memory_space<vmem>>, %arg16: memref<640xf32, #tpu.memory_space<vmem>>, %arg17: memref<16x1x10240xf32, #tpu.memory_space<vmem_shared>>) attributes {dimension_semantics = [#tpu.dimension_semantics<core_parallel>, #tpu.dimension_semantics<subcore_parallel>], iteration_bounds = array<i64: 2, 16>, scalar_prefetch = 0 : i64, scratch_operands = 10 : i64, tpu.core_type = #tpu.core_type<sc_vector_subcore>, window_params = [{transform_indices = #map}, {transform_indices = #map}, {transform_indices = #map}, {transform_indices = #map}, {transform_indices = #map}, {transform_indices = #map}]} {
    %mul3A = arith.constant 2 : i32
    %mul3A_0 = arith.muli %arg1, %mul3A : i32
    %add3A = arith.addi %mul3A_0, %arg0 : i32
    %mul3A_1 = arith.constant 10000 : i32
    %mul3A_2 = arith.muli %add3A, %mul3A_1 : i32
    "tpu.region"() ({
      %run_scoped3A_373 = tpu.sem_alloc : memref<!tpu.dma_semaphore, #tpu.memory_space<semaphore_mem>>
      %dma_start3A = tpu.memref_slice %arg2[%mul3A_2] : memref<320000xi32, #tpu.memory_space<hbm>> -> memref<10000xi32, #tpu.memory_space<hbm>>
      %dma_start3A_374 = tpu.memref_slice %arg2[%mul3A_2] : memref<320000xi32, #tpu.memory_space<hbm>> -> memref<10000xi32, #tpu.memory_space<hbm>>
      tpu.enqueue_dma source(%dma_start3A_374 : memref<10000xi32, #tpu.memory_space<hbm>>) target(%arg8 : memref<10000xi32, #tpu.memory_space<vmem>>) target_semaphore(%run_scoped3A_373 : memref<!tpu.dma_semaphore, #tpu.memory_space<semaphore_mem>>)
      %dma_wait3A = tpu.memref_slice %arg2[%mul3A_2] : memref<320000xi32, #tpu.memory_space<hbm>> -> memref<10000xi32, #tpu.memory_space<hbm>>
      %dma_wait3A_375 = tpu.memref_slice %arg2[%mul3A_2] : memref<320000xi32, #tpu.memory_space<hbm>> -> memref<10000xi32, #tpu.memory_space<hbm>>
      tpu.wait_dma2 semaphore(%run_scoped3A_373 : memref<!tpu.dma_semaphore, #tpu.memory_space<semaphore_mem>>) src(%dma_wait3A_375 : memref<10000xi32, #tpu.memory_space<hbm>>) dst(%arg8 : memref<10000xi32, #tpu.memory_space<vmem>>)
      tpu.yield
    }) : () -> ()
    %mul3A_3 = arith.constant 10000 : i32
    %mul3A_4 = arith.muli %add3A, %mul3A_3 : i32
    "tpu.region"() ({
      %run_scoped3A_373 = tpu.sem_alloc : memref<!tpu.dma_semaphore, #tpu.memory_space<semaphore_mem>>
      %dma_start3A = tpu.memref_slice %arg3[%mul3A_4] : memref<320000xi32, #tpu.memory_space<hbm>> -> memref<10000xi32, #tpu.memory_space<hbm>>
      %dma_start3A_374 = tpu.memref_slice %arg3[%mul3A_4] : memref<320000xi32, #tpu.memory_space<hbm>> -> memref<10000xi32, #tpu.memory_space<hbm>>
      tpu.enqueue_dma source(%dma_start3A_374 : memref<10000xi32, #tpu.memory_space<hbm>>) target(%arg9 : memref<10000xi32, #tpu.memory_space<vmem>>) target_semaphore(%run_scoped3A_373 : memref<!tpu.dma_semaphore, #tpu.memory_space<semaphore_mem>>)
      %dma_wait3A = tpu.memref_slice %arg3[%mul3A_4] : memref<320000xi32, #tpu.memory_space<hbm>> -> memref<10000xi32, #tpu.memory_space<hbm>>
      %dma_wait3A_375 = tpu.memref_slice %arg3[%mul3A_4] : memref<320000xi32, #tpu.memory_space<hbm>> -> memref<10000xi32, #tpu.memory_space<hbm>>
      tpu.wait_dma2 semaphore(%run_scoped3A_373 : memref<!tpu.dma_semaphore, #tpu.memory_space<semaphore_mem>>) src(%dma_wait3A_375 : memref<10000xi32, #tpu.memory_space<hbm>>) dst(%arg9 : memref<10000xi32, #tpu.memory_space<vmem>>)
      tpu.yield
    }) : () -> ()
    %broadcast_in_dim3A = arith.constant 0.000000e+00 : f32
    %broadcast_in_dim3A_5 = vector.broadcast %broadcast_in_dim3A : f32 to vector<16xf32>
    %scan3A = arith.constant 0 : i32
    %scan3A_6 = arith.constant 0 : i32
    %scan3A_7 = arith.constant 640 : i32
    %scan3A_8 = arith.addi %scan3A_6, %scan3A_7 : i32
    %scan3A_9 = arith.constant 1 : i32
    scf.for %scan3A_373 = %scan3A_6 to %scan3A_8 step %scan3A_9  : i32 {
      %mul3A_374 = arith.constant 16 : i32
      %mul3A_375 = arith.muli %scan3A_373, %mul3A_374 : i32
      %swap3A_376 = arith.index_cast %mul3A_375 : i32 to index
      %swap3A_377 = tpu.vector_load %arg10[%swap3A_376] {strides = array<i32>} : memref<10240xf32, #tpu.memory_space<vmem>>, vector<16xf32>,
      tpu.vector_store %arg10[%swap3A_376], %broadcast_in_dim3A_5 {strides = array<i32>} : memref<10240xf32, #tpu.memory_space<vmem>>, vector<16xf32>,
    }
    %scan3A_10 = arith.constant 640 : i32
    %broadcast_in_dim3A_11 = arith.constant 1.000000e+00 : f32
    %broadcast_in_dim3A_12 = vector.broadcast %broadcast_in_dim3A_11 : f32 to vector<16xf32>
    %scan3A_13 = arith.constant 0 : i32
    %scan3A_14 = arith.constant 0 : i32
    %scan3A_15 = arith.constant 625 : i32
    %scan3A_16 = arith.addi %scan3A_14, %scan3A_15 : i32
    %scan3A_17 = arith.constant 1 : i32
    scf.for %scan3A_373 = %scan3A_14 to %scan3A_16 step %scan3A_17  : i32 {
      %mul3A_374 = arith.constant 16 : i32
      %mul3A_375 = arith.muli %scan3A_373, %mul3A_374 : i32
      %get3A = arith.index_cast %mul3A_375 : i32 to index
      %get3A_376 = tpu.vector_load %arg9[%get3A] {strides = array<i32>} : memref<10000xi32, #tpu.memory_space<vmem>>, vector<16xi32>,
      tpu.vector_store_idx %arg10[%get3A_376], %broadcast_in_dim3A_12 {add = true} : memref<10240xf32, #tpu.memory_space<vmem>>[vector<16xi32>], vector<16xf32>,
    }
    %scan3A_18 = arith.constant 625 : i32
    %run_scoped3A = arith.constant 0 : i32
    "tpu.region"() ({
      %run_scoped3A_373 = tpu.sem_alloc : memref<!tpu.dma_semaphore, #tpu.memory_space<semaphore_mem>>
      %dma_start3A = arith.constant 0 : i32
      %dma_start3A_374 = tpu.memref_slice %arg17[%arg1, %run_scoped3A, %dma_start3A] : memref<16x1x10240xf32, #tpu.memory_space<vmem_shared>> -> memref<1x1x10240xf32, #tpu.memory_space<vmem_shared>>
      %dma_start3A_375 = tpu.memref_squeeze %dma_start3A_374 : memref<1x1x10240xf32, #tpu.memory_space<vmem_shared>> -> memref<10240xf32, #tpu.memory_space<vmem_shared>>
      %dma_start3A_376 = arith.constant 0 : i32
      %dma_start3A_377 = tpu.memref_slice %arg17[%arg1, %run_scoped3A, %dma_start3A_376] : memref<16x1x10240xf32, #tpu.memory_space<vmem_shared>> -> memref<1x1x10240xf32, #tpu.memory_space<vmem_shared>>
      %dma_start3A_378 = tpu.memref_squeeze %dma_start3A_377 : memref<1x1x10240xf32, #tpu.memory_space<vmem_shared>> -> memref<10240xf32, #tpu.memory_space<vmem_shared>>
      tpu.enqueue_dma source(%arg10 : memref<10240xf32, #tpu.memory_space<vmem>>) target(%dma_start3A_378 : memref<10240xf32, #tpu.memory_space<vmem_shared>>) target_semaphore(%run_scoped3A_373 : memref<!tpu.dma_semaphore, #tpu.memory_space<semaphore_mem>>)
      %dma_wait3A = arith.constant 0 : i32
      %dma_wait3A_379 = tpu.memref_slice %arg17[%arg1, %run_scoped3A, %dma_wait3A] : memref<16x1x10240xf32, #tpu.memory_space<vmem_shared>> -> memref<1x1x10240xf32, #tpu.memory_space<vmem_shared>>
      %dma_wait3A_380 = tpu.memref_squeeze %dma_wait3A_379 : memref<1x1x10240xf32, #tpu.memory_space<vmem_shared>> -> memref<10240xf32, #tpu.memory_space<vmem_shared>>
      %dma_wait3A_381 = arith.constant 0 : i32
      %dma_wait3A_382 = tpu.memref_slice %arg17[%arg1, %run_scoped3A, %dma_wait3A_381] : memref<16x1x10240xf32, #tpu.memory_space<vmem_shared>> -> memref<1x1x10240xf32, #tpu.memory_space<vmem_shared>>
      %dma_wait3A_383 = tpu.memref_squeeze %dma_wait3A_382 : memref<1x1x10240xf32, #tpu.memory_space<vmem_shared>> -> memref<10240xf32, #tpu.memory_space<vmem_shared>>
      tpu.wait_dma2 semaphore(%run_scoped3A_373 : memref<!tpu.dma_semaphore, #tpu.memory_space<semaphore_mem>>) src(%arg10 : memref<10240xf32, #tpu.memory_space<vmem>>) dst(%dma_wait3A_383 : memref<10240xf32, #tpu.memory_space<vmem_shared>>)
      tpu.yield
    }) : () -> ()
    %scan3A_19 = arith.constant 0 : i32
    %scan3A_20 = arith.constant 0 : i32
    %scan3A_21 = arith.constant 0 : i32
    %scan3A_22 = arith.constant 625 : i32
    %scan3A_23 = arith.addi %scan3A_21, %scan3A_22 : i32
    %scan3A_24 = arith.constant 1 : i32
    %scan3A_25:2 = scf.for %scan3A_373 = %scan3A_21 to %scan3A_23 step %scan3A_24 iter_args(%scan3A_374 = %scan3A_19, %scan3A_375 = %scan3A_20) -> (i32, i32)  : i32 {
      %mul3A_376 = arith.constant 16 : i32
      %mul3A_377 = arith.muli %scan3A_373, %mul3A_376 : i32
      %get3A = arith.index_cast %mul3A_377 : i32 to index
      %get3A_378 = tpu.vector_load %arg8[%get3A] {strides = array<i32>} : memref<10000xi32, #tpu.memory_space<vmem>>, vector<16xi32>,
      %mul3A_379 = arith.constant 16 : i32
      %mul3A_380 = arith.muli %scan3A_373, %mul3A_379 : i32
      %get3A_381 = arith.index_cast %mul3A_380 : i32 to index
      %get3A_382 = tpu.vector_load %arg9[%get3A_381] {strides = array<i32>} : memref<10000xi32, #tpu.memory_space<vmem>>, vector<16xi32>,
      %lt3A_383 = arith.constant 5000 : i32
      %lt3A_384 = vector.broadcast %lt3A_383 : i32 to vector<16xi32>
      %lt3A_385 = arith.cmpi slt, %get3A_382, %lt3A_384 : vector<16xi32>
      %not3A = arith.constant dense<true> : vector<16xi1>
      %not3A_386 = arith.xori %lt3A_385, %not3A : vector<16xi1>
      %convert_element_type3A = arith.extui %lt3A_385 : vector<16xi1> to vector<16xi32>
      %convert_element_type3A_387 = arith.extui %not3A_386 : vector<16xi1> to vector<16xi32>
      %broadcast_in_dim3A_388 = arith.constant true
      %broadcast_in_dim3A_389 = vector.broadcast %broadcast_in_dim3A_388 : i1 to vector<16xi1>
      %masked_cumsum3A = tpu.scan <sum>, %convert_element_type3A masked %broadcast_in_dim3A_389 : vector<16xi32>, vector<16xi1> -> vector<16xi32>
      %add3A_390 = vector.broadcast %scan3A_374 : i32 to vector<16xi32>
      %add3A_391 = arith.addi %add3A_390, %masked_cumsum3A : vector<16xi32>
      %sub3A_392 = arith.constant 1 : i32
      %sub3A_393 = vector.broadcast %sub3A_392 : i32 to vector<16xi32>
      %sub3A_394 = arith.subi %add3A_391, %sub3A_393 : vector<16xi32>
      tpu.vector_store_idx %arg11[%sub3A_394], %get3A_378 masked %lt3A_385 : memref<10112xi32, #tpu.memory_space<vmem>>[vector<16xi32>], vector<16xi32>, vector<16xi1>
      tpu.vector_store_idx %arg12[%sub3A_394], %get3A_382 masked %lt3A_385 : memref<10112xi32, #tpu.memory_space<vmem>>[vector<16xi32>], vector<16xi32>, vector<16xi1>
      %broadcast_in_dim3A_395 = arith.constant true
      %broadcast_in_dim3A_396 = vector.broadcast %broadcast_in_dim3A_395 : i1 to vector<16xi1>
      %masked_cumsum3A_397 = tpu.scan <sum>, %convert_element_type3A_387 masked %broadcast_in_dim3A_396 : vector<16xi32>, vector<16xi1> -> vector<16xi32>
      %add3A_398 = vector.broadcast %scan3A_375 : i32 to vector<16xi32>
      %add3A_399 = arith.addi %add3A_398, %masked_cumsum3A_397 : vector<16xi32>
      %sub3A_400 = arith.constant 1 : i32
      %sub3A_401 = vector.broadcast %sub3A_400 : i32 to vector<16xi32>
      %sub3A_402 = arith.subi %add3A_399, %sub3A_401 : vector<16xi32>
      tpu.vector_store_idx %arg13[%sub3A_402], %get3A_378 masked %not3A_386 : memref<10112xi32, #tpu.memory_space<vmem>>[vector<16xi32>], vector<16xi32>, vector<16xi1>
      %sub3A_403 = arith.constant 5000 : i32
      %sub3A_404 = vector.broadcast %sub3A_403 : i32 to vector<16xi32>
      %sub3A_405 = arith.subi %get3A_382, %sub3A_404 : vector<16xi32>
      tpu.vector_store_idx %arg14[%sub3A_402], %sub3A_405 masked %not3A_386 : memref<10112xi32, #tpu.memory_space<vmem>>[vector<16xi32>], vector<16xi32>, vector<16xi1>
      %reduce_sum3A = arith.constant true
      %reduce_sum3A_406 = vector.broadcast %reduce_sum3A : i1 to vector<16xi1>
      %reduce_sum3A_407 = tpu.scan <sum>, %convert_element_type3A masked %reduce_sum3A_406 : vector<16xi32>, vector<16xi1> -> vector<16xi32>
      %reduce_sum3A_408 = vector.extract %reduce_sum3A_407[15] : i32 from vector<16xi32>
      %add3A_409 = arith.addi %scan3A_374, %reduce_sum3A_408 : i32
      %reduce_sum3A_410 = arith.constant true
      %reduce_sum3A_411 = vector.broadcast %reduce_sum3A_410 : i1 to vector<16xi1>
      %reduce_sum3A_412 = tpu.scan <sum>, %convert_element_type3A_387 masked %reduce_sum3A_411 : vector<16xi32>, vector<16xi1> -> vector<16xi32>
      %reduce_sum3A_413 = vector.extract %reduce_sum3A_412[15] : i32 from vector<16xi32>
      %add3A_414 = arith.addi %scan3A_375, %reduce_sum3A_413 : i32
      scf.yield %add3A_409, %add3A_414 : i32, i32
    }
    %scan3A_26 = arith.constant 625 : i32
    %iota3A = tpu.iota {dimensions = array<i32: 0>} : vector<16xi32>
    %rem3A = arith.constant 128 : i32
    %rem3A_27 = arith.remsi %scan3A_25#0, %rem3A : i32
    %sub3A = arith.constant 128 : i32
    %sub3A_28 = arith.subi %sub3A, %rem3A_27 : i32
    %rem3A_29 = arith.constant 128 : i32
    %rem3A_30 = arith.remsi %sub3A_28, %rem3A_29 : i32
    %add3A_31 = arith.addi %scan3A_25#0, %rem3A_30 : i32
    %add3A_32 = arith.constant 0 : i32
    %add3A_33 = arith.addi %scan3A_25#0, %add3A_32 : i32
    %add3A_34 = vector.broadcast %add3A_33 : i32 to vector<16xi32>
    %add3A_35 = arith.addi %add3A_34, %iota3A : vector<16xi32>
    %lt3A = vector.broadcast %add3A_31 : i32 to vector<16xi32>
    %lt3A_36 = arith.cmpi slt, %add3A_35, %lt3A : vector<16xi32>
    %and3A = arith.constant 511 : i32
    %and3A_37 = vector.broadcast %and3A : i32 to vector<16xi32>
    %and3A_38 = arith.andi %add3A_35, %and3A_37 : vector<16xi32>
    tpu.vector_store_idx %arg11[%add3A_35], %and3A_38 masked %lt3A_36 : memref<10112xi32, #tpu.memory_space<vmem>>[vector<16xi32>], vector<16xi32>, vector<16xi1>
    %and3A_39 = arith.constant 511 : i32
    %and3A_40 = vector.broadcast %and3A_39 : i32 to vector<16xi32>
    %and3A_41 = arith.andi %add3A_35, %and3A_40 : vector<16xi32>
    %add3A_42 = arith.constant 5000 : i32
    %add3A_43 = vector.broadcast %add3A_42 : i32 to vector<16xi32>
    %add3A_44 = arith.addi %add3A_43, %and3A_41 : vector<16xi32>
    tpu.vector_store_idx %arg12[%add3A_35], %add3A_44 masked %lt3A_36 : memref<10112xi32, #tpu.memory_space<vmem>>[vector<16xi32>], vector<16xi32>, vector<16xi1>
    %add3A_45 = arith.constant 16 : i32
    %add3A_46 = arith.addi %scan3A_25#0, %add3A_45 : i32
    %add3A_47 = vector.broadcast %add3A_46 : i32 to vector<16xi32>
    %add3A_48 = arith.addi %add3A_47, %iota3A : vector<16xi32>
    %lt3A_49 = vector.broadcast %add3A_31 : i32 to vector<16xi32>
    %lt3A_50 = arith.cmpi slt, %add3A_48, %lt3A_49 : vector<16xi32>
    %and3A_51 = arith.constant 511 : i32
    %and3A_52 = vector.broadcast %and3A_51 : i32 to vector<16xi32>
    %and3A_53 = arith.andi %add3A_48, %and3A_52 : vector<16xi32>
    tpu.vector_store_idx %arg11[%add3A_48], %and3A_53 masked %lt3A_50 : memref<10112xi32, #tpu.memory_space<vmem>>[vector<16xi32>], vector<16xi32>, vector<16xi1>
    %and3A_54 = arith.constant 511 : i32
    %and3A_55 = vector.broadcast %and3A_54 : i32 to vector<16xi32>
    %and3A_56 = arith.andi %add3A_48, %and3A_55 : vector<16xi32>
    %add3A_57 = arith.constant 5000 : i32
    %add3A_58 = vector.broadcast %add3A_57 : i32 to vector<16xi32>
    %add3A_59 = arith.addi %add3A_58, %and3A_56 : vector<16xi32>
    tpu.vector_store_idx %arg12[%add3A_48], %add3A_59 masked %lt3A_50 : memref<10112xi32, #tpu.memory_space<vmem>>[vector<16xi32>], vector<16xi32>, vector<16xi1>
    %add3A_60 = arith.constant 32 : i32
    %add3A_61 = arith.addi %scan3A_25#0, %add3A_60 : i32
    %add3A_62 = vector.broadcast %add3A_61 : i32 to vector<16xi32>
    %add3A_63 = arith.addi %add3A_62, %iota3A : vector<16xi32>
    %lt3A_64 = vector.broadcast %add3A_31 : i32 to vector<16xi32>
    %lt3A_65 = arith.cmpi slt, %add3A_63, %lt3A_64 : vector<16xi32>
    %and3A_66 = arith.constant 511 : i32
    %and3A_67 = vector.broadcast %and3A_66 : i32 to vector<16xi32>
    %and3A_68 = arith.andi %add3A_63, %and3A_67 : vector<16xi32>
    tpu.vector_store_idx %arg11[%add3A_63], %and3A_68 masked %lt3A_65 : memref<10112xi32, #tpu.memory_space<vmem>>[vector<16xi32>], vector<16xi32>, vector<16xi1>
    %and3A_69 = arith.constant 511 : i32
    %and3A_70 = vector.broadcast %and3A_69 : i32 to vector<16xi32>
    %and3A_71 = arith.andi %add3A_63, %and3A_70 : vector<16xi32>
    %add3A_72 = arith.constant 5000 : i32
    %add3A_73 = vector.broadcast %add3A_72 : i32 to vector<16xi32>
    %add3A_74 = arith.addi %add3A_73, %and3A_71 : vector<16xi32>
    tpu.vector_store_idx %arg12[%add3A_63], %add3A_74 masked %lt3A_65 : memref<10112xi32, #tpu.memory_space<vmem>>[vector<16xi32>], vector<16xi32>, vector<16xi1>
    %add3A_75 = arith.constant 48 : i32
    %add3A_76 = arith.addi %scan3A_25#0, %add3A_75 : i32
    %add3A_77 = vector.broadcast %add3A_76 : i32 to vector<16xi32>
    %add3A_78 = arith.addi %add3A_77, %iota3A : vector<16xi32>
    %lt3A_79 = vector.broadcast %add3A_31 : i32 to vector<16xi32>
    %lt3A_80 = arith.cmpi slt, %add3A_78, %lt3A_79 : vector<16xi32>
    %and3A_81 = arith.constant 511 : i32
    %and3A_82 = vector.broadcast %and3A_81 : i32 to vector<16xi32>
    %and3A_83 = arith.andi %add3A_78, %and3A_82 : vector<16xi32>
    tpu.vector_store_idx %arg11[%add3A_78], %and3A_83 masked %lt3A_80 : memref<10112xi32, #tpu.memory_space<vmem>>[vector<16xi32>], vector<16xi32>, vector<16xi1>
    %and3A_84 = arith.constant 511 : i32
    %and3A_85 = vector.broadcast %and3A_84 : i32 to vector<16xi32>
    %and3A_86 = arith.andi %add3A_78, %and3A_85 : vector<16xi32>
    %add3A_87 = arith.constant 5000 : i32
    %add3A_88 = vector.broadcast %add3A_87 : i32 to vector<16xi32>
    %add3A_89 = arith.addi %add3A_88, %and3A_86 : vector<16xi32>
    tpu.vector_store_idx %arg12[%add3A_78], %add3A_89 masked %lt3A_80 : memref<10112xi32, #tpu.memory_space<vmem>>[vector<16xi32>], vector<16xi32>, vector<16xi1>
    %add3A_90 = arith.constant 64 : i32
    %add3A_91 = arith.addi %scan3A_25#0, %add3A_90 : i32
    %add3A_92 = vector.broadcast %add3A_91 : i32 to vector<16xi32>
    %add3A_93 = arith.addi %add3A_92, %iota3A : vector<16xi32>
    %lt3A_94 = vector.broadcast %add3A_31 : i32 to vector<16xi32>
    %lt3A_95 = arith.cmpi slt, %add3A_93, %lt3A_94 : vector<16xi32>
    %and3A_96 = arith.constant 511 : i32
    %and3A_97 = vector.broadcast %and3A_96 : i32 to vector<16xi32>
    %and3A_98 = arith.andi %add3A_93, %and3A_97 : vector<16xi32>
    tpu.vector_store_idx %arg11[%add3A_93], %and3A_98 masked %lt3A_95 : memref<10112xi32, #tpu.memory_space<vmem>>[vector<16xi32>], vector<16xi32>, vector<16xi1>
    %and3A_99 = arith.constant 511 : i32
    %and3A_100 = vector.broadcast %and3A_99 : i32 to vector<16xi32>
    %and3A_101 = arith.andi %add3A_93, %and3A_100 : vector<16xi32>
    %add3A_102 = arith.constant 5000 : i32
    %add3A_103 = vector.broadcast %add3A_102 : i32 to vector<16xi32>
    %add3A_104 = arith.addi %add3A_103, %and3A_101 : vector<16xi32>
    tpu.vector_store_idx %arg12[%add3A_93], %add3A_104 masked %lt3A_95 : memref<10112xi32, #tpu.memory_space<vmem>>[vector<16xi32>], vector<16xi32>, vector<16xi1>
    %add3A_105 = arith.constant 80 : i32
    %add3A_106 = arith.addi %scan3A_25#0, %add3A_105 : i32
    %add3A_107 = vector.broadcast %add3A_106 : i32 to vector<16xi32>
    %add3A_108 = arith.addi %add3A_107, %iota3A : vector<16xi32>
    %lt3A_109 = vector.broadcast %add3A_31 : i32 to vector<16xi32>
    %lt3A_110 = arith.cmpi slt, %add3A_108, %lt3A_109 : vector<16xi32>
    %and3A_111 = arith.constant 511 : i32
    %and3A_112 = vector.broadcast %and3A_111 : i32 to vector<16xi32>
    %and3A_113 = arith.andi %add3A_108, %and3A_112 : vector<16xi32>
    tpu.vector_store_idx %arg11[%add3A_108], %and3A_113 masked %lt3A_110 : memref<10112xi32, #tpu.memory_space<vmem>>[vector<16xi32>], vector<16xi32>, vector<16xi1>
    %and3A_114 = arith.constant 511 : i32
    %and3A_115 = vector.broadcast %and3A_114 : i32 to vector<16xi32>
    %and3A_116 = arith.andi %add3A_108, %and3A_115 : vector<16xi32>
    %add3A_117 = arith.constant 5000 : i32
    %add3A_118 = vector.broadcast %add3A_117 : i32 to vector<16xi32>
    %add3A_119 = arith.addi %add3A_118, %and3A_116 : vector<16xi32>
    tpu.vector_store_idx %arg12[%add3A_108], %add3A_119 masked %lt3A_110 : memref<10112xi32, #tpu.memory_space<vmem>>[vector<16xi32>], vector<16xi32>, vector<16xi1>
    %add3A_120 = arith.constant 96 : i32
    %add3A_121 = arith.addi %scan3A_25#0, %add3A_120 : i32
    %add3A_122 = vector.broadcast %add3A_121 : i32 to vector<16xi32>
    %add3A_123 = arith.addi %add3A_122, %iota3A : vector<16xi32>
    %lt3A_124 = vector.broadcast %add3A_31 : i32 to vector<16xi32>
    %lt3A_125 = arith.cmpi slt, %add3A_123, %lt3A_124 : vector<16xi32>
    %and3A_126 = arith.constant 511 : i32
    %and3A_127 = vector.broadcast %and3A_126 : i32 to vector<16xi32>
    %and3A_128 = arith.andi %add3A_123, %and3A_127 : vector<16xi32>
    tpu.vector_store_idx %arg11[%add3A_123], %and3A_128 masked %lt3A_125 : memref<10112xi32, #tpu.memory_space<vmem>>[vector<16xi32>], vector<16xi32>, vector<16xi1>
    %and3A_129 = arith.constant 511 : i32
    %and3A_130 = vector.broadcast %and3A_129 : i32 to vector<16xi32>
    %and3A_131 = arith.andi %add3A_123, %and3A_130 : vector<16xi32>
    %add3A_132 = arith.constant 5000 : i32
    %add3A_133 = vector.broadcast %add3A_132 : i32 to vector<16xi32>
    %add3A_134 = arith.addi %add3A_133, %and3A_131 : vector<16xi32>
    tpu.vector_store_idx %arg12[%add3A_123], %add3A_134 masked %lt3A_125 : memref<10112xi32, #tpu.memory_space<vmem>>[vector<16xi32>], vector<16xi32>, vector<16xi1>
    %add3A_135 = arith.constant 112 : i32
    %add3A_136 = arith.addi %scan3A_25#0, %add3A_135 : i32
    %add3A_137 = vector.broadcast %add3A_136 : i32 to vector<16xi32>
    %add3A_138 = arith.addi %add3A_137, %iota3A : vector<16xi32>
    %lt3A_139 = vector.broadcast %add3A_31 : i32 to vector<16xi32>
    %lt3A_140 = arith.cmpi slt, %add3A_138, %lt3A_139 : vector<16xi32>
    %and3A_141 = arith.constant 511 : i32
    %and3A_142 = vector.broadcast %and3A_141 : i32 to vector<16xi32>
    %and3A_143 = arith.andi %add3A_138, %and3A_142 : vector<16xi32>
    tpu.vector_store_idx %arg11[%add3A_138], %and3A_143 masked %lt3A_140 : memref<10112xi32, #tpu.memory_space<vmem>>[vector<16xi32>], vector<16xi32>, vector<16xi1>
    %and3A_144 = arith.constant 511 : i32
    %and3A_145 = vector.broadcast %and3A_144 : i32 to vector<16xi32>
    %and3A_146 = arith.andi %add3A_138, %and3A_145 : vector<16xi32>
    %add3A_147 = arith.constant 5000 : i32
    %add3A_148 = vector.broadcast %add3A_147 : i32 to vector<16xi32>
    %add3A_149 = arith.addi %add3A_148, %and3A_146 : vector<16xi32>
    tpu.vector_store_idx %arg12[%add3A_138], %add3A_149 masked %lt3A_140 : memref<10112xi32, #tpu.memory_space<vmem>>[vector<16xi32>], vector<16xi32>, vector<16xi1>
    %add3A_150 = arith.constant 0 : i32
    %add3A_151 = arith.addi %add3A_150, %add3A : i32
    %mul3A_152 = arith.constant 10112 : i32
    %mul3A_153 = arith.muli %add3A_151, %mul3A_152 : i32
    "tpu.region"() ({
      %run_scoped3A_373 = tpu.sem_alloc : memref<!tpu.dma_semaphore, #tpu.memory_space<semaphore_mem>>
      %dma_start3A = tpu.memref_slice %arg5[%mul3A_153] : memref<647168xi32, #tpu.memory_space<hbm>> -> memref<10112xi32, #tpu.memory_space<hbm>>
      %dma_start3A_374 = tpu.memref_slice %arg5[%mul3A_153] : memref<647168xi32, #tpu.memory_space<hbm>> -> memref<10112xi32, #tpu.memory_space<hbm>>
      tpu.enqueue_dma source(%arg11 : memref<10112xi32, #tpu.memory_space<vmem>>) target(%dma_start3A_374 : memref<10112xi32, #tpu.memory_space<hbm>>) target_semaphore(%run_scoped3A_373 : memref<!tpu.dma_semaphore, #tpu.memory_space<semaphore_mem>>)
      %dma_wait3A = tpu.memref_slice %arg5[%mul3A_153] : memref<647168xi32, #tpu.memory_space<hbm>> -> memref<10112xi32, #tpu.memory_space<hbm>>
      %dma_wait3A_375 = tpu.memref_slice %arg5[%mul3A_153] : memref<647168xi32, #tpu.memory_space<hbm>> -> memref<10112xi32, #tpu.memory_space<hbm>>
      tpu.wait_dma2 semaphore(%run_scoped3A_373 : memref<!tpu.dma_semaphore, #tpu.memory_space<semaphore_mem>>) src(%arg11 : memref<10112xi32, #tpu.memory_space<vmem>>) dst(%dma_wait3A_375 : memref<10112xi32, #tpu.memory_space<hbm>>)
      tpu.yield
    }) : () -> ()
    "tpu.region"() ({
      %run_scoped3A_373 = tpu.sem_alloc : memref<!tpu.dma_semaphore, #tpu.memory_space<semaphore_mem>>
      %dma_start3A = tpu.memref_slice %arg6[%mul3A_153] : memref<647168xi32, #tpu.memory_space<hbm>> -> memref<10112xi32, #tpu.memory_space<hbm>>
      %dma_start3A_374 = tpu.memref_slice %arg6[%mul3A_153] : memref<647168xi32, #tpu.memory_space<hbm>> -> memref<10112xi32, #tpu.memory_space<hbm>>
      tpu.enqueue_dma source(%arg12 : memref<10112xi32, #tpu.memory_space<vmem>>) target(%dma_start3A_374 : memref<10112xi32, #tpu.memory_space<hbm>>) target_semaphore(%run_scoped3A_373 : memref<!tpu.dma_semaphore, #tpu.memory_space<semaphore_mem>>)
      %dma_wait3A = tpu.memref_slice %arg6[%mul3A_153] : memref<647168xi32, #tpu.memory_space<hbm>> -> memref<10112xi32, #tpu.memory_space<hbm>>
      %dma_wait3A_375 = tpu.memref_slice %arg6[%mul3A_153] : memref<647168xi32, #tpu.memory_space<hbm>> -> memref<10112xi32, #tpu.memory_space<hbm>>
      tpu.wait_dma2 semaphore(%run_scoped3A_373 : memref<!tpu.dma_semaphore, #tpu.memory_space<semaphore_mem>>) src(%arg12 : memref<10112xi32, #tpu.memory_space<vmem>>) dst(%dma_wait3A_375 : memref<10112xi32, #tpu.memory_space<hbm>>)
      tpu.yield
    }) : () -> ()
    %broadcast_in_dim3A_154 = vector.broadcast %add3A_31 : i32 to vector<16xi32>
    %swap3A = arith.constant 0 : index
    %swap3A_155 = tpu.vector_load %arg15[%swap3A] {strides = array<i32>} : memref<16xi32, #tpu.memory_space<vmem>>, vector<16xi32>,
    tpu.vector_store %arg15[%swap3A], %broadcast_in_dim3A_154 {strides = array<i32>} : memref<16xi32, #tpu.memory_space<vmem>>, vector<16xi32>,
    %add3A_156 = arith.constant 0 : i32
    %add3A_157 = arith.addi %add3A_156, %add3A : i32
    %mul3A_158 = arith.constant 16 : i32
    %mul3A_159 = arith.muli %add3A_157, %mul3A_158 : i32
    "tpu.region"() ({
      %run_scoped3A_373 = tpu.sem_alloc : memref<!tpu.dma_semaphore, #tpu.memory_space<semaphore_mem>>
      %dma_start3A = tpu.memref_slice %arg7[%mul3A_159] : memref<1024xi32, #tpu.memory_space<hbm>> -> memref<16xi32, #tpu.memory_space<hbm>>
      %dma_start3A_374 = tpu.memref_slice %arg7[%mul3A_159] : memref<1024xi32, #tpu.memory_space<hbm>> -> memref<16xi32, #tpu.memory_space<hbm>>
      tpu.enqueue_dma source(%arg15 : memref<16xi32, #tpu.memory_space<vmem>>) target(%dma_start3A_374 : memref<16xi32, #tpu.memory_space<hbm>>) target_semaphore(%run_scoped3A_373 : memref<!tpu.dma_semaphore, #tpu.memory_space<semaphore_mem>>)
      %dma_wait3A = tpu.memref_slice %arg7[%mul3A_159] : memref<1024xi32, #tpu.memory_space<hbm>> -> memref<16xi32, #tpu.memory_space<hbm>>
      %dma_wait3A_375 = tpu.memref_slice %arg7[%mul3A_159] : memref<1024xi32, #tpu.memory_space<hbm>> -> memref<16xi32, #tpu.memory_space<hbm>>
      tpu.wait_dma2 semaphore(%run_scoped3A_373 : memref<!tpu.dma_semaphore, #tpu.memory_space<semaphore_mem>>) src(%arg15 : memref<16xi32, #tpu.memory_space<vmem>>) dst(%dma_wait3A_375 : memref<16xi32, #tpu.memory_space<hbm>>)
      tpu.yield
    }) : () -> ()
    %rem3A_160 = arith.constant 128 : i32
    %rem3A_161 = arith.remsi %scan3A_25#1, %rem3A_160 : i32
    %sub3A_162 = arith.constant 128 : i32
    %sub3A_163 = arith.subi %sub3A_162, %rem3A_161 : i32
    %rem3A_164 = arith.constant 128 : i32
    %rem3A_165 = arith.remsi %sub3A_163, %rem3A_164 : i32
    %add3A_166 = arith.addi %scan3A_25#1, %rem3A_165 : i32
    %add3A_167 = arith.constant 0 : i32
    %add3A_168 = arith.addi %scan3A_25#1, %add3A_167 : i32
    %add3A_169 = vector.broadcast %add3A_168 : i32 to vector<16xi32>
    %add3A_170 = arith.addi %add3A_169, %iota3A : vector<16xi32>
    %lt3A_171 = vector.broadcast %add3A_166 : i32 to vector<16xi32>
    %lt3A_172 = arith.cmpi slt, %add3A_170, %lt3A_171 : vector<16xi32>
    %and3A_173 = arith.constant 511 : i32
    %and3A_174 = vector.broadcast %and3A_173 : i32 to vector<16xi32>
    %and3A_175 = arith.andi %add3A_170, %and3A_174 : vector<16xi32>
    tpu.vector_store_idx %arg13[%add3A_170], %and3A_175 masked %lt3A_172 : memref<10112xi32, #tpu.memory_space<vmem>>[vector<16xi32>], vector<16xi32>, vector<16xi1>
    %and3A_176 = arith.constant 511 : i32
    %and3A_177 = vector.broadcast %and3A_176 : i32 to vector<16xi32>
    %and3A_178 = arith.andi %add3A_170, %and3A_177 : vector<16xi32>
    %add3A_179 = arith.constant 5000 : i32
    %add3A_180 = vector.broadcast %add3A_179 : i32 to vector<16xi32>
    %add3A_181 = arith.addi %add3A_180, %and3A_178 : vector<16xi32>
    tpu.vector_store_idx %arg14[%add3A_170], %add3A_181 masked %lt3A_172 : memref<10112xi32, #tpu.memory_space<vmem>>[vector<16xi32>], vector<16xi32>, vector<16xi1>
    %add3A_182 = arith.constant 16 : i32
    %add3A_183 = arith.addi %scan3A_25#1, %add3A_182 : i32
    %add3A_184 = vector.broadcast %add3A_183 : i32 to vector<16xi32>
    %add3A_185 = arith.addi %add3A_184, %iota3A : vector<16xi32>
    %lt3A_186 = vector.broadcast %add3A_166 : i32 to vector<16xi32>
    %lt3A_187 = arith.cmpi slt, %add3A_185, %lt3A_186 : vector<16xi32>
    %and3A_188 = arith.constant 511 : i32
    %and3A_189 = vector.broadcast %and3A_188 : i32 to vector<16xi32>
    %and3A_190 = arith.andi %add3A_185, %and3A_189 : vector<16xi32>
    tpu.vector_store_idx %arg13[%add3A_185], %and3A_190 masked %lt3A_187 : memref<10112xi32, #tpu.memory_space<vmem>>[vector<16xi32>], vector<16xi32>, vector<16xi1>
    %and3A_191 = arith.constant 511 : i32
    %and3A_192 = vector.broadcast %and3A_191 : i32 to vector<16xi32>
    %and3A_193 = arith.andi %add3A_185, %and3A_192 : vector<16xi32>
    %add3A_194 = arith.constant 5000 : i32
    %add3A_195 = vector.broadcast %add3A_194 : i32 to vector<16xi32>
    %add3A_196 = arith.addi %add3A_195, %and3A_193 : vector<16xi32>
    tpu.vector_store_idx %arg14[%add3A_185], %add3A_196 masked %lt3A_187 : memref<10112xi32, #tpu.memory_space<vmem>>[vector<16xi32>], vector<16xi32>, vector<16xi1>
    %add3A_197 = arith.constant 32 : i32
    %add3A_198 = arith.addi %scan3A_25#1, %add3A_197 : i32
    %add3A_199 = vector.broadcast %add3A_198 : i32 to vector<16xi32>
    %add3A_200 = arith.addi %add3A_199, %iota3A : vector<16xi32>
    %lt3A_201 = vector.broadcast %add3A_166 : i32 to vector<16xi32>
    %lt3A_202 = arith.cmpi slt, %add3A_200, %lt3A_201 : vector<16xi32>
    %and3A_203 = arith.constant 511 : i32
    %and3A_204 = vector.broadcast %and3A_203 : i32 to vector<16xi32>
    %and3A_205 = arith.andi %add3A_200, %and3A_204 : vector<16xi32>
    tpu.vector_store_idx %arg13[%add3A_200], %and3A_205 masked %lt3A_202 : memref<10112xi32, #tpu.memory_space<vmem>>[vector<16xi32>], vector<16xi32>, vector<16xi1>
    %and3A_206 = arith.constant 511 : i32
    %and3A_207 = vector.broadcast %and3A_206 : i32 to vector<16xi32>
    %and3A_208 = arith.andi %add3A_200, %and3A_207 : vector<16xi32>
    %add3A_209 = arith.constant 5000 : i32
    %add3A_210 = vector.broadcast %add3A_209 : i32 to vector<16xi32>
    %add3A_211 = arith.addi %add3A_210, %and3A_208 : vector<16xi32>
    tpu.vector_store_idx %arg14[%add3A_200], %add3A_211 masked %lt3A_202 : memref<10112xi32, #tpu.memory_space<vmem>>[vector<16xi32>], vector<16xi32>, vector<16xi1>
    %add3A_212 = arith.constant 48 : i32
    %add3A_213 = arith.addi %scan3A_25#1, %add3A_212 : i32
    %add3A_214 = vector.broadcast %add3A_213 : i32 to vector<16xi32>
    %add3A_215 = arith.addi %add3A_214, %iota3A : vector<16xi32>
    %lt3A_216 = vector.broadcast %add3A_166 : i32 to vector<16xi32>
    %lt3A_217 = arith.cmpi slt, %add3A_215, %lt3A_216 : vector<16xi32>
    %and3A_218 = arith.constant 511 : i32
    %and3A_219 = vector.broadcast %and3A_218 : i32 to vector<16xi32>
    %and3A_220 = arith.andi %add3A_215, %and3A_219 : vector<16xi32>
    tpu.vector_store_idx %arg13[%add3A_215], %and3A_220 masked %lt3A_217 : memref<10112xi32, #tpu.memory_space<vmem>>[vector<16xi32>], vector<16xi32>, vector<16xi1>
    %and3A_221 = arith.constant 511 : i32
    %and3A_222 = vector.broadcast %and3A_221 : i32 to vector<16xi32>
    %and3A_223 = arith.andi %add3A_215, %and3A_222 : vector<16xi32>
    %add3A_224 = arith.constant 5000 : i32
    %add3A_225 = vector.broadcast %add3A_224 : i32 to vector<16xi32>
    %add3A_226 = arith.addi %add3A_225, %and3A_223 : vector<16xi32>
    tpu.vector_store_idx %arg14[%add3A_215], %add3A_226 masked %lt3A_217 : memref<10112xi32, #tpu.memory_space<vmem>>[vector<16xi32>], vector<16xi32>, vector<16xi1>
    %add3A_227 = arith.constant 64 : i32
    %add3A_228 = arith.addi %scan3A_25#1, %add3A_227 : i32
    %add3A_229 = vector.broadcast %add3A_228 : i32 to vector<16xi32>
    %add3A_230 = arith.addi %add3A_229, %iota3A : vector<16xi32>
    %lt3A_231 = vector.broadcast %add3A_166 : i32 to vector<16xi32>
    %lt3A_232 = arith.cmpi slt, %add3A_230, %lt3A_231 : vector<16xi32>
    %and3A_233 = arith.constant 511 : i32
    %and3A_234 = vector.broadcast %and3A_233 : i32 to vector<16xi32>
    %and3A_235 = arith.andi %add3A_230, %and3A_234 : vector<16xi32>
    tpu.vector_store_idx %arg13[%add3A_230], %and3A_235 masked %lt3A_232 : memref<10112xi32, #tpu.memory_space<vmem>>[vector<16xi32>], vector<16xi32>, vector<16xi1>
    %and3A_236 = arith.constant 511 : i32
    %and3A_237 = vector.broadcast %and3A_236 : i32 to vector<16xi32>
    %and3A_238 = arith.andi %add3A_230, %and3A_237 : vector<16xi32>
    %add3A_239 = arith.constant 5000 : i32
    %add3A_240 = vector.broadcast %add3A_239 : i32 to vector<16xi32>
    %add3A_241 = arith.addi %add3A_240, %and3A_238 : vector<16xi32>
    tpu.vector_store_idx %arg14[%add3A_230], %add3A_241 masked %lt3A_232 : memref<10112xi32, #tpu.memory_space<vmem>>[vector<16xi32>], vector<16xi32>, vector<16xi1>
    %add3A_242 = arith.constant 80 : i32
    %add3A_243 = arith.addi %scan3A_25#1, %add3A_242 : i32
    %add3A_244 = vector.broadcast %add3A_243 : i32 to vector<16xi32>
    %add3A_245 = arith.addi %add3A_244, %iota3A : vector<16xi32>
    %lt3A_246 = vector.broadcast %add3A_166 : i32 to vector<16xi32>
    %lt3A_247 = arith.cmpi slt, %add3A_245, %lt3A_246 : vector<16xi32>
    %and3A_248 = arith.constant 511 : i32
    %and3A_249 = vector.broadcast %and3A_248 : i32 to vector<16xi32>
    %and3A_250 = arith.andi %add3A_245, %and3A_249 : vector<16xi32>
    tpu.vector_store_idx %arg13[%add3A_245], %and3A_250 masked %lt3A_247 : memref<10112xi32, #tpu.memory_space<vmem>>[vector<16xi32>], vector<16xi32>, vector<16xi1>
    %and3A_251 = arith.constant 511 : i32
    %and3A_252 = vector.broadcast %and3A_251 : i32 to vector<16xi32>
    %and3A_253 = arith.andi %add3A_245, %and3A_252 : vector<16xi32>
    %add3A_254 = arith.constant 5000 : i32
    %add3A_255 = vector.broadcast %add3A_254 : i32 to vector<16xi32>
    %add3A_256 = arith.addi %add3A_255, %and3A_253 : vector<16xi32>
    tpu.vector_store_idx %arg14[%add3A_245], %add3A_256 masked %lt3A_247 : memref<10112xi32, #tpu.memory_space<vmem>>[vector<16xi32>], vector<16xi32>, vector<16xi1>
    %add3A_257 = arith.constant 96 : i32
    %add3A_258 = arith.addi %scan3A_25#1, %add3A_257 : i32
    %add3A_259 = vector.broadcast %add3A_258 : i32 to vector<16xi32>
    %add3A_260 = arith.addi %add3A_259, %iota3A : vector<16xi32>
    %lt3A_261 = vector.broadcast %add3A_166 : i32 to vector<16xi32>
    %lt3A_262 = arith.cmpi slt, %add3A_260, %lt3A_261 : vector<16xi32>
    %and3A_263 = arith.constant 511 : i32
    %and3A_264 = vector.broadcast %and3A_263 : i32 to vector<16xi32>
    %and3A_265 = arith.andi %add3A_260, %and3A_264 : vector<16xi32>
    tpu.vector_store_idx %arg13[%add3A_260], %and3A_265 masked %lt3A_262 : memref<10112xi32, #tpu.memory_space<vmem>>[vector<16xi32>], vector<16xi32>, vector<16xi1>
    %and3A_266 = arith.constant 511 : i32
    %and3A_267 = vector.broadcast %and3A_266 : i32 to vector<16xi32>
    %and3A_268 = arith.andi %add3A_260, %and3A_267 : vector<16xi32>
    %add3A_269 = arith.constant 5000 : i32
    %add3A_270 = vector.broadcast %add3A_269 : i32 to vector<16xi32>
    %add3A_271 = arith.addi %add3A_270, %and3A_268 : vector<16xi32>
    tpu.vector_store_idx %arg14[%add3A_260], %add3A_271 masked %lt3A_262 : memref<10112xi32, #tpu.memory_space<vmem>>[vector<16xi32>], vector<16xi32>, vector<16xi1>
    %add3A_272 = arith.constant 112 : i32
    %add3A_273 = arith.addi %scan3A_25#1, %add3A_272 : i32
    %add3A_274 = vector.broadcast %add3A_273 : i32 to vector<16xi32>
    %add3A_275 = arith.addi %add3A_274, %iota3A : vector<16xi32>
    %lt3A_276 = vector.broadcast %add3A_166 : i32 to vector<16xi32>
    %lt3A_277 = arith.cmpi slt, %add3A_275, %lt3A_276 : vector<16xi32>
    %and3A_278 = arith.constant 511 : i32
    %and3A_279 = vector.broadcast %and3A_278 : i32 to vector<16xi32>
    %and3A_280 = arith.andi %add3A_275, %and3A_279 : vector<16xi32>
    tpu.vector_store_idx %arg13[%add3A_275], %and3A_280 masked %lt3A_277 : memref<10112xi32, #tpu.memory_space<vmem>>[vector<16xi32>], vector<16xi32>, vector<16xi1>
    %and3A_281 = arith.constant 511 : i32
    %and3A_282 = vector.broadcast %and3A_281 : i32 to vector<16xi32>
    %and3A_283 = arith.andi %add3A_275, %and3A_282 : vector<16xi32>
    %add3A_284 = arith.constant 5000 : i32
    %add3A_285 = vector.broadcast %add3A_284 : i32 to vector<16xi32>
    %add3A_286 = arith.addi %add3A_285, %and3A_283 : vector<16xi32>
    tpu.vector_store_idx %arg14[%add3A_275], %add3A_286 masked %lt3A_277 : memref<10112xi32, #tpu.memory_space<vmem>>[vector<16xi32>], vector<16xi32>, vector<16xi1>
    %add3A_287 = arith.constant 32 : i32
    %add3A_288 = arith.addi %add3A_287, %add3A : i32
    %mul3A_289 = arith.constant 10112 : i32
    %mul3A_290 = arith.muli %add3A_288, %mul3A_289 : i32
    "tpu.region"() ({
      %run_scoped3A_373 = tpu.sem_alloc : memref<!tpu.dma_semaphore, #tpu.memory_space<semaphore_mem>>
      %dma_start3A = tpu.memref_slice %arg5[%mul3A_290] : memref<647168xi32, #tpu.memory_space<hbm>> -> memref<10112xi32, #tpu.memory_space<hbm>>
      %dma_start3A_374 = tpu.memref_slice %arg5[%mul3A_290] : memref<647168xi32, #tpu.memory_space<hbm>> -> memref<10112xi32, #tpu.memory_space<hbm>>
      tpu.enqueue_dma source(%arg13 : memref<10112xi32, #tpu.memory_space<vmem>>) target(%dma_start3A_374 : memref<10112xi32, #tpu.memory_space<hbm>>) target_semaphore(%run_scoped3A_373 : memref<!tpu.dma_semaphore, #tpu.memory_space<semaphore_mem>>)
      %dma_wait3A = tpu.memref_slice %arg5[%mul3A_290] : memref<647168xi32, #tpu.memory_space<hbm>> -> memref<10112xi32, #tpu.memory_space<hbm>>
      %dma_wait3A_375 = tpu.memref_slice %arg5[%mul3A_290] : memref<647168xi32, #tpu.memory_space<hbm>> -> memref<10112xi32, #tpu.memory_space<hbm>>
      tpu.wait_dma2 semaphore(%run_scoped3A_373 : memref<!tpu.dma_semaphore, #tpu.memory_space<semaphore_mem>>) src(%arg13 : memref<10112xi32, #tpu.memory_space<vmem>>) dst(%dma_wait3A_375 : memref<10112xi32, #tpu.memory_space<hbm>>)
      tpu.yield
    }) : () -> ()
    "tpu.region"() ({
      %run_scoped3A_373 = tpu.sem_alloc : memref<!tpu.dma_semaphore, #tpu.memory_space<semaphore_mem>>
      %dma_start3A = tpu.memref_slice %arg6[%mul3A_290] : memref<647168xi32, #tpu.memory_space<hbm>> -> memref<10112xi32, #tpu.memory_space<hbm>>
      %dma_start3A_374 = tpu.memref_slice %arg6[%mul3A_290] : memref<647168xi32, #tpu.memory_space<hbm>> -> memref<10112xi32, #tpu.memory_space<hbm>>
      tpu.enqueue_dma source(%arg14 : memref<10112xi32, #tpu.memory_space<vmem>>) target(%dma_start3A_374 : memref<10112xi32, #tpu.memory_space<hbm>>) target_semaphore(%run_scoped3A_373 : memref<!tpu.dma_semaphore, #tpu.memory_space<semaphore_mem>>)
      %dma_wait3A = tpu.memref_slice %arg6[%mul3A_290] : memref<647168xi32, #tpu.memory_space<hbm>> -> memref<10112xi32, #tpu.memory_space<hbm>>
      %dma_wait3A_375 = tpu.memref_slice %arg6[%mul3A_290] : memref<647168xi32, #tpu.memory_space<hbm>> -> memref<10112xi32, #tpu.memory_space<hbm>>
      tpu.wait_dma2 semaphore(%run_scoped3A_373 : memref<!tpu.dma_semaphore, #tpu.memory_space<semaphore_mem>>) src(%arg14 : memref<10112xi32, #tpu.memory_space<vmem>>) dst(%dma_wait3A_375 : memref<10112xi32, #tpu.memory_space<hbm>>)
      tpu.yield
    }) : () -> ()
    %broadcast_in_dim3A_291 = vector.broadcast %add3A_166 : i32 to vector<16xi32>
    %swap3A_292 = arith.constant 0 : index
    %swap3A_293 = tpu.vector_load %arg15[%swap3A_292] {strides = array<i32>} : memref<16xi32, #tpu.memory_space<vmem>>, vector<16xi32>,
    tpu.vector_store %arg15[%swap3A_292], %broadcast_in_dim3A_291 {strides = array<i32>} : memref<16xi32, #tpu.memory_space<vmem>>, vector<16xi32>,
    %add3A_294 = arith.constant 32 : i32
    %add3A_295 = arith.addi %add3A_294, %add3A : i32
    %mul3A_296 = arith.constant 16 : i32
    %mul3A_297 = arith.muli %add3A_295, %mul3A_296 : i32
    "tpu.region"() ({
      %run_scoped3A_373 = tpu.sem_alloc : memref<!tpu.dma_semaphore, #tpu.memory_space<semaphore_mem>>
      %dma_start3A = tpu.memref_slice %arg7[%mul3A_297] : memref<1024xi32, #tpu.memory_space<hbm>> -> memref<16xi32, #tpu.memory_space<hbm>>
      %dma_start3A_374 = tpu.memref_slice %arg7[%mul3A_297] : memref<1024xi32, #tpu.memory_space<hbm>> -> memref<16xi32, #tpu.memory_space<hbm>>
      tpu.enqueue_dma source(%arg15 : memref<16xi32, #tpu.memory_space<vmem>>) target(%dma_start3A_374 : memref<16xi32, #tpu.memory_space<hbm>>) target_semaphore(%run_scoped3A_373 : memref<!tpu.dma_semaphore, #tpu.memory_space<semaphore_mem>>)
      %dma_wait3A = tpu.memref_slice %arg7[%mul3A_297] : memref<1024xi32, #tpu.memory_space<hbm>> -> memref<16xi32, #tpu.memory_space<hbm>>
      %dma_wait3A_375 = tpu.memref_slice %arg7[%mul3A_297] : memref<1024xi32, #tpu.memory_space<hbm>> -> memref<16xi32, #tpu.memory_space<hbm>>
      tpu.wait_dma2 semaphore(%run_scoped3A_373 : memref<!tpu.dma_semaphore, #tpu.memory_space<semaphore_mem>>) src(%arg15 : memref<16xi32, #tpu.memory_space<vmem>>) dst(%dma_wait3A_375 : memref<16xi32, #tpu.memory_space<hbm>>)
      tpu.yield
    }) : () -> ()
    %barrier3A = arith.constant 0 : index
    tpu.barrier barrier_id(%barrier3A)
    %mul3A_298 = arith.constant 640 : i32
    %mul3A_299 = arith.muli %arg1, %mul3A_298 : i32
    %run_scoped3A_300 = arith.constant 0 : i32
    %run_scoped3A_301 = arith.constant 0 : i32
    "tpu.region"() ({
      %run_scoped3A_373 = tpu.sem_alloc : memref<!tpu.dma_semaphore, #tpu.memory_space<semaphore_mem>>
      %dma_start3A = arith.constant 0 : i32
      %dma_start3A_374 = tpu.memref_slice %arg10[%dma_start3A] : memref<10240xf32, #tpu.memory_space<vmem>> -> memref<640xf32, #tpu.memory_space<vmem>>
      %dma_start3A_375 = tpu.memref_slice %arg17[%run_scoped3A_300, %run_scoped3A_301, %mul3A_299] : memref<16x1x10240xf32, #tpu.memory_space<vmem_shared>> -> memref<1x1x640xf32, #tpu.memory_space<vmem_shared>>
      %dma_start3A_376 = tpu.memref_squeeze %dma_start3A_375 : memref<1x1x640xf32, #tpu.memory_space<vmem_shared>> -> memref<640xf32, #tpu.memory_space<vmem_shared>>
      %dma_start3A_377 = arith.constant 0 : i32
      %dma_start3A_378 = tpu.memref_slice %arg10[%dma_start3A_377] : memref<10240xf32, #tpu.memory_space<vmem>> -> memref<640xf32, #tpu.memory_space<vmem>>
      %dma_start3A_379 = tpu.memref_slice %arg17[%run_scoped3A_300, %run_scoped3A_301, %mul3A_299] : memref<16x1x10240xf32, #tpu.memory_space<vmem_shared>> -> memref<1x1x640xf32, #tpu.memory_space<vmem_shared>>
      %dma_start3A_380 = tpu.memref_squeeze %dma_start3A_379 : memref<1x1x640xf32, #tpu.memory_space<vmem_shared>> -> memref<640xf32, #tpu.memory_space<vmem_shared>>
      tpu.enqueue_dma source(%dma_start3A_380 : memref<640xf32, #tpu.memory_space<vmem_shared>>) target(%dma_start3A_378 : memref<640xf32, #tpu.memory_space<vmem>>) target_semaphore(%run_scoped3A_373 : memref<!tpu.dma_semaphore, #tpu.memory_space<semaphore_mem>>)
      %dma_wait3A = arith.constant 0 : i32
      %dma_wait3A_381 = tpu.memref_slice %arg10[%dma_wait3A] : memref<10240xf32, #tpu.memory_space<vmem>> -> memref<640xf32, #tpu.memory_space<vmem>>
      %dma_wait3A_382 = tpu.memref_slice %arg17[%run_scoped3A_300, %run_scoped3A_301, %mul3A_299] : memref<16x1x10240xf32, #tpu.memory_space<vmem_shared>> -> memref<1x1x640xf32, #tpu.memory_space<vmem_shared>>
      %dma_wait3A_383 = tpu.memref_squeeze %dma_wait3A_382 : memref<1x1x640xf32, #tpu.memory_space<vmem_shared>> -> memref<640xf32, #tpu.memory_space<vmem_shared>>
      %dma_wait3A_384 = arith.constant 0 : i32
      %dma_wait3A_385 = tpu.memref_slice %arg10[%dma_wait3A_384] : memref<10240xf32, #tpu.memory_space<vmem>> -> memref<640xf32, #tpu.memory_space<vmem>>
      %dma_wait3A_386 = tpu.memref_slice %arg17[%run_scoped3A_300, %run_scoped3A_301, %mul3A_299] : memref<16x1x10240xf32, #tpu.memory_space<vmem_shared>> -> memref<1x1x640xf32, #tpu.memory_space<vmem_shared>>
      %dma_wait3A_387 = tpu.memref_squeeze %dma_wait3A_386 : memref<1x1x640xf32, #tpu.memory_space<vmem_shared>> -> memref<640xf32, #tpu.memory_space<vmem_shared>>
      tpu.wait_dma2 semaphore(%run_scoped3A_373 : memref<!tpu.dma_semaphore, #tpu.memory_space<semaphore_mem>>) src(%dma_wait3A_387 : memref<640xf32, #tpu.memory_space<vmem_shared>>) dst(%dma_wait3A_385 : memref<640xf32, #tpu.memory_space<vmem>>)
      tpu.yield
    }) : () -> ()
    %mul3A_302 = arith.constant 640 : i32
    %mul3A_303 = arith.muli %arg1, %mul3A_302 : i32
    %run_scoped3A_304 = arith.constant 1 : i32
    %run_scoped3A_305 = arith.constant 0 : i32
    "tpu.region"() ({
      %run_scoped3A_373 = tpu.sem_alloc : memref<!tpu.dma_semaphore, #tpu.memory_space<semaphore_mem>>
      %dma_start3A = arith.constant 640 : i32
      %dma_start3A_374 = tpu.memref_slice %arg10[%dma_start3A] : memref<10240xf32, #tpu.memory_space<vmem>> -> memref<640xf32, #tpu.memory_space<vmem>>
      %dma_start3A_375 = tpu.memref_slice %arg17[%run_scoped3A_304, %run_scoped3A_305, %mul3A_303] : memref<16x1x10240xf32, #tpu.memory_space<vmem_shared>> -> memref<1x1x640xf32, #tpu.memory_space<vmem_shared>>
      %dma_start3A_376 = tpu.memref_squeeze %dma_start3A_375 : memref<1x1x640xf32, #tpu.memory_space<vmem_shared>> -> memref<640xf32, #tpu.memory_space<vmem_shared>>
      %dma_start3A_377 = arith.constant 640 : i32
      %dma_start3A_378 = tpu.memref_slice %arg10[%dma_start3A_377] : memref<10240xf32, #tpu.memory_space<vmem>> -> memref<640xf32, #tpu.memory_space<vmem>>
      %dma_start3A_379 = tpu.memref_slice %arg17[%run_scoped3A_304, %run_scoped3A_305, %mul3A_303] : memref<16x1x10240xf32, #tpu.memory_space<vmem_shared>> -> memref<1x1x640xf32, #tpu.memory_space<vmem_shared>>
      %dma_start3A_380 = tpu.memref_squeeze %dma_start3A_379 : memref<1x1x640xf32, #tpu.memory_space<vmem_shared>> -> memref<640xf32, #tpu.memory_space<vmem_shared>>
      tpu.enqueue_dma source(%dma_start3A_380 : memref<640xf32, #tpu.memory_space<vmem_shared>>) target(%dma_start3A_378 : memref<640xf32, #tpu.memory_space<vmem>>) target_semaphore(%run_scoped3A_373 : memref<!tpu.dma_semaphore, #tpu.memory_space<semaphore_mem>>)
      %dma_wait3A = arith.constant 640 : i32
      %dma_wait3A_381 = tpu.memref_slice %arg10[%dma_wait3A] : memref<10240xf32, #tpu.memory_space<vmem>> -> memref<640xf32, #tpu.memory_space<vmem>>
      %dma_wait3A_382 = tpu.memref_slice %arg17[%run_scoped3A_304, %run_scoped3A_305, %mul3A_303] : memref<16x1x10240xf32, #tpu.memory_space<vmem_shared>> -> memref<1x1x640xf32, #tpu.memory_space<vmem_shared>>
      %dma_wait3A_383 = tpu.memref_squeeze %dma_wait3A_382 : memref<1x1x640xf32, #tpu.memory_space<vmem_shared>> -> memref<640xf32, #tpu.memory_space<vmem_shared>>
      %dma_wait3A_384 = arith.constant 640 : i32
      %dma_wait3A_385 = tpu.memref_slice %arg10[%dma_wait3A_384] : memref<10240xf32, #tpu.memory_space<vmem>> -> memref<640xf32, #tpu.memory_space<vmem>>
      %dma_wait3A_386 = tpu.memref_slice %arg17[%run_scoped3A_304, %run_scoped3A_305, %mul3A_303] : memref<16x1x10240xf32, #tpu.memory_space<vmem_shared>> -> memref<1x1x640xf32, #tpu.memory_space<vmem_shared>>
      %dma_wait3A_387 = tpu.memref_squeeze %dma_wait3A_386 : memref<1x1x640xf32, #tpu.memory_space<vmem_shared>> -> memref<640xf32, #tpu.memory_space<vmem_shared>>
      tpu.wait_dma2 semaphore(%run_scoped3A_373 : memref<!tpu.dma_semaphore, #tpu.memory_space<semaphore_mem>>) src(%dma_wait3A_387 : memref<640xf32, #tpu.memory_space<vmem_shared>>) dst(%dma_wait3A_385 : memref<640xf32, #tpu.memory_space<vmem>>)
      tpu.yield
    }) : () -> ()
    %mul3A_306 = arith.constant 640 : i32
    %mul3A_307 = arith.muli %arg1, %mul3A_306 : i32
    %run_scoped3A_308 = arith.constant 2 : i32
    %run_scoped3A_309 = arith.constant 0 : i32
    "tpu.region"() ({
      %run_scoped3A_373 = tpu.sem_alloc : memref<!tpu.dma_semaphore, #tpu.memory_space<semaphore_mem>>
      %dma_start3A = arith.constant 1280 : i32
      %dma_start3A_374 = tpu.memref_slice %arg10[%dma_start3A] : memref<10240xf32, #tpu.memory_space<vmem>> -> memref<640xf32, #tpu.memory_space<vmem>>
      %dma_start3A_375 = tpu.memref_slice %arg17[%run_scoped3A_308, %run_scoped3A_309, %mul3A_307] : memref<16x1x10240xf32, #tpu.memory_space<vmem_shared>> -> memref<1x1x640xf32, #tpu.memory_space<vmem_shared>>
      %dma_start3A_376 = tpu.memref_squeeze %dma_start3A_375 : memref<1x1x640xf32, #tpu.memory_space<vmem_shared>> -> memref<640xf32, #tpu.memory_space<vmem_shared>>
      %dma_start3A_377 = arith.constant 1280 : i32
      %dma_start3A_378 = tpu.memref_slice %arg10[%dma_start3A_377] : memref<10240xf32, #tpu.memory_space<vmem>> -> memref<640xf32, #tpu.memory_space<vmem>>
      %dma_start3A_379 = tpu.memref_slice %arg17[%run_scoped3A_308, %run_scoped3A_309, %mul3A_307] : memref<16x1x10240xf32, #tpu.memory_space<vmem_shared>> -> memref<1x1x640xf32, #tpu.memory_space<vmem_shared>>
      %dma_start3A_380 = tpu.memref_squeeze %dma_start3A_379 : memref<1x1x640xf32, #tpu.memory_space<vmem_shared>> -> memref<640xf32, #tpu.memory_space<vmem_shared>>
      tpu.enqueue_dma source(%dma_start3A_380 : memref<640xf32, #tpu.memory_space<vmem_shared>>) target(%dma_start3A_378 : memref<640xf32, #tpu.memory_space<vmem>>) target_semaphore(%run_scoped3A_373 : memref<!tpu.dma_semaphore, #tpu.memory_space<semaphore_mem>>)
      %dma_wait3A = arith.constant 1280 : i32
      %dma_wait3A_381 = tpu.memref_slice %arg10[%dma_wait3A] : memref<10240xf32, #tpu.memory_space<vmem>> -> memref<640xf32, #tpu.memory_space<vmem>>
      %dma_wait3A_382 = tpu.memref_slice %arg17[%run_scoped3A_308, %run_scoped3A_309, %mul3A_307] : memref<16x1x10240xf32, #tpu.memory_space<vmem_shared>> -> memref<1x1x640xf32, #tpu.memory_space<vmem_shared>>
      %dma_wait3A_383 = tpu.memref_squeeze %dma_wait3A_382 : memref<1x1x640xf32, #tpu.memory_space<vmem_shared>> -> memref<640xf32, #tpu.memory_space<vmem_shared>>
      %dma_wait3A_384 = arith.constant 1280 : i32
      %dma_wait3A_385 = tpu.memref_slice %arg10[%dma_wait3A_384] : memref<10240xf32, #tpu.memory_space<vmem>> -> memref<640xf32, #tpu.memory_space<vmem>>
      %dma_wait3A_386 = tpu.memref_slice %arg17[%run_scoped3A_308, %run_scoped3A_309, %mul3A_307] : memref<16x1x10240xf32, #tpu.memory_space<vmem_shared>> -> memref<1x1x640xf32, #tpu.memory_space<vmem_shared>>
      %dma_wait3A_387 = tpu.memref_squeeze %dma_wait3A_386 : memref<1x1x640xf32, #tpu.memory_space<vmem_shared>> -> memref<640xf32, #tpu.memory_space<vmem_shared>>
      tpu.wait_dma2 semaphore(%run_scoped3A_373 : memref<!tpu.dma_semaphore, #tpu.memory_space<semaphore_mem>>) src(%dma_wait3A_387 : memref<640xf32, #tpu.memory_space<vmem_shared>>) dst(%dma_wait3A_385 : memref<640xf32, #tpu.memory_space<vmem>>)
      tpu.yield
    }) : () -> ()
    %mul3A_310 = arith.constant 640 : i32
    %mul3A_311 = arith.muli %arg1, %mul3A_310 : i32
    %run_scoped3A_312 = arith.constant 3 : i32
    %run_scoped3A_313 = arith.constant 0 : i32
    "tpu.region"() ({
      %run_scoped3A_373 = tpu.sem_alloc : memref<!tpu.dma_semaphore, #tpu.memory_space<semaphore_mem>>
      %dma_start3A = arith.constant 1920 : i32
      %dma_start3A_374 = tpu.memref_slice %arg10[%dma_start3A] : memref<10240xf32, #tpu.memory_space<vmem>> -> memref<640xf32, #tpu.memory_space<vmem>>
      %dma_start3A_375 = tpu.memref_slice %arg17[%run_scoped3A_312, %run_scoped3A_313, %mul3A_311] : memref<16x1x10240xf32, #tpu.memory_space<vmem_shared>> -> memref<1x1x640xf32, #tpu.memory_space<vmem_shared>>
      %dma_start3A_376 = tpu.memref_squeeze %dma_start3A_375 : memref<1x1x640xf32, #tpu.memory_space<vmem_shared>> -> memref<640xf32, #tpu.memory_space<vmem_shared>>
      %dma_start3A_377 = arith.constant 1920 : i32
      %dma_start3A_378 = tpu.memref_slice %arg10[%dma_start3A_377] : memref<10240xf32, #tpu.memory_space<vmem>> -> memref<640xf32, #tpu.memory_space<vmem>>
      %dma_start3A_379 = tpu.memref_slice %arg17[%run_scoped3A_312, %run_scoped3A_313, %mul3A_311] : memref<16x1x10240xf32, #tpu.memory_space<vmem_shared>> -> memref<1x1x640xf32, #tpu.memory_space<vmem_shared>>
      %dma_start3A_380 = tpu.memref_squeeze %dma_start3A_379 : memref<1x1x640xf32, #tpu.memory_space<vmem_shared>> -> memref<640xf32, #tpu.memory_space<vmem_shared>>
      tpu.enqueue_dma source(%dma_start3A_380 : memref<640xf32, #tpu.memory_space<vmem_shared>>) target(%dma_start3A_378 : memref<640xf32, #tpu.memory_space<vmem>>) target_semaphore(%run_scoped3A_373 : memref<!tpu.dma_semaphore, #tpu.memory_space<semaphore_mem>>)
      %dma_wait3A = arith.constant 1920 : i32
      %dma_wait3A_381 = tpu.memref_slice %arg10[%dma_wait3A] : memref<10240xf32, #tpu.memory_space<vmem>> -> memref<640xf32, #tpu.memory_space<vmem>>
      %dma_wait3A_382 = tpu.memref_slice %arg17[%run_scoped3A_312, %run_scoped3A_313, %mul3A_311] : memref<16x1x10240xf32, #tpu.memory_space<vmem_shared>> -> memref<1x1x640xf32, #tpu.memory_space<vmem_shared>>
      %dma_wait3A_383 = tpu.memref_squeeze %dma_wait3A_382 : memref<1x1x640xf32, #tpu.memory_space<vmem_shared>> -> memref<640xf32, #tpu.memory_space<vmem_shared>>
      %dma_wait3A_384 = arith.constant 1920 : i32
      %dma_wait3A_385 = tpu.memref_slice %arg10[%dma_wait3A_384] : memref<10240xf32, #tpu.memory_space<vmem>> -> memref<640xf32, #tpu.memory_space<vmem>>
      %dma_wait3A_386 = tpu.memref_slice %arg17[%run_scoped3A_312, %run_scoped3A_313, %mul3A_311] : memref<16x1x10240xf32, #tpu.memory_space<vmem_shared>> -> memref<1x1x640xf32, #tpu.memory_space<vmem_shared>>
      %dma_wait3A_387 = tpu.memref_squeeze %dma_wait3A_386 : memref<1x1x640xf32, #tpu.memory_space<vmem_shared>> -> memref<640xf32, #tpu.memory_space<vmem_shared>>
      tpu.wait_dma2 semaphore(%run_scoped3A_373 : memref<!tpu.dma_semaphore, #tpu.memory_space<semaphore_mem>>) src(%dma_wait3A_387 : memref<640xf32, #tpu.memory_space<vmem_shared>>) dst(%dma_wait3A_385 : memref<640xf32, #tpu.memory_space<vmem>>)
      tpu.yield
    }) : () -> ()
    %mul3A_314 = arith.constant 640 : i32
    %mul3A_315 = arith.muli %arg1, %mul3A_314 : i32
    %run_scoped3A_316 = arith.constant 4 : i32
    %run_scoped3A_317 = arith.constant 0 : i32
    "tpu.region"() ({
      %run_scoped3A_373 = tpu.sem_alloc : memref<!tpu.dma_semaphore, #tpu.memory_space<semaphore_mem>>
      %dma_start3A = arith.constant 2560 : i32
      %dma_start3A_374 = tpu.memref_slice %arg10[%dma_start3A] : memref<10240xf32, #tpu.memory_space<vmem>> -> memref<640xf32, #tpu.memory_space<vmem>>
      %dma_start3A_375 = tpu.memref_slice %arg17[%run_scoped3A_316, %run_scoped3A_317, %mul3A_315] : memref<16x1x10240xf32, #tpu.memory_space<vmem_shared>> -> memref<1x1x640xf32, #tpu.memory_space<vmem_shared>>
      %dma_start3A_376 = tpu.memref_squeeze %dma_start3A_375 : memref<1x1x640xf32, #tpu.memory_space<vmem_shared>> -> memref<640xf32, #tpu.memory_space<vmem_shared>>
      %dma_start3A_377 = arith.constant 2560 : i32
      %dma_start3A_378 = tpu.memref_slice %arg10[%dma_start3A_377] : memref<10240xf32, #tpu.memory_space<vmem>> -> memref<640xf32, #tpu.memory_space<vmem>>
      %dma_start3A_379 = tpu.memref_slice %arg17[%run_scoped3A_316, %run_scoped3A_317, %mul3A_315] : memref<16x1x10240xf32, #tpu.memory_space<vmem_shared>> -> memref<1x1x640xf32, #tpu.memory_space<vmem_shared>>
      %dma_start3A_380 = tpu.memref_squeeze %dma_start3A_379 : memref<1x1x640xf32, #tpu.memory_space<vmem_shared>> -> memref<640xf32, #tpu.memory_space<vmem_shared>>
      tpu.enqueue_dma source(%dma_start3A_380 : memref<640xf32, #tpu.memory_space<vmem_shared>>) target(%dma_start3A_378 : memref<640xf32, #tpu.memory_space<vmem>>) target_semaphore(%run_scoped3A_373 : memref<!tpu.dma_semaphore, #tpu.memory_space<semaphore_mem>>)
      %dma_wait3A = arith.constant 2560 : i32
      %dma_wait3A_381 = tpu.memref_slice %arg10[%dma_wait3A] : memref<10240xf32, #tpu.memory_space<vmem>> -> memref<640xf32, #tpu.memory_space<vmem>>
      %dma_wait3A_382 = tpu.memref_slice %arg17[%run_scoped3A_316, %run_scoped3A_317, %mul3A_315] : memref<16x1x10240xf32, #tpu.memory_space<vmem_shared>> -> memref<1x1x640xf32, #tpu.memory_space<vmem_shared>>
      %dma_wait3A_383 = tpu.memref_squeeze %dma_wait3A_382 : memref<1x1x640xf32, #tpu.memory_space<vmem_shared>> -> memref<640xf32, #tpu.memory_space<vmem_shared>>
      %dma_wait3A_384 = arith.constant 2560 : i32
      %dma_wait3A_385 = tpu.memref_slice %arg10[%dma_wait3A_384] : memref<10240xf32, #tpu.memory_space<vmem>> -> memref<640xf32, #tpu.memory_space<vmem>>
      %dma_wait3A_386 = tpu.memref_slice %arg17[%run_scoped3A_316, %run_scoped3A_317, %mul3A_315] : memref<16x1x10240xf32, #tpu.memory_space<vmem_shared>> -> memref<1x1x640xf32, #tpu.memory_space<vmem_shared>>
      %dma_wait3A_387 = tpu.memref_squeeze %dma_wait3A_386 : memref<1x1x640xf32, #tpu.memory_space<vmem_shared>> -> memref<640xf32, #tpu.memory_space<vmem_shared>>
      tpu.wait_dma2 semaphore(%run_scoped3A_373 : memref<!tpu.dma_semaphore, #tpu.memory_space<semaphore_mem>>) src(%dma_wait3A_387 : memref<640xf32, #tpu.memory_space<vmem_shared>>) dst(%dma_wait3A_385 : memref<640xf32, #tpu.memory_space<vmem>>)
      tpu.yield
    }) : () -> ()
    %mul3A_318 = arith.constant 640 : i32
    %mul3A_319 = arith.muli %arg1, %mul3A_318 : i32
    %run_scoped3A_320 = arith.constant 5 : i32
    %run_scoped3A_321 = arith.constant 0 : i32
    "tpu.region"() ({
      %run_scoped3A_373 = tpu.sem_alloc : memref<!tpu.dma_semaphore, #tpu.memory_space<semaphore_mem>>
      %dma_start3A = arith.constant 3200 : i32
      %dma_start3A_374 = tpu.memref_slice %arg10[%dma_start3A] : memref<10240xf32, #tpu.memory_space<vmem>> -> memref<640xf32, #tpu.memory_space<vmem>>
      %dma_start3A_375 = tpu.memref_slice %arg17[%run_scoped3A_320, %run_scoped3A_321, %mul3A_319] : memref<16x1x10240xf32, #tpu.memory_space<vmem_shared>> -> memref<1x1x640xf32, #tpu.memory_space<vmem_shared>>
      %dma_start3A_376 = tpu.memref_squeeze %dma_start3A_375 : memref<1x1x640xf32, #tpu.memory_space<vmem_shared>> -> memref<640xf32, #tpu.memory_space<vmem_shared>>
      %dma_start3A_377 = arith.constant 3200 : i32
      %dma_start3A_378 = tpu.memref_slice %arg10[%dma_start3A_377] : memref<10240xf32, #tpu.memory_space<vmem>> -> memref<640xf32, #tpu.memory_space<vmem>>
      %dma_start3A_379 = tpu.memref_slice %arg17[%run_scoped3A_320, %run_scoped3A_321, %mul3A_319] : memref<16x1x10240xf32, #tpu.memory_space<vmem_shared>> -> memref<1x1x640xf32, #tpu.memory_space<vmem_shared>>
      %dma_start3A_380 = tpu.memref_squeeze %dma_start3A_379 : memref<1x1x640xf32, #tpu.memory_space<vmem_shared>> -> memref<640xf32, #tpu.memory_space<vmem_shared>>
      tpu.enqueue_dma source(%dma_start3A_380 : memref<640xf32, #tpu.memory_space<vmem_shared>>) target(%dma_start3A_378 : memref<640xf32, #tpu.memory_space<vmem>>) target_semaphore(%run_scoped3A_373 : memref<!tpu.dma_semaphore, #tpu.memory_space<semaphore_mem>>)
      %dma_wait3A = arith.constant 3200 : i32
      %dma_wait3A_381 = tpu.memref_slice %arg10[%dma_wait3A] : memref<10240xf32, #tpu.memory_space<vmem>> -> memref<640xf32, #tpu.memory_space<vmem>>
      %dma_wait3A_382 = tpu.memref_slice %arg17[%run_scoped3A_320, %run_scoped3A_321, %mul3A_319] : memref<16x1x10240xf32, #tpu.memory_space<vmem_shared>> -> memref<1x1x640xf32, #tpu.memory_space<vmem_shared>>
      %dma_wait3A_383 = tpu.memref_squeeze %dma_wait3A_382 : memref<1x1x640xf32, #tpu.memory_space<vmem_shared>> -> memref<640xf32, #tpu.memory_space<vmem_shared>>
      %dma_wait3A_384 = arith.constant 3200 : i32
      %dma_wait3A_385 = tpu.memref_slice %arg10[%dma_wait3A_384] : memref<10240xf32, #tpu.memory_space<vmem>> -> memref<640xf32, #tpu.memory_space<vmem>>
      %dma_wait3A_386 = tpu.memref_slice %arg17[%run_scoped3A_320, %run_scoped3A_321, %mul3A_319] : memref<16x1x10240xf32, #tpu.memory_space<vmem_shared>> -> memref<1x1x640xf32, #tpu.memory_space<vmem_shared>>
      %dma_wait3A_387 = tpu.memref_squeeze %dma_wait3A_386 : memref<1x1x640xf32, #tpu.memory_space<vmem_shared>> -> memref<640xf32, #tpu.memory_space<vmem_shared>>
      tpu.wait_dma2 semaphore(%run_scoped3A_373 : memref<!tpu.dma_semaphore, #tpu.memory_space<semaphore_mem>>) src(%dma_wait3A_387 : memref<640xf32, #tpu.memory_space<vmem_shared>>) dst(%dma_wait3A_385 : memref<640xf32, #tpu.memory_space<vmem>>)
      tpu.yield
    }) : () -> ()
    %mul3A_322 = arith.constant 640 : i32
    %mul3A_323 = arith.muli %arg1, %mul3A_322 : i32
    %run_scoped3A_324 = arith.constant 6 : i32
    %run_scoped3A_325 = arith.constant 0 : i32
    "tpu.region"() ({
      %run_scoped3A_373 = tpu.sem_alloc : memref<!tpu.dma_semaphore, #tpu.memory_space<semaphore_mem>>
      %dma_start3A = arith.constant 3840 : i32
      %dma_start3A_374 = tpu.memref_slice %arg10[%dma_start3A] : memref<10240xf32, #tpu.memory_space<vmem>> -> memref<640xf32, #tpu.memory_space<vmem>>
      %dma_start3A_375 = tpu.memref_slice %arg17[%run_scoped3A_324, %run_scoped3A_325, %mul3A_323] : memref<16x1x10240xf32, #tpu.memory_space<vmem_shared>> -> memref<1x1x640xf32, #tpu.memory_space<vmem_shared>>
      %dma_start3A_376 = tpu.memref_squeeze %dma_start3A_375 : memref<1x1x640xf32, #tpu.memory_space<vmem_shared>> -> memref<640xf32, #tpu.memory_space<vmem_shared>>
      %dma_start3A_377 = arith.constant 3840 : i32
      %dma_start3A_378 = tpu.memref_slice %arg10[%dma_start3A_377] : memref<10240xf32, #tpu.memory_space<vmem>> -> memref<640xf32, #tpu.memory_space<vmem>>
      %dma_start3A_379 = tpu.memref_slice %arg17[%run_scoped3A_324, %run_scoped3A_325, %mul3A_323] : memref<16x1x10240xf32, #tpu.memory_space<vmem_shared>> -> memref<1x1x640xf32, #tpu.memory_space<vmem_shared>>
      %dma_start3A_380 = tpu.memref_squeeze %dma_start3A_379 : memref<1x1x640xf32, #tpu.memory_space<vmem_shared>> -> memref<640xf32, #tpu.memory_space<vmem_shared>>
      tpu.enqueue_dma source(%dma_start3A_380 : memref<640xf32, #tpu.memory_space<vmem_shared>>) target(%dma_start3A_378 : memref<640xf32, #tpu.memory_space<vmem>>) target_semaphore(%run_scoped3A_373 : memref<!tpu.dma_semaphore, #tpu.memory_space<semaphore_mem>>)
      %dma_wait3A = arith.constant 3840 : i32
      %dma_wait3A_381 = tpu.memref_slice %arg10[%dma_wait3A] : memref<10240xf32, #tpu.memory_space<vmem>> -> memref<640xf32, #tpu.memory_space<vmem>>
      %dma_wait3A_382 = tpu.memref_slice %arg17[%run_scoped3A_324, %run_scoped3A_325, %mul3A_323] : memref<16x1x10240xf32, #tpu.memory_space<vmem_shared>> -> memref<1x1x640xf32, #tpu.memory_space<vmem_shared>>
      %dma_wait3A_383 = tpu.memref_squeeze %dma_wait3A_382 : memref<1x1x640xf32, #tpu.memory_space<vmem_shared>> -> memref<640xf32, #tpu.memory_space<vmem_shared>>
      %dma_wait3A_384 = arith.constant 3840 : i32
      %dma_wait3A_385 = tpu.memref_slice %arg10[%dma_wait3A_384] : memref<10240xf32, #tpu.memory_space<vmem>> -> memref<640xf32, #tpu.memory_space<vmem>>
      %dma_wait3A_386 = tpu.memref_slice %arg17[%run_scoped3A_324, %run_scoped3A_325, %mul3A_323] : memref<16x1x10240xf32, #tpu.memory_space<vmem_shared>> -> memref<1x1x640xf32, #tpu.memory_space<vmem_shared>>
      %dma_wait3A_387 = tpu.memref_squeeze %dma_wait3A_386 : memref<1x1x640xf32, #tpu.memory_space<vmem_shared>> -> memref<640xf32, #tpu.memory_space<vmem_shared>>
      tpu.wait_dma2 semaphore(%run_scoped3A_373 : memref<!tpu.dma_semaphore, #tpu.memory_space<semaphore_mem>>) src(%dma_wait3A_387 : memref<640xf32, #tpu.memory_space<vmem_shared>>) dst(%dma_wait3A_385 : memref<640xf32, #tpu.memory_space<vmem>>)
      tpu.yield
    }) : () -> ()
    %mul3A_326 = arith.constant 640 : i32
    %mul3A_327 = arith.muli %arg1, %mul3A_326 : i32
    %run_scoped3A_328 = arith.constant 7 : i32
    %run_scoped3A_329 = arith.constant 0 : i32
    "tpu.region"() ({
      %run_scoped3A_373 = tpu.sem_alloc : memref<!tpu.dma_semaphore, #tpu.memory_space<semaphore_mem>>
      %dma_start3A = arith.constant 4480 : i32
      %dma_start3A_374 = tpu.memref_slice %arg10[%dma_start3A] : memref<10240xf32, #tpu.memory_space<vmem>> -> memref<640xf32, #tpu.memory_space<vmem>>
      %dma_start3A_375 = tpu.memref_slice %arg17[%run_scoped3A_328, %run_scoped3A_329, %mul3A_327] : memref<16x1x10240xf32, #tpu.memory_space<vmem_shared>> -> memref<1x1x640xf32, #tpu.memory_space<vmem_shared>>
      %dma_start3A_376 = tpu.memref_squeeze %dma_start3A_375 : memref<1x1x640xf32, #tpu.memory_space<vmem_shared>> -> memref<640xf32, #tpu.memory_space<vmem_shared>>
      %dma_start3A_377 = arith.constant 4480 : i32
      %dma_start3A_378 = tpu.memref_slice %arg10[%dma_start3A_377] : memref<10240xf32, #tpu.memory_space<vmem>> -> memref<640xf32, #tpu.memory_space<vmem>>
      %dma_start3A_379 = tpu.memref_slice %arg17[%run_scoped3A_328, %run_scoped3A_329, %mul3A_327] : memref<16x1x10240xf32, #tpu.memory_space<vmem_shared>> -> memref<1x1x640xf32, #tpu.memory_space<vmem_shared>>
      %dma_start3A_380 = tpu.memref_squeeze %dma_start3A_379 : memref<1x1x640xf32, #tpu.memory_space<vmem_shared>> -> memref<640xf32, #tpu.memory_space<vmem_shared>>
      tpu.enqueue_dma source(%dma_start3A_380 : memref<640xf32, #tpu.memory_space<vmem_shared>>) target(%dma_start3A_378 : memref<640xf32, #tpu.memory_space<vmem>>) target_semaphore(%run_scoped3A_373 : memref<!tpu.dma_semaphore, #tpu.memory_space<semaphore_mem>>)
      %dma_wait3A = arith.constant 4480 : i32
      %dma_wait3A_381 = tpu.memref_slice %arg10[%dma_wait3A] : memref<10240xf32, #tpu.memory_space<vmem>> -> memref<640xf32, #tpu.memory_space<vmem>>
      %dma_wait3A_382 = tpu.memref_slice %arg17[%run_scoped3A_328, %run_scoped3A_329, %mul3A_327] : memref<16x1x10240xf32, #tpu.memory_space<vmem_shared>> -> memref<1x1x640xf32, #tpu.memory_space<vmem_shared>>
      %dma_wait3A_383 = tpu.memref_squeeze %dma_wait3A_382 : memref<1x1x640xf32, #tpu.memory_space<vmem_shared>> -> memref<640xf32, #tpu.memory_space<vmem_shared>>
      %dma_wait3A_384 = arith.constant 4480 : i32
      %dma_wait3A_385 = tpu.memref_slice %arg10[%dma_wait3A_384] : memref<10240xf32, #tpu.memory_space<vmem>> -> memref<640xf32, #tpu.memory_space<vmem>>
      %dma_wait3A_386 = tpu.memref_slice %arg17[%run_scoped3A_328, %run_scoped3A_329, %mul3A_327] : memref<16x1x10240xf32, #tpu.memory_space<vmem_shared>> -> memref<1x1x640xf32, #tpu.memory_space<vmem_shared>>
      %dma_wait3A_387 = tpu.memref_squeeze %dma_wait3A_386 : memref<1x1x640xf32, #tpu.memory_space<vmem_shared>> -> memref<640xf32, #tpu.memory_space<vmem_shared>>
      tpu.wait_dma2 semaphore(%run_scoped3A_373 : memref<!tpu.dma_semaphore, #tpu.memory_space<semaphore_mem>>) src(%dma_wait3A_387 : memref<640xf32, #tpu.memory_space<vmem_shared>>) dst(%dma_wait3A_385 : memref<640xf32, #tpu.memory_space<vmem>>)
      tpu.yield
    }) : () -> ()
    %mul3A_330 = arith.constant 640 : i32
    %mul3A_331 = arith.muli %arg1, %mul3A_330 : i32
    %run_scoped3A_332 = arith.constant 8 : i32
    %run_scoped3A_333 = arith.constant 0 : i32
    "tpu.region"() ({
      %run_scoped3A_373 = tpu.sem_alloc : memref<!tpu.dma_semaphore, #tpu.memory_space<semaphore_mem>>
      %dma_start3A = arith.constant 5120 : i32
      %dma_start3A_374 = tpu.memref_slice %arg10[%dma_start3A] : memref<10240xf32, #tpu.memory_space<vmem>> -> memref<640xf32, #tpu.memory_space<vmem>>
      %dma_start3A_375 = tpu.memref_slice %arg17[%run_scoped3A_332, %run_scoped3A_333, %mul3A_331] : memref<16x1x10240xf32, #tpu.memory_space<vmem_shared>> -> memref<1x1x640xf32, #tpu.memory_space<vmem_shared>>
      %dma_start3A_376 = tpu.memref_squeeze %dma_start3A_375 : memref<1x1x640xf32, #tpu.memory_space<vmem_shared>> -> memref<640xf32, #tpu.memory_space<vmem_shared>>
      %dma_start3A_377 = arith.constant 5120 : i32
      %dma_start3A_378 = tpu.memref_slice %arg10[%dma_start3A_377] : memref<10240xf32, #tpu.memory_space<vmem>> -> memref<640xf32, #tpu.memory_space<vmem>>
      %dma_start3A_379 = tpu.memref_slice %arg17[%run_scoped3A_332, %run_scoped3A_333, %mul3A_331] : memref<16x1x10240xf32, #tpu.memory_space<vmem_shared>> -> memref<1x1x640xf32, #tpu.memory_space<vmem_shared>>
      %dma_start3A_380 = tpu.memref_squeeze %dma_start3A_379 : memref<1x1x640xf32, #tpu.memory_space<vmem_shared>> -> memref<640xf32, #tpu.memory_space<vmem_shared>>
      tpu.enqueue_dma source(%dma_start3A_380 : memref<640xf32, #tpu.memory_space<vmem_shared>>) target(%dma_start3A_378 : memref<640xf32, #tpu.memory_space<vmem>>) target_semaphore(%run_scoped3A_373 : memref<!tpu.dma_semaphore, #tpu.memory_space<semaphore_mem>>)
      %dma_wait3A = arith.constant 5120 : i32
      %dma_wait3A_381 = tpu.memref_slice %arg10[%dma_wait3A] : memref<10240xf32, #tpu.memory_space<vmem>> -> memref<640xf32, #tpu.memory_space<vmem>>
      %dma_wait3A_382 = tpu.memref_slice %arg17[%run_scoped3A_332, %run_scoped3A_333, %mul3A_331] : memref<16x1x10240xf32, #tpu.memory_space<vmem_shared>> -> memref<1x1x640xf32, #tpu.memory_space<vmem_shared>>
      %dma_wait3A_383 = tpu.memref_squeeze %dma_wait3A_382 : memref<1x1x640xf32, #tpu.memory_space<vmem_shared>> -> memref<640xf32, #tpu.memory_space<vmem_shared>>
      %dma_wait3A_384 = arith.constant 5120 : i32
      %dma_wait3A_385 = tpu.memref_slice %arg10[%dma_wait3A_384] : memref<10240xf32, #tpu.memory_space<vmem>> -> memref<640xf32, #tpu.memory_space<vmem>>
      %dma_wait3A_386 = tpu.memref_slice %arg17[%run_scoped3A_332, %run_scoped3A_333, %mul3A_331] : memref<16x1x10240xf32, #tpu.memory_space<vmem_shared>> -> memref<1x1x640xf32, #tpu.memory_space<vmem_shared>>
      %dma_wait3A_387 = tpu.memref_squeeze %dma_wait3A_386 : memref<1x1x640xf32, #tpu.memory_space<vmem_shared>> -> memref<640xf32, #tpu.memory_space<vmem_shared>>
      tpu.wait_dma2 semaphore(%run_scoped3A_373 : memref<!tpu.dma_semaphore, #tpu.memory_space<semaphore_mem>>) src(%dma_wait3A_387 : memref<640xf32, #tpu.memory_space<vmem_shared>>) dst(%dma_wait3A_385 : memref<640xf32, #tpu.memory_space<vmem>>)
      tpu.yield
    }) : () -> ()
    %mul3A_334 = arith.constant 640 : i32
    %mul3A_335 = arith.muli %arg1, %mul3A_334 : i32
    %run_scoped3A_336 = arith.constant 9 : i32
    %run_scoped3A_337 = arith.constant 0 : i32
    "tpu.region"() ({
      %run_scoped3A_373 = tpu.sem_alloc : memref<!tpu.dma_semaphore, #tpu.memory_space<semaphore_mem>>
      %dma_start3A = arith.constant 5760 : i32
      %dma_start3A_374 = tpu.memref_slice %arg10[%dma_start3A] : memref<10240xf32, #tpu.memory_space<vmem>> -> memref<640xf32, #tpu.memory_space<vmem>>
      %dma_start3A_375 = tpu.memref_slice %arg17[%run_scoped3A_336, %run_scoped3A_337, %mul3A_335] : memref<16x1x10240xf32, #tpu.memory_space<vmem_shared>> -> memref<1x1x640xf32, #tpu.memory_space<vmem_shared>>
      %dma_start3A_376 = tpu.memref_squeeze %dma_start3A_375 : memref<1x1x640xf32, #tpu.memory_space<vmem_shared>> -> memref<640xf32, #tpu.memory_space<vmem_shared>>
      %dma_start3A_377 = arith.constant 5760 : i32
      %dma_start3A_378 = tpu.memref_slice %arg10[%dma_start3A_377] : memref<10240xf32, #tpu.memory_space<vmem>> -> memref<640xf32, #tpu.memory_space<vmem>>
      %dma_start3A_379 = tpu.memref_slice %arg17[%run_scoped3A_336, %run_scoped3A_337, %mul3A_335] : memref<16x1x10240xf32, #tpu.memory_space<vmem_shared>> -> memref<1x1x640xf32, #tpu.memory_space<vmem_shared>>
      %dma_start3A_380 = tpu.memref_squeeze %dma_start3A_379 : memref<1x1x640xf32, #tpu.memory_space<vmem_shared>> -> memref<640xf32, #tpu.memory_space<vmem_shared>>
      tpu.enqueue_dma source(%dma_start3A_380 : memref<640xf32, #tpu.memory_space<vmem_shared>>) target(%dma_start3A_378 : memref<640xf32, #tpu.memory_space<vmem>>) target_semaphore(%run_scoped3A_373 : memref<!tpu.dma_semaphore, #tpu.memory_space<semaphore_mem>>)
      %dma_wait3A = arith.constant 5760 : i32
      %dma_wait3A_381 = tpu.memref_slice %arg10[%dma_wait3A] : memref<10240xf32, #tpu.memory_space<vmem>> -> memref<640xf32, #tpu.memory_space<vmem>>
      %dma_wait3A_382 = tpu.memref_slice %arg17[%run_scoped3A_336, %run_scoped3A_337, %mul3A_335] : memref<16x1x10240xf32, #tpu.memory_space<vmem_shared>> -> memref<1x1x640xf32, #tpu.memory_space<vmem_shared>>
      %dma_wait3A_383 = tpu.memref_squeeze %dma_wait3A_382 : memref<1x1x640xf32, #tpu.memory_space<vmem_shared>> -> memref<640xf32, #tpu.memory_space<vmem_shared>>
      %dma_wait3A_384 = arith.constant 5760 : i32
      %dma_wait3A_385 = tpu.memref_slice %arg10[%dma_wait3A_384] : memref<10240xf32, #tpu.memory_space<vmem>> -> memref<640xf32, #tpu.memory_space<vmem>>
      %dma_wait3A_386 = tpu.memref_slice %arg17[%run_scoped3A_336, %run_scoped3A_337, %mul3A_335] : memref<16x1x10240xf32, #tpu.memory_space<vmem_shared>> -> memref<1x1x640xf32, #tpu.memory_space<vmem_shared>>
      %dma_wait3A_387 = tpu.memref_squeeze %dma_wait3A_386 : memref<1x1x640xf32, #tpu.memory_space<vmem_shared>> -> memref<640xf32, #tpu.memory_space<vmem_shared>>
      tpu.wait_dma2 semaphore(%run_scoped3A_373 : memref<!tpu.dma_semaphore, #tpu.memory_space<semaphore_mem>>) src(%dma_wait3A_387 : memref<640xf32, #tpu.memory_space<vmem_shared>>) dst(%dma_wait3A_385 : memref<640xf32, #tpu.memory_space<vmem>>)
      tpu.yield
    }) : () -> ()
    %mul3A_338 = arith.constant 640 : i32
    %mul3A_339 = arith.muli %arg1, %mul3A_338 : i32
    %run_scoped3A_340 = arith.constant 10 : i32
    %run_scoped3A_341 = arith.constant 0 : i32
    "tpu.region"() ({
      %run_scoped3A_373 = tpu.sem_alloc : memref<!tpu.dma_semaphore, #tpu.memory_space<semaphore_mem>>
      %dma_start3A = arith.constant 6400 : i32
      %dma_start3A_374 = tpu.memref_slice %arg10[%dma_start3A] : memref<10240xf32, #tpu.memory_space<vmem>> -> memref<640xf32, #tpu.memory_space<vmem>>
      %dma_start3A_375 = tpu.memref_slice %arg17[%run_scoped3A_340, %run_scoped3A_341, %mul3A_339] : memref<16x1x10240xf32, #tpu.memory_space<vmem_shared>> -> memref<1x1x640xf32, #tpu.memory_space<vmem_shared>>
      %dma_start3A_376 = tpu.memref_squeeze %dma_start3A_375 : memref<1x1x640xf32, #tpu.memory_space<vmem_shared>> -> memref<640xf32, #tpu.memory_space<vmem_shared>>
      %dma_start3A_377 = arith.constant 6400 : i32
      %dma_start3A_378 = tpu.memref_slice %arg10[%dma_start3A_377] : memref<10240xf32, #tpu.memory_space<vmem>> -> memref<640xf32, #tpu.memory_space<vmem>>
      %dma_start3A_379 = tpu.memref_slice %arg17[%run_scoped3A_340, %run_scoped3A_341, %mul3A_339] : memref<16x1x10240xf32, #tpu.memory_space<vmem_shared>> -> memref<1x1x640xf32, #tpu.memory_space<vmem_shared>>
      %dma_start3A_380 = tpu.memref_squeeze %dma_start3A_379 : memref<1x1x640xf32, #tpu.memory_space<vmem_shared>> -> memref<640xf32, #tpu.memory_space<vmem_shared>>
      tpu.enqueue_dma source(%dma_start3A_380 : memref<640xf32, #tpu.memory_space<vmem_shared>>) target(%dma_start3A_378 : memref<640xf32, #tpu.memory_space<vmem>>) target_semaphore(%run_scoped3A_373 : memref<!tpu.dma_semaphore, #tpu.memory_space<semaphore_mem>>)
      %dma_wait3A = arith.constant 6400 : i32
      %dma_wait3A_381 = tpu.memref_slice %arg10[%dma_wait3A] : memref<10240xf32, #tpu.memory_space<vmem>> -> memref<640xf32, #tpu.memory_space<vmem>>
      %dma_wait3A_382 = tpu.memref_slice %arg17[%run_scoped3A_340, %run_scoped3A_341, %mul3A_339] : memref<16x1x10240xf32, #tpu.memory_space<vmem_shared>> -> memref<1x1x640xf32, #tpu.memory_space<vmem_shared>>
      %dma_wait3A_383 = tpu.memref_squeeze %dma_wait3A_382 : memref<1x1x640xf32, #tpu.memory_space<vmem_shared>> -> memref<640xf32, #tpu.memory_space<vmem_shared>>
      %dma_wait3A_384 = arith.constant 6400 : i32
      %dma_wait3A_385 = tpu.memref_slice %arg10[%dma_wait3A_384] : memref<10240xf32, #tpu.memory_space<vmem>> -> memref<640xf32, #tpu.memory_space<vmem>>
      %dma_wait3A_386 = tpu.memref_slice %arg17[%run_scoped3A_340, %run_scoped3A_341, %mul3A_339] : memref<16x1x10240xf32, #tpu.memory_space<vmem_shared>> -> memref<1x1x640xf32, #tpu.memory_space<vmem_shared>>
      %dma_wait3A_387 = tpu.memref_squeeze %dma_wait3A_386 : memref<1x1x640xf32, #tpu.memory_space<vmem_shared>> -> memref<640xf32, #tpu.memory_space<vmem_shared>>
      tpu.wait_dma2 semaphore(%run_scoped3A_373 : memref<!tpu.dma_semaphore, #tpu.memory_space<semaphore_mem>>) src(%dma_wait3A_387 : memref<640xf32, #tpu.memory_space<vmem_shared>>) dst(%dma_wait3A_385 : memref<640xf32, #tpu.memory_space<vmem>>)
      tpu.yield
    }) : () -> ()
    %mul3A_342 = arith.constant 640 : i32
    %mul3A_343 = arith.muli %arg1, %mul3A_342 : i32
    %run_scoped3A_344 = arith.constant 11 : i32
    %run_scoped3A_345 = arith.constant 0 : i32
    "tpu.region"() ({
      %run_scoped3A_373 = tpu.sem_alloc : memref<!tpu.dma_semaphore, #tpu.memory_space<semaphore_mem>>
      %dma_start3A = arith.constant 7040 : i32
      %dma_start3A_374 = tpu.memref_slice %arg10[%dma_start3A] : memref<10240xf32, #tpu.memory_space<vmem>> -> memref<640xf32, #tpu.memory_space<vmem>>
      %dma_start3A_375 = tpu.memref_slice %arg17[%run_scoped3A_344, %run_scoped3A_345, %mul3A_343] : memref<16x1x10240xf32, #tpu.memory_space<vmem_shared>> -> memref<1x1x640xf32, #tpu.memory_space<vmem_shared>>
      %dma_start3A_376 = tpu.memref_squeeze %dma_start3A_375 : memref<1x1x640xf32, #tpu.memory_space<vmem_shared>> -> memref<640xf32, #tpu.memory_space<vmem_shared>>
      %dma_start3A_377 = arith.constant 7040 : i32
      %dma_start3A_378 = tpu.memref_slice %arg10[%dma_start3A_377] : memref<10240xf32, #tpu.memory_space<vmem>> -> memref<640xf32, #tpu.memory_space<vmem>>
      %dma_start3A_379 = tpu.memref_slice %arg17[%run_scoped3A_344, %run_scoped3A_345, %mul3A_343] : memref<16x1x10240xf32, #tpu.memory_space<vmem_shared>> -> memref<1x1x640xf32, #tpu.memory_space<vmem_shared>>
      %dma_start3A_380 = tpu.memref_squeeze %dma_start3A_379 : memref<1x1x640xf32, #tpu.memory_space<vmem_shared>> -> memref<640xf32, #tpu.memory_space<vmem_shared>>
      tpu.enqueue_dma source(%dma_start3A_380 : memref<640xf32, #tpu.memory_space<vmem_shared>>) target(%dma_start3A_378 : memref<640xf32, #tpu.memory_space<vmem>>) target_semaphore(%run_scoped3A_373 : memref<!tpu.dma_semaphore, #tpu.memory_space<semaphore_mem>>)
      %dma_wait3A = arith.constant 7040 : i32
      %dma_wait3A_381 = tpu.memref_slice %arg10[%dma_wait3A] : memref<10240xf32, #tpu.memory_space<vmem>> -> memref<640xf32, #tpu.memory_space<vmem>>
      %dma_wait3A_382 = tpu.memref_slice %arg17[%run_scoped3A_344, %run_scoped3A_345, %mul3A_343] : memref<16x1x10240xf32, #tpu.memory_space<vmem_shared>> -> memref<1x1x640xf32, #tpu.memory_space<vmem_shared>>
      %dma_wait3A_383 = tpu.memref_squeeze %dma_wait3A_382 : memref<1x1x640xf32, #tpu.memory_space<vmem_shared>> -> memref<640xf32, #tpu.memory_space<vmem_shared>>
      %dma_wait3A_384 = arith.constant 7040 : i32
      %dma_wait3A_385 = tpu.memref_slice %arg10[%dma_wait3A_384] : memref<10240xf32, #tpu.memory_space<vmem>> -> memref<640xf32, #tpu.memory_space<vmem>>
      %dma_wait3A_386 = tpu.memref_slice %arg17[%run_scoped3A_344, %run_scoped3A_345, %mul3A_343] : memref<16x1x10240xf32, #tpu.memory_space<vmem_shared>> -> memref<1x1x640xf32, #tpu.memory_space<vmem_shared>>
      %dma_wait3A_387 = tpu.memref_squeeze %dma_wait3A_386 : memref<1x1x640xf32, #tpu.memory_space<vmem_shared>> -> memref<640xf32, #tpu.memory_space<vmem_shared>>
      tpu.wait_dma2 semaphore(%run_scoped3A_373 : memref<!tpu.dma_semaphore, #tpu.memory_space<semaphore_mem>>) src(%dma_wait3A_387 : memref<640xf32, #tpu.memory_space<vmem_shared>>) dst(%dma_wait3A_385 : memref<640xf32, #tpu.memory_space<vmem>>)
      tpu.yield
    }) : () -> ()
    %mul3A_346 = arith.constant 640 : i32
    %mul3A_347 = arith.muli %arg1, %mul3A_346 : i32
    %run_scoped3A_348 = arith.constant 12 : i32
    %run_scoped3A_349 = arith.constant 0 : i32
    "tpu.region"() ({
      %run_scoped3A_373 = tpu.sem_alloc : memref<!tpu.dma_semaphore, #tpu.memory_space<semaphore_mem>>
      %dma_start3A = arith.constant 7680 : i32
      %dma_start3A_374 = tpu.memref_slice %arg10[%dma_start3A] : memref<10240xf32, #tpu.memory_space<vmem>> -> memref<640xf32, #tpu.memory_space<vmem>>
      %dma_start3A_375 = tpu.memref_slice %arg17[%run_scoped3A_348, %run_scoped3A_349, %mul3A_347] : memref<16x1x10240xf32, #tpu.memory_space<vmem_shared>> -> memref<1x1x640xf32, #tpu.memory_space<vmem_shared>>
      %dma_start3A_376 = tpu.memref_squeeze %dma_start3A_375 : memref<1x1x640xf32, #tpu.memory_space<vmem_shared>> -> memref<640xf32, #tpu.memory_space<vmem_shared>>
      %dma_start3A_377 = arith.constant 7680 : i32
      %dma_start3A_378 = tpu.memref_slice %arg10[%dma_start3A_377] : memref<10240xf32, #tpu.memory_space<vmem>> -> memref<640xf32, #tpu.memory_space<vmem>>
      %dma_start3A_379 = tpu.memref_slice %arg17[%run_scoped3A_348, %run_scoped3A_349, %mul3A_347] : memref<16x1x10240xf32, #tpu.memory_space<vmem_shared>> -> memref<1x1x640xf32, #tpu.memory_space<vmem_shared>>
      %dma_start3A_380 = tpu.memref_squeeze %dma_start3A_379 : memref<1x1x640xf32, #tpu.memory_space<vmem_shared>> -> memref<640xf32, #tpu.memory_space<vmem_shared>>
      tpu.enqueue_dma source(%dma_start3A_380 : memref<640xf32, #tpu.memory_space<vmem_shared>>) target(%dma_start3A_378 : memref<640xf32, #tpu.memory_space<vmem>>) target_semaphore(%run_scoped3A_373 : memref<!tpu.dma_semaphore, #tpu.memory_space<semaphore_mem>>)
      %dma_wait3A = arith.constant 7680 : i32
      %dma_wait3A_381 = tpu.memref_slice %arg10[%dma_wait3A] : memref<10240xf32, #tpu.memory_space<vmem>> -> memref<640xf32, #tpu.memory_space<vmem>>
      %dma_wait3A_382 = tpu.memref_slice %arg17[%run_scoped3A_348, %run_scoped3A_349, %mul3A_347] : memref<16x1x10240xf32, #tpu.memory_space<vmem_shared>> -> memref<1x1x640xf32, #tpu.memory_space<vmem_shared>>
      %dma_wait3A_383 = tpu.memref_squeeze %dma_wait3A_382 : memref<1x1x640xf32, #tpu.memory_space<vmem_shared>> -> memref<640xf32, #tpu.memory_space<vmem_shared>>
      %dma_wait3A_384 = arith.constant 7680 : i32
      %dma_wait3A_385 = tpu.memref_slice %arg10[%dma_wait3A_384] : memref<10240xf32, #tpu.memory_space<vmem>> -> memref<640xf32, #tpu.memory_space<vmem>>
      %dma_wait3A_386 = tpu.memref_slice %arg17[%run_scoped3A_348, %run_scoped3A_349, %mul3A_347] : memref<16x1x10240xf32, #tpu.memory_space<vmem_shared>> -> memref<1x1x640xf32, #tpu.memory_space<vmem_shared>>
      %dma_wait3A_387 = tpu.memref_squeeze %dma_wait3A_386 : memref<1x1x640xf32, #tpu.memory_space<vmem_shared>> -> memref<640xf32, #tpu.memory_space<vmem_shared>>
      tpu.wait_dma2 semaphore(%run_scoped3A_373 : memref<!tpu.dma_semaphore, #tpu.memory_space<semaphore_mem>>) src(%dma_wait3A_387 : memref<640xf32, #tpu.memory_space<vmem_shared>>) dst(%dma_wait3A_385 : memref<640xf32, #tpu.memory_space<vmem>>)
      tpu.yield
    }) : () -> ()
    %mul3A_350 = arith.constant 640 : i32
    %mul3A_351 = arith.muli %arg1, %mul3A_350 : i32
    %run_scoped3A_352 = arith.constant 13 : i32
    %run_scoped3A_353 = arith.constant 0 : i32
    "tpu.region"() ({
      %run_scoped3A_373 = tpu.sem_alloc : memref<!tpu.dma_semaphore, #tpu.memory_space<semaphore_mem>>
      %dma_start3A = arith.constant 8320 : i32
      %dma_start3A_374 = tpu.memref_slice %arg10[%dma_start3A] : memref<10240xf32, #tpu.memory_space<vmem>> -> memref<640xf32, #tpu.memory_space<vmem>>
      %dma_start3A_375 = tpu.memref_slice %arg17[%run_scoped3A_352, %run_scoped3A_353, %mul3A_351] : memref<16x1x10240xf32, #tpu.memory_space<vmem_shared>> -> memref<1x1x640xf32, #tpu.memory_space<vmem_shared>>
      %dma_start3A_376 = tpu.memref_squeeze %dma_start3A_375 : memref<1x1x640xf32, #tpu.memory_space<vmem_shared>> -> memref<640xf32, #tpu.memory_space<vmem_shared>>
      %dma_start3A_377 = arith.constant 8320 : i32
      %dma_start3A_378 = tpu.memref_slice %arg10[%dma_start3A_377] : memref<10240xf32, #tpu.memory_space<vmem>> -> memref<640xf32, #tpu.memory_space<vmem>>
      %dma_start3A_379 = tpu.memref_slice %arg17[%run_scoped3A_352, %run_scoped3A_353, %mul3A_351] : memref<16x1x10240xf32, #tpu.memory_space<vmem_shared>> -> memref<1x1x640xf32, #tpu.memory_space<vmem_shared>>
      %dma_start3A_380 = tpu.memref_squeeze %dma_start3A_379 : memref<1x1x640xf32, #tpu.memory_space<vmem_shared>> -> memref<640xf32, #tpu.memory_space<vmem_shared>>
      tpu.enqueue_dma source(%dma_start3A_380 : memref<640xf32, #tpu.memory_space<vmem_shared>>) target(%dma_start3A_378 : memref<640xf32, #tpu.memory_space<vmem>>) target_semaphore(%run_scoped3A_373 : memref<!tpu.dma_semaphore, #tpu.memory_space<semaphore_mem>>)
      %dma_wait3A = arith.constant 8320 : i32
      %dma_wait3A_381 = tpu.memref_slice %arg10[%dma_wait3A] : memref<10240xf32, #tpu.memory_space<vmem>> -> memref<640xf32, #tpu.memory_space<vmem>>
      %dma_wait3A_382 = tpu.memref_slice %arg17[%run_scoped3A_352, %run_scoped3A_353, %mul3A_351] : memref<16x1x10240xf32, #tpu.memory_space<vmem_shared>> -> memref<1x1x640xf32, #tpu.memory_space<vmem_shared>>
      %dma_wait3A_383 = tpu.memref_squeeze %dma_wait3A_382 : memref<1x1x640xf32, #tpu.memory_space<vmem_shared>> -> memref<640xf32, #tpu.memory_space<vmem_shared>>
      %dma_wait3A_384 = arith.constant 8320 : i32
      %dma_wait3A_385 = tpu.memref_slice %arg10[%dma_wait3A_384] : memref<10240xf32, #tpu.memory_space<vmem>> -> memref<640xf32, #tpu.memory_space<vmem>>
      %dma_wait3A_386 = tpu.memref_slice %arg17[%run_scoped3A_352, %run_scoped3A_353, %mul3A_351] : memref<16x1x10240xf32, #tpu.memory_space<vmem_shared>> -> memref<1x1x640xf32, #tpu.memory_space<vmem_shared>>
      %dma_wait3A_387 = tpu.memref_squeeze %dma_wait3A_386 : memref<1x1x640xf32, #tpu.memory_space<vmem_shared>> -> memref<640xf32, #tpu.memory_space<vmem_shared>>
      tpu.wait_dma2 semaphore(%run_scoped3A_373 : memref<!tpu.dma_semaphore, #tpu.memory_space<semaphore_mem>>) src(%dma_wait3A_387 : memref<640xf32, #tpu.memory_space<vmem_shared>>) dst(%dma_wait3A_385 : memref<640xf32, #tpu.memory_space<vmem>>)
      tpu.yield
    }) : () -> ()
    %mul3A_354 = arith.constant 640 : i32
    %mul3A_355 = arith.muli %arg1, %mul3A_354 : i32
    %run_scoped3A_356 = arith.constant 14 : i32
    %run_scoped3A_357 = arith.constant 0 : i32
    "tpu.region"() ({
      %run_scoped3A_373 = tpu.sem_alloc : memref<!tpu.dma_semaphore, #tpu.memory_space<semaphore_mem>>
      %dma_start3A = arith.constant 8960 : i32
      %dma_start3A_374 = tpu.memref_slice %arg10[%dma_start3A] : memref<10240xf32, #tpu.memory_space<vmem>> -> memref<640xf32, #tpu.memory_space<vmem>>
      %dma_start3A_375 = tpu.memref_slice %arg17[%run_scoped3A_356, %run_scoped3A_357, %mul3A_355] : memref<16x1x10240xf32, #tpu.memory_space<vmem_shared>> -> memref<1x1x640xf32, #tpu.memory_space<vmem_shared>>
      %dma_start3A_376 = tpu.memref_squeeze %dma_start3A_375 : memref<1x1x640xf32, #tpu.memory_space<vmem_shared>> -> memref<640xf32, #tpu.memory_space<vmem_shared>>
      %dma_start3A_377 = arith.constant 8960 : i32
      %dma_start3A_378 = tpu.memref_slice %arg10[%dma_start3A_377] : memref<10240xf32, #tpu.memory_space<vmem>> -> memref<640xf32, #tpu.memory_space<vmem>>
      %dma_start3A_379 = tpu.memref_slice %arg17[%run_scoped3A_356, %run_scoped3A_357, %mul3A_355] : memref<16x1x10240xf32, #tpu.memory_space<vmem_shared>> -> memref<1x1x640xf32, #tpu.memory_space<vmem_shared>>
      %dma_start3A_380 = tpu.memref_squeeze %dma_start3A_379 : memref<1x1x640xf32, #tpu.memory_space<vmem_shared>> -> memref<640xf32, #tpu.memory_space<vmem_shared>>
      tpu.enqueue_dma source(%dma_start3A_380 : memref<640xf32, #tpu.memory_space<vmem_shared>>) target(%dma_start3A_378 : memref<640xf32, #tpu.memory_space<vmem>>) target_semaphore(%run_scoped3A_373 : memref<!tpu.dma_semaphore, #tpu.memory_space<semaphore_mem>>)
      %dma_wait3A = arith.constant 8960 : i32
      %dma_wait3A_381 = tpu.memref_slice %arg10[%dma_wait3A] : memref<10240xf32, #tpu.memory_space<vmem>> -> memref<640xf32, #tpu.memory_space<vmem>>
      %dma_wait3A_382 = tpu.memref_slice %arg17[%run_scoped3A_356, %run_scoped3A_357, %mul3A_355] : memref<16x1x10240xf32, #tpu.memory_space<vmem_shared>> -> memref<1x1x640xf32, #tpu.memory_space<vmem_shared>>
      %dma_wait3A_383 = tpu.memref_squeeze %dma_wait3A_382 : memref<1x1x640xf32, #tpu.memory_space<vmem_shared>> -> memref<640xf32, #tpu.memory_space<vmem_shared>>
      %dma_wait3A_384 = arith.constant 8960 : i32
      %dma_wait3A_385 = tpu.memref_slice %arg10[%dma_wait3A_384] : memref<10240xf32, #tpu.memory_space<vmem>> -> memref<640xf32, #tpu.memory_space<vmem>>
      %dma_wait3A_386 = tpu.memref_slice %arg17[%run_scoped3A_356, %run_scoped3A_357, %mul3A_355] : memref<16x1x10240xf32, #tpu.memory_space<vmem_shared>> -> memref<1x1x640xf32, #tpu.memory_space<vmem_shared>>
      %dma_wait3A_387 = tpu.memref_squeeze %dma_wait3A_386 : memref<1x1x640xf32, #tpu.memory_space<vmem_shared>> -> memref<640xf32, #tpu.memory_space<vmem_shared>>
      tpu.wait_dma2 semaphore(%run_scoped3A_373 : memref<!tpu.dma_semaphore, #tpu.memory_space<semaphore_mem>>) src(%dma_wait3A_387 : memref<640xf32, #tpu.memory_space<vmem_shared>>) dst(%dma_wait3A_385 : memref<640xf32, #tpu.memory_space<vmem>>)
      tpu.yield
    }) : () -> ()
    %mul3A_358 = arith.constant 640 : i32
    %mul3A_359 = arith.muli %arg1, %mul3A_358 : i32
    %run_scoped3A_360 = arith.constant 15 : i32
    %run_scoped3A_361 = arith.constant 0 : i32
    "tpu.region"() ({
      %run_scoped3A_373 = tpu.sem_alloc : memref<!tpu.dma_semaphore, #tpu.memory_space<semaphore_mem>>
      %dma_start3A = arith.constant 9600 : i32
      %dma_start3A_374 = tpu.memref_slice %arg10[%dma_start3A] : memref<10240xf32, #tpu.memory_space<vmem>> -> memref<640xf32, #tpu.memory_space<vmem>>
      %dma_start3A_375 = tpu.memref_slice %arg17[%run_scoped3A_360, %run_scoped3A_361, %mul3A_359] : memref<16x1x10240xf32, #tpu.memory_space<vmem_shared>> -> memref<1x1x640xf32, #tpu.memory_space<vmem_shared>>
      %dma_start3A_376 = tpu.memref_squeeze %dma_start3A_375 : memref<1x1x640xf32, #tpu.memory_space<vmem_shared>> -> memref<640xf32, #tpu.memory_space<vmem_shared>>
      %dma_start3A_377 = arith.constant 9600 : i32
      %dma_start3A_378 = tpu.memref_slice %arg10[%dma_start3A_377] : memref<10240xf32, #tpu.memory_space<vmem>> -> memref<640xf32, #tpu.memory_space<vmem>>
      %dma_start3A_379 = tpu.memref_slice %arg17[%run_scoped3A_360, %run_scoped3A_361, %mul3A_359] : memref<16x1x10240xf32, #tpu.memory_space<vmem_shared>> -> memref<1x1x640xf32, #tpu.memory_space<vmem_shared>>
      %dma_start3A_380 = tpu.memref_squeeze %dma_start3A_379 : memref<1x1x640xf32, #tpu.memory_space<vmem_shared>> -> memref<640xf32, #tpu.memory_space<vmem_shared>>
      tpu.enqueue_dma source(%dma_start3A_380 : memref<640xf32, #tpu.memory_space<vmem_shared>>) target(%dma_start3A_378 : memref<640xf32, #tpu.memory_space<vmem>>) target_semaphore(%run_scoped3A_373 : memref<!tpu.dma_semaphore, #tpu.memory_space<semaphore_mem>>)
      %dma_wait3A = arith.constant 9600 : i32
      %dma_wait3A_381 = tpu.memref_slice %arg10[%dma_wait3A] : memref<10240xf32, #tpu.memory_space<vmem>> -> memref<640xf32, #tpu.memory_space<vmem>>
      %dma_wait3A_382 = tpu.memref_slice %arg17[%run_scoped3A_360, %run_scoped3A_361, %mul3A_359] : memref<16x1x10240xf32, #tpu.memory_space<vmem_shared>> -> memref<1x1x640xf32, #tpu.memory_space<vmem_shared>>
      %dma_wait3A_383 = tpu.memref_squeeze %dma_wait3A_382 : memref<1x1x640xf32, #tpu.memory_space<vmem_shared>> -> memref<640xf32, #tpu.memory_space<vmem_shared>>
      %dma_wait3A_384 = arith.constant 9600 : i32
      %dma_wait3A_385 = tpu.memref_slice %arg10[%dma_wait3A_384] : memref<10240xf32, #tpu.memory_space<vmem>> -> memref<640xf32, #tpu.memory_space<vmem>>
      %dma_wait3A_386 = tpu.memref_slice %arg17[%run_scoped3A_360, %run_scoped3A_361, %mul3A_359] : memref<16x1x10240xf32, #tpu.memory_space<vmem_shared>> -> memref<1x1x640xf32, #tpu.memory_space<vmem_shared>>
      %dma_wait3A_387 = tpu.memref_squeeze %dma_wait3A_386 : memref<1x1x640xf32, #tpu.memory_space<vmem_shared>> -> memref<640xf32, #tpu.memory_space<vmem_shared>>
      tpu.wait_dma2 semaphore(%run_scoped3A_373 : memref<!tpu.dma_semaphore, #tpu.memory_space<semaphore_mem>>) src(%dma_wait3A_387 : memref<640xf32, #tpu.memory_space<vmem_shared>>) dst(%dma_wait3A_385 : memref<640xf32, #tpu.memory_space<vmem>>)
      tpu.yield
    }) : () -> ()
    %scan3A_362 = arith.constant 0 : i32
    %scan3A_363 = arith.constant 0 : i32
    %scan3A_364 = arith.constant 40 : i32
    %scan3A_365 = arith.addi %scan3A_363, %scan3A_364 : i32
    %scan3A_366 = arith.constant 1 : i32
    scf.for %scan3A_373 = %scan3A_363 to %scan3A_365 step %scan3A_366  : i32 {
      %mul3A_374 = arith.constant 16 : i32
      %mul3A_375 = arith.muli %scan3A_373, %mul3A_374 : i32
      %get3A = arith.index_cast %mul3A_375 : i32 to index
      %get3A_376 = tpu.vector_load %arg10[%get3A] {strides = array<i32>} : memref<10240xf32, #tpu.memory_space<vmem>>, vector<16xf32>,
      %mul3A_377 = arith.constant 16 : i32
      %mul3A_378 = arith.muli %scan3A_373, %mul3A_377 : i32
      %add3A_379 = arith.constant 640 : i32
      %add3A_380 = arith.addi %add3A_379, %mul3A_378 : i32
      %get3A_381 = arith.index_cast %add3A_380 : i32 to index
      %get3A_382 = tpu.vector_load %arg10[%get3A_381] {strides = array<i32>} : memref<10240xf32, #tpu.memory_space<vmem>>, vector<16xf32>,
      %add3A_383 = arith.addf %get3A_376, %get3A_382 : vector<16xf32>
      %mul3A_384 = arith.constant 16 : i32
      %mul3A_385 = arith.muli %scan3A_373, %mul3A_384 : i32
      %add3A_386 = arith.constant 1280 : i32
      %add3A_387 = arith.addi %add3A_386, %mul3A_385 : i32
      %get3A_388 = arith.index_cast %add3A_387 : i32 to index
      %get3A_389 = tpu.vector_load %arg10[%get3A_388] {strides = array<i32>} : memref<10240xf32, #tpu.memory_space<vmem>>, vector<16xf32>,
      %add3A_390 = arith.addf %add3A_383, %get3A_389 : vector<16xf32>
      %mul3A_391 = arith.constant 16 : i32
      %mul3A_392 = arith.muli %scan3A_373, %mul3A_391 : i32
      %add3A_393 = arith.constant 1920 : i32
      %add3A_394 = arith.addi %add3A_393, %mul3A_392 : i32
      %get3A_395 = arith.index_cast %add3A_394 : i32 to index
      %get3A_396 = tpu.vector_load %arg10[%get3A_395] {strides = array<i32>} : memref<10240xf32, #tpu.memory_space<vmem>>, vector<16xf32>,
      %add3A_397 = arith.addf %add3A_390, %get3A_396 : vector<16xf32>
      %mul3A_398 = arith.constant 16 : i32
      %mul3A_399 = arith.muli %scan3A_373, %mul3A_398 : i32
      %add3A_400 = arith.constant 2560 : i32
      %add3A_401 = arith.addi %add3A_400, %mul3A_399 : i32
      %get3A_402 = arith.index_cast %add3A_401 : i32 to index
      %get3A_403 = tpu.vector_load %arg10[%get3A_402] {strides = array<i32>} : memref<10240xf32, #tpu.memory_space<vmem>>, vector<16xf32>,
      %add3A_404 = arith.addf %add3A_397, %get3A_403 : vector<16xf32>
      %mul3A_405 = arith.constant 16 : i32
      %mul3A_406 = arith.muli %scan3A_373, %mul3A_405 : i32
      %add3A_407 = arith.constant 3200 : i32
      %add3A_408 = arith.addi %add3A_407, %mul3A_406 : i32
      %get3A_409 = arith.index_cast %add3A_408 : i32 to index
      %get3A_410 = tpu.vector_load %arg10[%get3A_409] {strides = array<i32>} : memref<10240xf32, #tpu.memory_space<vmem>>, vector<16xf32>,
      %add3A_411 = arith.addf %add3A_404, %get3A_410 : vector<16xf32>
      %mul3A_412 = arith.constant 16 : i32
      %mul3A_413 = arith.muli %scan3A_373, %mul3A_412 : i32
      %add3A_414 = arith.constant 3840 : i32
      %add3A_415 = arith.addi %add3A_414, %mul3A_413 : i32
      %get3A_416 = arith.index_cast %add3A_415 : i32 to index
      %get3A_417 = tpu.vector_load %arg10[%get3A_416] {strides = array<i32>} : memref<10240xf32, #tpu.memory_space<vmem>>, vector<16xf32>,
      %add3A_418 = arith.addf %add3A_411, %get3A_417 : vector<16xf32>
      %mul3A_419 = arith.constant 16 : i32
      %mul3A_420 = arith.muli %scan3A_373, %mul3A_419 : i32
      %add3A_421 = arith.constant 4480 : i32
      %add3A_422 = arith.addi %add3A_421, %mul3A_420 : i32
      %get3A_423 = arith.index_cast %add3A_422 : i32 to index
      %get3A_424 = tpu.vector_load %arg10[%get3A_423] {strides = array<i32>} : memref<10240xf32, #tpu.memory_space<vmem>>, vector<16xf32>,
      %add3A_425 = arith.addf %add3A_418, %get3A_424 : vector<16xf32>
      %mul3A_426 = arith.constant 16 : i32
      %mul3A_427 = arith.muli %scan3A_373, %mul3A_426 : i32
      %add3A_428 = arith.constant 5120 : i32
      %add3A_429 = arith.addi %add3A_428, %mul3A_427 : i32
      %get3A_430 = arith.index_cast %add3A_429 : i32 to index
      %get3A_431 = tpu.vector_load %arg10[%get3A_430] {strides = array<i32>} : memref<10240xf32, #tpu.memory_space<vmem>>, vector<16xf32>,
      %add3A_432 = arith.addf %add3A_425, %get3A_431 : vector<16xf32>
      %mul3A_433 = arith.constant 16 : i32
      %mul3A_434 = arith.muli %scan3A_373, %mul3A_433 : i32
      %add3A_435 = arith.constant 5760 : i32
      %add3A_436 = arith.addi %add3A_435, %mul3A_434 : i32
      %get3A_437 = arith.index_cast %add3A_436 : i32 to index
      %get3A_438 = tpu.vector_load %arg10[%get3A_437] {strides = array<i32>} : memref<10240xf32, #tpu.memory_space<vmem>>, vector<16xf32>,
      %add3A_439 = arith.addf %add3A_432, %get3A_438 : vector<16xf32>
      %mul3A_440 = arith.constant 16 : i32
      %mul3A_441 = arith.muli %scan3A_373, %mul3A_440 : i32
      %add3A_442 = arith.constant 6400 : i32
      %add3A_443 = arith.addi %add3A_442, %mul3A_441 : i32
      %get3A_444 = arith.index_cast %add3A_443 : i32 to index
      %get3A_445 = tpu.vector_load %arg10[%get3A_444] {strides = array<i32>} : memref<10240xf32, #tpu.memory_space<vmem>>, vector<16xf32>,
      %add3A_446 = arith.addf %add3A_439, %get3A_445 : vector<16xf32>
      %mul3A_447 = arith.constant 16 : i32
      %mul3A_448 = arith.muli %scan3A_373, %mul3A_447 : i32
      %add3A_449 = arith.constant 7040 : i32
      %add3A_450 = arith.addi %add3A_449, %mul3A_448 : i32
      %get3A_451 = arith.index_cast %add3A_450 : i32 to index
      %get3A_452 = tpu.vector_load %arg10[%get3A_451] {strides = array<i32>} : memref<10240xf32, #tpu.memory_space<vmem>>, vector<16xf32>,
      %add3A_453 = arith.addf %add3A_446, %get3A_452 : vector<16xf32>
      %mul3A_454 = arith.constant 16 : i32
      %mul3A_455 = arith.muli %scan3A_373, %mul3A_454 : i32
      %add3A_456 = arith.constant 7680 : i32
      %add3A_457 = arith.addi %add3A_456, %mul3A_455 : i32
      %get3A_458 = arith.index_cast %add3A_457 : i32 to index
      %get3A_459 = tpu.vector_load %arg10[%get3A_458] {strides = array<i32>} : memref<10240xf32, #tpu.memory_space<vmem>>, vector<16xf32>,
      %add3A_460 = arith.addf %add3A_453, %get3A_459 : vector<16xf32>
      %mul3A_461 = arith.constant 16 : i32
      %mul3A_462 = arith.muli %scan3A_373, %mul3A_461 : i32
      %add3A_463 = arith.constant 8320 : i32
      %add3A_464 = arith.addi %add3A_463, %mul3A_462 : i32
      %get3A_465 = arith.index_cast %add3A_464 : i32 to index
      %get3A_466 = tpu.vector_load %arg10[%get3A_465] {strides = array<i32>} : memref<10240xf32, #tpu.memory_space<vmem>>, vector<16xf32>,
      %add3A_467 = arith.addf %add3A_460, %get3A_466 : vector<16xf32>
      %mul3A_468 = arith.constant 16 : i32
      %mul3A_469 = arith.muli %scan3A_373, %mul3A_468 : i32
      %add3A_470 = arith.constant 8960 : i32
      %add3A_471 = arith.addi %add3A_470, %mul3A_469 : i32
      %get3A_472 = arith.index_cast %add3A_471 : i32 to index
      %get3A_473 = tpu.vector_load %arg10[%get3A_472] {strides = array<i32>} : memref<10240xf32, #tpu.memory_space<vmem>>, vector<16xf32>,
      %add3A_474 = arith.addf %add3A_467, %get3A_473 : vector<16xf32>
      %mul3A_475 = arith.constant 16 : i32
      %mul3A_476 = arith.muli %scan3A_373, %mul3A_475 : i32
      %add3A_477 = arith.constant 9600 : i32
      %add3A_478 = arith.addi %add3A_477, %mul3A_476 : i32
      %get3A_479 = arith.index_cast %add3A_478 : i32 to index
      %get3A_480 = tpu.vector_load %arg10[%get3A_479] {strides = array<i32>} : memref<10240xf32, #tpu.memory_space<vmem>>, vector<16xf32>,
      %add3A_481 = arith.addf %add3A_474, %get3A_480 : vector<16xf32>
      %mul3A_482 = arith.constant 16 : i32
      %mul3A_483 = arith.muli %scan3A_373, %mul3A_482 : i32
      %swap3A_484 = arith.index_cast %mul3A_483 : i32 to index
      %swap3A_485 = tpu.vector_load %arg16[%swap3A_484] {strides = array<i32>} : memref<640xf32, #tpu.memory_space<vmem>>, vector<16xf32>,
      tpu.vector_store %arg16[%swap3A_484], %add3A_481 {strides = array<i32>} : memref<640xf32, #tpu.memory_space<vmem>>, vector<16xf32>,
    }
    %scan3A_367 = arith.constant 40 : i32
    %mul3A_368 = arith.constant 10240 : i32
    %mul3A_369 = arith.muli %arg0, %mul3A_368 : i32
    %mul3A_370 = arith.constant 640 : i32
    %mul3A_371 = arith.muli %arg1, %mul3A_370 : i32
    %add3A_372 = arith.addi %mul3A_369, %mul3A_371 : i32
    "tpu.region"() ({
      %run_scoped3A_373 = tpu.sem_alloc : memref<!tpu.dma_semaphore, #tpu.memory_space<semaphore_mem>>
      %dma_start3A = tpu.memref_slice %arg4[%add3A_372] : memref<20480xf32, #tpu.memory_space<hbm>> -> memref<640xf32, #tpu.memory_space<hbm>>
      %dma_start3A_374 = tpu.memref_slice %arg4[%add3A_372] : memref<20480xf32, #tpu.memory_space<hbm>> -> memref<640xf32, #tpu.memory_space<hbm>>
      tpu.enqueue_dma source(%arg16 : memref<640xf32, #tpu.memory_space<vmem>>) target(%dma_start3A_374 : memref<640xf32, #tpu.memory_space<hbm>>) target_semaphore(%run_scoped3A_373 : memref<!tpu.dma_semaphore, #tpu.memory_space<semaphore_mem>>)
      %dma_wait3A = tpu.memref_slice %arg4[%add3A_372] : memref<20480xf32, #tpu.memory_space<hbm>> -> memref<640xf32, #tpu.memory_space<hbm>>
      %dma_wait3A_375 = tpu.memref_slice %arg4[%add3A_372] : memref<20480xf32, #tpu.memory_space<hbm>> -> memref<640xf32, #tpu.memory_space<hbm>>
      tpu.wait_dma2 semaphore(%run_scoped3A_373 : memref<!tpu.dma_semaphore, #tpu.memory_space<semaphore_mem>>) src(%arg16 : memref<640xf32, #tpu.memory_space<vmem>>) dst(%dma_wait3A_375 : memref<640xf32, #tpu.memory_space<hbm>>)
      tpu.yield
    }) : () -> ()
    return
  }
}

#map = affine_map<(d0, d1) -> (0, 0)>
#map1 = affine_map<(d0, d1) -> (0)>
#map2 = affine_map<(d0, d1) -> (0, 0, 0)>
module attributes {stable_mosaic.version = 14 : i64} {
  func.func @_propagate_kernel(%arg0: i32, %arg1: i32, %arg2: memref<10000x128xf32, #tpu.memory_space<hbm>>, %arg3: memref<647168xi32, #tpu.memory_space<hbm>>, %arg4: memref<647168xi32, #tpu.memory_space<hbm>>, %arg5: memref<1024xi32, #tpu.memory_space<hbm>>, %arg6: memref<352x128xf32, #tpu.memory_space<hbm>>, %arg7: memref<2x5632x128xf32, #tpu.memory_space<hbm>>, %arg8: memref<128xi32, #tpu.memory_space<vmem>>, %arg9: memref<128xi32, #tpu.memory_space<vmem>>, %arg10: memref<128xi32, #tpu.memory_space<vmem>>, %arg11: memref<128xi32, #tpu.memory_space<vmem>>, %arg12: memref<128xi32, #tpu.memory_space<vmem>>, %arg13: memref<128xi32, #tpu.memory_space<vmem>>, %arg14: memref<128xi32, #tpu.memory_space<vmem>>, %arg15: memref<128xi32, #tpu.memory_space<vmem>>, %arg16: memref<128x128xf32, #tpu.memory_space<vmem>>, %arg17: memref<128x128xf32, #tpu.memory_space<vmem>>, %arg18: memref<128x128xf32, #tpu.memory_space<vmem>>, %arg19: memref<128x128xf32, #tpu.memory_space<vmem>>, %arg20: memref<16xi32, #tpu.memory_space<vmem>>, %arg21: memref<5632x128xf32, #tpu.memory_space<vmem_shared>>, %arg22: memref<!tpu.dma_semaphore, #tpu.memory_space<semaphore_mem>>, %arg23: memref<!tpu.dma_semaphore, #tpu.memory_space<semaphore_mem>>, %arg24: memref<!tpu.dma_semaphore, #tpu.memory_space<semaphore_mem>>, %arg25: memref<!tpu.dma_semaphore, #tpu.memory_space<semaphore_mem>>, %arg26: memref<!tpu.dma_semaphore, #tpu.memory_space<semaphore_mem>>, %arg27: memref<!tpu.dma_semaphore, #tpu.memory_space<semaphore_mem>>, %arg28: memref<!tpu.dma_semaphore, #tpu.memory_space<semaphore_mem>>, %arg29: memref<!tpu.dma_semaphore, #tpu.memory_space<semaphore_mem>>) attributes {dimension_semantics = [#tpu.dimension_semantics<core_parallel>, #tpu.dimension_semantics<subcore_parallel>], iteration_bounds = array<i64: 2, 16>, scalar_prefetch = 0 : i64, scratch_operands = 22 : i64, tpu.core_type = #tpu.core_type<sc_vector_subcore>, window_params = [{transform_indices = #map}, {transform_indices = #map1}, {transform_indices = #map1}, {transform_indices = #map1}, {transform_indices = #map}, {transform_indices = #map2}]} {
    %mul3A = arith.constant 352 : i32
    %mul3A_0 = arith.muli %arg1, %mul3A : i32
    "tpu.region"() ({
      %run_scoped3A = tpu.sem_alloc : memref<!tpu.dma_semaphore, #tpu.memory_space<semaphore_mem>>
      %dma_start3A = arith.constant 0 : i32
      %dma_start3A_99 = tpu.memref_slice %arg21[%mul3A_0, %dma_start3A] : memref<5632x128xf32, #tpu.memory_space<vmem_shared>> -> memref<352x128xf32, #tpu.memory_space<vmem_shared>>
      tpu.enqueue_dma source(%arg6 : memref<352x128xf32, #tpu.memory_space<hbm>>) target(%dma_start3A_99 : memref<352x128xf32, #tpu.memory_space<vmem_shared>>) target_semaphore(%run_scoped3A : memref<!tpu.dma_semaphore, #tpu.memory_space<semaphore_mem>>)
      %dma_wait3A = arith.constant 0 : i32
      %dma_wait3A_100 = tpu.memref_slice %arg21[%mul3A_0, %dma_wait3A] : memref<5632x128xf32, #tpu.memory_space<vmem_shared>> -> memref<352x128xf32, #tpu.memory_space<vmem_shared>>
      tpu.wait_dma2 semaphore(%run_scoped3A : memref<!tpu.dma_semaphore, #tpu.memory_space<semaphore_mem>>) src(%arg6 : memref<352x128xf32, #tpu.memory_space<hbm>>) dst(%dma_wait3A_100 : memref<352x128xf32, #tpu.memory_space<vmem_shared>>)
      tpu.yield
    }) : () -> ()
    %barrier3A = arith.constant 0 : index
    tpu.barrier barrier_id(%barrier3A)
    %mul3A_1 = arith.constant 2 : i32
    %mul3A_2 = arith.muli %arg1, %mul3A_1 : i32
    %add3A = arith.constant 0 : i32
    %add3A_3 = arith.addi %mul3A_2, %add3A : i32
    %mul3A_4 = arith.constant 32 : i32
    %mul3A_5 = arith.muli %arg0, %mul3A_4 : i32
    %add3A_6 = arith.addi %mul3A_5, %add3A_3 : i32
    %mul3A_7 = arith.constant 10112 : i32
    %mul3A_8 = arith.muli %add3A_6, %mul3A_7 : i32
    %mul3A_9 = arith.constant 32 : i32
    %mul3A_10 = arith.muli %arg0, %mul3A_9 : i32
    %add3A_11 = arith.addi %mul3A_10, %add3A_3 : i32
    %mul3A_12 = arith.constant 16 : i32
    %mul3A_13 = arith.muli %add3A_11, %mul3A_12 : i32
    "tpu.region"() ({
      %run_scoped3A = tpu.sem_alloc : memref<!tpu.dma_semaphore, #tpu.memory_space<semaphore_mem>>
      %dma_start3A = tpu.memref_slice %arg5[%mul3A_13] : memref<1024xi32, #tpu.memory_space<hbm>> -> memref<16xi32, #tpu.memory_space<hbm>>
      %dma_start3A_99 = tpu.memref_slice %arg5[%mul3A_13] : memref<1024xi32, #tpu.memory_space<hbm>> -> memref<16xi32, #tpu.memory_space<hbm>>
      tpu.enqueue_dma source(%dma_start3A_99 : memref<16xi32, #tpu.memory_space<hbm>>) target(%arg20 : memref<16xi32, #tpu.memory_space<vmem>>) target_semaphore(%run_scoped3A : memref<!tpu.dma_semaphore, #tpu.memory_space<semaphore_mem>>)
      %dma_wait3A = tpu.memref_slice %arg5[%mul3A_13] : memref<1024xi32, #tpu.memory_space<hbm>> -> memref<16xi32, #tpu.memory_space<hbm>>
      %dma_wait3A_100 = tpu.memref_slice %arg5[%mul3A_13] : memref<1024xi32, #tpu.memory_space<hbm>> -> memref<16xi32, #tpu.memory_space<hbm>>
      tpu.wait_dma2 semaphore(%run_scoped3A : memref<!tpu.dma_semaphore, #tpu.memory_space<semaphore_mem>>) src(%dma_wait3A_100 : memref<16xi32, #tpu.memory_space<hbm>>) dst(%arg20 : memref<16xi32, #tpu.memory_space<vmem>>)
      tpu.yield
    }) : () -> ()
    %get3A = arith.constant 0 : index
    %get3A_14 = tpu.vector_load %arg20[%get3A] {strides = array<i32>} : memref<16xi32, #tpu.memory_space<vmem>>, vector<16xi32>,
    %get3A_15 = vector.shape_cast %get3A_14 : vector<16xi32> to vector<16xi32>
    %slice3A = vector.extract_strided_slice %get3A_15 {offsets = [0], sizes = [1], strides = [1]} : vector<16xi32> to vector<1xi32>
    %squeeze3A = vector.extract %slice3A[0] : i32 from vector<1xi32>
    %div3A = arith.constant 128 : i32
    %div3A_16 = arith.divsi %squeeze3A, %div3A : i32
    %gt3A = arith.constant 0 : i32
    %gt3A_17 = arith.cmpi sgt, %div3A_16, %gt3A : i32
    %convert_element_type3A = arith.extui %gt3A_17 : i1 to i32
    %cond3A = arith.constant 0 : i32
    %cond3A_18 = arith.cmpi ne, %convert_element_type3A, %cond3A : i32
    scf.if %cond3A_18 {
      %add3A_99 = arith.constant 0 : i32
      %add3A_100 = arith.addi %mul3A_8, %add3A_99 : i32
      %dma_start3A = tpu.memref_slice %arg3[%add3A_100] : memref<647168xi32, #tpu.memory_space<hbm>> -> memref<128xi32, #tpu.memory_space<hbm>>
      %dma_start3A_101 = tpu.memref_slice %arg3[%add3A_100] : memref<647168xi32, #tpu.memory_space<hbm>> -> memref<128xi32, #tpu.memory_space<hbm>>
      tpu.enqueue_dma source(%dma_start3A_101 : memref<128xi32, #tpu.memory_space<hbm>>) target(%arg8 : memref<128xi32, #tpu.memory_space<vmem>>) target_semaphore(%arg22 : memref<!tpu.dma_semaphore, #tpu.memory_space<semaphore_mem>>)
      %add3A_102 = arith.constant 0 : i32
      %add3A_103 = arith.addi %mul3A_8, %add3A_102 : i32
      %dma_start3A_104 = tpu.memref_slice %arg4[%add3A_103] : memref<647168xi32, #tpu.memory_space<hbm>> -> memref<128xi32, #tpu.memory_space<hbm>>
      %dma_start3A_105 = tpu.memref_slice %arg4[%add3A_103] : memref<647168xi32, #tpu.memory_space<hbm>> -> memref<128xi32, #tpu.memory_space<hbm>>
      tpu.enqueue_dma source(%dma_start3A_105 : memref<128xi32, #tpu.memory_space<hbm>>) target(%arg12 : memref<128xi32, #tpu.memory_space<vmem>>) target_semaphore(%arg22 : memref<!tpu.dma_semaphore, #tpu.memory_space<semaphore_mem>>)
      %dma_wait3A = tpu.memref_slice %arg3[%mul3A_8] : memref<647168xi32, #tpu.memory_space<hbm>> -> memref<128xi32, #tpu.memory_space<hbm>>
      %dma_wait3A_106 = tpu.memref_slice %arg3[%mul3A_8] : memref<647168xi32, #tpu.memory_space<hbm>> -> memref<128xi32, #tpu.memory_space<hbm>>
      tpu.wait_dma2 semaphore(%arg22 : memref<!tpu.dma_semaphore, #tpu.memory_space<semaphore_mem>>) src(%dma_wait3A_106 : memref<128xi32, #tpu.memory_space<hbm>>) dst(%arg8 : memref<128xi32, #tpu.memory_space<vmem>>)
      %dma_wait3A_107 = tpu.memref_slice %arg4[%mul3A_8] : memref<647168xi32, #tpu.memory_space<hbm>> -> memref<128xi32, #tpu.memory_space<hbm>>
      %dma_wait3A_108 = tpu.memref_slice %arg4[%mul3A_8] : memref<647168xi32, #tpu.memory_space<hbm>> -> memref<128xi32, #tpu.memory_space<hbm>>
      tpu.wait_dma2 semaphore(%arg22 : memref<!tpu.dma_semaphore, #tpu.memory_space<semaphore_mem>>) src(%dma_wait3A_108 : memref<128xi32, #tpu.memory_space<hbm>>) dst(%arg12 : memref<128xi32, #tpu.memory_space<vmem>>)
      %dma_start3A_109 = arith.constant 0 : i32
      %dma_start3A_110 = arith.constant 0 : i32
      %dma_start3A_111 = tpu.memref_slice %arg2[%dma_start3A_109, %dma_start3A_110] : memref<10000x128xf32, #tpu.memory_space<hbm>> -> memref<10000x128xf32, #tpu.memory_space<hbm>>
      tpu.enqueue_indirect_dma source(%dma_start3A_111 : memref<10000x128xf32, #tpu.memory_space<hbm>>) target(%arg16 : memref<128x128xf32, #tpu.memory_space<vmem>>) offsets(%arg8 : memref<128xi32, #tpu.memory_space<vmem>>) semaphore(%arg26 : memref<!tpu.dma_semaphore, #tpu.memory_space<semaphore_mem>>)
    } else {
    }
    %gt3A_19 = arith.constant 1 : i32
    %gt3A_20 = arith.cmpi sgt, %div3A_16, %gt3A_19 : i32
    %convert_element_type3A_21 = arith.extui %gt3A_20 : i1 to i32
    %cond3A_22 = arith.constant 0 : i32
    %cond3A_23 = arith.cmpi ne, %convert_element_type3A_21, %cond3A_22 : i32
    scf.if %cond3A_23 {
      %add3A_99 = arith.constant 128 : i32
      %add3A_100 = arith.addi %mul3A_8, %add3A_99 : i32
      %dma_start3A = tpu.memref_slice %arg3[%add3A_100] : memref<647168xi32, #tpu.memory_space<hbm>> -> memref<128xi32, #tpu.memory_space<hbm>>
      %dma_start3A_101 = tpu.memref_slice %arg3[%add3A_100] : memref<647168xi32, #tpu.memory_space<hbm>> -> memref<128xi32, #tpu.memory_space<hbm>>
      tpu.enqueue_dma source(%dma_start3A_101 : memref<128xi32, #tpu.memory_space<hbm>>) target(%arg9 : memref<128xi32, #tpu.memory_space<vmem>>) target_semaphore(%arg23 : memref<!tpu.dma_semaphore, #tpu.memory_space<semaphore_mem>>)
      %add3A_102 = arith.constant 128 : i32
      %add3A_103 = arith.addi %mul3A_8, %add3A_102 : i32
      %dma_start3A_104 = tpu.memref_slice %arg4[%add3A_103] : memref<647168xi32, #tpu.memory_space<hbm>> -> memref<128xi32, #tpu.memory_space<hbm>>
      %dma_start3A_105 = tpu.memref_slice %arg4[%add3A_103] : memref<647168xi32, #tpu.memory_space<hbm>> -> memref<128xi32, #tpu.memory_space<hbm>>
      tpu.enqueue_dma source(%dma_start3A_105 : memref<128xi32, #tpu.memory_space<hbm>>) target(%arg13 : memref<128xi32, #tpu.memory_space<vmem>>) target_semaphore(%arg23 : memref<!tpu.dma_semaphore, #tpu.memory_space<semaphore_mem>>)
      %dma_wait3A = tpu.memref_slice %arg3[%mul3A_8] : memref<647168xi32, #tpu.memory_space<hbm>> -> memref<128xi32, #tpu.memory_space<hbm>>
      %dma_wait3A_106 = tpu.memref_slice %arg3[%mul3A_8] : memref<647168xi32, #tpu.memory_space<hbm>> -> memref<128xi32, #tpu.memory_space<hbm>>
      tpu.wait_dma2 semaphore(%arg23 : memref<!tpu.dma_semaphore, #tpu.memory_space<semaphore_mem>>) src(%dma_wait3A_106 : memref<128xi32, #tpu.memory_space<hbm>>) dst(%arg9 : memref<128xi32, #tpu.memory_space<vmem>>)
      %dma_wait3A_107 = tpu.memref_slice %arg4[%mul3A_8] : memref<647168xi32, #tpu.memory_space<hbm>> -> memref<128xi32, #tpu.memory_space<hbm>>
      %dma_wait3A_108 = tpu.memref_slice %arg4[%mul3A_8] : memref<647168xi32, #tpu.memory_space<hbm>> -> memref<128xi32, #tpu.memory_space<hbm>>
      tpu.wait_dma2 semaphore(%arg23 : memref<!tpu.dma_semaphore, #tpu.memory_space<semaphore_mem>>) src(%dma_wait3A_108 : memref<128xi32, #tpu.memory_space<hbm>>) dst(%arg13 : memref<128xi32, #tpu.memory_space<vmem>>)
      %dma_start3A_109 = arith.constant 0 : i32
      %dma_start3A_110 = arith.constant 0 : i32
      %dma_start3A_111 = tpu.memref_slice %arg2[%dma_start3A_109, %dma_start3A_110] : memref<10000x128xf32, #tpu.memory_space<hbm>> -> memref<10000x128xf32, #tpu.memory_space<hbm>>
      tpu.enqueue_indirect_dma source(%dma_start3A_111 : memref<10000x128xf32, #tpu.memory_space<hbm>>) target(%arg17 : memref<128x128xf32, #tpu.memory_space<vmem>>) offsets(%arg9 : memref<128xi32, #tpu.memory_space<vmem>>) semaphore(%arg27 : memref<!tpu.dma_semaphore, #tpu.memory_space<semaphore_mem>>)
    } else {
    }
    %gt3A_24 = arith.constant 2 : i32
    %gt3A_25 = arith.cmpi sgt, %div3A_16, %gt3A_24 : i32
    %convert_element_type3A_26 = arith.extui %gt3A_25 : i1 to i32
    %cond3A_27 = arith.constant 0 : i32
    %cond3A_28 = arith.cmpi ne, %convert_element_type3A_26, %cond3A_27 : i32
    scf.if %cond3A_28 {
      %add3A_99 = arith.constant 256 : i32
      %add3A_100 = arith.addi %mul3A_8, %add3A_99 : i32
      %dma_start3A = tpu.memref_slice %arg3[%add3A_100] : memref<647168xi32, #tpu.memory_space<hbm>> -> memref<128xi32, #tpu.memory_space<hbm>>
      %dma_start3A_101 = tpu.memref_slice %arg3[%add3A_100] : memref<647168xi32, #tpu.memory_space<hbm>> -> memref<128xi32, #tpu.memory_space<hbm>>
      tpu.enqueue_dma source(%dma_start3A_101 : memref<128xi32, #tpu.memory_space<hbm>>) target(%arg10 : memref<128xi32, #tpu.memory_space<vmem>>) target_semaphore(%arg24 : memref<!tpu.dma_semaphore, #tpu.memory_space<semaphore_mem>>)
      %add3A_102 = arith.constant 256 : i32
      %add3A_103 = arith.addi %mul3A_8, %add3A_102 : i32
      %dma_start3A_104 = tpu.memref_slice %arg4[%add3A_103] : memref<647168xi32, #tpu.memory_space<hbm>> -> memref<128xi32, #tpu.memory_space<hbm>>
      %dma_start3A_105 = tpu.memref_slice %arg4[%add3A_103] : memref<647168xi32, #tpu.memory_space<hbm>> -> memref<128xi32, #tpu.memory_space<hbm>>
      tpu.enqueue_dma source(%dma_start3A_105 : memref<128xi32, #tpu.memory_space<hbm>>) target(%arg14 : memref<128xi32, #tpu.memory_space<vmem>>) target_semaphore(%arg24 : memref<!tpu.dma_semaphore, #tpu.memory_space<semaphore_mem>>)
      %dma_wait3A = tpu.memref_slice %arg3[%mul3A_8] : memref<647168xi32, #tpu.memory_space<hbm>> -> memref<128xi32, #tpu.memory_space<hbm>>
      %dma_wait3A_106 = tpu.memref_slice %arg3[%mul3A_8] : memref<647168xi32, #tpu.memory_space<hbm>> -> memref<128xi32, #tpu.memory_space<hbm>>
      tpu.wait_dma2 semaphore(%arg24 : memref<!tpu.dma_semaphore, #tpu.memory_space<semaphore_mem>>) src(%dma_wait3A_106 : memref<128xi32, #tpu.memory_space<hbm>>) dst(%arg10 : memref<128xi32, #tpu.memory_space<vmem>>)
      %dma_wait3A_107 = tpu.memref_slice %arg4[%mul3A_8] : memref<647168xi32, #tpu.memory_space<hbm>> -> memref<128xi32, #tpu.memory_space<hbm>>
      %dma_wait3A_108 = tpu.memref_slice %arg4[%mul3A_8] : memref<647168xi32, #tpu.memory_space<hbm>> -> memref<128xi32, #tpu.memory_space<hbm>>
      tpu.wait_dma2 semaphore(%arg24 : memref<!tpu.dma_semaphore, #tpu.memory_space<semaphore_mem>>) src(%dma_wait3A_108 : memref<128xi32, #tpu.memory_space<hbm>>) dst(%arg14 : memref<128xi32, #tpu.memory_space<vmem>>)
      %dma_start3A_109 = arith.constant 0 : i32
      %dma_start3A_110 = arith.constant 0 : i32
      %dma_start3A_111 = tpu.memref_slice %arg2[%dma_start3A_109, %dma_start3A_110] : memref<10000x128xf32, #tpu.memory_space<hbm>> -> memref<10000x128xf32, #tpu.memory_space<hbm>>
      tpu.enqueue_indirect_dma source(%dma_start3A_111 : memref<10000x128xf32, #tpu.memory_space<hbm>>) target(%arg18 : memref<128x128xf32, #tpu.memory_space<vmem>>) offsets(%arg10 : memref<128xi32, #tpu.memory_space<vmem>>) semaphore(%arg28 : memref<!tpu.dma_semaphore, #tpu.memory_space<semaphore_mem>>)
    } else {
    }
    %gt3A_29 = arith.constant 3 : i32
    %gt3A_30 = arith.cmpi sgt, %div3A_16, %gt3A_29 : i32
    %convert_element_type3A_31 = arith.extui %gt3A_30 : i1 to i32
    %cond3A_32 = arith.constant 0 : i32
    %cond3A_33 = arith.cmpi ne, %convert_element_type3A_31, %cond3A_32 : i32
    scf.if %cond3A_33 {
      %add3A_99 = arith.constant 384 : i32
      %add3A_100 = arith.addi %mul3A_8, %add3A_99 : i32
      %dma_start3A = tpu.memref_slice %arg3[%add3A_100] : memref<647168xi32, #tpu.memory_space<hbm>> -> memref<128xi32, #tpu.memory_space<hbm>>
      %dma_start3A_101 = tpu.memref_slice %arg3[%add3A_100] : memref<647168xi32, #tpu.memory_space<hbm>> -> memref<128xi32, #tpu.memory_space<hbm>>
      tpu.enqueue_dma source(%dma_start3A_101 : memref<128xi32, #tpu.memory_space<hbm>>) target(%arg11 : memref<128xi32, #tpu.memory_space<vmem>>) target_semaphore(%arg25 : memref<!tpu.dma_semaphore, #tpu.memory_space<semaphore_mem>>)
      %add3A_102 = arith.constant 384 : i32
      %add3A_103 = arith.addi %mul3A_8, %add3A_102 : i32
      %dma_start3A_104 = tpu.memref_slice %arg4[%add3A_103] : memref<647168xi32, #tpu.memory_space<hbm>> -> memref<128xi32, #tpu.memory_space<hbm>>
      %dma_start3A_105 = tpu.memref_slice %arg4[%add3A_103] : memref<647168xi32, #tpu.memory_space<hbm>> -> memref<128xi32, #tpu.memory_space<hbm>>
      tpu.enqueue_dma source(%dma_start3A_105 : memref<128xi32, #tpu.memory_space<hbm>>) target(%arg15 : memref<128xi32, #tpu.memory_space<vmem>>) target_semaphore(%arg25 : memref<!tpu.dma_semaphore, #tpu.memory_space<semaphore_mem>>)
    } else {
    }
    %while3A = arith.constant 0 : i32
    %while3A_34 = arith.constant 0 : i32
    %while3A_35 = arith.subi %div3A_16, %while3A_34 : i32
    %while3A_36 = arith.addi %while3A_34, %while3A_35 : i32
    %while3A_37 = arith.constant 1 : i32
    %while3A_38 = arith.divsi %while3A_35, %while3A_37 : i32
    %while3A_39 = arith.muli %while3A_38, %while3A_37 : i32
    %while3A_40 = arith.addi %while3A_34, %while3A_39 : i32
    %while3A_41 = arith.constant 1 : i32
    scf.for %while3A_99 = %while3A_34 to %while3A_40 step %while3A_41  : i32 {
      %rem3A = arith.constant 4 : i32
      %rem3A_100 = arith.remsi %while3A_99, %rem3A : i32
      %eq3A = arith.constant 0 : i32
      %eq3A_101 = arith.cmpi eq, %rem3A_100, %eq3A : i32
      %convert_element_type3A_102 = arith.extui %eq3A_101 : i1 to i32
      %cond3A_103 = arith.constant 0 : i32
      %cond3A_104 = arith.cmpi ne, %convert_element_type3A_102, %cond3A_103 : i32
      scf.if %cond3A_104 {
        %add3A_126 = arith.constant 4 : i32
        %add3A_127 = arith.addi %while3A_99, %add3A_126 : i32
        %sub3A = arith.constant 1 : i32
        %sub3A_128 = arith.subi %add3A_127, %sub3A : i32
        %lt3A = arith.cmpi slt, %sub3A_128, %div3A_16 : i32
        %convert_element_type3A_129 = arith.extui %lt3A : i1 to i32
        %cond3A_130 = arith.constant 0 : i32
        %cond3A_131 = arith.cmpi ne, %convert_element_type3A_129, %cond3A_130 : i32
        scf.if %cond3A_131 {
          %dma_wait3A_140 = tpu.memref_slice %arg3[%mul3A_8] : memref<647168xi32, #tpu.memory_space<hbm>> -> memref<128xi32, #tpu.memory_space<hbm>>
          %dma_wait3A_141 = tpu.memref_slice %arg3[%mul3A_8] : memref<647168xi32, #tpu.memory_space<hbm>> -> memref<128xi32, #tpu.memory_space<hbm>>
          tpu.wait_dma2 semaphore(%arg25 : memref<!tpu.dma_semaphore, #tpu.memory_space<semaphore_mem>>) src(%dma_wait3A_141 : memref<128xi32, #tpu.memory_space<hbm>>) dst(%arg11 : memref<128xi32, #tpu.memory_space<vmem>>)
          %dma_wait3A_142 = tpu.memref_slice %arg4[%mul3A_8] : memref<647168xi32, #tpu.memory_space<hbm>> -> memref<128xi32, #tpu.memory_space<hbm>>
          %dma_wait3A_143 = tpu.memref_slice %arg4[%mul3A_8] : memref<647168xi32, #tpu.memory_space<hbm>> -> memref<128xi32, #tpu.memory_space<hbm>>
          tpu.wait_dma2 semaphore(%arg25 : memref<!tpu.dma_semaphore, #tpu.memory_space<semaphore_mem>>) src(%dma_wait3A_143 : memref<128xi32, #tpu.memory_space<hbm>>) dst(%arg15 : memref<128xi32, #tpu.memory_space<vmem>>)
          %dma_start3A = arith.constant 0 : i32
          %dma_start3A_144 = arith.constant 0 : i32
          %dma_start3A_145 = tpu.memref_slice %arg2[%dma_start3A, %dma_start3A_144] : memref<10000x128xf32, #tpu.memory_space<hbm>> -> memref<10000x128xf32, #tpu.memory_space<hbm>>
          tpu.enqueue_indirect_dma source(%dma_start3A_145 : memref<10000x128xf32, #tpu.memory_space<hbm>>) target(%arg19 : memref<128x128xf32, #tpu.memory_space<vmem>>) offsets(%arg11 : memref<128xi32, #tpu.memory_space<vmem>>) semaphore(%arg29 : memref<!tpu.dma_semaphore, #tpu.memory_space<semaphore_mem>>)
        } else {
        }
        %dma_wait3A = arith.constant 0 : i32
        %dma_wait3A_132 = arith.constant 0 : i32
        %dma_wait3A_133 = tpu.memref_slice %arg2[%dma_wait3A, %dma_wait3A_132] : memref<10000x128xf32, #tpu.memory_space<hbm>> -> memref<10000x128xf32, #tpu.memory_space<hbm>>
        tpu.wait_indirect_dma semaphore(%arg26 : memref<!tpu.dma_semaphore, #tpu.memory_space<semaphore_mem>>) src(%dma_wait3A_133 : memref<10000x128xf32, #tpu.memory_space<hbm>>) dst(%arg16 : memref<128x128xf32, #tpu.memory_space<vmem>>)
        "tpu.region"() ({
          %run_scoped3A = tpu.sem_alloc : memref<!tpu.dma_semaphore, #tpu.memory_space<semaphore_mem>>
          %dma_start3A = arith.constant 0 : i32
          %dma_start3A_140 = arith.constant 0 : i32
          %dma_start3A_141 = tpu.memref_slice %arg21[%dma_start3A, %dma_start3A_140] : memref<5632x128xf32, #tpu.memory_space<vmem_shared>> -> memref<5632x128xf32, #tpu.memory_space<vmem_shared>>
          tpu.enqueue_indirect_dma source(%arg16 : memref<128x128xf32, #tpu.memory_space<vmem>>) target(%dma_start3A_141 : memref<5632x128xf32, #tpu.memory_space<vmem_shared>>) offsets(%arg12 : memref<128xi32, #tpu.memory_space<vmem>>) semaphore(%run_scoped3A : memref<!tpu.dma_semaphore, #tpu.memory_space<semaphore_mem>>) {add = true}
          %dma_wait3A_142 = arith.constant 0 : i32
          %dma_wait3A_143 = arith.constant 0 : i32
          %dma_wait3A_144 = tpu.memref_slice %arg21[%dma_wait3A_142, %dma_wait3A_143] : memref<5632x128xf32, #tpu.memory_space<vmem_shared>> -> memref<5632x128xf32, #tpu.memory_space<vmem_shared>>
          tpu.wait_indirect_dma semaphore(%run_scoped3A : memref<!tpu.dma_semaphore, #tpu.memory_space<semaphore_mem>>) src(%arg16 : memref<128x128xf32, #tpu.memory_space<vmem>>) dst(%dma_wait3A_144 : memref<5632x128xf32, #tpu.memory_space<vmem_shared>>)
          tpu.yield
        }) : () -> ()
        %add3A_134 = arith.constant 4 : i32
        %add3A_135 = arith.addi %while3A_99, %add3A_134 : i32
        %lt3A_136 = arith.cmpi slt, %add3A_135, %div3A_16 : i32
        %convert_element_type3A_137 = arith.extui %lt3A_136 : i1 to i32
        %cond3A_138 = arith.constant 0 : i32
        %cond3A_139 = arith.cmpi ne, %convert_element_type3A_137, %cond3A_138 : i32
        scf.if %cond3A_139 {
          %add3A_140 = arith.constant 4 : i32
          %add3A_141 = arith.addi %while3A_99, %add3A_140 : i32
          %mul3A_142 = arith.constant 128 : i32
          %mul3A_143 = arith.muli %add3A_141, %mul3A_142 : i32
          %add3A_144 = arith.addi %mul3A_8, %mul3A_143 : i32
          %dma_start3A = tpu.memref_slice %arg3[%add3A_144] : memref<647168xi32, #tpu.memory_space<hbm>> -> memref<128xi32, #tpu.memory_space<hbm>>
          %dma_start3A_145 = tpu.memref_slice %arg3[%add3A_144] : memref<647168xi32, #tpu.memory_space<hbm>> -> memref<128xi32, #tpu.memory_space<hbm>>
          tpu.enqueue_dma source(%dma_start3A_145 : memref<128xi32, #tpu.memory_space<hbm>>) target(%arg8 : memref<128xi32, #tpu.memory_space<vmem>>) target_semaphore(%arg22 : memref<!tpu.dma_semaphore, #tpu.memory_space<semaphore_mem>>)
          %mul3A_146 = arith.constant 128 : i32
          %mul3A_147 = arith.muli %add3A_141, %mul3A_146 : i32
          %add3A_148 = arith.addi %mul3A_8, %mul3A_147 : i32
          %dma_start3A_149 = tpu.memref_slice %arg4[%add3A_148] : memref<647168xi32, #tpu.memory_space<hbm>> -> memref<128xi32, #tpu.memory_space<hbm>>
          %dma_start3A_150 = tpu.memref_slice %arg4[%add3A_148] : memref<647168xi32, #tpu.memory_space<hbm>> -> memref<128xi32, #tpu.memory_space<hbm>>
          tpu.enqueue_dma source(%dma_start3A_150 : memref<128xi32, #tpu.memory_space<hbm>>) target(%arg12 : memref<128xi32, #tpu.memory_space<vmem>>) target_semaphore(%arg22 : memref<!tpu.dma_semaphore, #tpu.memory_space<semaphore_mem>>)
        } else {
        }
      } else {
      }
      %rem3A_105 = arith.constant 4 : i32
      %rem3A_106 = arith.remsi %while3A_99, %rem3A_105 : i32
      %eq3A_107 = arith.constant 1 : i32
      %eq3A_108 = arith.cmpi eq, %rem3A_106, %eq3A_107 : i32
      %convert_element_type3A_109 = arith.extui %eq3A_108 : i1 to i32
      %cond3A_110 = arith.constant 0 : i32
      %cond3A_111 = arith.cmpi ne, %convert_element_type3A_109, %cond3A_110 : i32
      scf.if %cond3A_111 {
        %add3A_126 = arith.constant 4 : i32
        %add3A_127 = arith.addi %while3A_99, %add3A_126 : i32
        %sub3A = arith.constant 1 : i32
        %sub3A_128 = arith.subi %add3A_127, %sub3A : i32
        %lt3A = arith.cmpi slt, %sub3A_128, %div3A_16 : i32
        %convert_element_type3A_129 = arith.extui %lt3A : i1 to i32
        %cond3A_130 = arith.constant 0 : i32
        %cond3A_131 = arith.cmpi ne, %convert_element_type3A_129, %cond3A_130 : i32
        scf.if %cond3A_131 {
          %dma_wait3A_140 = tpu.memref_slice %arg3[%mul3A_8] : memref<647168xi32, #tpu.memory_space<hbm>> -> memref<128xi32, #tpu.memory_space<hbm>>
          %dma_wait3A_141 = tpu.memref_slice %arg3[%mul3A_8] : memref<647168xi32, #tpu.memory_space<hbm>> -> memref<128xi32, #tpu.memory_space<hbm>>
          tpu.wait_dma2 semaphore(%arg22 : memref<!tpu.dma_semaphore, #tpu.memory_space<semaphore_mem>>) src(%dma_wait3A_141 : memref<128xi32, #tpu.memory_space<hbm>>) dst(%arg8 : memref<128xi32, #tpu.memory_space<vmem>>)
          %dma_wait3A_142 = tpu.memref_slice %arg4[%mul3A_8] : memref<647168xi32, #tpu.memory_space<hbm>> -> memref<128xi32, #tpu.memory_space<hbm>>
          %dma_wait3A_143 = tpu.memref_slice %arg4[%mul3A_8] : memref<647168xi32, #tpu.memory_space<hbm>> -> memref<128xi32, #tpu.memory_space<hbm>>
          tpu.wait_dma2 semaphore(%arg22 : memref<!tpu.dma_semaphore, #tpu.memory_space<semaphore_mem>>) src(%dma_wait3A_143 : memref<128xi32, #tpu.memory_space<hbm>>) dst(%arg12 : memref<128xi32, #tpu.memory_space<vmem>>)
          %dma_start3A = arith.constant 0 : i32
          %dma_start3A_144 = arith.constant 0 : i32
          %dma_start3A_145 = tpu.memref_slice %arg2[%dma_start3A, %dma_start3A_144] : memref<10000x128xf32, #tpu.memory_space<hbm>> -> memref<10000x128xf32, #tpu.memory_space<hbm>>
          tpu.enqueue_indirect_dma source(%dma_start3A_145 : memref<10000x128xf32, #tpu.memory_space<hbm>>) target(%arg16 : memref<128x128xf32, #tpu.memory_space<vmem>>) offsets(%arg8 : memref<128xi32, #tpu.memory_space<vmem>>) semaphore(%arg26 : memref<!tpu.dma_semaphore, #tpu.memory_space<semaphore_mem>>)
        } else {
        }
        %dma_wait3A = arith.constant 0 : i32
        %dma_wait3A_132 = arith.constant 0 : i32
        %dma_wait3A_133 = tpu.memref_slice %arg2[%dma_wait3A, %dma_wait3A_132] : memref<10000x128xf32, #tpu.memory_space<hbm>> -> memref<10000x128xf32, #tpu.memory_space<hbm>>
        tpu.wait_indirect_dma semaphore(%arg27 : memref<!tpu.dma_semaphore, #tpu.memory_space<semaphore_mem>>) src(%dma_wait3A_133 : memref<10000x128xf32, #tpu.memory_space<hbm>>) dst(%arg17 : memref<128x128xf32, #tpu.memory_space<vmem>>)
        "tpu.region"() ({
          %run_scoped3A = tpu.sem_alloc : memref<!tpu.dma_semaphore, #tpu.memory_space<semaphore_mem>>
          %dma_start3A = arith.constant 0 : i32
          %dma_start3A_140 = arith.constant 0 : i32
          %dma_start3A_141 = tpu.memref_slice %arg21[%dma_start3A, %dma_start3A_140] : memref<5632x128xf32, #tpu.memory_space<vmem_shared>> -> memref<5632x128xf32, #tpu.memory_space<vmem_shared>>
          tpu.enqueue_indirect_dma source(%arg17 : memref<128x128xf32, #tpu.memory_space<vmem>>) target(%dma_start3A_141 : memref<5632x128xf32, #tpu.memory_space<vmem_shared>>) offsets(%arg13 : memref<128xi32, #tpu.memory_space<vmem>>) semaphore(%run_scoped3A : memref<!tpu.dma_semaphore, #tpu.memory_space<semaphore_mem>>) {add = true}
          %dma_wait3A_142 = arith.constant 0 : i32
          %dma_wait3A_143 = arith.constant 0 : i32
          %dma_wait3A_144 = tpu.memref_slice %arg21[%dma_wait3A_142, %dma_wait3A_143] : memref<5632x128xf32, #tpu.memory_space<vmem_shared>> -> memref<5632x128xf32, #tpu.memory_space<vmem_shared>>
          tpu.wait_indirect_dma semaphore(%run_scoped3A : memref<!tpu.dma_semaphore, #tpu.memory_space<semaphore_mem>>) src(%arg17 : memref<128x128xf32, #tpu.memory_space<vmem>>) dst(%dma_wait3A_144 : memref<5632x128xf32, #tpu.memory_space<vmem_shared>>)
          tpu.yield
        }) : () -> ()
        %add3A_134 = arith.constant 4 : i32
        %add3A_135 = arith.addi %while3A_99, %add3A_134 : i32
        %lt3A_136 = arith.cmpi slt, %add3A_135, %div3A_16 : i32
        %convert_element_type3A_137 = arith.extui %lt3A_136 : i1 to i32
        %cond3A_138 = arith.constant 0 : i32
        %cond3A_139 = arith.cmpi ne, %convert_element_type3A_137, %cond3A_138 : i32
        scf.if %cond3A_139 {
          %add3A_140 = arith.constant 4 : i32
          %add3A_141 = arith.addi %while3A_99, %add3A_140 : i32
          %mul3A_142 = arith.constant 128 : i32
          %mul3A_143 = arith.muli %add3A_141, %mul3A_142 : i32
          %add3A_144 = arith.addi %mul3A_8, %mul3A_143 : i32
          %dma_start3A = tpu.memref_slice %arg3[%add3A_144] : memref<647168xi32, #tpu.memory_space<hbm>> -> memref<128xi32, #tpu.memory_space<hbm>>
          %dma_start3A_145 = tpu.memref_slice %arg3[%add3A_144] : memref<647168xi32, #tpu.memory_space<hbm>> -> memref<128xi32, #tpu.memory_space<hbm>>
          tpu.enqueue_dma source(%dma_start3A_145 : memref<128xi32, #tpu.memory_space<hbm>>) target(%arg9 : memref<128xi32, #tpu.memory_space<vmem>>) target_semaphore(%arg23 : memref<!tpu.dma_semaphore, #tpu.memory_space<semaphore_mem>>)
          %mul3A_146 = arith.constant 128 : i32
          %mul3A_147 = arith.muli %add3A_141, %mul3A_146 : i32
          %add3A_148 = arith.addi %mul3A_8, %mul3A_147 : i32
          %dma_start3A_149 = tpu.memref_slice %arg4[%add3A_148] : memref<647168xi32, #tpu.memory_space<hbm>> -> memref<128xi32, #tpu.memory_space<hbm>>
          %dma_start3A_150 = tpu.memref_slice %arg4[%add3A_148] : memref<647168xi32, #tpu.memory_space<hbm>> -> memref<128xi32, #tpu.memory_space<hbm>>
          tpu.enqueue_dma source(%dma_start3A_150 : memref<128xi32, #tpu.memory_space<hbm>>) target(%arg13 : memref<128xi32, #tpu.memory_space<vmem>>) target_semaphore(%arg23 : memref<!tpu.dma_semaphore, #tpu.memory_space<semaphore_mem>>)
        } else {
        }
      } else {
      }
      %rem3A_112 = arith.constant 4 : i32
      %rem3A_113 = arith.remsi %while3A_99, %rem3A_112 : i32
      %eq3A_114 = arith.constant 2 : i32
      %eq3A_115 = arith.cmpi eq, %rem3A_113, %eq3A_114 : i32
      %convert_element_type3A_116 = arith.extui %eq3A_115 : i1 to i32
      %cond3A_117 = arith.constant 0 : i32
      %cond3A_118 = arith.cmpi ne, %convert_element_type3A_116, %cond3A_117 : i32
      scf.if %cond3A_118 {
        %add3A_126 = arith.constant 4 : i32
        %add3A_127 = arith.addi %while3A_99, %add3A_126 : i32
        %sub3A = arith.constant 1 : i32
        %sub3A_128 = arith.subi %add3A_127, %sub3A : i32
        %lt3A = arith.cmpi slt, %sub3A_128, %div3A_16 : i32
        %convert_element_type3A_129 = arith.extui %lt3A : i1 to i32
        %cond3A_130 = arith.constant 0 : i32
        %cond3A_131 = arith.cmpi ne, %convert_element_type3A_129, %cond3A_130 : i32
        scf.if %cond3A_131 {
          %dma_wait3A_140 = tpu.memref_slice %arg3[%mul3A_8] : memref<647168xi32, #tpu.memory_space<hbm>> -> memref<128xi32, #tpu.memory_space<hbm>>
          %dma_wait3A_141 = tpu.memref_slice %arg3[%mul3A_8] : memref<647168xi32, #tpu.memory_space<hbm>> -> memref<128xi32, #tpu.memory_space<hbm>>
          tpu.wait_dma2 semaphore(%arg23 : memref<!tpu.dma_semaphore, #tpu.memory_space<semaphore_mem>>) src(%dma_wait3A_141 : memref<128xi32, #tpu.memory_space<hbm>>) dst(%arg9 : memref<128xi32, #tpu.memory_space<vmem>>)
          %dma_wait3A_142 = tpu.memref_slice %arg4[%mul3A_8] : memref<647168xi32, #tpu.memory_space<hbm>> -> memref<128xi32, #tpu.memory_space<hbm>>
          %dma_wait3A_143 = tpu.memref_slice %arg4[%mul3A_8] : memref<647168xi32, #tpu.memory_space<hbm>> -> memref<128xi32, #tpu.memory_space<hbm>>
          tpu.wait_dma2 semaphore(%arg23 : memref<!tpu.dma_semaphore, #tpu.memory_space<semaphore_mem>>) src(%dma_wait3A_143 : memref<128xi32, #tpu.memory_space<hbm>>) dst(%arg13 : memref<128xi32, #tpu.memory_space<vmem>>)
          %dma_start3A = arith.constant 0 : i32
          %dma_start3A_144 = arith.constant 0 : i32
          %dma_start3A_145 = tpu.memref_slice %arg2[%dma_start3A, %dma_start3A_144] : memref<10000x128xf32, #tpu.memory_space<hbm>> -> memref<10000x128xf32, #tpu.memory_space<hbm>>
          tpu.enqueue_indirect_dma source(%dma_start3A_145 : memref<10000x128xf32, #tpu.memory_space<hbm>>) target(%arg17 : memref<128x128xf32, #tpu.memory_space<vmem>>) offsets(%arg9 : memref<128xi32, #tpu.memory_space<vmem>>) semaphore(%arg27 : memref<!tpu.dma_semaphore, #tpu.memory_space<semaphore_mem>>)
        } else {
        }
        %dma_wait3A = arith.constant 0 : i32
        %dma_wait3A_132 = arith.constant 0 : i32
        %dma_wait3A_133 = tpu.memref_slice %arg2[%dma_wait3A, %dma_wait3A_132] : memref<10000x128xf32, #tpu.memory_space<hbm>> -> memref<10000x128xf32, #tpu.memory_space<hbm>>
        tpu.wait_indirect_dma semaphore(%arg28 : memref<!tpu.dma_semaphore, #tpu.memory_space<semaphore_mem>>) src(%dma_wait3A_133 : memref<10000x128xf32, #tpu.memory_space<hbm>>) dst(%arg18 : memref<128x128xf32, #tpu.memory_space<vmem>>)
        "tpu.region"() ({
          %run_scoped3A = tpu.sem_alloc : memref<!tpu.dma_semaphore, #tpu.memory_space<semaphore_mem>>
          %dma_start3A = arith.constant 0 : i32
          %dma_start3A_140 = arith.constant 0 : i32
          %dma_start3A_141 = tpu.memref_slice %arg21[%dma_start3A, %dma_start3A_140] : memref<5632x128xf32, #tpu.memory_space<vmem_shared>> -> memref<5632x128xf32, #tpu.memory_space<vmem_shared>>
          tpu.enqueue_indirect_dma source(%arg18 : memref<128x128xf32, #tpu.memory_space<vmem>>) target(%dma_start3A_141 : memref<5632x128xf32, #tpu.memory_space<vmem_shared>>) offsets(%arg14 : memref<128xi32, #tpu.memory_space<vmem>>) semaphore(%run_scoped3A : memref<!tpu.dma_semaphore, #tpu.memory_space<semaphore_mem>>) {add = true}
          %dma_wait3A_142 = arith.constant 0 : i32
          %dma_wait3A_143 = arith.constant 0 : i32
          %dma_wait3A_144 = tpu.memref_slice %arg21[%dma_wait3A_142, %dma_wait3A_143] : memref<5632x128xf32, #tpu.memory_space<vmem_shared>> -> memref<5632x128xf32, #tpu.memory_space<vmem_shared>>
          tpu.wait_indirect_dma semaphore(%run_scoped3A : memref<!tpu.dma_semaphore, #tpu.memory_space<semaphore_mem>>) src(%arg18 : memref<128x128xf32, #tpu.memory_space<vmem>>) dst(%dma_wait3A_144 : memref<5632x128xf32, #tpu.memory_space<vmem_shared>>)
          tpu.yield
        }) : () -> ()
        %add3A_134 = arith.constant 4 : i32
        %add3A_135 = arith.addi %while3A_99, %add3A_134 : i32
        %lt3A_136 = arith.cmpi slt, %add3A_135, %div3A_16 : i32
        %convert_element_type3A_137 = arith.extui %lt3A_136 : i1 to i32
        %cond3A_138 = arith.constant 0 : i32
        %cond3A_139 = arith.cmpi ne, %convert_element_type3A_137, %cond3A_138 : i32
        scf.if %cond3A_139 {
          %add3A_140 = arith.constant 4 : i32
          %add3A_141 = arith.addi %while3A_99, %add3A_140 : i32
          %mul3A_142 = arith.constant 128 : i32
          %mul3A_143 = arith.muli %add3A_141, %mul3A_142 : i32
          %add3A_144 = arith.addi %mul3A_8, %mul3A_143 : i32
          %dma_start3A = tpu.memref_slice %arg3[%add3A_144] : memref<647168xi32, #tpu.memory_space<hbm>> -> memref<128xi32, #tpu.memory_space<hbm>>
          %dma_start3A_145 = tpu.memref_slice %arg3[%add3A_144] : memref<647168xi32, #tpu.memory_space<hbm>> -> memref<128xi32, #tpu.memory_space<hbm>>
          tpu.enqueue_dma source(%dma_start3A_145 : memref<128xi32, #tpu.memory_space<hbm>>) target(%arg10 : memref<128xi32, #tpu.memory_space<vmem>>) target_semaphore(%arg24 : memref<!tpu.dma_semaphore, #tpu.memory_space<semaphore_mem>>)
          %mul3A_146 = arith.constant 128 : i32
          %mul3A_147 = arith.muli %add3A_141, %mul3A_146 : i32
          %add3A_148 = arith.addi %mul3A_8, %mul3A_147 : i32
          %dma_start3A_149 = tpu.memref_slice %arg4[%add3A_148] : memref<647168xi32, #tpu.memory_space<hbm>> -> memref<128xi32, #tpu.memory_space<hbm>>
          %dma_start3A_150 = tpu.memref_slice %arg4[%add3A_148] : memref<647168xi32, #tpu.memory_space<hbm>> -> memref<128xi32, #tpu.memory_space<hbm>>
          tpu.enqueue_dma source(%dma_start3A_150 : memref<128xi32, #tpu.memory_space<hbm>>) target(%arg14 : memref<128xi32, #tpu.memory_space<vmem>>) target_semaphore(%arg24 : memref<!tpu.dma_semaphore, #tpu.memory_space<semaphore_mem>>)
        } else {
        }
      } else {
      }
      %rem3A_119 = arith.constant 4 : i32
      %rem3A_120 = arith.remsi %while3A_99, %rem3A_119 : i32
      %eq3A_121 = arith.constant 3 : i32
      %eq3A_122 = arith.cmpi eq, %rem3A_120, %eq3A_121 : i32
      %convert_element_type3A_123 = arith.extui %eq3A_122 : i1 to i32
      %cond3A_124 = arith.constant 0 : i32
      %cond3A_125 = arith.cmpi ne, %convert_element_type3A_123, %cond3A_124 : i32
      scf.if %cond3A_125 {
        %add3A_126 = arith.constant 4 : i32
        %add3A_127 = arith.addi %while3A_99, %add3A_126 : i32
        %sub3A = arith.constant 1 : i32
        %sub3A_128 = arith.subi %add3A_127, %sub3A : i32
        %lt3A = arith.cmpi slt, %sub3A_128, %div3A_16 : i32
        %convert_element_type3A_129 = arith.extui %lt3A : i1 to i32
        %cond3A_130 = arith.constant 0 : i32
        %cond3A_131 = arith.cmpi ne, %convert_element_type3A_129, %cond3A_130 : i32
        scf.if %cond3A_131 {
          %dma_wait3A_140 = tpu.memref_slice %arg3[%mul3A_8] : memref<647168xi32, #tpu.memory_space<hbm>> -> memref<128xi32, #tpu.memory_space<hbm>>
          %dma_wait3A_141 = tpu.memref_slice %arg3[%mul3A_8] : memref<647168xi32, #tpu.memory_space<hbm>> -> memref<128xi32, #tpu.memory_space<hbm>>
          tpu.wait_dma2 semaphore(%arg24 : memref<!tpu.dma_semaphore, #tpu.memory_space<semaphore_mem>>) src(%dma_wait3A_141 : memref<128xi32, #tpu.memory_space<hbm>>) dst(%arg10 : memref<128xi32, #tpu.memory_space<vmem>>)
          %dma_wait3A_142 = tpu.memref_slice %arg4[%mul3A_8] : memref<647168xi32, #tpu.memory_space<hbm>> -> memref<128xi32, #tpu.memory_space<hbm>>
          %dma_wait3A_143 = tpu.memref_slice %arg4[%mul3A_8] : memref<647168xi32, #tpu.memory_space<hbm>> -> memref<128xi32, #tpu.memory_space<hbm>>
          tpu.wait_dma2 semaphore(%arg24 : memref<!tpu.dma_semaphore, #tpu.memory_space<semaphore_mem>>) src(%dma_wait3A_143 : memref<128xi32, #tpu.memory_space<hbm>>) dst(%arg14 : memref<128xi32, #tpu.memory_space<vmem>>)
          %dma_start3A = arith.constant 0 : i32
          %dma_start3A_144 = arith.constant 0 : i32
          %dma_start3A_145 = tpu.memref_slice %arg2[%dma_start3A, %dma_start3A_144] : memref<10000x128xf32, #tpu.memory_space<hbm>> -> memref<10000x128xf32, #tpu.memory_space<hbm>>
          tpu.enqueue_indirect_dma source(%dma_start3A_145 : memref<10000x128xf32, #tpu.memory_space<hbm>>) target(%arg18 : memref<128x128xf32, #tpu.memory_space<vmem>>) offsets(%arg10 : memref<128xi32, #tpu.memory_space<vmem>>) semaphore(%arg28 : memref<!tpu.dma_semaphore, #tpu.memory_space<semaphore_mem>>)
        } else {
        }
        %dma_wait3A = arith.constant 0 : i32
        %dma_wait3A_132 = arith.constant 0 : i32
        %dma_wait3A_133 = tpu.memref_slice %arg2[%dma_wait3A, %dma_wait3A_132] : memref<10000x128xf32, #tpu.memory_space<hbm>> -> memref<10000x128xf32, #tpu.memory_space<hbm>>
        tpu.wait_indirect_dma semaphore(%arg29 : memref<!tpu.dma_semaphore, #tpu.memory_space<semaphore_mem>>) src(%dma_wait3A_133 : memref<10000x128xf32, #tpu.memory_space<hbm>>) dst(%arg19 : memref<128x128xf32, #tpu.memory_space<vmem>>)
        "tpu.region"() ({
          %run_scoped3A = tpu.sem_alloc : memref<!tpu.dma_semaphore, #tpu.memory_space<semaphore_mem>>
          %dma_start3A = arith.constant 0 : i32
          %dma_start3A_140 = arith.constant 0 : i32
          %dma_start3A_141 = tpu.memref_slice %arg21[%dma_start3A, %dma_start3A_140] : memref<5632x128xf32, #tpu.memory_space<vmem_shared>> -> memref<5632x128xf32, #tpu.memory_space<vmem_shared>>
          tpu.enqueue_indirect_dma source(%arg19 : memref<128x128xf32, #tpu.memory_space<vmem>>) target(%dma_start3A_141 : memref<5632x128xf32, #tpu.memory_space<vmem_shared>>) offsets(%arg15 : memref<128xi32, #tpu.memory_space<vmem>>) semaphore(%run_scoped3A : memref<!tpu.dma_semaphore, #tpu.memory_space<semaphore_mem>>) {add = true}
          %dma_wait3A_142 = arith.constant 0 : i32
          %dma_wait3A_143 = arith.constant 0 : i32
          %dma_wait3A_144 = tpu.memref_slice %arg21[%dma_wait3A_142, %dma_wait3A_143] : memref<5632x128xf32, #tpu.memory_space<vmem_shared>> -> memref<5632x128xf32, #tpu.memory_space<vmem_shared>>
          tpu.wait_indirect_dma semaphore(%run_scoped3A : memref<!tpu.dma_semaphore, #tpu.memory_space<semaphore_mem>>) src(%arg19 : memref<128x128xf32, #tpu.memory_space<vmem>>) dst(%dma_wait3A_144 : memref<5632x128xf32, #tpu.memory_space<vmem_shared>>)
          tpu.yield
        }) : () -> ()
        %add3A_134 = arith.constant 4 : i32
        %add3A_135 = arith.addi %while3A_99, %add3A_134 : i32
        %lt3A_136 = arith.cmpi slt, %add3A_135, %div3A_16 : i32
        %convert_element_type3A_137 = arith.extui %lt3A_136 : i1 to i32
        %cond3A_138 = arith.constant 0 : i32
        %cond3A_139 = arith.cmpi ne, %convert_element_type3A_137, %cond3A_138 : i32
        scf.if %cond3A_139 {
          %add3A_140 = arith.constant 4 : i32
          %add3A_141 = arith.addi %while3A_99, %add3A_140 : i32
          %mul3A_142 = arith.constant 128 : i32
          %mul3A_143 = arith.muli %add3A_141, %mul3A_142 : i32
          %add3A_144 = arith.addi %mul3A_8, %mul3A_143 : i32
          %dma_start3A = tpu.memref_slice %arg3[%add3A_144] : memref<647168xi32, #tpu.memory_space<hbm>> -> memref<128xi32, #tpu.memory_space<hbm>>
          %dma_start3A_145 = tpu.memref_slice %arg3[%add3A_144] : memref<647168xi32, #tpu.memory_space<hbm>> -> memref<128xi32, #tpu.memory_space<hbm>>
          tpu.enqueue_dma source(%dma_start3A_145 : memref<128xi32, #tpu.memory_space<hbm>>) target(%arg11 : memref<128xi32, #tpu.memory_space<vmem>>) target_semaphore(%arg25 : memref<!tpu.dma_semaphore, #tpu.memory_space<semaphore_mem>>)
          %mul3A_146 = arith.constant 128 : i32
          %mul3A_147 = arith.muli %add3A_141, %mul3A_146 : i32
          %add3A_148 = arith.addi %mul3A_8, %mul3A_147 : i32
          %dma_start3A_149 = tpu.memref_slice %arg4[%add3A_148] : memref<647168xi32, #tpu.memory_space<hbm>> -> memref<128xi32, #tpu.memory_space<hbm>>
          %dma_start3A_150 = tpu.memref_slice %arg4[%add3A_148] : memref<647168xi32, #tpu.memory_space<hbm>> -> memref<128xi32, #tpu.memory_space<hbm>>
          tpu.enqueue_dma source(%dma_start3A_150 : memref<128xi32, #tpu.memory_space<hbm>>) target(%arg15 : memref<128xi32, #tpu.memory_space<vmem>>) target_semaphore(%arg25 : memref<!tpu.dma_semaphore, #tpu.memory_space<semaphore_mem>>)
        } else {
        }
      } else {
      }
    }
    %while3A_42 = arith.constant 1 : i32
    scf.for %while3A_99 = %while3A_40 to %while3A_36 step %while3A_42  : i32 {
      %rem3A = arith.constant 4 : i32
      %rem3A_100 = arith.remsi %while3A_99, %rem3A : i32
      %eq3A = arith.constant 0 : i32
      %eq3A_101 = arith.cmpi eq, %rem3A_100, %eq3A : i32
      %convert_element_type3A_102 = arith.extui %eq3A_101 : i1 to i32
      %cond3A_103 = arith.constant 0 : i32
      %cond3A_104 = arith.cmpi ne, %convert_element_type3A_102, %cond3A_103 : i32
      scf.if %cond3A_104 {
        %add3A_126 = arith.constant 4 : i32
        %add3A_127 = arith.addi %while3A_99, %add3A_126 : i32
        %sub3A = arith.constant 1 : i32
        %sub3A_128 = arith.subi %add3A_127, %sub3A : i32
        %lt3A = arith.cmpi slt, %sub3A_128, %div3A_16 : i32
        %convert_element_type3A_129 = arith.extui %lt3A : i1 to i32
        %cond3A_130 = arith.constant 0 : i32
        %cond3A_131 = arith.cmpi ne, %convert_element_type3A_129, %cond3A_130 : i32
        scf.if %cond3A_131 {
          %dma_wait3A_140 = tpu.memref_slice %arg3[%mul3A_8] : memref<647168xi32, #tpu.memory_space<hbm>> -> memref<128xi32, #tpu.memory_space<hbm>>
          %dma_wait3A_141 = tpu.memref_slice %arg3[%mul3A_8] : memref<647168xi32, #tpu.memory_space<hbm>> -> memref<128xi32, #tpu.memory_space<hbm>>
          tpu.wait_dma2 semaphore(%arg25 : memref<!tpu.dma_semaphore, #tpu.memory_space<semaphore_mem>>) src(%dma_wait3A_141 : memref<128xi32, #tpu.memory_space<hbm>>) dst(%arg11 : memref<128xi32, #tpu.memory_space<vmem>>)
          %dma_wait3A_142 = tpu.memref_slice %arg4[%mul3A_8] : memref<647168xi32, #tpu.memory_space<hbm>> -> memref<128xi32, #tpu.memory_space<hbm>>
          %dma_wait3A_143 = tpu.memref_slice %arg4[%mul3A_8] : memref<647168xi32, #tpu.memory_space<hbm>> -> memref<128xi32, #tpu.memory_space<hbm>>
          tpu.wait_dma2 semaphore(%arg25 : memref<!tpu.dma_semaphore, #tpu.memory_space<semaphore_mem>>) src(%dma_wait3A_143 : memref<128xi32, #tpu.memory_space<hbm>>) dst(%arg15 : memref<128xi32, #tpu.memory_space<vmem>>)
          %dma_start3A = arith.constant 0 : i32
          %dma_start3A_144 = arith.constant 0 : i32
          %dma_start3A_145 = tpu.memref_slice %arg2[%dma_start3A, %dma_start3A_144] : memref<10000x128xf32, #tpu.memory_space<hbm>> -> memref<10000x128xf32, #tpu.memory_space<hbm>>
          tpu.enqueue_indirect_dma source(%dma_start3A_145 : memref<10000x128xf32, #tpu.memory_space<hbm>>) target(%arg19 : memref<128x128xf32, #tpu.memory_space<vmem>>) offsets(%arg11 : memref<128xi32, #tpu.memory_space<vmem>>) semaphore(%arg29 : memref<!tpu.dma_semaphore, #tpu.memory_space<semaphore_mem>>)
        } else {
        }
        %dma_wait3A = arith.constant 0 : i32
        %dma_wait3A_132 = arith.constant 0 : i32
        %dma_wait3A_133 = tpu.memref_slice %arg2[%dma_wait3A, %dma_wait3A_132] : memref<10000x128xf32, #tpu.memory_space<hbm>> -> memref<10000x128xf32, #tpu.memory_space<hbm>>
        tpu.wait_indirect_dma semaphore(%arg26 : memref<!tpu.dma_semaphore, #tpu.memory_space<semaphore_mem>>) src(%dma_wait3A_133 : memref<10000x128xf32, #tpu.memory_space<hbm>>) dst(%arg16 : memref<128x128xf32, #tpu.memory_space<vmem>>)
        "tpu.region"() ({
          %run_scoped3A = tpu.sem_alloc : memref<!tpu.dma_semaphore, #tpu.memory_space<semaphore_mem>>
          %dma_start3A = arith.constant 0 : i32
          %dma_start3A_140 = arith.constant 0 : i32
          %dma_start3A_141 = tpu.memref_slice %arg21[%dma_start3A, %dma_start3A_140] : memref<5632x128xf32, #tpu.memory_space<vmem_shared>> -> memref<5632x128xf32, #tpu.memory_space<vmem_shared>>
          tpu.enqueue_indirect_dma source(%arg16 : memref<128x128xf32, #tpu.memory_space<vmem>>) target(%dma_start3A_141 : memref<5632x128xf32, #tpu.memory_space<vmem_shared>>) offsets(%arg12 : memref<128xi32, #tpu.memory_space<vmem>>) semaphore(%run_scoped3A : memref<!tpu.dma_semaphore, #tpu.memory_space<semaphore_mem>>) {add = true}
          %dma_wait3A_142 = arith.constant 0 : i32
          %dma_wait3A_143 = arith.constant 0 : i32
          %dma_wait3A_144 = tpu.memref_slice %arg21[%dma_wait3A_142, %dma_wait3A_143] : memref<5632x128xf32, #tpu.memory_space<vmem_shared>> -> memref<5632x128xf32, #tpu.memory_space<vmem_shared>>
          tpu.wait_indirect_dma semaphore(%run_scoped3A : memref<!tpu.dma_semaphore, #tpu.memory_space<semaphore_mem>>) src(%arg16 : memref<128x128xf32, #tpu.memory_space<vmem>>) dst(%dma_wait3A_144 : memref<5632x128xf32, #tpu.memory_space<vmem_shared>>)
          tpu.yield
        }) : () -> ()
        %add3A_134 = arith.constant 4 : i32
        %add3A_135 = arith.addi %while3A_99, %add3A_134 : i32
        %lt3A_136 = arith.cmpi slt, %add3A_135, %div3A_16 : i32
        %convert_element_type3A_137 = arith.extui %lt3A_136 : i1 to i32
        %cond3A_138 = arith.constant 0 : i32
        %cond3A_139 = arith.cmpi ne, %convert_element_type3A_137, %cond3A_138 : i32
        scf.if %cond3A_139 {
          %add3A_140 = arith.constant 4 : i32
          %add3A_141 = arith.addi %while3A_99, %add3A_140 : i32
          %mul3A_142 = arith.constant 128 : i32
          %mul3A_143 = arith.muli %add3A_141, %mul3A_142 : i32
          %add3A_144 = arith.addi %mul3A_8, %mul3A_143 : i32
          %dma_start3A = tpu.memref_slice %arg3[%add3A_144] : memref<647168xi32, #tpu.memory_space<hbm>> -> memref<128xi32, #tpu.memory_space<hbm>>
          %dma_start3A_145 = tpu.memref_slice %arg3[%add3A_144] : memref<647168xi32, #tpu.memory_space<hbm>> -> memref<128xi32, #tpu.memory_space<hbm>>
          tpu.enqueue_dma source(%dma_start3A_145 : memref<128xi32, #tpu.memory_space<hbm>>) target(%arg8 : memref<128xi32, #tpu.memory_space<vmem>>) target_semaphore(%arg22 : memref<!tpu.dma_semaphore, #tpu.memory_space<semaphore_mem>>)
          %mul3A_146 = arith.constant 128 : i32
          %mul3A_147 = arith.muli %add3A_141, %mul3A_146 : i32
          %add3A_148 = arith.addi %mul3A_8, %mul3A_147 : i32
          %dma_start3A_149 = tpu.memref_slice %arg4[%add3A_148] : memref<647168xi32, #tpu.memory_space<hbm>> -> memref<128xi32, #tpu.memory_space<hbm>>
          %dma_start3A_150 = tpu.memref_slice %arg4[%add3A_148] : memref<647168xi32, #tpu.memory_space<hbm>> -> memref<128xi32, #tpu.memory_space<hbm>>
          tpu.enqueue_dma source(%dma_start3A_150 : memref<128xi32, #tpu.memory_space<hbm>>) target(%arg12 : memref<128xi32, #tpu.memory_space<vmem>>) target_semaphore(%arg22 : memref<!tpu.dma_semaphore, #tpu.memory_space<semaphore_mem>>)
        } else {
        }
      } else {
      }
      %rem3A_105 = arith.constant 4 : i32
      %rem3A_106 = arith.remsi %while3A_99, %rem3A_105 : i32
      %eq3A_107 = arith.constant 1 : i32
      %eq3A_108 = arith.cmpi eq, %rem3A_106, %eq3A_107 : i32
      %convert_element_type3A_109 = arith.extui %eq3A_108 : i1 to i32
      %cond3A_110 = arith.constant 0 : i32
      %cond3A_111 = arith.cmpi ne, %convert_element_type3A_109, %cond3A_110 : i32
      scf.if %cond3A_111 {
        %add3A_126 = arith.constant 4 : i32
        %add3A_127 = arith.addi %while3A_99, %add3A_126 : i32
        %sub3A = arith.constant 1 : i32
        %sub3A_128 = arith.subi %add3A_127, %sub3A : i32
        %lt3A = arith.cmpi slt, %sub3A_128, %div3A_16 : i32
        %convert_element_type3A_129 = arith.extui %lt3A : i1 to i32
        %cond3A_130 = arith.constant 0 : i32
        %cond3A_131 = arith.cmpi ne, %convert_element_type3A_129, %cond3A_130 : i32
        scf.if %cond3A_131 {
          %dma_wait3A_140 = tpu.memref_slice %arg3[%mul3A_8] : memref<647168xi32, #tpu.memory_space<hbm>> -> memref<128xi32, #tpu.memory_space<hbm>>
          %dma_wait3A_141 = tpu.memref_slice %arg3[%mul3A_8] : memref<647168xi32, #tpu.memory_space<hbm>> -> memref<128xi32, #tpu.memory_space<hbm>>
          tpu.wait_dma2 semaphore(%arg22 : memref<!tpu.dma_semaphore, #tpu.memory_space<semaphore_mem>>) src(%dma_wait3A_141 : memref<128xi32, #tpu.memory_space<hbm>>) dst(%arg8 : memref<128xi32, #tpu.memory_space<vmem>>)
          %dma_wait3A_142 = tpu.memref_slice %arg4[%mul3A_8] : memref<647168xi32, #tpu.memory_space<hbm>> -> memref<128xi32, #tpu.memory_space<hbm>>
          %dma_wait3A_143 = tpu.memref_slice %arg4[%mul3A_8] : memref<647168xi32, #tpu.memory_space<hbm>> -> memref<128xi32, #tpu.memory_space<hbm>>
          tpu.wait_dma2 semaphore(%arg22 : memref<!tpu.dma_semaphore, #tpu.memory_space<semaphore_mem>>) src(%dma_wait3A_143 : memref<128xi32, #tpu.memory_space<hbm>>) dst(%arg12 : memref<128xi32, #tpu.memory_space<vmem>>)
          %dma_start3A = arith.constant 0 : i32
          %dma_start3A_144 = arith.constant 0 : i32
          %dma_start3A_145 = tpu.memref_slice %arg2[%dma_start3A, %dma_start3A_144] : memref<10000x128xf32, #tpu.memory_space<hbm>> -> memref<10000x128xf32, #tpu.memory_space<hbm>>
          tpu.enqueue_indirect_dma source(%dma_start3A_145 : memref<10000x128xf32, #tpu.memory_space<hbm>>) target(%arg16 : memref<128x128xf32, #tpu.memory_space<vmem>>) offsets(%arg8 : memref<128xi32, #tpu.memory_space<vmem>>) semaphore(%arg26 : memref<!tpu.dma_semaphore, #tpu.memory_space<semaphore_mem>>)
        } else {
        }
        %dma_wait3A = arith.constant 0 : i32
        %dma_wait3A_132 = arith.constant 0 : i32
        %dma_wait3A_133 = tpu.memref_slice %arg2[%dma_wait3A, %dma_wait3A_132] : memref<10000x128xf32, #tpu.memory_space<hbm>> -> memref<10000x128xf32, #tpu.memory_space<hbm>>
        tpu.wait_indirect_dma semaphore(%arg27 : memref<!tpu.dma_semaphore, #tpu.memory_space<semaphore_mem>>) src(%dma_wait3A_133 : memref<10000x128xf32, #tpu.memory_space<hbm>>) dst(%arg17 : memref<128x128xf32, #tpu.memory_space<vmem>>)
        "tpu.region"() ({
          %run_scoped3A = tpu.sem_alloc : memref<!tpu.dma_semaphore, #tpu.memory_space<semaphore_mem>>
          %dma_start3A = arith.constant 0 : i32
          %dma_start3A_140 = arith.constant 0 : i32
          %dma_start3A_141 = tpu.memref_slice %arg21[%dma_start3A, %dma_start3A_140] : memref<5632x128xf32, #tpu.memory_space<vmem_shared>> -> memref<5632x128xf32, #tpu.memory_space<vmem_shared>>
          tpu.enqueue_indirect_dma source(%arg17 : memref<128x128xf32, #tpu.memory_space<vmem>>) target(%dma_start3A_141 : memref<5632x128xf32, #tpu.memory_space<vmem_shared>>) offsets(%arg13 : memref<128xi32, #tpu.memory_space<vmem>>) semaphore(%run_scoped3A : memref<!tpu.dma_semaphore, #tpu.memory_space<semaphore_mem>>) {add = true}
          %dma_wait3A_142 = arith.constant 0 : i32
          %dma_wait3A_143 = arith.constant 0 : i32
          %dma_wait3A_144 = tpu.memref_slice %arg21[%dma_wait3A_142, %dma_wait3A_143] : memref<5632x128xf32, #tpu.memory_space<vmem_shared>> -> memref<5632x128xf32, #tpu.memory_space<vmem_shared>>
          tpu.wait_indirect_dma semaphore(%run_scoped3A : memref<!tpu.dma_semaphore, #tpu.memory_space<semaphore_mem>>) src(%arg17 : memref<128x128xf32, #tpu.memory_space<vmem>>) dst(%dma_wait3A_144 : memref<5632x128xf32, #tpu.memory_space<vmem_shared>>)
          tpu.yield
        }) : () -> ()
        %add3A_134 = arith.constant 4 : i32
        %add3A_135 = arith.addi %while3A_99, %add3A_134 : i32
        %lt3A_136 = arith.cmpi slt, %add3A_135, %div3A_16 : i32
        %convert_element_type3A_137 = arith.extui %lt3A_136 : i1 to i32
        %cond3A_138 = arith.constant 0 : i32
        %cond3A_139 = arith.cmpi ne, %convert_element_type3A_137, %cond3A_138 : i32
        scf.if %cond3A_139 {
          %add3A_140 = arith.constant 4 : i32
          %add3A_141 = arith.addi %while3A_99, %add3A_140 : i32
          %mul3A_142 = arith.constant 128 : i32
          %mul3A_143 = arith.muli %add3A_141, %mul3A_142 : i32
          %add3A_144 = arith.addi %mul3A_8, %mul3A_143 : i32
          %dma_start3A = tpu.memref_slice %arg3[%add3A_144] : memref<647168xi32, #tpu.memory_space<hbm>> -> memref<128xi32, #tpu.memory_space<hbm>>
          %dma_start3A_145 = tpu.memref_slice %arg3[%add3A_144] : memref<647168xi32, #tpu.memory_space<hbm>> -> memref<128xi32, #tpu.memory_space<hbm>>
          tpu.enqueue_dma source(%dma_start3A_145 : memref<128xi32, #tpu.memory_space<hbm>>) target(%arg9 : memref<128xi32, #tpu.memory_space<vmem>>) target_semaphore(%arg23 : memref<!tpu.dma_semaphore, #tpu.memory_space<semaphore_mem>>)
          %mul3A_146 = arith.constant 128 : i32
          %mul3A_147 = arith.muli %add3A_141, %mul3A_146 : i32
          %add3A_148 = arith.addi %mul3A_8, %mul3A_147 : i32
          %dma_start3A_149 = tpu.memref_slice %arg4[%add3A_148] : memref<647168xi32, #tpu.memory_space<hbm>> -> memref<128xi32, #tpu.memory_space<hbm>>
          %dma_start3A_150 = tpu.memref_slice %arg4[%add3A_148] : memref<647168xi32, #tpu.memory_space<hbm>> -> memref<128xi32, #tpu.memory_space<hbm>>
          tpu.enqueue_dma source(%dma_start3A_150 : memref<128xi32, #tpu.memory_space<hbm>>) target(%arg13 : memref<128xi32, #tpu.memory_space<vmem>>) target_semaphore(%arg23 : memref<!tpu.dma_semaphore, #tpu.memory_space<semaphore_mem>>)
        } else {
        }
      } else {
      }
      %rem3A_112 = arith.constant 4 : i32
      %rem3A_113 = arith.remsi %while3A_99, %rem3A_112 : i32
      %eq3A_114 = arith.constant 2 : i32
      %eq3A_115 = arith.cmpi eq, %rem3A_113, %eq3A_114 : i32
      %convert_element_type3A_116 = arith.extui %eq3A_115 : i1 to i32
      %cond3A_117 = arith.constant 0 : i32
      %cond3A_118 = arith.cmpi ne, %convert_element_type3A_116, %cond3A_117 : i32
      scf.if %cond3A_118 {
        %add3A_126 = arith.constant 4 : i32
        %add3A_127 = arith.addi %while3A_99, %add3A_126 : i32
        %sub3A = arith.constant 1 : i32
        %sub3A_128 = arith.subi %add3A_127, %sub3A : i32
        %lt3A = arith.cmpi slt, %sub3A_128, %div3A_16 : i32
        %convert_element_type3A_129 = arith.extui %lt3A : i1 to i32
        %cond3A_130 = arith.constant 0 : i32
        %cond3A_131 = arith.cmpi ne, %convert_element_type3A_129, %cond3A_130 : i32
        scf.if %cond3A_131 {
          %dma_wait3A_140 = tpu.memref_slice %arg3[%mul3A_8] : memref<647168xi32, #tpu.memory_space<hbm>> -> memref<128xi32, #tpu.memory_space<hbm>>
          %dma_wait3A_141 = tpu.memref_slice %arg3[%mul3A_8] : memref<647168xi32, #tpu.memory_space<hbm>> -> memref<128xi32, #tpu.memory_space<hbm>>
          tpu.wait_dma2 semaphore(%arg23 : memref<!tpu.dma_semaphore, #tpu.memory_space<semaphore_mem>>) src(%dma_wait3A_141 : memref<128xi32, #tpu.memory_space<hbm>>) dst(%arg9 : memref<128xi32, #tpu.memory_space<vmem>>)
          %dma_wait3A_142 = tpu.memref_slice %arg4[%mul3A_8] : memref<647168xi32, #tpu.memory_space<hbm>> -> memref<128xi32, #tpu.memory_space<hbm>>
          %dma_wait3A_143 = tpu.memref_slice %arg4[%mul3A_8] : memref<647168xi32, #tpu.memory_space<hbm>> -> memref<128xi32, #tpu.memory_space<hbm>>
          tpu.wait_dma2 semaphore(%arg23 : memref<!tpu.dma_semaphore, #tpu.memory_space<semaphore_mem>>) src(%dma_wait3A_143 : memref<128xi32, #tpu.memory_space<hbm>>) dst(%arg13 : memref<128xi32, #tpu.memory_space<vmem>>)
          %dma_start3A = arith.constant 0 : i32
          %dma_start3A_144 = arith.constant 0 : i32
          %dma_start3A_145 = tpu.memref_slice %arg2[%dma_start3A, %dma_start3A_144] : memref<10000x128xf32, #tpu.memory_space<hbm>> -> memref<10000x128xf32, #tpu.memory_space<hbm>>
          tpu.enqueue_indirect_dma source(%dma_start3A_145 : memref<10000x128xf32, #tpu.memory_space<hbm>>) target(%arg17 : memref<128x128xf32, #tpu.memory_space<vmem>>) offsets(%arg9 : memref<128xi32, #tpu.memory_space<vmem>>) semaphore(%arg27 : memref<!tpu.dma_semaphore, #tpu.memory_space<semaphore_mem>>)
        } else {
        }
        %dma_wait3A = arith.constant 0 : i32
        %dma_wait3A_132 = arith.constant 0 : i32
        %dma_wait3A_133 = tpu.memref_slice %arg2[%dma_wait3A, %dma_wait3A_132] : memref<10000x128xf32, #tpu.memory_space<hbm>> -> memref<10000x128xf32, #tpu.memory_space<hbm>>
        tpu.wait_indirect_dma semaphore(%arg28 : memref<!tpu.dma_semaphore, #tpu.memory_space<semaphore_mem>>) src(%dma_wait3A_133 : memref<10000x128xf32, #tpu.memory_space<hbm>>) dst(%arg18 : memref<128x128xf32, #tpu.memory_space<vmem>>)
        "tpu.region"() ({
          %run_scoped3A = tpu.sem_alloc : memref<!tpu.dma_semaphore, #tpu.memory_space<semaphore_mem>>
          %dma_start3A = arith.constant 0 : i32
          %dma_start3A_140 = arith.constant 0 : i32
          %dma_start3A_141 = tpu.memref_slice %arg21[%dma_start3A, %dma_start3A_140] : memref<5632x128xf32, #tpu.memory_space<vmem_shared>> -> memref<5632x128xf32, #tpu.memory_space<vmem_shared>>
          tpu.enqueue_indirect_dma source(%arg18 : memref<128x128xf32, #tpu.memory_space<vmem>>) target(%dma_start3A_141 : memref<5632x128xf32, #tpu.memory_space<vmem_shared>>) offsets(%arg14 : memref<128xi32, #tpu.memory_space<vmem>>) semaphore(%run_scoped3A : memref<!tpu.dma_semaphore, #tpu.memory_space<semaphore_mem>>) {add = true}
          %dma_wait3A_142 = arith.constant 0 : i32
          %dma_wait3A_143 = arith.constant 0 : i32
          %dma_wait3A_144 = tpu.memref_slice %arg21[%dma_wait3A_142, %dma_wait3A_143] : memref<5632x128xf32, #tpu.memory_space<vmem_shared>> -> memref<5632x128xf32, #tpu.memory_space<vmem_shared>>
          tpu.wait_indirect_dma semaphore(%run_scoped3A : memref<!tpu.dma_semaphore, #tpu.memory_space<semaphore_mem>>) src(%arg18 : memref<128x128xf32, #tpu.memory_space<vmem>>) dst(%dma_wait3A_144 : memref<5632x128xf32, #tpu.memory_space<vmem_shared>>)
          tpu.yield
        }) : () -> ()
        %add3A_134 = arith.constant 4 : i32
        %add3A_135 = arith.addi %while3A_99, %add3A_134 : i32
        %lt3A_136 = arith.cmpi slt, %add3A_135, %div3A_16 : i32
        %convert_element_type3A_137 = arith.extui %lt3A_136 : i1 to i32
        %cond3A_138 = arith.constant 0 : i32
        %cond3A_139 = arith.cmpi ne, %convert_element_type3A_137, %cond3A_138 : i32
        scf.if %cond3A_139 {
          %add3A_140 = arith.constant 4 : i32
          %add3A_141 = arith.addi %while3A_99, %add3A_140 : i32
          %mul3A_142 = arith.constant 128 : i32
          %mul3A_143 = arith.muli %add3A_141, %mul3A_142 : i32
          %add3A_144 = arith.addi %mul3A_8, %mul3A_143 : i32
          %dma_start3A = tpu.memref_slice %arg3[%add3A_144] : memref<647168xi32, #tpu.memory_space<hbm>> -> memref<128xi32, #tpu.memory_space<hbm>>
          %dma_start3A_145 = tpu.memref_slice %arg3[%add3A_144] : memref<647168xi32, #tpu.memory_space<hbm>> -> memref<128xi32, #tpu.memory_space<hbm>>
          tpu.enqueue_dma source(%dma_start3A_145 : memref<128xi32, #tpu.memory_space<hbm>>) target(%arg10 : memref<128xi32, #tpu.memory_space<vmem>>) target_semaphore(%arg24 : memref<!tpu.dma_semaphore, #tpu.memory_space<semaphore_mem>>)
          %mul3A_146 = arith.constant 128 : i32
          %mul3A_147 = arith.muli %add3A_141, %mul3A_146 : i32
          %add3A_148 = arith.addi %mul3A_8, %mul3A_147 : i32
          %dma_start3A_149 = tpu.memref_slice %arg4[%add3A_148] : memref<647168xi32, #tpu.memory_space<hbm>> -> memref<128xi32, #tpu.memory_space<hbm>>
          %dma_start3A_150 = tpu.memref_slice %arg4[%add3A_148] : memref<647168xi32, #tpu.memory_space<hbm>> -> memref<128xi32, #tpu.memory_space<hbm>>
          tpu.enqueue_dma source(%dma_start3A_150 : memref<128xi32, #tpu.memory_space<hbm>>) target(%arg14 : memref<128xi32, #tpu.memory_space<vmem>>) target_semaphore(%arg24 : memref<!tpu.dma_semaphore, #tpu.memory_space<semaphore_mem>>)
        } else {
        }
      } else {
      }
      %rem3A_119 = arith.constant 4 : i32
      %rem3A_120 = arith.remsi %while3A_99, %rem3A_119 : i32
      %eq3A_121 = arith.constant 3 : i32
      %eq3A_122 = arith.cmpi eq, %rem3A_120, %eq3A_121 : i32
      %convert_element_type3A_123 = arith.extui %eq3A_122 : i1 to i32
      %cond3A_124 = arith.constant 0 : i32
      %cond3A_125 = arith.cmpi ne, %convert_element_type3A_123, %cond3A_124 : i32
      scf.if %cond3A_125 {
        %add3A_126 = arith.constant 4 : i32
        %add3A_127 = arith.addi %while3A_99, %add3A_126 : i32
        %sub3A = arith.constant 1 : i32
        %sub3A_128 = arith.subi %add3A_127, %sub3A : i32
        %lt3A = arith.cmpi slt, %sub3A_128, %div3A_16 : i32
        %convert_element_type3A_129 = arith.extui %lt3A : i1 to i32
        %cond3A_130 = arith.constant 0 : i32
        %cond3A_131 = arith.cmpi ne, %convert_element_type3A_129, %cond3A_130 : i32
        scf.if %cond3A_131 {
          %dma_wait3A_140 = tpu.memref_slice %arg3[%mul3A_8] : memref<647168xi32, #tpu.memory_space<hbm>> -> memref<128xi32, #tpu.memory_space<hbm>>
          %dma_wait3A_141 = tpu.memref_slice %arg3[%mul3A_8] : memref<647168xi32, #tpu.memory_space<hbm>> -> memref<128xi32, #tpu.memory_space<hbm>>
          tpu.wait_dma2 semaphore(%arg24 : memref<!tpu.dma_semaphore, #tpu.memory_space<semaphore_mem>>) src(%dma_wait3A_141 : memref<128xi32, #tpu.memory_space<hbm>>) dst(%arg10 : memref<128xi32, #tpu.memory_space<vmem>>)
          %dma_wait3A_142 = tpu.memref_slice %arg4[%mul3A_8] : memref<647168xi32, #tpu.memory_space<hbm>> -> memref<128xi32, #tpu.memory_space<hbm>>
          %dma_wait3A_143 = tpu.memref_slice %arg4[%mul3A_8] : memref<647168xi32, #tpu.memory_space<hbm>> -> memref<128xi32, #tpu.memory_space<hbm>>
          tpu.wait_dma2 semaphore(%arg24 : memref<!tpu.dma_semaphore, #tpu.memory_space<semaphore_mem>>) src(%dma_wait3A_143 : memref<128xi32, #tpu.memory_space<hbm>>) dst(%arg14 : memref<128xi32, #tpu.memory_space<vmem>>)
          %dma_start3A = arith.constant 0 : i32
          %dma_start3A_144 = arith.constant 0 : i32
          %dma_start3A_145 = tpu.memref_slice %arg2[%dma_start3A, %dma_start3A_144] : memref<10000x128xf32, #tpu.memory_space<hbm>> -> memref<10000x128xf32, #tpu.memory_space<hbm>>
          tpu.enqueue_indirect_dma source(%dma_start3A_145 : memref<10000x128xf32, #tpu.memory_space<hbm>>) target(%arg18 : memref<128x128xf32, #tpu.memory_space<vmem>>) offsets(%arg10 : memref<128xi32, #tpu.memory_space<vmem>>) semaphore(%arg28 : memref<!tpu.dma_semaphore, #tpu.memory_space<semaphore_mem>>)
        } else {
        }
        %dma_wait3A = arith.constant 0 : i32
        %dma_wait3A_132 = arith.constant 0 : i32
        %dma_wait3A_133 = tpu.memref_slice %arg2[%dma_wait3A, %dma_wait3A_132] : memref<10000x128xf32, #tpu.memory_space<hbm>> -> memref<10000x128xf32, #tpu.memory_space<hbm>>
        tpu.wait_indirect_dma semaphore(%arg29 : memref<!tpu.dma_semaphore, #tpu.memory_space<semaphore_mem>>) src(%dma_wait3A_133 : memref<10000x128xf32, #tpu.memory_space<hbm>>) dst(%arg19 : memref<128x128xf32, #tpu.memory_space<vmem>>)
        "tpu.region"() ({
          %run_scoped3A = tpu.sem_alloc : memref<!tpu.dma_semaphore, #tpu.memory_space<semaphore_mem>>
          %dma_start3A = arith.constant 0 : i32
          %dma_start3A_140 = arith.constant 0 : i32
          %dma_start3A_141 = tpu.memref_slice %arg21[%dma_start3A, %dma_start3A_140] : memref<5632x128xf32, #tpu.memory_space<vmem_shared>> -> memref<5632x128xf32, #tpu.memory_space<vmem_shared>>
          tpu.enqueue_indirect_dma source(%arg19 : memref<128x128xf32, #tpu.memory_space<vmem>>) target(%dma_start3A_141 : memref<5632x128xf32, #tpu.memory_space<vmem_shared>>) offsets(%arg15 : memref<128xi32, #tpu.memory_space<vmem>>) semaphore(%run_scoped3A : memref<!tpu.dma_semaphore, #tpu.memory_space<semaphore_mem>>) {add = true}
          %dma_wait3A_142 = arith.constant 0 : i32
          %dma_wait3A_143 = arith.constant 0 : i32
          %dma_wait3A_144 = tpu.memref_slice %arg21[%dma_wait3A_142, %dma_wait3A_143] : memref<5632x128xf32, #tpu.memory_space<vmem_shared>> -> memref<5632x128xf32, #tpu.memory_space<vmem_shared>>
          tpu.wait_indirect_dma semaphore(%run_scoped3A : memref<!tpu.dma_semaphore, #tpu.memory_space<semaphore_mem>>) src(%arg19 : memref<128x128xf32, #tpu.memory_space<vmem>>) dst(%dma_wait3A_144 : memref<5632x128xf32, #tpu.memory_space<vmem_shared>>)
          tpu.yield
        }) : () -> ()
        %add3A_134 = arith.constant 4 : i32
        %add3A_135 = arith.addi %while3A_99, %add3A_134 : i32
        %lt3A_136 = arith.cmpi slt, %add3A_135, %div3A_16 : i32
        %convert_element_type3A_137 = arith.extui %lt3A_136 : i1 to i32
        %cond3A_138 = arith.constant 0 : i32
        %cond3A_139 = arith.cmpi ne, %convert_element_type3A_137, %cond3A_138 : i32
        scf.if %cond3A_139 {
          %add3A_140 = arith.constant 4 : i32
          %add3A_141 = arith.addi %while3A_99, %add3A_140 : i32
          %mul3A_142 = arith.constant 128 : i32
          %mul3A_143 = arith.muli %add3A_141, %mul3A_142 : i32
          %add3A_144 = arith.addi %mul3A_8, %mul3A_143 : i32
          %dma_start3A = tpu.memref_slice %arg3[%add3A_144] : memref<647168xi32, #tpu.memory_space<hbm>> -> memref<128xi32, #tpu.memory_space<hbm>>
          %dma_start3A_145 = tpu.memref_slice %arg3[%add3A_144] : memref<647168xi32, #tpu.memory_space<hbm>> -> memref<128xi32, #tpu.memory_space<hbm>>
          tpu.enqueue_dma source(%dma_start3A_145 : memref<128xi32, #tpu.memory_space<hbm>>) target(%arg11 : memref<128xi32, #tpu.memory_space<vmem>>) target_semaphore(%arg25 : memref<!tpu.dma_semaphore, #tpu.memory_space<semaphore_mem>>)
          %mul3A_146 = arith.constant 128 : i32
          %mul3A_147 = arith.muli %add3A_141, %mul3A_146 : i32
          %add3A_148 = arith.addi %mul3A_8, %mul3A_147 : i32
          %dma_start3A_149 = tpu.memref_slice %arg4[%add3A_148] : memref<647168xi32, #tpu.memory_space<hbm>> -> memref<128xi32, #tpu.memory_space<hbm>>
          %dma_start3A_150 = tpu.memref_slice %arg4[%add3A_148] : memref<647168xi32, #tpu.memory_space<hbm>> -> memref<128xi32, #tpu.memory_space<hbm>>
          tpu.enqueue_dma source(%dma_start3A_150 : memref<128xi32, #tpu.memory_space<hbm>>) target(%arg15 : memref<128xi32, #tpu.memory_space<vmem>>) target_semaphore(%arg25 : memref<!tpu.dma_semaphore, #tpu.memory_space<semaphore_mem>>)
        } else {
        }
      } else {
      }
    }
    %mul3A_43 = arith.constant 2 : i32
    %mul3A_44 = arith.muli %arg1, %mul3A_43 : i32
    %add3A_45 = arith.constant 1 : i32
    %add3A_46 = arith.addi %mul3A_44, %add3A_45 : i32
    %mul3A_47 = arith.constant 32 : i32
    %mul3A_48 = arith.muli %arg0, %mul3A_47 : i32
    %add3A_49 = arith.addi %mul3A_48, %add3A_46 : i32
    %mul3A_50 = arith.constant 10112 : i32
    %mul3A_51 = arith.muli %add3A_49, %mul3A_50 : i32
    %mul3A_52 = arith.constant 32 : i32
    %mul3A_53 = arith.muli %arg0, %mul3A_52 : i32
    %add3A_54 = arith.addi %mul3A_53, %add3A_46 : i32
    %mul3A_55 = arith.constant 16 : i32
    %mul3A_56 = arith.muli %add3A_54, %mul3A_55 : i32
    "tpu.region"() ({
      %run_scoped3A = tpu.sem_alloc : memref<!tpu.dma_semaphore, #tpu.memory_space<semaphore_mem>>
      %dma_start3A = tpu.memref_slice %arg5[%mul3A_56] : memref<1024xi32, #tpu.memory_space<hbm>> -> memref<16xi32, #tpu.memory_space<hbm>>
      %dma_start3A_99 = tpu.memref_slice %arg5[%mul3A_56] : memref<1024xi32, #tpu.memory_space<hbm>> -> memref<16xi32, #tpu.memory_space<hbm>>
      tpu.enqueue_dma source(%dma_start3A_99 : memref<16xi32, #tpu.memory_space<hbm>>) target(%arg20 : memref<16xi32, #tpu.memory_space<vmem>>) target_semaphore(%run_scoped3A : memref<!tpu.dma_semaphore, #tpu.memory_space<semaphore_mem>>)
      %dma_wait3A = tpu.memref_slice %arg5[%mul3A_56] : memref<1024xi32, #tpu.memory_space<hbm>> -> memref<16xi32, #tpu.memory_space<hbm>>
      %dma_wait3A_100 = tpu.memref_slice %arg5[%mul3A_56] : memref<1024xi32, #tpu.memory_space<hbm>> -> memref<16xi32, #tpu.memory_space<hbm>>
      tpu.wait_dma2 semaphore(%run_scoped3A : memref<!tpu.dma_semaphore, #tpu.memory_space<semaphore_mem>>) src(%dma_wait3A_100 : memref<16xi32, #tpu.memory_space<hbm>>) dst(%arg20 : memref<16xi32, #tpu.memory_space<vmem>>)
      tpu.yield
    }) : () -> ()
    %get3A_57 = arith.constant 0 : index
    %get3A_58 = tpu.vector_load %arg20[%get3A_57] {strides = array<i32>} : memref<16xi32, #tpu.memory_space<vmem>>, vector<16xi32>,
    %get3A_59 = vector.shape_cast %get3A_58 : vector<16xi32> to vector<16xi32>
    %slice3A_60 = vector.extract_strided_slice %get3A_59 {offsets = [0], sizes = [1], strides = [1]} : vector<16xi32> to vector<1xi32>
    %squeeze3A_61 = vector.extract %slice3A_60[0] : i32 from vector<1xi32>
    %div3A_62 = arith.constant 128 : i32
    %div3A_63 = arith.divsi %squeeze3A_61, %div3A_62 : i32
    %gt3A_64 = arith.constant 0 : i32
    %gt3A_65 = arith.cmpi sgt, %div3A_63, %gt3A_64 : i32
    %convert_element_type3A_66 = arith.extui %gt3A_65 : i1 to i32
    %cond3A_67 = arith.constant 0 : i32
    %cond3A_68 = arith.cmpi ne, %convert_element_type3A_66, %cond3A_67 : i32
    scf.if %cond3A_68 {
      %add3A_99 = arith.constant 0 : i32
      %add3A_100 = arith.addi %mul3A_51, %add3A_99 : i32
      %dma_start3A = tpu.memref_slice %arg3[%add3A_100] : memref<647168xi32, #tpu.memory_space<hbm>> -> memref<128xi32, #tpu.memory_space<hbm>>
      %dma_start3A_101 = tpu.memref_slice %arg3[%add3A_100] : memref<647168xi32, #tpu.memory_space<hbm>> -> memref<128xi32, #tpu.memory_space<hbm>>
      tpu.enqueue_dma source(%dma_start3A_101 : memref<128xi32, #tpu.memory_space<hbm>>) target(%arg8 : memref<128xi32, #tpu.memory_space<vmem>>) target_semaphore(%arg22 : memref<!tpu.dma_semaphore, #tpu.memory_space<semaphore_mem>>)
      %add3A_102 = arith.constant 0 : i32
      %add3A_103 = arith.addi %mul3A_51, %add3A_102 : i32
      %dma_start3A_104 = tpu.memref_slice %arg4[%add3A_103] : memref<647168xi32, #tpu.memory_space<hbm>> -> memref<128xi32, #tpu.memory_space<hbm>>
      %dma_start3A_105 = tpu.memref_slice %arg4[%add3A_103] : memref<647168xi32, #tpu.memory_space<hbm>> -> memref<128xi32, #tpu.memory_space<hbm>>
      tpu.enqueue_dma source(%dma_start3A_105 : memref<128xi32, #tpu.memory_space<hbm>>) target(%arg12 : memref<128xi32, #tpu.memory_space<vmem>>) target_semaphore(%arg22 : memref<!tpu.dma_semaphore, #tpu.memory_space<semaphore_mem>>)
      %dma_wait3A = tpu.memref_slice %arg3[%mul3A_51] : memref<647168xi32, #tpu.memory_space<hbm>> -> memref<128xi32, #tpu.memory_space<hbm>>
      %dma_wait3A_106 = tpu.memref_slice %arg3[%mul3A_51] : memref<647168xi32, #tpu.memory_space<hbm>> -> memref<128xi32, #tpu.memory_space<hbm>>
      tpu.wait_dma2 semaphore(%arg22 : memref<!tpu.dma_semaphore, #tpu.memory_space<semaphore_mem>>) src(%dma_wait3A_106 : memref<128xi32, #tpu.memory_space<hbm>>) dst(%arg8 : memref<128xi32, #tpu.memory_space<vmem>>)
      %dma_wait3A_107 = tpu.memref_slice %arg4[%mul3A_51] : memref<647168xi32, #tpu.memory_space<hbm>> -> memref<128xi32, #tpu.memory_space<hbm>>
      %dma_wait3A_108 = tpu.memref_slice %arg4[%mul3A_51] : memref<647168xi32, #tpu.memory_space<hbm>> -> memref<128xi32, #tpu.memory_space<hbm>>
      tpu.wait_dma2 semaphore(%arg22 : memref<!tpu.dma_semaphore, #tpu.memory_space<semaphore_mem>>) src(%dma_wait3A_108 : memref<128xi32, #tpu.memory_space<hbm>>) dst(%arg12 : memref<128xi32, #tpu.memory_space<vmem>>)
      %dma_start3A_109 = arith.constant 0 : i32
      %dma_start3A_110 = arith.constant 0 : i32
      %dma_start3A_111 = tpu.memref_slice %arg2[%dma_start3A_109, %dma_start3A_110] : memref<10000x128xf32, #tpu.memory_space<hbm>> -> memref<10000x128xf32, #tpu.memory_space<hbm>>
      tpu.enqueue_indirect_dma source(%dma_start3A_111 : memref<10000x128xf32, #tpu.memory_space<hbm>>) target(%arg16 : memref<128x128xf32, #tpu.memory_space<vmem>>) offsets(%arg8 : memref<128xi32, #tpu.memory_space<vmem>>) semaphore(%arg26 : memref<!tpu.dma_semaphore, #tpu.memory_space<semaphore_mem>>)
    } else {
    }
    %gt3A_69 = arith.constant 1 : i32
    %gt3A_70 = arith.cmpi sgt, %div3A_63, %gt3A_69 : i32
    %convert_element_type3A_71 = arith.extui %gt3A_70 : i1 to i32
    %cond3A_72 = arith.constant 0 : i32
    %cond3A_73 = arith.cmpi ne, %convert_element_type3A_71, %cond3A_72 : i32
    scf.if %cond3A_73 {
      %add3A_99 = arith.constant 128 : i32
      %add3A_100 = arith.addi %mul3A_51, %add3A_99 : i32
      %dma_start3A = tpu.memref_slice %arg3[%add3A_100] : memref<647168xi32, #tpu.memory_space<hbm>> -> memref<128xi32, #tpu.memory_space<hbm>>
      %dma_start3A_101 = tpu.memref_slice %arg3[%add3A_100] : memref<647168xi32, #tpu.memory_space<hbm>> -> memref<128xi32, #tpu.memory_space<hbm>>
      tpu.enqueue_dma source(%dma_start3A_101 : memref<128xi32, #tpu.memory_space<hbm>>) target(%arg9 : memref<128xi32, #tpu.memory_space<vmem>>) target_semaphore(%arg23 : memref<!tpu.dma_semaphore, #tpu.memory_space<semaphore_mem>>)
      %add3A_102 = arith.constant 128 : i32
      %add3A_103 = arith.addi %mul3A_51, %add3A_102 : i32
      %dma_start3A_104 = tpu.memref_slice %arg4[%add3A_103] : memref<647168xi32, #tpu.memory_space<hbm>> -> memref<128xi32, #tpu.memory_space<hbm>>
      %dma_start3A_105 = tpu.memref_slice %arg4[%add3A_103] : memref<647168xi32, #tpu.memory_space<hbm>> -> memref<128xi32, #tpu.memory_space<hbm>>
      tpu.enqueue_dma source(%dma_start3A_105 : memref<128xi32, #tpu.memory_space<hbm>>) target(%arg13 : memref<128xi32, #tpu.memory_space<vmem>>) target_semaphore(%arg23 : memref<!tpu.dma_semaphore, #tpu.memory_space<semaphore_mem>>)
      %dma_wait3A = tpu.memref_slice %arg3[%mul3A_51] : memref<647168xi32, #tpu.memory_space<hbm>> -> memref<128xi32, #tpu.memory_space<hbm>>
      %dma_wait3A_106 = tpu.memref_slice %arg3[%mul3A_51] : memref<647168xi32, #tpu.memory_space<hbm>> -> memref<128xi32, #tpu.memory_space<hbm>>
      tpu.wait_dma2 semaphore(%arg23 : memref<!tpu.dma_semaphore, #tpu.memory_space<semaphore_mem>>) src(%dma_wait3A_106 : memref<128xi32, #tpu.memory_space<hbm>>) dst(%arg9 : memref<128xi32, #tpu.memory_space<vmem>>)
      %dma_wait3A_107 = tpu.memref_slice %arg4[%mul3A_51] : memref<647168xi32, #tpu.memory_space<hbm>> -> memref<128xi32, #tpu.memory_space<hbm>>
      %dma_wait3A_108 = tpu.memref_slice %arg4[%mul3A_51] : memref<647168xi32, #tpu.memory_space<hbm>> -> memref<128xi32, #tpu.memory_space<hbm>>
      tpu.wait_dma2 semaphore(%arg23 : memref<!tpu.dma_semaphore, #tpu.memory_space<semaphore_mem>>) src(%dma_wait3A_108 : memref<128xi32, #tpu.memory_space<hbm>>) dst(%arg13 : memref<128xi32, #tpu.memory_space<vmem>>)
      %dma_start3A_109 = arith.constant 0 : i32
      %dma_start3A_110 = arith.constant 0 : i32
      %dma_start3A_111 = tpu.memref_slice %arg2[%dma_start3A_109, %dma_start3A_110] : memref<10000x128xf32, #tpu.memory_space<hbm>> -> memref<10000x128xf32, #tpu.memory_space<hbm>>
      tpu.enqueue_indirect_dma source(%dma_start3A_111 : memref<10000x128xf32, #tpu.memory_space<hbm>>) target(%arg17 : memref<128x128xf32, #tpu.memory_space<vmem>>) offsets(%arg9 : memref<128xi32, #tpu.memory_space<vmem>>) semaphore(%arg27 : memref<!tpu.dma_semaphore, #tpu.memory_space<semaphore_mem>>)
    } else {
    }
    %gt3A_74 = arith.constant 2 : i32
    %gt3A_75 = arith.cmpi sgt, %div3A_63, %gt3A_74 : i32
    %convert_element_type3A_76 = arith.extui %gt3A_75 : i1 to i32
    %cond3A_77 = arith.constant 0 : i32
    %cond3A_78 = arith.cmpi ne, %convert_element_type3A_76, %cond3A_77 : i32
    scf.if %cond3A_78 {
      %add3A_99 = arith.constant 256 : i32
      %add3A_100 = arith.addi %mul3A_51, %add3A_99 : i32
      %dma_start3A = tpu.memref_slice %arg3[%add3A_100] : memref<647168xi32, #tpu.memory_space<hbm>> -> memref<128xi32, #tpu.memory_space<hbm>>
      %dma_start3A_101 = tpu.memref_slice %arg3[%add3A_100] : memref<647168xi32, #tpu.memory_space<hbm>> -> memref<128xi32, #tpu.memory_space<hbm>>
      tpu.enqueue_dma source(%dma_start3A_101 : memref<128xi32, #tpu.memory_space<hbm>>) target(%arg10 : memref<128xi32, #tpu.memory_space<vmem>>) target_semaphore(%arg24 : memref<!tpu.dma_semaphore, #tpu.memory_space<semaphore_mem>>)
      %add3A_102 = arith.constant 256 : i32
      %add3A_103 = arith.addi %mul3A_51, %add3A_102 : i32
      %dma_start3A_104 = tpu.memref_slice %arg4[%add3A_103] : memref<647168xi32, #tpu.memory_space<hbm>> -> memref<128xi32, #tpu.memory_space<hbm>>
      %dma_start3A_105 = tpu.memref_slice %arg4[%add3A_103] : memref<647168xi32, #tpu.memory_space<hbm>> -> memref<128xi32, #tpu.memory_space<hbm>>
      tpu.enqueue_dma source(%dma_start3A_105 : memref<128xi32, #tpu.memory_space<hbm>>) target(%arg14 : memref<128xi32, #tpu.memory_space<vmem>>) target_semaphore(%arg24 : memref<!tpu.dma_semaphore, #tpu.memory_space<semaphore_mem>>)
      %dma_wait3A = tpu.memref_slice %arg3[%mul3A_51] : memref<647168xi32, #tpu.memory_space<hbm>> -> memref<128xi32, #tpu.memory_space<hbm>>
      %dma_wait3A_106 = tpu.memref_slice %arg3[%mul3A_51] : memref<647168xi32, #tpu.memory_space<hbm>> -> memref<128xi32, #tpu.memory_space<hbm>>
      tpu.wait_dma2 semaphore(%arg24 : memref<!tpu.dma_semaphore, #tpu.memory_space<semaphore_mem>>) src(%dma_wait3A_106 : memref<128xi32, #tpu.memory_space<hbm>>) dst(%arg10 : memref<128xi32, #tpu.memory_space<vmem>>)
      %dma_wait3A_107 = tpu.memref_slice %arg4[%mul3A_51] : memref<647168xi32, #tpu.memory_space<hbm>> -> memref<128xi32, #tpu.memory_space<hbm>>
      %dma_wait3A_108 = tpu.memref_slice %arg4[%mul3A_51] : memref<647168xi32, #tpu.memory_space<hbm>> -> memref<128xi32, #tpu.memory_space<hbm>>
      tpu.wait_dma2 semaphore(%arg24 : memref<!tpu.dma_semaphore, #tpu.memory_space<semaphore_mem>>) src(%dma_wait3A_108 : memref<128xi32, #tpu.memory_space<hbm>>) dst(%arg14 : memref<128xi32, #tpu.memory_space<vmem>>)
      %dma_start3A_109 = arith.constant 0 : i32
      %dma_start3A_110 = arith.constant 0 : i32
      %dma_start3A_111 = tpu.memref_slice %arg2[%dma_start3A_109, %dma_start3A_110] : memref<10000x128xf32, #tpu.memory_space<hbm>> -> memref<10000x128xf32, #tpu.memory_space<hbm>>
      tpu.enqueue_indirect_dma source(%dma_start3A_111 : memref<10000x128xf32, #tpu.memory_space<hbm>>) target(%arg18 : memref<128x128xf32, #tpu.memory_space<vmem>>) offsets(%arg10 : memref<128xi32, #tpu.memory_space<vmem>>) semaphore(%arg28 : memref<!tpu.dma_semaphore, #tpu.memory_space<semaphore_mem>>)
    } else {
    }
    %gt3A_79 = arith.constant 3 : i32
    %gt3A_80 = arith.cmpi sgt, %div3A_63, %gt3A_79 : i32
    %convert_element_type3A_81 = arith.extui %gt3A_80 : i1 to i32
    %cond3A_82 = arith.constant 0 : i32
    %cond3A_83 = arith.cmpi ne, %convert_element_type3A_81, %cond3A_82 : i32
    scf.if %cond3A_83 {
      %add3A_99 = arith.constant 384 : i32
      %add3A_100 = arith.addi %mul3A_51, %add3A_99 : i32
      %dma_start3A = tpu.memref_slice %arg3[%add3A_100] : memref<647168xi32, #tpu.memory_space<hbm>> -> memref<128xi32, #tpu.memory_space<hbm>>
      %dma_start3A_101 = tpu.memref_slice %arg3[%add3A_100] : memref<647168xi32, #tpu.memory_space<hbm>> -> memref<128xi32, #tpu.memory_space<hbm>>
      tpu.enqueue_dma source(%dma_start3A_101 : memref<128xi32, #tpu.memory_space<hbm>>) target(%arg11 : memref<128xi32, #tpu.memory_space<vmem>>) target_semaphore(%arg25 : memref<!tpu.dma_semaphore, #tpu.memory_space<semaphore_mem>>)
      %add3A_102 = arith.constant 384 : i32
      %add3A_103 = arith.addi %mul3A_51, %add3A_102 : i32
      %dma_start3A_104 = tpu.memref_slice %arg4[%add3A_103] : memref<647168xi32, #tpu.memory_space<hbm>> -> memref<128xi32, #tpu.memory_space<hbm>>
      %dma_start3A_105 = tpu.memref_slice %arg4[%add3A_103] : memref<647168xi32, #tpu.memory_space<hbm>> -> memref<128xi32, #tpu.memory_space<hbm>>
      tpu.enqueue_dma source(%dma_start3A_105 : memref<128xi32, #tpu.memory_space<hbm>>) target(%arg15 : memref<128xi32, #tpu.memory_space<vmem>>) target_semaphore(%arg25 : memref<!tpu.dma_semaphore, #tpu.memory_space<semaphore_mem>>)
    } else {
    }
    %while3A_84 = arith.constant 0 : i32
    %while3A_85 = arith.constant 0 : i32
    %while3A_86 = arith.subi %div3A_63, %while3A_85 : i32
    %while3A_87 = arith.addi %while3A_85, %while3A_86 : i32
    %while3A_88 = arith.constant 1 : i32
    %while3A_89 = arith.divsi %while3A_86, %while3A_88 : i32
    %while3A_90 = arith.muli %while3A_89, %while3A_88 : i32
    %while3A_91 = arith.addi %while3A_85, %while3A_90 : i32
    %while3A_92 = arith.constant 1 : i32
    scf.for %while3A_99 = %while3A_85 to %while3A_91 step %while3A_92  : i32 {
      %rem3A = arith.constant 4 : i32
      %rem3A_100 = arith.remsi %while3A_99, %rem3A : i32
      %eq3A = arith.constant 0 : i32
      %eq3A_101 = arith.cmpi eq, %rem3A_100, %eq3A : i32
      %convert_element_type3A_102 = arith.extui %eq3A_101 : i1 to i32
      %cond3A_103 = arith.constant 0 : i32
      %cond3A_104 = arith.cmpi ne, %convert_element_type3A_102, %cond3A_103 : i32
      scf.if %cond3A_104 {
        %add3A_126 = arith.constant 4 : i32
        %add3A_127 = arith.addi %while3A_99, %add3A_126 : i32
        %sub3A = arith.constant 1 : i32
        %sub3A_128 = arith.subi %add3A_127, %sub3A : i32
        %lt3A = arith.cmpi slt, %sub3A_128, %div3A_63 : i32
        %convert_element_type3A_129 = arith.extui %lt3A : i1 to i32
        %cond3A_130 = arith.constant 0 : i32
        %cond3A_131 = arith.cmpi ne, %convert_element_type3A_129, %cond3A_130 : i32
        scf.if %cond3A_131 {
          %dma_wait3A_140 = tpu.memref_slice %arg3[%mul3A_51] : memref<647168xi32, #tpu.memory_space<hbm>> -> memref<128xi32, #tpu.memory_space<hbm>>
          %dma_wait3A_141 = tpu.memref_slice %arg3[%mul3A_51] : memref<647168xi32, #tpu.memory_space<hbm>> -> memref<128xi32, #tpu.memory_space<hbm>>
          tpu.wait_dma2 semaphore(%arg25 : memref<!tpu.dma_semaphore, #tpu.memory_space<semaphore_mem>>) src(%dma_wait3A_141 : memref<128xi32, #tpu.memory_space<hbm>>) dst(%arg11 : memref<128xi32, #tpu.memory_space<vmem>>)
          %dma_wait3A_142 = tpu.memref_slice %arg4[%mul3A_51] : memref<647168xi32, #tpu.memory_space<hbm>> -> memref<128xi32, #tpu.memory_space<hbm>>
          %dma_wait3A_143 = tpu.memref_slice %arg4[%mul3A_51] : memref<647168xi32, #tpu.memory_space<hbm>> -> memref<128xi32, #tpu.memory_space<hbm>>
          tpu.wait_dma2 semaphore(%arg25 : memref<!tpu.dma_semaphore, #tpu.memory_space<semaphore_mem>>) src(%dma_wait3A_143 : memref<128xi32, #tpu.memory_space<hbm>>) dst(%arg15 : memref<128xi32, #tpu.memory_space<vmem>>)
          %dma_start3A = arith.constant 0 : i32
          %dma_start3A_144 = arith.constant 0 : i32
          %dma_start3A_145 = tpu.memref_slice %arg2[%dma_start3A, %dma_start3A_144] : memref<10000x128xf32, #tpu.memory_space<hbm>> -> memref<10000x128xf32, #tpu.memory_space<hbm>>
          tpu.enqueue_indirect_dma source(%dma_start3A_145 : memref<10000x128xf32, #tpu.memory_space<hbm>>) target(%arg19 : memref<128x128xf32, #tpu.memory_space<vmem>>) offsets(%arg11 : memref<128xi32, #tpu.memory_space<vmem>>) semaphore(%arg29 : memref<!tpu.dma_semaphore, #tpu.memory_space<semaphore_mem>>)
        } else {
        }
        %dma_wait3A = arith.constant 0 : i32
        %dma_wait3A_132 = arith.constant 0 : i32
        %dma_wait3A_133 = tpu.memref_slice %arg2[%dma_wait3A, %dma_wait3A_132] : memref<10000x128xf32, #tpu.memory_space<hbm>> -> memref<10000x128xf32, #tpu.memory_space<hbm>>
        tpu.wait_indirect_dma semaphore(%arg26 : memref<!tpu.dma_semaphore, #tpu.memory_space<semaphore_mem>>) src(%dma_wait3A_133 : memref<10000x128xf32, #tpu.memory_space<hbm>>) dst(%arg16 : memref<128x128xf32, #tpu.memory_space<vmem>>)
        "tpu.region"() ({
          %run_scoped3A = tpu.sem_alloc : memref<!tpu.dma_semaphore, #tpu.memory_space<semaphore_mem>>
          %dma_start3A = arith.constant 0 : i32
          %dma_start3A_140 = arith.constant 0 : i32
          %dma_start3A_141 = tpu.memref_slice %arg21[%dma_start3A, %dma_start3A_140] : memref<5632x128xf32, #tpu.memory_space<vmem_shared>> -> memref<5632x128xf32, #tpu.memory_space<vmem_shared>>
          tpu.enqueue_indirect_dma source(%arg16 : memref<128x128xf32, #tpu.memory_space<vmem>>) target(%dma_start3A_141 : memref<5632x128xf32, #tpu.memory_space<vmem_shared>>) offsets(%arg12 : memref<128xi32, #tpu.memory_space<vmem>>) semaphore(%run_scoped3A : memref<!tpu.dma_semaphore, #tpu.memory_space<semaphore_mem>>) {add = true}
          %dma_wait3A_142 = arith.constant 0 : i32
          %dma_wait3A_143 = arith.constant 0 : i32
          %dma_wait3A_144 = tpu.memref_slice %arg21[%dma_wait3A_142, %dma_wait3A_143] : memref<5632x128xf32, #tpu.memory_space<vmem_shared>> -> memref<5632x128xf32, #tpu.memory_space<vmem_shared>>
          tpu.wait_indirect_dma semaphore(%run_scoped3A : memref<!tpu.dma_semaphore, #tpu.memory_space<semaphore_mem>>) src(%arg16 : memref<128x128xf32, #tpu.memory_space<vmem>>) dst(%dma_wait3A_144 : memref<5632x128xf32, #tpu.memory_space<vmem_shared>>)
          tpu.yield
        }) : () -> ()
        %add3A_134 = arith.constant 4 : i32
        %add3A_135 = arith.addi %while3A_99, %add3A_134 : i32
        %lt3A_136 = arith.cmpi slt, %add3A_135, %div3A_63 : i32
        %convert_element_type3A_137 = arith.extui %lt3A_136 : i1 to i32
        %cond3A_138 = arith.constant 0 : i32
        %cond3A_139 = arith.cmpi ne, %convert_element_type3A_137, %cond3A_138 : i32
        scf.if %cond3A_139 {
          %add3A_140 = arith.constant 4 : i32
          %add3A_141 = arith.addi %while3A_99, %add3A_140 : i32
          %mul3A_142 = arith.constant 128 : i32
          %mul3A_143 = arith.muli %add3A_141, %mul3A_142 : i32
          %add3A_144 = arith.addi %mul3A_51, %mul3A_143 : i32
          %dma_start3A = tpu.memref_slice %arg3[%add3A_144] : memref<647168xi32, #tpu.memory_space<hbm>> -> memref<128xi32, #tpu.memory_space<hbm>>
          %dma_start3A_145 = tpu.memref_slice %arg3[%add3A_144] : memref<647168xi32, #tpu.memory_space<hbm>> -> memref<128xi32, #tpu.memory_space<hbm>>
          tpu.enqueue_dma source(%dma_start3A_145 : memref<128xi32, #tpu.memory_space<hbm>>) target(%arg8 : memref<128xi32, #tpu.memory_space<vmem>>) target_semaphore(%arg22 : memref<!tpu.dma_semaphore, #tpu.memory_space<semaphore_mem>>)
          %mul3A_146 = arith.constant 128 : i32
          %mul3A_147 = arith.muli %add3A_141, %mul3A_146 : i32
          %add3A_148 = arith.addi %mul3A_51, %mul3A_147 : i32
          %dma_start3A_149 = tpu.memref_slice %arg4[%add3A_148] : memref<647168xi32, #tpu.memory_space<hbm>> -> memref<128xi32, #tpu.memory_space<hbm>>
          %dma_start3A_150 = tpu.memref_slice %arg4[%add3A_148] : memref<647168xi32, #tpu.memory_space<hbm>> -> memref<128xi32, #tpu.memory_space<hbm>>
          tpu.enqueue_dma source(%dma_start3A_150 : memref<128xi32, #tpu.memory_space<hbm>>) target(%arg12 : memref<128xi32, #tpu.memory_space<vmem>>) target_semaphore(%arg22 : memref<!tpu.dma_semaphore, #tpu.memory_space<semaphore_mem>>)
        } else {
        }
      } else {
      }
      %rem3A_105 = arith.constant 4 : i32
      %rem3A_106 = arith.remsi %while3A_99, %rem3A_105 : i32
      %eq3A_107 = arith.constant 1 : i32
      %eq3A_108 = arith.cmpi eq, %rem3A_106, %eq3A_107 : i32
      %convert_element_type3A_109 = arith.extui %eq3A_108 : i1 to i32
      %cond3A_110 = arith.constant 0 : i32
      %cond3A_111 = arith.cmpi ne, %convert_element_type3A_109, %cond3A_110 : i32
      scf.if %cond3A_111 {
        %add3A_126 = arith.constant 4 : i32
        %add3A_127 = arith.addi %while3A_99, %add3A_126 : i32
        %sub3A = arith.constant 1 : i32
        %sub3A_128 = arith.subi %add3A_127, %sub3A : i32
        %lt3A = arith.cmpi slt, %sub3A_128, %div3A_63 : i32
        %convert_element_type3A_129 = arith.extui %lt3A : i1 to i32
        %cond3A_130 = arith.constant 0 : i32
        %cond3A_131 = arith.cmpi ne, %convert_element_type3A_129, %cond3A_130 : i32
        scf.if %cond3A_131 {
          %dma_wait3A_140 = tpu.memref_slice %arg3[%mul3A_51] : memref<647168xi32, #tpu.memory_space<hbm>> -> memref<128xi32, #tpu.memory_space<hbm>>
          %dma_wait3A_141 = tpu.memref_slice %arg3[%mul3A_51] : memref<647168xi32, #tpu.memory_space<hbm>> -> memref<128xi32, #tpu.memory_space<hbm>>
          tpu.wait_dma2 semaphore(%arg22 : memref<!tpu.dma_semaphore, #tpu.memory_space<semaphore_mem>>) src(%dma_wait3A_141 : memref<128xi32, #tpu.memory_space<hbm>>) dst(%arg8 : memref<128xi32, #tpu.memory_space<vmem>>)
          %dma_wait3A_142 = tpu.memref_slice %arg4[%mul3A_51] : memref<647168xi32, #tpu.memory_space<hbm>> -> memref<128xi32, #tpu.memory_space<hbm>>
          %dma_wait3A_143 = tpu.memref_slice %arg4[%mul3A_51] : memref<647168xi32, #tpu.memory_space<hbm>> -> memref<128xi32, #tpu.memory_space<hbm>>
          tpu.wait_dma2 semaphore(%arg22 : memref<!tpu.dma_semaphore, #tpu.memory_space<semaphore_mem>>) src(%dma_wait3A_143 : memref<128xi32, #tpu.memory_space<hbm>>) dst(%arg12 : memref<128xi32, #tpu.memory_space<vmem>>)
          %dma_start3A = arith.constant 0 : i32
          %dma_start3A_144 = arith.constant 0 : i32
          %dma_start3A_145 = tpu.memref_slice %arg2[%dma_start3A, %dma_start3A_144] : memref<10000x128xf32, #tpu.memory_space<hbm>> -> memref<10000x128xf32, #tpu.memory_space<hbm>>
          tpu.enqueue_indirect_dma source(%dma_start3A_145 : memref<10000x128xf32, #tpu.memory_space<hbm>>) target(%arg16 : memref<128x128xf32, #tpu.memory_space<vmem>>) offsets(%arg8 : memref<128xi32, #tpu.memory_space<vmem>>) semaphore(%arg26 : memref<!tpu.dma_semaphore, #tpu.memory_space<semaphore_mem>>)
        } else {
        }
        %dma_wait3A = arith.constant 0 : i32
        %dma_wait3A_132 = arith.constant 0 : i32
        %dma_wait3A_133 = tpu.memref_slice %arg2[%dma_wait3A, %dma_wait3A_132] : memref<10000x128xf32, #tpu.memory_space<hbm>> -> memref<10000x128xf32, #tpu.memory_space<hbm>>
        tpu.wait_indirect_dma semaphore(%arg27 : memref<!tpu.dma_semaphore, #tpu.memory_space<semaphore_mem>>) src(%dma_wait3A_133 : memref<10000x128xf32, #tpu.memory_space<hbm>>) dst(%arg17 : memref<128x128xf32, #tpu.memory_space<vmem>>)
        "tpu.region"() ({
          %run_scoped3A = tpu.sem_alloc : memref<!tpu.dma_semaphore, #tpu.memory_space<semaphore_mem>>
          %dma_start3A = arith.constant 0 : i32
          %dma_start3A_140 = arith.constant 0 : i32
          %dma_start3A_141 = tpu.memref_slice %arg21[%dma_start3A, %dma_start3A_140] : memref<5632x128xf32, #tpu.memory_space<vmem_shared>> -> memref<5632x128xf32, #tpu.memory_space<vmem_shared>>
          tpu.enqueue_indirect_dma source(%arg17 : memref<128x128xf32, #tpu.memory_space<vmem>>) target(%dma_start3A_141 : memref<5632x128xf32, #tpu.memory_space<vmem_shared>>) offsets(%arg13 : memref<128xi32, #tpu.memory_space<vmem>>) semaphore(%run_scoped3A : memref<!tpu.dma_semaphore, #tpu.memory_space<semaphore_mem>>) {add = true}
          %dma_wait3A_142 = arith.constant 0 : i32
          %dma_wait3A_143 = arith.constant 0 : i32
          %dma_wait3A_144 = tpu.memref_slice %arg21[%dma_wait3A_142, %dma_wait3A_143] : memref<5632x128xf32, #tpu.memory_space<vmem_shared>> -> memref<5632x128xf32, #tpu.memory_space<vmem_shared>>
          tpu.wait_indirect_dma semaphore(%run_scoped3A : memref<!tpu.dma_semaphore, #tpu.memory_space<semaphore_mem>>) src(%arg17 : memref<128x128xf32, #tpu.memory_space<vmem>>) dst(%dma_wait3A_144 : memref<5632x128xf32, #tpu.memory_space<vmem_shared>>)
          tpu.yield
        }) : () -> ()
        %add3A_134 = arith.constant 4 : i32
        %add3A_135 = arith.addi %while3A_99, %add3A_134 : i32
        %lt3A_136 = arith.cmpi slt, %add3A_135, %div3A_63 : i32
        %convert_element_type3A_137 = arith.extui %lt3A_136 : i1 to i32
        %cond3A_138 = arith.constant 0 : i32
        %cond3A_139 = arith.cmpi ne, %convert_element_type3A_137, %cond3A_138 : i32
        scf.if %cond3A_139 {
          %add3A_140 = arith.constant 4 : i32
          %add3A_141 = arith.addi %while3A_99, %add3A_140 : i32
          %mul3A_142 = arith.constant 128 : i32
          %mul3A_143 = arith.muli %add3A_141, %mul3A_142 : i32
          %add3A_144 = arith.addi %mul3A_51, %mul3A_143 : i32
          %dma_start3A = tpu.memref_slice %arg3[%add3A_144] : memref<647168xi32, #tpu.memory_space<hbm>> -> memref<128xi32, #tpu.memory_space<hbm>>
          %dma_start3A_145 = tpu.memref_slice %arg3[%add3A_144] : memref<647168xi32, #tpu.memory_space<hbm>> -> memref<128xi32, #tpu.memory_space<hbm>>
          tpu.enqueue_dma source(%dma_start3A_145 : memref<128xi32, #tpu.memory_space<hbm>>) target(%arg9 : memref<128xi32, #tpu.memory_space<vmem>>) target_semaphore(%arg23 : memref<!tpu.dma_semaphore, #tpu.memory_space<semaphore_mem>>)
          %mul3A_146 = arith.constant 128 : i32
          %mul3A_147 = arith.muli %add3A_141, %mul3A_146 : i32
          %add3A_148 = arith.addi %mul3A_51, %mul3A_147 : i32
          %dma_start3A_149 = tpu.memref_slice %arg4[%add3A_148] : memref<647168xi32, #tpu.memory_space<hbm>> -> memref<128xi32, #tpu.memory_space<hbm>>
          %dma_start3A_150 = tpu.memref_slice %arg4[%add3A_148] : memref<647168xi32, #tpu.memory_space<hbm>> -> memref<128xi32, #tpu.memory_space<hbm>>
          tpu.enqueue_dma source(%dma_start3A_150 : memref<128xi32, #tpu.memory_space<hbm>>) target(%arg13 : memref<128xi32, #tpu.memory_space<vmem>>) target_semaphore(%arg23 : memref<!tpu.dma_semaphore, #tpu.memory_space<semaphore_mem>>)
        } else {
        }
      } else {
      }
      %rem3A_112 = arith.constant 4 : i32
      %rem3A_113 = arith.remsi %while3A_99, %rem3A_112 : i32
      %eq3A_114 = arith.constant 2 : i32
      %eq3A_115 = arith.cmpi eq, %rem3A_113, %eq3A_114 : i32
      %convert_element_type3A_116 = arith.extui %eq3A_115 : i1 to i32
      %cond3A_117 = arith.constant 0 : i32
      %cond3A_118 = arith.cmpi ne, %convert_element_type3A_116, %cond3A_117 : i32
      scf.if %cond3A_118 {
        %add3A_126 = arith.constant 4 : i32
        %add3A_127 = arith.addi %while3A_99, %add3A_126 : i32
        %sub3A = arith.constant 1 : i32
        %sub3A_128 = arith.subi %add3A_127, %sub3A : i32
        %lt3A = arith.cmpi slt, %sub3A_128, %div3A_63 : i32
        %convert_element_type3A_129 = arith.extui %lt3A : i1 to i32
        %cond3A_130 = arith.constant 0 : i32
        %cond3A_131 = arith.cmpi ne, %convert_element_type3A_129, %cond3A_130 : i32
        scf.if %cond3A_131 {
          %dma_wait3A_140 = tpu.memref_slice %arg3[%mul3A_51] : memref<647168xi32, #tpu.memory_space<hbm>> -> memref<128xi32, #tpu.memory_space<hbm>>
          %dma_wait3A_141 = tpu.memref_slice %arg3[%mul3A_51] : memref<647168xi32, #tpu.memory_space<hbm>> -> memref<128xi32, #tpu.memory_space<hbm>>
          tpu.wait_dma2 semaphore(%arg23 : memref<!tpu.dma_semaphore, #tpu.memory_space<semaphore_mem>>) src(%dma_wait3A_141 : memref<128xi32, #tpu.memory_space<hbm>>) dst(%arg9 : memref<128xi32, #tpu.memory_space<vmem>>)
          %dma_wait3A_142 = tpu.memref_slice %arg4[%mul3A_51] : memref<647168xi32, #tpu.memory_space<hbm>> -> memref<128xi32, #tpu.memory_space<hbm>>
          %dma_wait3A_143 = tpu.memref_slice %arg4[%mul3A_51] : memref<647168xi32, #tpu.memory_space<hbm>> -> memref<128xi32, #tpu.memory_space<hbm>>
          tpu.wait_dma2 semaphore(%arg23 : memref<!tpu.dma_semaphore, #tpu.memory_space<semaphore_mem>>) src(%dma_wait3A_143 : memref<128xi32, #tpu.memory_space<hbm>>) dst(%arg13 : memref<128xi32, #tpu.memory_space<vmem>>)
          %dma_start3A = arith.constant 0 : i32
          %dma_start3A_144 = arith.constant 0 : i32
          %dma_start3A_145 = tpu.memref_slice %arg2[%dma_start3A, %dma_start3A_144] : memref<10000x128xf32, #tpu.memory_space<hbm>> -> memref<10000x128xf32, #tpu.memory_space<hbm>>
          tpu.enqueue_indirect_dma source(%dma_start3A_145 : memref<10000x128xf32, #tpu.memory_space<hbm>>) target(%arg17 : memref<128x128xf32, #tpu.memory_space<vmem>>) offsets(%arg9 : memref<128xi32, #tpu.memory_space<vmem>>) semaphore(%arg27 : memref<!tpu.dma_semaphore, #tpu.memory_space<semaphore_mem>>)
        } else {
        }
        %dma_wait3A = arith.constant 0 : i32
        %dma_wait3A_132 = arith.constant 0 : i32
        %dma_wait3A_133 = tpu.memref_slice %arg2[%dma_wait3A, %dma_wait3A_132] : memref<10000x128xf32, #tpu.memory_space<hbm>> -> memref<10000x128xf32, #tpu.memory_space<hbm>>
        tpu.wait_indirect_dma semaphore(%arg28 : memref<!tpu.dma_semaphore, #tpu.memory_space<semaphore_mem>>) src(%dma_wait3A_133 : memref<10000x128xf32, #tpu.memory_space<hbm>>) dst(%arg18 : memref<128x128xf32, #tpu.memory_space<vmem>>)
        "tpu.region"() ({
          %run_scoped3A = tpu.sem_alloc : memref<!tpu.dma_semaphore, #tpu.memory_space<semaphore_mem>>
          %dma_start3A = arith.constant 0 : i32
          %dma_start3A_140 = arith.constant 0 : i32
          %dma_start3A_141 = tpu.memref_slice %arg21[%dma_start3A, %dma_start3A_140] : memref<5632x128xf32, #tpu.memory_space<vmem_shared>> -> memref<5632x128xf32, #tpu.memory_space<vmem_shared>>
          tpu.enqueue_indirect_dma source(%arg18 : memref<128x128xf32, #tpu.memory_space<vmem>>) target(%dma_start3A_141 : memref<5632x128xf32, #tpu.memory_space<vmem_shared>>) offsets(%arg14 : memref<128xi32, #tpu.memory_space<vmem>>) semaphore(%run_scoped3A : memref<!tpu.dma_semaphore, #tpu.memory_space<semaphore_mem>>) {add = true}
          %dma_wait3A_142 = arith.constant 0 : i32
          %dma_wait3A_143 = arith.constant 0 : i32
          %dma_wait3A_144 = tpu.memref_slice %arg21[%dma_wait3A_142, %dma_wait3A_143] : memref<5632x128xf32, #tpu.memory_space<vmem_shared>> -> memref<5632x128xf32, #tpu.memory_space<vmem_shared>>
          tpu.wait_indirect_dma semaphore(%run_scoped3A : memref<!tpu.dma_semaphore, #tpu.memory_space<semaphore_mem>>) src(%arg18 : memref<128x128xf32, #tpu.memory_space<vmem>>) dst(%dma_wait3A_144 : memref<5632x128xf32, #tpu.memory_space<vmem_shared>>)
          tpu.yield
        }) : () -> ()
        %add3A_134 = arith.constant 4 : i32
        %add3A_135 = arith.addi %while3A_99, %add3A_134 : i32
        %lt3A_136 = arith.cmpi slt, %add3A_135, %div3A_63 : i32
        %convert_element_type3A_137 = arith.extui %lt3A_136 : i1 to i32
        %cond3A_138 = arith.constant 0 : i32
        %cond3A_139 = arith.cmpi ne, %convert_element_type3A_137, %cond3A_138 : i32
        scf.if %cond3A_139 {
          %add3A_140 = arith.constant 4 : i32
          %add3A_141 = arith.addi %while3A_99, %add3A_140 : i32
          %mul3A_142 = arith.constant 128 : i32
          %mul3A_143 = arith.muli %add3A_141, %mul3A_142 : i32
          %add3A_144 = arith.addi %mul3A_51, %mul3A_143 : i32
          %dma_start3A = tpu.memref_slice %arg3[%add3A_144] : memref<647168xi32, #tpu.memory_space<hbm>> -> memref<128xi32, #tpu.memory_space<hbm>>
          %dma_start3A_145 = tpu.memref_slice %arg3[%add3A_144] : memref<647168xi32, #tpu.memory_space<hbm>> -> memref<128xi32, #tpu.memory_space<hbm>>
          tpu.enqueue_dma source(%dma_start3A_145 : memref<128xi32, #tpu.memory_space<hbm>>) target(%arg10 : memref<128xi32, #tpu.memory_space<vmem>>) target_semaphore(%arg24 : memref<!tpu.dma_semaphore, #tpu.memory_space<semaphore_mem>>)
          %mul3A_146 = arith.constant 128 : i32
          %mul3A_147 = arith.muli %add3A_141, %mul3A_146 : i32
          %add3A_148 = arith.addi %mul3A_51, %mul3A_147 : i32
          %dma_start3A_149 = tpu.memref_slice %arg4[%add3A_148] : memref<647168xi32, #tpu.memory_space<hbm>> -> memref<128xi32, #tpu.memory_space<hbm>>
          %dma_start3A_150 = tpu.memref_slice %arg4[%add3A_148] : memref<647168xi32, #tpu.memory_space<hbm>> -> memref<128xi32, #tpu.memory_space<hbm>>
          tpu.enqueue_dma source(%dma_start3A_150 : memref<128xi32, #tpu.memory_space<hbm>>) target(%arg14 : memref<128xi32, #tpu.memory_space<vmem>>) target_semaphore(%arg24 : memref<!tpu.dma_semaphore, #tpu.memory_space<semaphore_mem>>)
        } else {
        }
      } else {
      }
      %rem3A_119 = arith.constant 4 : i32
      %rem3A_120 = arith.remsi %while3A_99, %rem3A_119 : i32
      %eq3A_121 = arith.constant 3 : i32
      %eq3A_122 = arith.cmpi eq, %rem3A_120, %eq3A_121 : i32
      %convert_element_type3A_123 = arith.extui %eq3A_122 : i1 to i32
      %cond3A_124 = arith.constant 0 : i32
      %cond3A_125 = arith.cmpi ne, %convert_element_type3A_123, %cond3A_124 : i32
      scf.if %cond3A_125 {
        %add3A_126 = arith.constant 4 : i32
        %add3A_127 = arith.addi %while3A_99, %add3A_126 : i32
        %sub3A = arith.constant 1 : i32
        %sub3A_128 = arith.subi %add3A_127, %sub3A : i32
        %lt3A = arith.cmpi slt, %sub3A_128, %div3A_63 : i32
        %convert_element_type3A_129 = arith.extui %lt3A : i1 to i32
        %cond3A_130 = arith.constant 0 : i32
        %cond3A_131 = arith.cmpi ne, %convert_element_type3A_129, %cond3A_130 : i32
        scf.if %cond3A_131 {
          %dma_wait3A_140 = tpu.memref_slice %arg3[%mul3A_51] : memref<647168xi32, #tpu.memory_space<hbm>> -> memref<128xi32, #tpu.memory_space<hbm>>
          %dma_wait3A_141 = tpu.memref_slice %arg3[%mul3A_51] : memref<647168xi32, #tpu.memory_space<hbm>> -> memref<128xi32, #tpu.memory_space<hbm>>
          tpu.wait_dma2 semaphore(%arg24 : memref<!tpu.dma_semaphore, #tpu.memory_space<semaphore_mem>>) src(%dma_wait3A_141 : memref<128xi32, #tpu.memory_space<hbm>>) dst(%arg10 : memref<128xi32, #tpu.memory_space<vmem>>)
          %dma_wait3A_142 = tpu.memref_slice %arg4[%mul3A_51] : memref<647168xi32, #tpu.memory_space<hbm>> -> memref<128xi32, #tpu.memory_space<hbm>>
          %dma_wait3A_143 = tpu.memref_slice %arg4[%mul3A_51] : memref<647168xi32, #tpu.memory_space<hbm>> -> memref<128xi32, #tpu.memory_space<hbm>>
          tpu.wait_dma2 semaphore(%arg24 : memref<!tpu.dma_semaphore, #tpu.memory_space<semaphore_mem>>) src(%dma_wait3A_143 : memref<128xi32, #tpu.memory_space<hbm>>) dst(%arg14 : memref<128xi32, #tpu.memory_space<vmem>>)
          %dma_start3A = arith.constant 0 : i32
          %dma_start3A_144 = arith.constant 0 : i32
          %dma_start3A_145 = tpu.memref_slice %arg2[%dma_start3A, %dma_start3A_144] : memref<10000x128xf32, #tpu.memory_space<hbm>> -> memref<10000x128xf32, #tpu.memory_space<hbm>>
          tpu.enqueue_indirect_dma source(%dma_start3A_145 : memref<10000x128xf32, #tpu.memory_space<hbm>>) target(%arg18 : memref<128x128xf32, #tpu.memory_space<vmem>>) offsets(%arg10 : memref<128xi32, #tpu.memory_space<vmem>>) semaphore(%arg28 : memref<!tpu.dma_semaphore, #tpu.memory_space<semaphore_mem>>)
        } else {
        }
        %dma_wait3A = arith.constant 0 : i32
        %dma_wait3A_132 = arith.constant 0 : i32
        %dma_wait3A_133 = tpu.memref_slice %arg2[%dma_wait3A, %dma_wait3A_132] : memref<10000x128xf32, #tpu.memory_space<hbm>> -> memref<10000x128xf32, #tpu.memory_space<hbm>>
        tpu.wait_indirect_dma semaphore(%arg29 : memref<!tpu.dma_semaphore, #tpu.memory_space<semaphore_mem>>) src(%dma_wait3A_133 : memref<10000x128xf32, #tpu.memory_space<hbm>>) dst(%arg19 : memref<128x128xf32, #tpu.memory_space<vmem>>)
        "tpu.region"() ({
          %run_scoped3A = tpu.sem_alloc : memref<!tpu.dma_semaphore, #tpu.memory_space<semaphore_mem>>
          %dma_start3A = arith.constant 0 : i32
          %dma_start3A_140 = arith.constant 0 : i32
          %dma_start3A_141 = tpu.memref_slice %arg21[%dma_start3A, %dma_start3A_140] : memref<5632x128xf32, #tpu.memory_space<vmem_shared>> -> memref<5632x128xf32, #tpu.memory_space<vmem_shared>>
          tpu.enqueue_indirect_dma source(%arg19 : memref<128x128xf32, #tpu.memory_space<vmem>>) target(%dma_start3A_141 : memref<5632x128xf32, #tpu.memory_space<vmem_shared>>) offsets(%arg15 : memref<128xi32, #tpu.memory_space<vmem>>) semaphore(%run_scoped3A : memref<!tpu.dma_semaphore, #tpu.memory_space<semaphore_mem>>) {add = true}
          %dma_wait3A_142 = arith.constant 0 : i32
          %dma_wait3A_143 = arith.constant 0 : i32
          %dma_wait3A_144 = tpu.memref_slice %arg21[%dma_wait3A_142, %dma_wait3A_143] : memref<5632x128xf32, #tpu.memory_space<vmem_shared>> -> memref<5632x128xf32, #tpu.memory_space<vmem_shared>>
          tpu.wait_indirect_dma semaphore(%run_scoped3A : memref<!tpu.dma_semaphore, #tpu.memory_space<semaphore_mem>>) src(%arg19 : memref<128x128xf32, #tpu.memory_space<vmem>>) dst(%dma_wait3A_144 : memref<5632x128xf32, #tpu.memory_space<vmem_shared>>)
          tpu.yield
        }) : () -> ()
        %add3A_134 = arith.constant 4 : i32
        %add3A_135 = arith.addi %while3A_99, %add3A_134 : i32
        %lt3A_136 = arith.cmpi slt, %add3A_135, %div3A_63 : i32
        %convert_element_type3A_137 = arith.extui %lt3A_136 : i1 to i32
        %cond3A_138 = arith.constant 0 : i32
        %cond3A_139 = arith.cmpi ne, %convert_element_type3A_137, %cond3A_138 : i32
        scf.if %cond3A_139 {
          %add3A_140 = arith.constant 4 : i32
          %add3A_141 = arith.addi %while3A_99, %add3A_140 : i32
          %mul3A_142 = arith.constant 128 : i32
          %mul3A_143 = arith.muli %add3A_141, %mul3A_142 : i32
          %add3A_144 = arith.addi %mul3A_51, %mul3A_143 : i32
          %dma_start3A = tpu.memref_slice %arg3[%add3A_144] : memref<647168xi32, #tpu.memory_space<hbm>> -> memref<128xi32, #tpu.memory_space<hbm>>
          %dma_start3A_145 = tpu.memref_slice %arg3[%add3A_144] : memref<647168xi32, #tpu.memory_space<hbm>> -> memref<128xi32, #tpu.memory_space<hbm>>
          tpu.enqueue_dma source(%dma_start3A_145 : memref<128xi32, #tpu.memory_space<hbm>>) target(%arg11 : memref<128xi32, #tpu.memory_space<vmem>>) target_semaphore(%arg25 : memref<!tpu.dma_semaphore, #tpu.memory_space<semaphore_mem>>)
          %mul3A_146 = arith.constant 128 : i32
          %mul3A_147 = arith.muli %add3A_141, %mul3A_146 : i32
          %add3A_148 = arith.addi %mul3A_51, %mul3A_147 : i32
          %dma_start3A_149 = tpu.memref_slice %arg4[%add3A_148] : memref<647168xi32, #tpu.memory_space<hbm>> -> memref<128xi32, #tpu.memory_space<hbm>>
          %dma_start3A_150 = tpu.memref_slice %arg4[%add3A_148] : memref<647168xi32, #tpu.memory_space<hbm>> -> memref<128xi32, #tpu.memory_space<hbm>>
          tpu.enqueue_dma source(%dma_start3A_150 : memref<128xi32, #tpu.memory_space<hbm>>) target(%arg15 : memref<128xi32, #tpu.memory_space<vmem>>) target_semaphore(%arg25 : memref<!tpu.dma_semaphore, #tpu.memory_space<semaphore_mem>>)
        } else {
        }
      } else {
      }
    }
    %while3A_93 = arith.constant 1 : i32
    scf.for %while3A_99 = %while3A_91 to %while3A_87 step %while3A_93  : i32 {
      %rem3A = arith.constant 4 : i32
      %rem3A_100 = arith.remsi %while3A_99, %rem3A : i32
      %eq3A = arith.constant 0 : i32
      %eq3A_101 = arith.cmpi eq, %rem3A_100, %eq3A : i32
      %convert_element_type3A_102 = arith.extui %eq3A_101 : i1 to i32
      %cond3A_103 = arith.constant 0 : i32
      %cond3A_104 = arith.cmpi ne, %convert_element_type3A_102, %cond3A_103 : i32
      scf.if %cond3A_104 {
        %add3A_126 = arith.constant 4 : i32
        %add3A_127 = arith.addi %while3A_99, %add3A_126 : i32
        %sub3A = arith.constant 1 : i32
        %sub3A_128 = arith.subi %add3A_127, %sub3A : i32
        %lt3A = arith.cmpi slt, %sub3A_128, %div3A_63 : i32
        %convert_element_type3A_129 = arith.extui %lt3A : i1 to i32
        %cond3A_130 = arith.constant 0 : i32
        %cond3A_131 = arith.cmpi ne, %convert_element_type3A_129, %cond3A_130 : i32
        scf.if %cond3A_131 {
          %dma_wait3A_140 = tpu.memref_slice %arg3[%mul3A_51] : memref<647168xi32, #tpu.memory_space<hbm>> -> memref<128xi32, #tpu.memory_space<hbm>>
          %dma_wait3A_141 = tpu.memref_slice %arg3[%mul3A_51] : memref<647168xi32, #tpu.memory_space<hbm>> -> memref<128xi32, #tpu.memory_space<hbm>>
          tpu.wait_dma2 semaphore(%arg25 : memref<!tpu.dma_semaphore, #tpu.memory_space<semaphore_mem>>) src(%dma_wait3A_141 : memref<128xi32, #tpu.memory_space<hbm>>) dst(%arg11 : memref<128xi32, #tpu.memory_space<vmem>>)
          %dma_wait3A_142 = tpu.memref_slice %arg4[%mul3A_51] : memref<647168xi32, #tpu.memory_space<hbm>> -> memref<128xi32, #tpu.memory_space<hbm>>
          %dma_wait3A_143 = tpu.memref_slice %arg4[%mul3A_51] : memref<647168xi32, #tpu.memory_space<hbm>> -> memref<128xi32, #tpu.memory_space<hbm>>
          tpu.wait_dma2 semaphore(%arg25 : memref<!tpu.dma_semaphore, #tpu.memory_space<semaphore_mem>>) src(%dma_wait3A_143 : memref<128xi32, #tpu.memory_space<hbm>>) dst(%arg15 : memref<128xi32, #tpu.memory_space<vmem>>)
          %dma_start3A = arith.constant 0 : i32
          %dma_start3A_144 = arith.constant 0 : i32
          %dma_start3A_145 = tpu.memref_slice %arg2[%dma_start3A, %dma_start3A_144] : memref<10000x128xf32, #tpu.memory_space<hbm>> -> memref<10000x128xf32, #tpu.memory_space<hbm>>
          tpu.enqueue_indirect_dma source(%dma_start3A_145 : memref<10000x128xf32, #tpu.memory_space<hbm>>) target(%arg19 : memref<128x128xf32, #tpu.memory_space<vmem>>) offsets(%arg11 : memref<128xi32, #tpu.memory_space<vmem>>) semaphore(%arg29 : memref<!tpu.dma_semaphore, #tpu.memory_space<semaphore_mem>>)
        } else {
        }
        %dma_wait3A = arith.constant 0 : i32
        %dma_wait3A_132 = arith.constant 0 : i32
        %dma_wait3A_133 = tpu.memref_slice %arg2[%dma_wait3A, %dma_wait3A_132] : memref<10000x128xf32, #tpu.memory_space<hbm>> -> memref<10000x128xf32, #tpu.memory_space<hbm>>
        tpu.wait_indirect_dma semaphore(%arg26 : memref<!tpu.dma_semaphore, #tpu.memory_space<semaphore_mem>>) src(%dma_wait3A_133 : memref<10000x128xf32, #tpu.memory_space<hbm>>) dst(%arg16 : memref<128x128xf32, #tpu.memory_space<vmem>>)
        "tpu.region"() ({
          %run_scoped3A = tpu.sem_alloc : memref<!tpu.dma_semaphore, #tpu.memory_space<semaphore_mem>>
          %dma_start3A = arith.constant 0 : i32
          %dma_start3A_140 = arith.constant 0 : i32
          %dma_start3A_141 = tpu.memref_slice %arg21[%dma_start3A, %dma_start3A_140] : memref<5632x128xf32, #tpu.memory_space<vmem_shared>> -> memref<5632x128xf32, #tpu.memory_space<vmem_shared>>
          tpu.enqueue_indirect_dma source(%arg16 : memref<128x128xf32, #tpu.memory_space<vmem>>) target(%dma_start3A_141 : memref<5632x128xf32, #tpu.memory_space<vmem_shared>>) offsets(%arg12 : memref<128xi32, #tpu.memory_space<vmem>>) semaphore(%run_scoped3A : memref<!tpu.dma_semaphore, #tpu.memory_space<semaphore_mem>>) {add = true}
          %dma_wait3A_142 = arith.constant 0 : i32
          %dma_wait3A_143 = arith.constant 0 : i32
          %dma_wait3A_144 = tpu.memref_slice %arg21[%dma_wait3A_142, %dma_wait3A_143] : memref<5632x128xf32, #tpu.memory_space<vmem_shared>> -> memref<5632x128xf32, #tpu.memory_space<vmem_shared>>
          tpu.wait_indirect_dma semaphore(%run_scoped3A : memref<!tpu.dma_semaphore, #tpu.memory_space<semaphore_mem>>) src(%arg16 : memref<128x128xf32, #tpu.memory_space<vmem>>) dst(%dma_wait3A_144 : memref<5632x128xf32, #tpu.memory_space<vmem_shared>>)
          tpu.yield
        }) : () -> ()
        %add3A_134 = arith.constant 4 : i32
        %add3A_135 = arith.addi %while3A_99, %add3A_134 : i32
        %lt3A_136 = arith.cmpi slt, %add3A_135, %div3A_63 : i32
        %convert_element_type3A_137 = arith.extui %lt3A_136 : i1 to i32
        %cond3A_138 = arith.constant 0 : i32
        %cond3A_139 = arith.cmpi ne, %convert_element_type3A_137, %cond3A_138 : i32
        scf.if %cond3A_139 {
          %add3A_140 = arith.constant 4 : i32
          %add3A_141 = arith.addi %while3A_99, %add3A_140 : i32
          %mul3A_142 = arith.constant 128 : i32
          %mul3A_143 = arith.muli %add3A_141, %mul3A_142 : i32
          %add3A_144 = arith.addi %mul3A_51, %mul3A_143 : i32
          %dma_start3A = tpu.memref_slice %arg3[%add3A_144] : memref<647168xi32, #tpu.memory_space<hbm>> -> memref<128xi32, #tpu.memory_space<hbm>>
          %dma_start3A_145 = tpu.memref_slice %arg3[%add3A_144] : memref<647168xi32, #tpu.memory_space<hbm>> -> memref<128xi32, #tpu.memory_space<hbm>>
          tpu.enqueue_dma source(%dma_start3A_145 : memref<128xi32, #tpu.memory_space<hbm>>) target(%arg8 : memref<128xi32, #tpu.memory_space<vmem>>) target_semaphore(%arg22 : memref<!tpu.dma_semaphore, #tpu.memory_space<semaphore_mem>>)
          %mul3A_146 = arith.constant 128 : i32
          %mul3A_147 = arith.muli %add3A_141, %mul3A_146 : i32
          %add3A_148 = arith.addi %mul3A_51, %mul3A_147 : i32
          %dma_start3A_149 = tpu.memref_slice %arg4[%add3A_148] : memref<647168xi32, #tpu.memory_space<hbm>> -> memref<128xi32, #tpu.memory_space<hbm>>
          %dma_start3A_150 = tpu.memref_slice %arg4[%add3A_148] : memref<647168xi32, #tpu.memory_space<hbm>> -> memref<128xi32, #tpu.memory_space<hbm>>
          tpu.enqueue_dma source(%dma_start3A_150 : memref<128xi32, #tpu.memory_space<hbm>>) target(%arg12 : memref<128xi32, #tpu.memory_space<vmem>>) target_semaphore(%arg22 : memref<!tpu.dma_semaphore, #tpu.memory_space<semaphore_mem>>)
        } else {
        }
      } else {
      }
      %rem3A_105 = arith.constant 4 : i32
      %rem3A_106 = arith.remsi %while3A_99, %rem3A_105 : i32
      %eq3A_107 = arith.constant 1 : i32
      %eq3A_108 = arith.cmpi eq, %rem3A_106, %eq3A_107 : i32
      %convert_element_type3A_109 = arith.extui %eq3A_108 : i1 to i32
      %cond3A_110 = arith.constant 0 : i32
      %cond3A_111 = arith.cmpi ne, %convert_element_type3A_109, %cond3A_110 : i32
      scf.if %cond3A_111 {
        %add3A_126 = arith.constant 4 : i32
        %add3A_127 = arith.addi %while3A_99, %add3A_126 : i32
        %sub3A = arith.constant 1 : i32
        %sub3A_128 = arith.subi %add3A_127, %sub3A : i32
        %lt3A = arith.cmpi slt, %sub3A_128, %div3A_63 : i32
        %convert_element_type3A_129 = arith.extui %lt3A : i1 to i32
        %cond3A_130 = arith.constant 0 : i32
        %cond3A_131 = arith.cmpi ne, %convert_element_type3A_129, %cond3A_130 : i32
        scf.if %cond3A_131 {
          %dma_wait3A_140 = tpu.memref_slice %arg3[%mul3A_51] : memref<647168xi32, #tpu.memory_space<hbm>> -> memref<128xi32, #tpu.memory_space<hbm>>
          %dma_wait3A_141 = tpu.memref_slice %arg3[%mul3A_51] : memref<647168xi32, #tpu.memory_space<hbm>> -> memref<128xi32, #tpu.memory_space<hbm>>
          tpu.wait_dma2 semaphore(%arg22 : memref<!tpu.dma_semaphore, #tpu.memory_space<semaphore_mem>>) src(%dma_wait3A_141 : memref<128xi32, #tpu.memory_space<hbm>>) dst(%arg8 : memref<128xi32, #tpu.memory_space<vmem>>)
          %dma_wait3A_142 = tpu.memref_slice %arg4[%mul3A_51] : memref<647168xi32, #tpu.memory_space<hbm>> -> memref<128xi32, #tpu.memory_space<hbm>>
          %dma_wait3A_143 = tpu.memref_slice %arg4[%mul3A_51] : memref<647168xi32, #tpu.memory_space<hbm>> -> memref<128xi32, #tpu.memory_space<hbm>>
          tpu.wait_dma2 semaphore(%arg22 : memref<!tpu.dma_semaphore, #tpu.memory_space<semaphore_mem>>) src(%dma_wait3A_143 : memref<128xi32, #tpu.memory_space<hbm>>) dst(%arg12 : memref<128xi32, #tpu.memory_space<vmem>>)
          %dma_start3A = arith.constant 0 : i32
          %dma_start3A_144 = arith.constant 0 : i32
          %dma_start3A_145 = tpu.memref_slice %arg2[%dma_start3A, %dma_start3A_144] : memref<10000x128xf32, #tpu.memory_space<hbm>> -> memref<10000x128xf32, #tpu.memory_space<hbm>>
          tpu.enqueue_indirect_dma source(%dma_start3A_145 : memref<10000x128xf32, #tpu.memory_space<hbm>>) target(%arg16 : memref<128x128xf32, #tpu.memory_space<vmem>>) offsets(%arg8 : memref<128xi32, #tpu.memory_space<vmem>>) semaphore(%arg26 : memref<!tpu.dma_semaphore, #tpu.memory_space<semaphore_mem>>)
        } else {
        }
        %dma_wait3A = arith.constant 0 : i32
        %dma_wait3A_132 = arith.constant 0 : i32
        %dma_wait3A_133 = tpu.memref_slice %arg2[%dma_wait3A, %dma_wait3A_132] : memref<10000x128xf32, #tpu.memory_space<hbm>> -> memref<10000x128xf32, #tpu.memory_space<hbm>>
        tpu.wait_indirect_dma semaphore(%arg27 : memref<!tpu.dma_semaphore, #tpu.memory_space<semaphore_mem>>) src(%dma_wait3A_133 : memref<10000x128xf32, #tpu.memory_space<hbm>>) dst(%arg17 : memref<128x128xf32, #tpu.memory_space<vmem>>)
        "tpu.region"() ({
          %run_scoped3A = tpu.sem_alloc : memref<!tpu.dma_semaphore, #tpu.memory_space<semaphore_mem>>
          %dma_start3A = arith.constant 0 : i32
          %dma_start3A_140 = arith.constant 0 : i32
          %dma_start3A_141 = tpu.memref_slice %arg21[%dma_start3A, %dma_start3A_140] : memref<5632x128xf32, #tpu.memory_space<vmem_shared>> -> memref<5632x128xf32, #tpu.memory_space<vmem_shared>>
          tpu.enqueue_indirect_dma source(%arg17 : memref<128x128xf32, #tpu.memory_space<vmem>>) target(%dma_start3A_141 : memref<5632x128xf32, #tpu.memory_space<vmem_shared>>) offsets(%arg13 : memref<128xi32, #tpu.memory_space<vmem>>) semaphore(%run_scoped3A : memref<!tpu.dma_semaphore, #tpu.memory_space<semaphore_mem>>) {add = true}
          %dma_wait3A_142 = arith.constant 0 : i32
          %dma_wait3A_143 = arith.constant 0 : i32
          %dma_wait3A_144 = tpu.memref_slice %arg21[%dma_wait3A_142, %dma_wait3A_143] : memref<5632x128xf32, #tpu.memory_space<vmem_shared>> -> memref<5632x128xf32, #tpu.memory_space<vmem_shared>>
          tpu.wait_indirect_dma semaphore(%run_scoped3A : memref<!tpu.dma_semaphore, #tpu.memory_space<semaphore_mem>>) src(%arg17 : memref<128x128xf32, #tpu.memory_space<vmem>>) dst(%dma_wait3A_144 : memref<5632x128xf32, #tpu.memory_space<vmem_shared>>)
          tpu.yield
        }) : () -> ()
        %add3A_134 = arith.constant 4 : i32
        %add3A_135 = arith.addi %while3A_99, %add3A_134 : i32
        %lt3A_136 = arith.cmpi slt, %add3A_135, %div3A_63 : i32
        %convert_element_type3A_137 = arith.extui %lt3A_136 : i1 to i32
        %cond3A_138 = arith.constant 0 : i32
        %cond3A_139 = arith.cmpi ne, %convert_element_type3A_137, %cond3A_138 : i32
        scf.if %cond3A_139 {
          %add3A_140 = arith.constant 4 : i32
          %add3A_141 = arith.addi %while3A_99, %add3A_140 : i32
          %mul3A_142 = arith.constant 128 : i32
          %mul3A_143 = arith.muli %add3A_141, %mul3A_142 : i32
          %add3A_144 = arith.addi %mul3A_51, %mul3A_143 : i32
          %dma_start3A = tpu.memref_slice %arg3[%add3A_144] : memref<647168xi32, #tpu.memory_space<hbm>> -> memref<128xi32, #tpu.memory_space<hbm>>
          %dma_start3A_145 = tpu.memref_slice %arg3[%add3A_144] : memref<647168xi32, #tpu.memory_space<hbm>> -> memref<128xi32, #tpu.memory_space<hbm>>
          tpu.enqueue_dma source(%dma_start3A_145 : memref<128xi32, #tpu.memory_space<hbm>>) target(%arg9 : memref<128xi32, #tpu.memory_space<vmem>>) target_semaphore(%arg23 : memref<!tpu.dma_semaphore, #tpu.memory_space<semaphore_mem>>)
          %mul3A_146 = arith.constant 128 : i32
          %mul3A_147 = arith.muli %add3A_141, %mul3A_146 : i32
          %add3A_148 = arith.addi %mul3A_51, %mul3A_147 : i32
          %dma_start3A_149 = tpu.memref_slice %arg4[%add3A_148] : memref<647168xi32, #tpu.memory_space<hbm>> -> memref<128xi32, #tpu.memory_space<hbm>>
          %dma_start3A_150 = tpu.memref_slice %arg4[%add3A_148] : memref<647168xi32, #tpu.memory_space<hbm>> -> memref<128xi32, #tpu.memory_space<hbm>>
          tpu.enqueue_dma source(%dma_start3A_150 : memref<128xi32, #tpu.memory_space<hbm>>) target(%arg13 : memref<128xi32, #tpu.memory_space<vmem>>) target_semaphore(%arg23 : memref<!tpu.dma_semaphore, #tpu.memory_space<semaphore_mem>>)
        } else {
        }
      } else {
      }
      %rem3A_112 = arith.constant 4 : i32
      %rem3A_113 = arith.remsi %while3A_99, %rem3A_112 : i32
      %eq3A_114 = arith.constant 2 : i32
      %eq3A_115 = arith.cmpi eq, %rem3A_113, %eq3A_114 : i32
      %convert_element_type3A_116 = arith.extui %eq3A_115 : i1 to i32
      %cond3A_117 = arith.constant 0 : i32
      %cond3A_118 = arith.cmpi ne, %convert_element_type3A_116, %cond3A_117 : i32
      scf.if %cond3A_118 {
        %add3A_126 = arith.constant 4 : i32
        %add3A_127 = arith.addi %while3A_99, %add3A_126 : i32
        %sub3A = arith.constant 1 : i32
        %sub3A_128 = arith.subi %add3A_127, %sub3A : i32
        %lt3A = arith.cmpi slt, %sub3A_128, %div3A_63 : i32
        %convert_element_type3A_129 = arith.extui %lt3A : i1 to i32
        %cond3A_130 = arith.constant 0 : i32
        %cond3A_131 = arith.cmpi ne, %convert_element_type3A_129, %cond3A_130 : i32
        scf.if %cond3A_131 {
          %dma_wait3A_140 = tpu.memref_slice %arg3[%mul3A_51] : memref<647168xi32, #tpu.memory_space<hbm>> -> memref<128xi32, #tpu.memory_space<hbm>>
          %dma_wait3A_141 = tpu.memref_slice %arg3[%mul3A_51] : memref<647168xi32, #tpu.memory_space<hbm>> -> memref<128xi32, #tpu.memory_space<hbm>>
          tpu.wait_dma2 semaphore(%arg23 : memref<!tpu.dma_semaphore, #tpu.memory_space<semaphore_mem>>) src(%dma_wait3A_141 : memref<128xi32, #tpu.memory_space<hbm>>) dst(%arg9 : memref<128xi32, #tpu.memory_space<vmem>>)
          %dma_wait3A_142 = tpu.memref_slice %arg4[%mul3A_51] : memref<647168xi32, #tpu.memory_space<hbm>> -> memref<128xi32, #tpu.memory_space<hbm>>
          %dma_wait3A_143 = tpu.memref_slice %arg4[%mul3A_51] : memref<647168xi32, #tpu.memory_space<hbm>> -> memref<128xi32, #tpu.memory_space<hbm>>
          tpu.wait_dma2 semaphore(%arg23 : memref<!tpu.dma_semaphore, #tpu.memory_space<semaphore_mem>>) src(%dma_wait3A_143 : memref<128xi32, #tpu.memory_space<hbm>>) dst(%arg13 : memref<128xi32, #tpu.memory_space<vmem>>)
          %dma_start3A = arith.constant 0 : i32
          %dma_start3A_144 = arith.constant 0 : i32
          %dma_start3A_145 = tpu.memref_slice %arg2[%dma_start3A, %dma_start3A_144] : memref<10000x128xf32, #tpu.memory_space<hbm>> -> memref<10000x128xf32, #tpu.memory_space<hbm>>
          tpu.enqueue_indirect_dma source(%dma_start3A_145 : memref<10000x128xf32, #tpu.memory_space<hbm>>) target(%arg17 : memref<128x128xf32, #tpu.memory_space<vmem>>) offsets(%arg9 : memref<128xi32, #tpu.memory_space<vmem>>) semaphore(%arg27 : memref<!tpu.dma_semaphore, #tpu.memory_space<semaphore_mem>>)
        } else {
        }
        %dma_wait3A = arith.constant 0 : i32
        %dma_wait3A_132 = arith.constant 0 : i32
        %dma_wait3A_133 = tpu.memref_slice %arg2[%dma_wait3A, %dma_wait3A_132] : memref<10000x128xf32, #tpu.memory_space<hbm>> -> memref<10000x128xf32, #tpu.memory_space<hbm>>
        tpu.wait_indirect_dma semaphore(%arg28 : memref<!tpu.dma_semaphore, #tpu.memory_space<semaphore_mem>>) src(%dma_wait3A_133 : memref<10000x128xf32, #tpu.memory_space<hbm>>) dst(%arg18 : memref<128x128xf32, #tpu.memory_space<vmem>>)
        "tpu.region"() ({
          %run_scoped3A = tpu.sem_alloc : memref<!tpu.dma_semaphore, #tpu.memory_space<semaphore_mem>>
          %dma_start3A = arith.constant 0 : i32
          %dma_start3A_140 = arith.constant 0 : i32
          %dma_start3A_141 = tpu.memref_slice %arg21[%dma_start3A, %dma_start3A_140] : memref<5632x128xf32, #tpu.memory_space<vmem_shared>> -> memref<5632x128xf32, #tpu.memory_space<vmem_shared>>
          tpu.enqueue_indirect_dma source(%arg18 : memref<128x128xf32, #tpu.memory_space<vmem>>) target(%dma_start3A_141 : memref<5632x128xf32, #tpu.memory_space<vmem_shared>>) offsets(%arg14 : memref<128xi32, #tpu.memory_space<vmem>>) semaphore(%run_scoped3A : memref<!tpu.dma_semaphore, #tpu.memory_space<semaphore_mem>>) {add = true}
          %dma_wait3A_142 = arith.constant 0 : i32
          %dma_wait3A_143 = arith.constant 0 : i32
          %dma_wait3A_144 = tpu.memref_slice %arg21[%dma_wait3A_142, %dma_wait3A_143] : memref<5632x128xf32, #tpu.memory_space<vmem_shared>> -> memref<5632x128xf32, #tpu.memory_space<vmem_shared>>
          tpu.wait_indirect_dma semaphore(%run_scoped3A : memref<!tpu.dma_semaphore, #tpu.memory_space<semaphore_mem>>) src(%arg18 : memref<128x128xf32, #tpu.memory_space<vmem>>) dst(%dma_wait3A_144 : memref<5632x128xf32, #tpu.memory_space<vmem_shared>>)
          tpu.yield
        }) : () -> ()
        %add3A_134 = arith.constant 4 : i32
        %add3A_135 = arith.addi %while3A_99, %add3A_134 : i32
        %lt3A_136 = arith.cmpi slt, %add3A_135, %div3A_63 : i32
        %convert_element_type3A_137 = arith.extui %lt3A_136 : i1 to i32
        %cond3A_138 = arith.constant 0 : i32
        %cond3A_139 = arith.cmpi ne, %convert_element_type3A_137, %cond3A_138 : i32
        scf.if %cond3A_139 {
          %add3A_140 = arith.constant 4 : i32
          %add3A_141 = arith.addi %while3A_99, %add3A_140 : i32
          %mul3A_142 = arith.constant 128 : i32
          %mul3A_143 = arith.muli %add3A_141, %mul3A_142 : i32
          %add3A_144 = arith.addi %mul3A_51, %mul3A_143 : i32
          %dma_start3A = tpu.memref_slice %arg3[%add3A_144] : memref<647168xi32, #tpu.memory_space<hbm>> -> memref<128xi32, #tpu.memory_space<hbm>>
          %dma_start3A_145 = tpu.memref_slice %arg3[%add3A_144] : memref<647168xi32, #tpu.memory_space<hbm>> -> memref<128xi32, #tpu.memory_space<hbm>>
          tpu.enqueue_dma source(%dma_start3A_145 : memref<128xi32, #tpu.memory_space<hbm>>) target(%arg10 : memref<128xi32, #tpu.memory_space<vmem>>) target_semaphore(%arg24 : memref<!tpu.dma_semaphore, #tpu.memory_space<semaphore_mem>>)
          %mul3A_146 = arith.constant 128 : i32
          %mul3A_147 = arith.muli %add3A_141, %mul3A_146 : i32
          %add3A_148 = arith.addi %mul3A_51, %mul3A_147 : i32
          %dma_start3A_149 = tpu.memref_slice %arg4[%add3A_148] : memref<647168xi32, #tpu.memory_space<hbm>> -> memref<128xi32, #tpu.memory_space<hbm>>
          %dma_start3A_150 = tpu.memref_slice %arg4[%add3A_148] : memref<647168xi32, #tpu.memory_space<hbm>> -> memref<128xi32, #tpu.memory_space<hbm>>
          tpu.enqueue_dma source(%dma_start3A_150 : memref<128xi32, #tpu.memory_space<hbm>>) target(%arg14 : memref<128xi32, #tpu.memory_space<vmem>>) target_semaphore(%arg24 : memref<!tpu.dma_semaphore, #tpu.memory_space<semaphore_mem>>)
        } else {
        }
      } else {
      }
      %rem3A_119 = arith.constant 4 : i32
      %rem3A_120 = arith.remsi %while3A_99, %rem3A_119 : i32
      %eq3A_121 = arith.constant 3 : i32
      %eq3A_122 = arith.cmpi eq, %rem3A_120, %eq3A_121 : i32
      %convert_element_type3A_123 = arith.extui %eq3A_122 : i1 to i32
      %cond3A_124 = arith.constant 0 : i32
      %cond3A_125 = arith.cmpi ne, %convert_element_type3A_123, %cond3A_124 : i32
      scf.if %cond3A_125 {
        %add3A_126 = arith.constant 4 : i32
        %add3A_127 = arith.addi %while3A_99, %add3A_126 : i32
        %sub3A = arith.constant 1 : i32
        %sub3A_128 = arith.subi %add3A_127, %sub3A : i32
        %lt3A = arith.cmpi slt, %sub3A_128, %div3A_63 : i32
        %convert_element_type3A_129 = arith.extui %lt3A : i1 to i32
        %cond3A_130 = arith.constant 0 : i32
        %cond3A_131 = arith.cmpi ne, %convert_element_type3A_129, %cond3A_130 : i32
        scf.if %cond3A_131 {
          %dma_wait3A_140 = tpu.memref_slice %arg3[%mul3A_51] : memref<647168xi32, #tpu.memory_space<hbm>> -> memref<128xi32, #tpu.memory_space<hbm>>
          %dma_wait3A_141 = tpu.memref_slice %arg3[%mul3A_51] : memref<647168xi32, #tpu.memory_space<hbm>> -> memref<128xi32, #tpu.memory_space<hbm>>
          tpu.wait_dma2 semaphore(%arg24 : memref<!tpu.dma_semaphore, #tpu.memory_space<semaphore_mem>>) src(%dma_wait3A_141 : memref<128xi32, #tpu.memory_space<hbm>>) dst(%arg10 : memref<128xi32, #tpu.memory_space<vmem>>)
          %dma_wait3A_142 = tpu.memref_slice %arg4[%mul3A_51] : memref<647168xi32, #tpu.memory_space<hbm>> -> memref<128xi32, #tpu.memory_space<hbm>>
          %dma_wait3A_143 = tpu.memref_slice %arg4[%mul3A_51] : memref<647168xi32, #tpu.memory_space<hbm>> -> memref<128xi32, #tpu.memory_space<hbm>>
          tpu.wait_dma2 semaphore(%arg24 : memref<!tpu.dma_semaphore, #tpu.memory_space<semaphore_mem>>) src(%dma_wait3A_143 : memref<128xi32, #tpu.memory_space<hbm>>) dst(%arg14 : memref<128xi32, #tpu.memory_space<vmem>>)
          %dma_start3A = arith.constant 0 : i32
          %dma_start3A_144 = arith.constant 0 : i32
          %dma_start3A_145 = tpu.memref_slice %arg2[%dma_start3A, %dma_start3A_144] : memref<10000x128xf32, #tpu.memory_space<hbm>> -> memref<10000x128xf32, #tpu.memory_space<hbm>>
          tpu.enqueue_indirect_dma source(%dma_start3A_145 : memref<10000x128xf32, #tpu.memory_space<hbm>>) target(%arg18 : memref<128x128xf32, #tpu.memory_space<vmem>>) offsets(%arg10 : memref<128xi32, #tpu.memory_space<vmem>>) semaphore(%arg28 : memref<!tpu.dma_semaphore, #tpu.memory_space<semaphore_mem>>)
        } else {
        }
        %dma_wait3A = arith.constant 0 : i32
        %dma_wait3A_132 = arith.constant 0 : i32
        %dma_wait3A_133 = tpu.memref_slice %arg2[%dma_wait3A, %dma_wait3A_132] : memref<10000x128xf32, #tpu.memory_space<hbm>> -> memref<10000x128xf32, #tpu.memory_space<hbm>>
        tpu.wait_indirect_dma semaphore(%arg29 : memref<!tpu.dma_semaphore, #tpu.memory_space<semaphore_mem>>) src(%dma_wait3A_133 : memref<10000x128xf32, #tpu.memory_space<hbm>>) dst(%arg19 : memref<128x128xf32, #tpu.memory_space<vmem>>)
        "tpu.region"() ({
          %run_scoped3A = tpu.sem_alloc : memref<!tpu.dma_semaphore, #tpu.memory_space<semaphore_mem>>
          %dma_start3A = arith.constant 0 : i32
          %dma_start3A_140 = arith.constant 0 : i32
          %dma_start3A_141 = tpu.memref_slice %arg21[%dma_start3A, %dma_start3A_140] : memref<5632x128xf32, #tpu.memory_space<vmem_shared>> -> memref<5632x128xf32, #tpu.memory_space<vmem_shared>>
          tpu.enqueue_indirect_dma source(%arg19 : memref<128x128xf32, #tpu.memory_space<vmem>>) target(%dma_start3A_141 : memref<5632x128xf32, #tpu.memory_space<vmem_shared>>) offsets(%arg15 : memref<128xi32, #tpu.memory_space<vmem>>) semaphore(%run_scoped3A : memref<!tpu.dma_semaphore, #tpu.memory_space<semaphore_mem>>) {add = true}
          %dma_wait3A_142 = arith.constant 0 : i32
          %dma_wait3A_143 = arith.constant 0 : i32
          %dma_wait3A_144 = tpu.memref_slice %arg21[%dma_wait3A_142, %dma_wait3A_143] : memref<5632x128xf32, #tpu.memory_space<vmem_shared>> -> memref<5632x128xf32, #tpu.memory_space<vmem_shared>>
          tpu.wait_indirect_dma semaphore(%run_scoped3A : memref<!tpu.dma_semaphore, #tpu.memory_space<semaphore_mem>>) src(%arg19 : memref<128x128xf32, #tpu.memory_space<vmem>>) dst(%dma_wait3A_144 : memref<5632x128xf32, #tpu.memory_space<vmem_shared>>)
          tpu.yield
        }) : () -> ()
        %add3A_134 = arith.constant 4 : i32
        %add3A_135 = arith.addi %while3A_99, %add3A_134 : i32
        %lt3A_136 = arith.cmpi slt, %add3A_135, %div3A_63 : i32
        %convert_element_type3A_137 = arith.extui %lt3A_136 : i1 to i32
        %cond3A_138 = arith.constant 0 : i32
        %cond3A_139 = arith.cmpi ne, %convert_element_type3A_137, %cond3A_138 : i32
        scf.if %cond3A_139 {
          %add3A_140 = arith.constant 4 : i32
          %add3A_141 = arith.addi %while3A_99, %add3A_140 : i32
          %mul3A_142 = arith.constant 128 : i32
          %mul3A_143 = arith.muli %add3A_141, %mul3A_142 : i32
          %add3A_144 = arith.addi %mul3A_51, %mul3A_143 : i32
          %dma_start3A = tpu.memref_slice %arg3[%add3A_144] : memref<647168xi32, #tpu.memory_space<hbm>> -> memref<128xi32, #tpu.memory_space<hbm>>
          %dma_start3A_145 = tpu.memref_slice %arg3[%add3A_144] : memref<647168xi32, #tpu.memory_space<hbm>> -> memref<128xi32, #tpu.memory_space<hbm>>
          tpu.enqueue_dma source(%dma_start3A_145 : memref<128xi32, #tpu.memory_space<hbm>>) target(%arg11 : memref<128xi32, #tpu.memory_space<vmem>>) target_semaphore(%arg25 : memref<!tpu.dma_semaphore, #tpu.memory_space<semaphore_mem>>)
          %mul3A_146 = arith.constant 128 : i32
          %mul3A_147 = arith.muli %add3A_141, %mul3A_146 : i32
          %add3A_148 = arith.addi %mul3A_51, %mul3A_147 : i32
          %dma_start3A_149 = tpu.memref_slice %arg4[%add3A_148] : memref<647168xi32, #tpu.memory_space<hbm>> -> memref<128xi32, #tpu.memory_space<hbm>>
          %dma_start3A_150 = tpu.memref_slice %arg4[%add3A_148] : memref<647168xi32, #tpu.memory_space<hbm>> -> memref<128xi32, #tpu.memory_space<hbm>>
          tpu.enqueue_dma source(%dma_start3A_150 : memref<128xi32, #tpu.memory_space<hbm>>) target(%arg15 : memref<128xi32, #tpu.memory_space<vmem>>) target_semaphore(%arg25 : memref<!tpu.dma_semaphore, #tpu.memory_space<semaphore_mem>>)
        } else {
        }
      } else {
      }
    }
    %barrier3A_94 = arith.constant 0 : index
    tpu.barrier barrier_id(%barrier3A_94)
    %mul3A_95 = arith.constant 352 : i32
    %mul3A_96 = arith.muli %arg1, %mul3A_95 : i32
    %mul3A_97 = arith.constant 352 : i32
    %mul3A_98 = arith.muli %arg1, %mul3A_97 : i32
    "tpu.region"() ({
      %run_scoped3A = tpu.sem_alloc : memref<!tpu.dma_semaphore, #tpu.memory_space<semaphore_mem>>
      %dma_start3A = arith.constant 0 : i32
      %dma_start3A_99 = tpu.memref_slice %arg7[%arg0, %mul3A_98, %dma_start3A] : memref<2x5632x128xf32, #tpu.memory_space<hbm>> -> memref<1x352x128xf32, #tpu.memory_space<hbm>>
      %dma_start3A_100 = tpu.memref_squeeze %dma_start3A_99 : memref<1x352x128xf32, #tpu.memory_space<hbm>> -> memref<352x128xf32, #tpu.memory_space<hbm>>
      %dma_start3A_101 = arith.constant 0 : i32
      %dma_start3A_102 = tpu.memref_slice %arg21[%mul3A_96, %dma_start3A_101] : memref<5632x128xf32, #tpu.memory_space<vmem_shared>> -> memref<352x128xf32, #tpu.memory_space<vmem_shared>>
      tpu.enqueue_dma source(%dma_start3A_102 : memref<352x128xf32, #tpu.memory_space<vmem_shared>>) target(%dma_start3A_100 : memref<352x128xf32, #tpu.memory_space<hbm>>) target_semaphore(%run_scoped3A : memref<!tpu.dma_semaphore, #tpu.memory_space<semaphore_mem>>)
      %dma_wait3A = arith.constant 0 : i32
      %dma_wait3A_103 = tpu.memref_slice %arg7[%arg0, %mul3A_98, %dma_wait3A] : memref<2x5632x128xf32, #tpu.memory_space<hbm>> -> memref<1x352x128xf32, #tpu.memory_space<hbm>>
      %dma_wait3A_104 = tpu.memref_squeeze %dma_wait3A_103 : memref<1x352x128xf32, #tpu.memory_space<hbm>> -> memref<352x128xf32, #tpu.memory_space<hbm>>
      %dma_wait3A_105 = arith.constant 0 : i32
      %dma_wait3A_106 = tpu.memref_slice %arg21[%mul3A_96, %dma_wait3A_105] : memref<5632x128xf32, #tpu.memory_space<vmem_shared>> -> memref<352x128xf32, #tpu.memory_space<vmem_shared>>
      tpu.wait_dma2 semaphore(%run_scoped3A : memref<!tpu.dma_semaphore, #tpu.memory_space<semaphore_mem>>) src(%dma_wait3A_106 : memref<352x128xf32, #tpu.memory_space<vmem_shared>>) dst(%dma_wait3A_104 : memref<352x128xf32, #tpu.memory_space<hbm>>)
      tpu.yield
    }) : () -> ()
    return
  }
}

module attributes {stable_mosaic.version = 14 : i64} {
  func.func @_matmul_body(%arg0: i32, %arg1: memref<400x128xf32, #tpu.memory_space<vmem>>, %arg2: memref<128x128xf32, #tpu.memory_space<vmem>>, %arg3: memref<400x2xf32, #tpu.memory_space<vmem>>, %arg4: memref<400x128xf32, #tpu.memory_space<vmem>>) attributes {dimension_semantics = [#tpu.dimension_semantics<arbitrary>], iteration_bounds = array<i64: 25>, scalar_prefetch = 0 : i64, scratch_operands = 0 : i64, tpu.core_type = #tpu.core_type<tc>, window_params = [{transform_indices = @transform_0, window_bounds = array<i64: 400, 128>}, {pipeline_mode = #tpu.pipeline_mode<synchronous>, transform_indices = @transform_1, window_bounds = array<i64: 128, 128>}, {transform_indices = @transform_2, window_bounds = array<i64: 400, 2>}, {transform_indices = @transform_3, window_bounds = array<i64: 400, 128>}]} {
    %get3A = arith.constant 0 : index
    %get3A_0 = arith.constant 0 : index
    %get3A_1 = vector.load %arg3[%get3A, %get3A_0] : memref<400x2xf32, #tpu.memory_space<vmem>>, vector<400x1xf32>
    %get3A_2 = arith.constant 0 : index
    %get3A_3 = arith.constant 1 : index
    %get3A_4 = vector.load %arg3[%get3A_2, %get3A_3] : memref<400x2xf32, #tpu.memory_space<vmem>>, vector<400x1xf32>
    %add3A = arith.addf %get3A_1, %get3A_4 : vector<400x1xf32>
    %add3A_5 = arith.constant 1.000000e+00 : f32
    %add3A_6 = vector.broadcast %add3A_5 : f32 to vector<400x1xf32>
    %add3A_7 = arith.addf %add3A, %add3A_6 : vector<400x1xf32>
    %rsqrt3A = math.rsqrt %add3A_7 : vector<400x1xf32>
    %get3A_8 = arith.constant 0 : index
    %get3A_9 = arith.constant 0 : index
    %get3A_10 = vector.load %arg1[%get3A_8, %get3A_9] : memref<400x128xf32, #tpu.memory_space<vmem>>, vector<400x128xf32>
    %get3A_11 = arith.constant 0 : index
    %get3A_12 = arith.constant 0 : index
    %get3A_13 = vector.load %arg2[%get3A_11, %get3A_12] : memref<128x128xf32, #tpu.memory_space<vmem>>, vector<128x128xf32>
    %dot_general3A = arith.constant dense<0.000000e+00> : vector<400x128xf32>
    %dot_general3A_14 = tpu.matmul %get3A_10, %get3A_13, %dot_general3A {dimension_numbers = #tpu.dot_dimension_numbers<[1], [0], [0], [1], [0, 0, 1, 1], [], []>, transpose_lhs_hint = false} : vector<400x128xf32>, vector<128x128xf32>, vector<400x128xf32> -> vector<400x128xf32>
    %mul3A = vector.broadcast %rsqrt3A : vector<400x1xf32> to vector<400x128xf32>
    %mul3A_15 = arith.mulf %dot_general3A_14, %mul3A : vector<400x128xf32>
    %swap3A = arith.constant 0 : index
    %swap3A_16 = arith.constant 0 : index
    %swap3A_17 = vector.load %arg4[%swap3A, %swap3A_16] : memref<400x128xf32, #tpu.memory_space<vmem>>, vector<400x128xf32>
    tpu.vector_store %arg4[%swap3A, %swap3A_16], %mul3A_15 {strides = array<i32>} : memref<400x128xf32, #tpu.memory_space<vmem>>, vector<400x128xf32>,
    return
  }
  func.func @transform_0(%arg0: i32) -> (i32, i32) {
    %c0_i32 = arith.constant 0 : i32
    %c0_i32_0 = arith.constant 0 : i32
    return %arg0, %c0_i32 : i32, i32
  }
  func.func @transform_1(%arg0: i32) -> (i32, i32) {
    %c0_i32 = arith.constant 0 : i32
    %c0_i32_0 = arith.constant 0 : i32
    %c0_i32_1 = arith.constant 0 : i32
    return %c0_i32, %c0_i32_0 : i32, i32
  }
  func.func @transform_2(%arg0: i32) -> (i32, i32) {
    %c0_i32 = arith.constant 0 : i32
    %c0_i32_0 = arith.constant 0 : i32
    return %arg0, %c0_i32 : i32, i32
  }
  func.func @transform_3(%arg0: i32) -> (i32, i32) {
    %c0_i32 = arith.constant 0 : i32
    %c0_i32_0 = arith.constant 0 : i32
    return %arg0, %c0_i32 : i32, i32
  }
}

module attributes {stable_mosaic.version = 14 : i64} {
  func.func @_finalize_body(%arg0: i32, %arg1: memref<1x200x128xf32, #tpu.memory_space<vmem>>, %arg2: memref<200x128xf32, #tpu.memory_space<vmem>>, %arg3: memref<200x2xf32, #tpu.memory_space<vmem>>, %arg4: memref<1x128xf32, #tpu.memory_space<vmem>>, %arg5: memref<200x128xf32, #tpu.memory_space<vmem>>) attributes {dimension_semantics = [#tpu.dimension_semantics<arbitrary>], iteration_bounds = array<i64: 50>, scalar_prefetch = 0 : i64, scratch_operands = 0 : i64, tpu.core_type = #tpu.core_type<tc>, window_params = [{transform_indices = @transform_0, window_bounds = array<i64: 1, 200, 128>}, {transform_indices = @transform_1, window_bounds = array<i64: 200, 128>}, {transform_indices = @transform_2, window_bounds = array<i64: 200, 2>}, {pipeline_mode = #tpu.pipeline_mode<synchronous>, transform_indices = @transform_3, window_bounds = array<i64: 1, 128>}, {transform_indices = @transform_4, window_bounds = array<i64: 200, 128>}]} {
    %get3A = arith.constant 0 : index
    %get3A_0 = arith.constant 0 : index
    %get3A_1 = vector.load %arg3[%get3A, %get3A_0] : memref<200x2xf32, #tpu.memory_space<vmem>>, vector<200x1xf32>
    %get3A_2 = arith.constant 0 : index
    %get3A_3 = arith.constant 1 : index
    %get3A_4 = vector.load %arg3[%get3A_2, %get3A_3] : memref<200x2xf32, #tpu.memory_space<vmem>>, vector<200x1xf32>
    %add3A = arith.addf %get3A_1, %get3A_4 : vector<200x1xf32>
    %add3A_5 = arith.constant 1.000000e+00 : f32
    %add3A_6 = vector.broadcast %add3A_5 : f32 to vector<200x1xf32>
    %add3A_7 = arith.addf %add3A, %add3A_6 : vector<200x1xf32>
    %rsqrt3A = math.rsqrt %add3A_7 : vector<200x1xf32>
    %get3A_8 = arith.constant 0 : index
    %get3A_9 = arith.constant 0 : index
    %get3A_10 = arith.constant 0 : index
    %get3A_11 = vector.load %arg1[%get3A_8, %get3A_9, %get3A_10] : memref<1x200x128xf32, #tpu.memory_space<vmem>>, vector<1x200x128xf32>
    %get3A_12 = vector.shape_cast %get3A_11 : vector<1x200x128xf32> to vector<200x128xf32>
    %get3A_13 = arith.constant 0 : index
    %get3A_14 = arith.constant 0 : index
    %get3A_15 = vector.load %arg2[%get3A_13, %get3A_14] : memref<200x128xf32, #tpu.memory_space<vmem>>, vector<200x128xf32>
    %add3A_16 = arith.addf %get3A_12, %get3A_15 : vector<200x128xf32>
    %mul3A = vector.broadcast %rsqrt3A : vector<200x1xf32> to vector<200x128xf32>
    %mul3A_17 = arith.mulf %add3A_16, %mul3A : vector<200x128xf32>
    %get3A_18 = arith.constant 0 : index
    %get3A_19 = arith.constant 0 : index
    %get3A_20 = vector.load %arg4[%get3A_18, %get3A_19] : memref<1x128xf32, #tpu.memory_space<vmem>>, vector<1x128xf32>
    %add3A_21 = vector.broadcast %get3A_20 : vector<1x128xf32> to vector<200x128xf32>
    %add3A_22 = arith.addf %mul3A_17, %add3A_21 : vector<200x128xf32>
    %swap3A = arith.constant 0 : index
    %swap3A_23 = arith.constant 0 : index
    %swap3A_24 = vector.load %arg5[%swap3A, %swap3A_23] : memref<200x128xf32, #tpu.memory_space<vmem>>, vector<200x128xf32>
    tpu.vector_store %arg5[%swap3A, %swap3A_23], %add3A_22 {strides = array<i32>} : memref<200x128xf32, #tpu.memory_space<vmem>>, vector<200x128xf32>,
    return
  }
  func.func @transform_0(%arg0: i32) -> (i32, i32, i32) {
    %jit3A = arith.constant 25 : i32
    %div3A = arith.divsi %arg0, %jit3A : i32
    %sign3A = arith.constant 0 : i32
    %sign3A_0 = arith.cmpi sgt, %arg0, %sign3A : i32
    %sign3A_1 = arith.extui %sign3A_0 : i1 to i32
    %sign3A_2 = arith.constant 0 : i32
    %sign3A_3 = arith.cmpi slt, %arg0, %sign3A_2 : i32
    %sign3A_4 = arith.extui %sign3A_3 : i1 to i32
    %sign3A_5 = arith.subi %sign3A_1, %sign3A_4 : i32
    %sign3A_6 = arith.constant 0 : i32
    %sign3A_7 = arith.cmpi sgt, %jit3A, %sign3A_6 : i32
    %sign3A_8 = arith.extui %sign3A_7 : i1 to i32
    %sign3A_9 = arith.constant 0 : i32
    %sign3A_10 = arith.cmpi slt, %jit3A, %sign3A_9 : i32
    %sign3A_11 = arith.extui %sign3A_10 : i1 to i32
    %sign3A_12 = arith.subi %sign3A_8, %sign3A_11 : i32
    %ne3A = arith.cmpi ne, %sign3A_5, %sign3A_12 : i32
    %rem3A = arith.remsi %arg0, %jit3A : i32
    %ne3A_13 = arith.constant 0 : i32
    %ne3A_14 = arith.cmpi ne, %rem3A, %ne3A_13 : i32
    %and3A = arith.andi %ne3A, %ne3A_14 : i1
    %sub3A = arith.constant 1 : i32
    %sub3A_15 = arith.subi %div3A, %sub3A : i32
    %select_n3A = arith.select %and3A, %sub3A_15, %div3A : i32
    %jit3A_16 = arith.constant 25 : i32
    %eq3A = arith.constant 0 : i32
    %eq3A_17 = arith.cmpi eq, %jit3A_16, %eq3A : i32
    %jit3A_18 = arith.constant 1 : i32
    %select_n3A_19 = arith.select %eq3A_17, %jit3A_18, %jit3A_16 : i32
    %rem3A_20 = arith.remsi %arg0, %select_n3A_19 : i32
    %ne3A_21 = arith.constant 0 : i32
    %ne3A_22 = arith.cmpi ne, %rem3A_20, %ne3A_21 : i32
    %lt3A = arith.constant 0 : i32
    %lt3A_23 = arith.cmpi slt, %rem3A_20, %lt3A : i32
    %lt3A_24 = arith.constant 0 : i32
    %lt3A_25 = arith.cmpi slt, %select_n3A_19, %lt3A_24 : i32
    %ne3A_26 = arith.xori %lt3A_23, %lt3A_25 : i1
    %and3A_27 = arith.andi %ne3A_26, %ne3A_22 : i1
    %add3A = arith.addi %rem3A_20, %select_n3A_19 : i32
    %select_n3A_28 = arith.select %and3A_27, %add3A, %rem3A_20 : i32
    %c0_i32 = arith.constant 0 : i32
    %c0_i32_29 = arith.constant 0 : i32
    return %select_n3A, %select_n3A_28, %c0_i32 : i32, i32, i32
  }
  func.func @transform_1(%arg0: i32) -> (i32, i32) {
    %c0_i32 = arith.constant 0 : i32
    %c0_i32_0 = arith.constant 0 : i32
    return %arg0, %c0_i32 : i32, i32
  }
  func.func @transform_2(%arg0: i32) -> (i32, i32) {
    %c0_i32 = arith.constant 0 : i32
    %c0_i32_0 = arith.constant 0 : i32
    return %arg0, %c0_i32 : i32, i32
  }
  func.func @transform_3(%arg0: i32) -> (i32, i32) {
    %c0_i32 = arith.constant 0 : i32
    %c0_i32_0 = arith.constant 0 : i32
    %c0_i32_1 = arith.constant 0 : i32
    return %c0_i32, %c0_i32_0 : i32, i32
  }
  func.func @transform_4(%arg0: i32) -> (i32, i32) {
    %c0_i32 = arith.constant 0 : i32
    %c0_i32_0 = arith.constant 0 : i32
    return %arg0, %c0_i32 : i32, i32
  }
}

</mosaic_0001>

<sc_bundles>
// kernel: kernel.6.cloned.1.call-start
scs
__scs_entry_jumppad:
0x0: {  	(pc) =	sbr.rel $0x88, $3  }
0x1: {  	(tag) =	ssettag $0x0;
	lr =	simm.s32 $0x1  }
0x2: {  	[smem:$0x3F9D] =	sst lr;
	_ =	strace $0xD0000000  }
0x3: {  	_ = 	snop  }
0x4: {  	_ = 	snop  }
0x5: {  	_ = 	snop  }
0x6: {  	_ = 	snop  }
0x7: {  	_ = 	snop  }
__scs_overlays_trampoline_lowered:
0x8: {  	[smem:$0x3FAC] =	sst s0  }
0x9: {  	[smem:$0x3FAD] =	sst s1  }
0xa: {  	[smem:$0x3FAE] =	sst s2  }
0xb: {  	[smem:$0x3FAF] =	sst s3  }
0xc: {  	[smem:$0x3FB0] =	sst s4  }
0xd: {  	[smem:$0x3FB1] =	sst s5  }
0xe: {  	[smem:$0x3FB2] =	sst s6  }
0xf: {  	[smem:$0x3FB3] =	sst s7  }
0x10: {  	[smem:$0x3FB4] =	sst s8  }
0x11: {  	[smem:$0x3FB5] =	sst s9;
	s0 =	simm.s32 @!p0 $0x0  }
0x12: {  	s1 =	sld [smem:$0x3F9B];
	s0 =	simm.s32 @p0 $0x1  }
0x13: {  	[smem:$0x3FB6] =	sst s0;
	s0 =	simm.s32 @!p1 $0x0  }
0x14: {  	s2 =	sld [smem:$0x3F9A];
	s0 =	simm.s32 @p1 $0x1  }
0x15: {  	[smem:$0x3FB7] =	sst s0;
	s0 =	simm.s32 @!p2 $0x0  }
0x16: {  	s3 =	sld [smem:$0x3FDB];
	s0 =	simm.s32 @p2 $0x1  }
0x17: {  	s4 =	simm.s32 $0x1BF5;
	[smem:$0x3FB9] =	sst s0  }
0x18: {  	s0 =	sld [smem:$0x3F9C];
	_ =	swait.ge [sflag:s4], $0x0  }
0x19: {  	s7 =	sld [smem:$0x3F9D]  }
0x1a: {  	s8 =	sadd.s32 $0xFFFFE003, lr  }
0x1b: {  	s9 =	sadd.s32 $0xFFFFFEF7, lr;
	s5 =	simm.s32 $0xFFFFFFFF;
	p2 =	slt.u32 s8, $0xFFFFF086  }
0x1c: {  	p1 =	slt.u32 s9, $0xF7A;
	s5 =	simm.s32 @!p2 $0x0  }
0x1d: {  	s5 =	simm.s32 @p1 $0x1;
	p0 =	seq.s32 s7, s2  }
0x1e: {  	s7 =	smul.u32 @!p0 $0xF7A, s2;
	p2 =	seq.s32 @!p0 s5, $0x0  }
0x1f: {  	s9 =	smul.u32 $0xF7A, s1;
	s8 =	simm.s32 @!p0 $0x1BF5;
	p2 =	por !p2, p0  }
0x20: {  	[sflag:s8] =	ssyncset.s32 @!p0 $0xFFFFF086;
	s6 =	sadd.s32 @!p0 s3, s7;
	s7 =	simm.s32 @!p0 $0x108  }
0x21: {  	s3 =	sadd.s32 s3, s9;
	s6 =	sadd.s32 @!p0 $0x88, s6;
	s7 =	simm.s32 @p2 $0x1082  }
0x22: {  	[simem:s7], [sflag:s8] =	dma.local @!p0 [hbm:s6], $0xF7A  }
0x23: {  	s9 =	sor.u32 $0xD0000000, s2;
	s6 =	simm.s32 $0x108;
	_ =	swait.ge @!p0 [sflag:s8], $0x0  }
0x24: {  	s3 =	sadd.s32 $0x88, s3;
	s6 =	simm.s32 @!p1 $0x1082;
	[sflag:s4] =	ssyncset.s32 $0xFFFFF086  }
0x25: {  	[simem:s6], [sflag:s4] =	dma.local [hbm:s3], $0xF7A  }
0x26: {  	[smem:$0x3F9D] =	sst s1;
	(tag) =	ssettag s2;
	_ =	strace s9  }
0x27: {  	s1 =	sld [smem:$0x3FAD]  }
0x28: {  	s2 =	sld [smem:$0x3FAE]  }
0x29: {  	s4 =	sld [smem:$0x3FB0]  }
0x2a: {  	p0 =	seq.s32 s5, $0x0;
	s5 =	sld [smem:$0x3FB1]  }
0x2b: {  	s6 =	sld [smem:$0x3FB2]  }
0x2c: {  	s7 =	sld [smem:$0x3FB3]  }
0x2d: {  	s3 =	simm.s32 $0x108;
	s8 =	sld [smem:$0x3FB4]  }
0x2e: {  	s3 =	simm.s32 @!p0 $0x1082;
	s9 =	sld [smem:$0x3FB5]  }
0x2f: {  	lr =	sadd.s32 s0, s3;
	s0 =	sld [smem:$0x3FAC]  }
0x30: {  	s3 =	sld [smem:$0x3FAF]  }
0x31: {  	[smem:$0x3FB8] =	sst s10  }
0x32: {  	s10 =	sld [smem:$0x3FB6];
	_ =	sdelay $0x3  }
0x33: {  	p0 =	seq.s32 s10, $0x1;
	s10 =	sld [smem:$0x3FB8];
	_ =	sdelay $0x3  }
0x34: {  	[smem:$0x3FB8] =	sst s10  }
0x35: {  	s10 =	sld [smem:$0x3FB7];
	_ =	sdelay $0x3  }
0x36: {  	p1 =	seq.s32 s10, $0x1;
	s10 =	sld [smem:$0x3FB8];
	_ =	sdelay $0x3  }
0x37: {  	[smem:$0x3FB8] =	sst s10  }
0x38: {  	s10 =	sld [smem:$0x3FB9]  }
0x39: {  	_ = 	snop;
	(pc) =	sbr.ind lr, $3  }
0x3a: {  	_ = 	snop  }
0x3b: {  	_ = 	snop  }
0x3c: {  	p2 =	seq.s32 s10, $0x1;
	s10 =	sld [smem:$0x3FB8]  }
0x3d: {  	_ =	shalt  }
0x3e: {  	_ =	shalt  }
0x3f: {  	_ =	shalt  }
0x40: {  	_ =	shalt  }
0x41: {  	_ =	shalt  }
0x42: {  	_ =	shalt  }
0x43: {  	_ =	shalt  }
0x44: {  	_ =	shalt  }
0x45: {  	_ =	shalt  }
0x46: {  	_ =	shalt  }
0x47: {  	_ =	shalt  }
0x48: {  	_ =	shalt  }
0x49: {  	_ =	shalt  }
0x4a: {  	_ =	shalt  }
0x4b: {  	_ =	shalt  }
0x4c: {  	_ =	shalt  }
0x4d: {  	_ =	shalt  }
0x4e: {  	_ =	shalt  }
0x4f: {  	_ =	shalt  }
0x50: {  	_ =	shalt  }
0x51: {  	_ =	shalt  }
0x52: {  	_ =	shalt  }
0x53: {  	_ =	shalt  }
0x54: {  	_ =	shalt  }
0x55: {  	_ =	shalt  }
0x56: {  	_ =	shalt  }
0x57: {  	_ =	shalt  }
0x58: {  	_ =	shalt  }
0x59: {  	_ =	shalt  }
0x5a: {  	_ =	shalt  }
0x5b: {  	_ =	shalt  }
0x5c: {  	_ =	shalt  }
0x5d: {  	_ =	shalt  }
0x5e: {  	_ =	shalt  }
0x5f: {  	_ =	shalt  }
0x60: {  	_ =	shalt  }
0x61: {  	_ =	shalt  }
0x62: {  	_ =	shalt  }
0x63: {  	_ =	shalt  }
0x64: {  	_ =	shalt  }
0x65: {  	_ =	shalt  }
0x66: {  	_ =	shalt  }
0x67: {  	_ =	shalt  }
0x68: {  	_ =	shalt  }
0x69: {  	_ =	shalt  }
0x6a: {  	_ =	shalt  }
0x6b: {  	_ =	shalt  }
0x6c: {  	_ =	shalt  }
0x6d: {  	_ =	shalt  }
0x6e: {  	_ =	shalt  }
0x6f: {  	_ =	shalt  }
0x70: {  	_ =	shalt  }
0x71: {  	_ =	shalt  }
0x72: {  	_ =	shalt  }
0x73: {  	_ =	shalt  }
0x74: {  	_ =	shalt  }
0x75: {  	_ =	shalt  }
0x76: {  	_ =	shalt  }
0x77: {  	_ =	shalt  }
0x78: {  	_ =	shalt  }
0x79: {  	_ =	shalt  }
0x7a: {  	_ =	shalt  }
0x7b: {  	_ =	shalt  }
0x7c: {  	_ =	shalt  }
0x7d: {  	_ =	shalt  }
0x7e: {  	_ =	shalt  }
0x7f: {  	_ =	shalt  }
0x80: {  	_ =	shalt  }
0x81: {  	_ =	shalt  }
0x82: {  	_ =	shalt  }
0x83: {  	_ =	shalt  }
0x84: {  	_ =	shalt  }
0x85: {  	_ =	shalt  }
0x86: {  	_ =	shalt  }
0x87: {  	_ =	shalt  }
.Lfunc_end0:
.L_simem_size_0:
called_computation_lowered:
.L_overlay_start_0:
0x88: {  	s2 =	sld [smem:$0x3FD9]  }
0x89: {  	s3 =	sld [smem:$0x3FFE];
	_ =	sdelay $0x1  }
0x8a: {  	s1 =	srdreg.scid  }
0x8b: {  	s0 =	sand.u32 $0x1, s1  }
0x8c: {  	s17 =	sshll.u32 s0, $0xA;
	s2 =	sadd.s32 s3, s2  }
0x8d: {  	s2 =	sadd.s32 s2, s17  }
0x8e: {  	[smem:$0x3FC4] =	sst s2  }
0x8f: {  	_ = 	snop  }
0x90: {  	s2 =	sld [smem:$0x3FD0];
	(tm) =	ssettm $0x1  }
0x91: {  	s18 =	sld [smem:$0x3FFB];
	_ =	sdelay $0x3  }
0x92: {  	_ =	strace s18  }
0x93: {  	s3 =	sld [smem:$0x3FFC];
	_ =	sdelay $0x3  }
0x94: {  	_ =	strace s3  }
0x95: {  	s3 =	sld [smem:$0x3FFD];
	_ =	sdelay $0x3  }
0x96: {  	_ =	strace s3  }
0x97: {  	_ =	strace $0x8FFFFFFF  }
0x98: {  	s19 =	sld [smem:$0x3FDB];
	_ =	sdelay $0x1  }
0x99: {  	s4 =	simm.s32 $_scs_section_size  }
0x9a: {  	s5 =	simm.s32 $_size__tile_overlayer_lowered;
	s6 =	simm.s32 $_tile_overlayer_lowered  }
0x9b: {  	s22 =	simm.s32 $0x1BFF;
	s21 =	sshll.u32 s6, $0x1;
	s3 =	sadd.s32 s4, s19  }
0x9c: {  	s7 =	simm.s32 $0x0;
	s20 =	sshll.u32 s5, $0x1;
	s5 =	sadd.s32 s21, s3  }
0x9d: {  	[timem:s7], [sflag:s22] =	dma.local [hbm:s5], s20  }
0x9e: {  	_ =	swait.ge [sflag:s22], s20  }
0x9f: {  	s4 =	ssub.s32 $0x0, s20;
	[sflag:s22] =	ssyncset.done $0x0  }
0xa0: {  	[sflag:s22] =	ssyncadd.s32 s4;
	_ =	sdelay $0x1  }
0xa1: {  	s23 =	simm.s32 $0x1B8B  }
0xa2: {  	_ =	swait.ge [sflag:s23], $0x1  }
0xa3: {  	[sflag:s23] =	ssyncset.done $0x0  }
0xa4: {  	s25 =	simm.s32 $0x1B8E;
	s24 =	sld [smem:$0x3FFE];
	[sflag:s23] =	ssyncadd.s32 $0xFFFFFFFF  }
0xa5: {  	s26 =	simm.s32 $execute0_lowered;
	[smem:$0x3FD2] =	sst s25  }
0xa6: {  	s5 =	sshll.u32 s26, $0x1;
	_ =	strace $0x80000046;
	[dreg:$0x1] =	wrdreg $0xFFFFFFFF  }
0xa7: {  	s28 =	simm.s32 $_size_execute0_lowered;
	s3 =	sadd.s32 s3, s5;
	[dreg:$0x0] =	wrdreg $0x0  }
0xa8: {  	s5 =	sshll.u32 s28, $0x1;
	[dreg:$0x2] =	wrdreg s3  }
0xa9: {  	[dreg:$0x3] =	wrdreg s5  }
0xaa: {  	[dreg:$0x4] =	wrdreg $0xC0  }
0xab: {  	_ =	task [dreg:s7], $0x5FFFF  }
0xac: {  	[dreg:$0x1] =	wrdreg $0xFFFFFFFF  }
0xad: {  	[dreg:$0x0] =	wrdreg $0x60  }
0xae: {  	[dreg:$0x2] =	wrdreg s24  }
0xaf: {  	[dreg:$0x3] =	wrdreg s2  }
0xb0: {  	[dreg:$0x4] =	wrdreg $0x118000  }
0xb1: {  	[dreg:$0x5] =	wrdreg $0x9  }
0xb2: {  	_ =	task.clear_ibuf [dreg:s7], $0x6FFFF;
	_ =	strace $0x90000046  }
0xb3: {  	s29 =	simm.s32 $0x9;
	_ =	strace $0x80000048  }
0xb4: {  	_ =	swait.ge [sflag:s29], $0x1  }
0xb5: {  	[sflag:s29] =	ssyncadd.s32 $0xFFFFFFFF  }
0xb6: {  	_ =	strace $0x90000048  }
0xb7: {  	_ =	sfence  }
0xb8: {  	s30 =	sld [smem:$0x0];
	_ =	sdelay $0x2  }
0xb9: {  	s31 =	sshll.u32 s1, $0xD;
	s1 =	sshrl.u32 s1, $0x2  }
0xba: {  	s3 =	sand.u32 $0x4000, s31;
	s1 =	sadd.s32 s1, s30  }
0xbb: {  	s0 =	sor.u32 s3, s0;
	s1 =	sshll.u32 s1, $0x11  }
0xbc: {  	s0 =	sor.u32 s1, s0  }
0xbd: {  	s0 =	sadd.s32 $0x8F2B, s0  }
0xbe: {  	[sflag:s0] =	ssyncadd.remote.s32 $0x1  }
0xbf: {  	_ =	sfence.sel $0xFFFF  }
0xc0: {  	[dreg:$0x0] =	wrdreg $0xFFFFFFFF;
	(pc) =	sbr.abs _section_cstart, $3  }
0xc1: {  	[dreg:$0x1] =	wrdreg $0xFFFFFFFF  }
0xc2: {  	_ =	task.clear_ibuf [dreg:s7], $0x2FFFF;
	_ =	strace $0x9FFFFFFF  }
0xc3: {  	(tm) =	ssettm $0x7FFFFFFF  }
tec
execute0_lowered:
.L_overlay_start_1:
0x0: {  	(tag) =	ssettag $0x1  }
0x1: {  	s0 =	rddreg [dreg:$0x0]  }
0x2: {  	s1 =	rddreg [dreg:$0x1];
	s2 =	srdreg.scid  }
0x3: {  	s13 =	stileid.u32;
	s5 =	rddreg [dreg:$0x2];
	s31 =	simm.s32 $0x1  }
0x4: {  	s3 =	sand.u32 $0x1, s2;
	s14 =	sshll.u32 s13, $0x1;
	s4 =	smul.u32 $0x280, s13  }
0x5: {  	s2 =	simm.s32 $0x0;
	s10 =	sadd.s32 $0xC400, s0;
	s13 =	smul.u32 $0xA000, s13  }
0x6: {  	s11 =	sadd.s32 $0x20000, s0;
	s6 =	sor.u32 s3, s14;
	s7 =	smul.u32 $0x2800, s3  }
0x7: {  	[smem:$0x7FF] =	sst s2;
	s3 =	ssub.s32 $0x2, s3;
	s8 =	smul.u32 $0x4E2, s6  }
0x8: {  	_ =	strace $0x80000047;
	s12 =	sshrl.u32 s3, $0x1;
	s15 =	sshrl.u32 s13, $0x2  }
0x9: {  	s16 =	smul.u32 $0x4F0, s6;
	s17 =	sor.u32 $0x20, s6;
	s6 =	sshll.u32 s6, $0x1  }
0xa: {  	s7 =	sadd.s32 s4, s7;
	s3 =	ssub.s32 s3, s12;
	s18 =	sadd.s32 s15, s5  }
0xb: {  	s19 =	smul.u32 $0x4F0, s17;
	s23 =	sshll.u32 s17, $0x1;
	s12 =	sadd.s32 s4, s5  }
0xc: {  	s4 =	simm.s32 $0xC600;
	s5 =	simm.s32 $0xED80;
	s9 =	sadd.s32 s8, s0  }
0xd: {  	s7 =	sshrl.u32 s7, $0x3;
	s1 =	sadd.s32 s1, s8;
	[dreg:$0x6] =	wrdreg s18  }
0xe: {  	s20 =	sadd.s32 s10, s16;
	s21 =	sadd.s32 s11, s16;
	s24 =	sadd.s32 $0x2800, s12  }
0xf: {  	s25 =	sadd.s32 $0x5000, s12;
	s26 =	sadd.s32 $0x7800, s12;
	s16 =	sadd.s32 $0xA000, s12  }
0x10: {  	s17 =	sadd.s32 $0xC800, s12;
	s18 =	sadd.s32 $0xF000, s12;
	[dreg:$0x5] =	wrdreg s1  }
0x11: {  	s28 =	sadd.s32 $0x20800, s12;
	s29 =	sadd.s32 $0x23000, s12;
	[dreg:$0x7] =	wrdreg s20  }
0x12: {  	s30 =	sadd.s32 $0x25800, s12;
	s7 =	sadd.s32 s7, s0;
	[dreg:$0x8] =	wrdreg s21  }
0x13: {  	s0 =	sadd.s32 $0x33C00, s0;
	s9 =	sadd.s32 $0x1C00, s9;
	[dreg:$0xd] =	wrdreg s24  }
0x14: {  	s22 =	sadd.s32 s10, s19;
	s1 =	sadd.s32 s11, s19;
	[dreg:$0xe] =	wrdreg s25  }
0x15: {  	[dreg:$0xf] =	wrdreg s26;
	s19 =	sadd.s32 $0x11800, s12;
	s20 =	sadd.s32 $0x14000, s12  }
0x16: {  	s21 =	sadd.s32 $0x16800, s12;
	s25 =	smax.u32 s3, $0x1;
	[dreg:$0x4] =	wrdreg s9  }
0x17: {  	s26 =	sadd.s32 $0x1E000, s12;
	s3 =	simm.s32 $0x9E80;
	[dreg:$0xa] =	wrdreg s22  }
0x18: {  	s6 =	sadd.s32 s0, s6;
	[dreg:$0xb] =	wrdreg s1;
	s0 =	sadd.s32 s0, s23  }
0x19: {  	s22 =	sadd.s32 $0x19000, s12;
	s23 =	sadd.s32 $0x1B800, s12;
	s24 =	sadd.s32 $0xBA00, s7  }
0x1a: {  	v0 =	vimm.f32 $0.0e+00;
	s1 =	simm.s32 $0x7700;
	s7 =	simm.s32 $0x0;
	[dreg:$0x9] =	wrdreg s6  }
0x1b: {  	v1 =	vimm.f32 $1.000000000e+00;
	v2 =	vimm.s32 $0x0;
	v3 =	vlaneseq.u32;
	[dreg:$0xc] =	wrdreg s0;
	s0 =	simm.s32 $0x4F00;
	s6 =	simm.s32 $0x11500  }
.LBB2_1:
0x1c: {  	s8 =	rddreg [dreg:$0x4]  }
0x1d: {  	[tilespmem:s2], [sflag:$0x1] =	stream.linear.gather [hbm4b:s8+s2], $0x2710, $0x38;
	[tilespmem:$0x14000] =	vst v63  }
0x1e: {  	_ =	swait.ge [sflag:s31], $0x2710  }
0x1f: {  	[sflag:s31] =	ssyncset.done $0x0  }
0x20: {  	s9 =	simm.s32 $0x2780;
	s15 =	rddreg [dreg:$0x5];
	[sflag:s31] =	ssyncadd.s32 $0xFFFFD8F0  }
0x21: {  	[tilespmem:s9], [sflag:$0x1] =	stream.linear.gather [hbm4b:s15+s2], $0x2710, $0x38;
	[tilespmem:$0x14000] =	vst v63  }
0x22: {  	_ =	swait.ge [sflag:s31], $0x2710  }
0x23: {  	[sflag:s31] =	ssyncset.done $0x0  }
0x24: {  	s8 =	simm.s32 $0x0;
	[sflag:s31] =	ssyncadd.s32 $0xFFFFD8F0  }
.LBB2_2:
0x25: {  	p0 =	sne.s32 s8, $0x9FC0  }
.Ltmp0:
0x26: {  	_ = 	snop;
	(pc) =	sbr.rel @p0 .LBB2_2-.Ltmp0, $3  }
0x27: {  	_ =	sdelay $0x1  }
0x28: {  	s9 =	sshra.s32 s8, $0x2  }
0x29: {  	s8 =	sadd.s32 $0x40, s8;
	[tilespmem:s9+$0x4F00] =	vst v0  }
0x2a: {  	s9 =	simm.s32 $0x0;
	s8 =	simm.s32 $0x40  }
.LBB2_4:
0x2b: {  	p0 =	sne.s32 s8, $0x9C00;
	v4 =	vld [tilespmem:s9+$0x2780];
	_ =	sdelay $0x3  }
.Ltmp1:
0x2c: {  	(pc) =	sbr.rel @p0 .LBB2_4-.Ltmp1, $2  }
0x2d: {  	_ =	sdelay $0x2  }
0x2e: {  	s9 =	sshra.s32 s8, $0x2;
	s8 =	sadd.s32 $0x40, s8;
	[tilespmem:v4+s0+$0x0] =	vst.idx.add.f32.msk $0xffff, v1  }
0x2f: {  	v4 =	vld [tilespmem:s9+$0x2780];
	_ =	sdelay $0x7  }
0x30: {  	s8 =	rddreg [dreg:$0x6];
	[tilespmem:v4+s0+$0x0] =	vst.idx.add.f32.msk $0xffff, v1  }
0x31: {  	[spmem:s8] =	stream.linear.scatter [tilespmem:s0], [sflag:$0x1], $0x2800, $0x38;
	[tilespmem:$0x14000] =	vst v63  }
0x32: {  	_ =	swait.ge [sflag:s31], $0x2800  }
0x33: {  	[sflag:s31] =	ssyncset.done $0x0  }
0x34: {  	s15 =	simm.s32 $0x0;
	[sflag:s31] =	ssyncadd.s32 $0xFFFFD800  }
0x35: {  	v4 =	vld [tilespmem:s15+$0x2780];
	_ =	sdelay $0x4  }
0x36: {  	vm0 =	vlt.s32 v4, $0x1388  }
0x37: {  	v5 =	vsel vm0, $0x1, v2  }
0x38: {  	vm1 =	vge.s32 v4, $0x1388;
	(xrf0) =	vadd.scan.msk.s32 $0xffff, v5  }
0x39: {  	v5 =	vsel vm1, $0x1, v2  }
0x3a: {  	s8 =	simm.s32 $0x0;
	(xrf0) =	vadd.scan.msk.s32 $0xffff, v5  }
0x3b: {  	v5 =	vmov s8  }
0x3c: {  	v5 =	vadd.s32 $0xFFFFFFFF, v5  }
0x3d: {  	v5 =	vbroadcast v5, $0x0  }
0x3e: {  	v6, _, _ =	vpop (xrf0)  }
0x3f: {  	v7 =	vld [tilespmem:s15+$0x0];
	v8 =	vadd.s32 v6, v5;
	(v2sf) =	vpush v6, $0xF  }
0x40: {  	v6, _, _ =	vpop (xrf0)  }
0x41: {  	v5 =	vadd.s32 v6, v5;
	(v2sf) =	vpush v6, $0xF;
	_ =	sdelay $0x2  }
0x42: {  	[tilespmem:v8+s1+$0x0] =	vst.idx.msk vm0, v7  }
0x43: {  	[tilespmem:v8+s3+$0x0] =	vst.idx.msk vm0, v4  }
0x44: {  	v4 =	vadd.s32 $0xFFFFEC78, v4;
	[tilespmem:v5+s4+$0x0] =	vst.idx.msk vm1, v7  }
0x45: {  	s10 =	simm.s32 $0x10;
	[tilespmem:v5+s5+$0x0] =	vst.idx.msk vm1, v4  }
0x46: {  	v4 =	vld [tilespmem:s10+$0x2780];
	_ =	sdelay $0x4  }
0x47: {  	vm0 =	vge.s32 v4, $0x1388;
	vm1 =	vlt.s32 v4, $0x1388  }
0x48: {  	s11 =	simm.s32 $0x80;
	s9 =	simm.s32 $0x0;
	v6 =	vsel vm1, $0x1, v2;
	v5 =	vsel vm0, $0x1, v2;
	s13 =	spop (v2sf)  }
.LBB2_6:
0x49: {  	s8 =	sadd.s32 s8, s13  }
0x4a: {  	(xrf0) =	vadd.scan.msk.s32 $0xffff, v6;
	s13 =	spop (v2sf);
	s14 =	smov.u32 s11;
	s15 =	sadd.s32 $0x40, s11  }
0x4b: {  	p0 =	sne.s32 s11, $0x9C00;
	v6 =	vmov s8;
	(xrf0) =	vadd.scan.msk.s32 $0xffff, v5;
	s9 =	sadd.s32 s9, s13  }
0x4c: {  	v5 =	vadd.s32 $0xFFFFFFFF, v6;
	v6 =	vmov s9  }
0x4d: {  	v6 =	vadd.s32 $0xFFFFFFFF, v6;
	_ =	sdelay $0x1  }
0x4e: {  	v5 =	vbroadcast v5, $0x0  }
0x4f: {  	v7, _, _ =	vpop (xrf0)  }
0x50: {  	v6 =	vbroadcast v6, $0x0;
	v8 =	vld [tilespmem:s10+$0x0];
	v5 =	vadd.s32 v7, v5;
	v9, _, _ =	vpop (xrf0);
	(v2sf) =	vpush v7, $0xF  }
0x51: {  	(v2sf) =	vpush v9, $0xF  }
0x52: {  	v6 =	vadd.s32 v9, v6;
	_ =	sdelay $0x2  }
0x53: {  	[tilespmem:v5+s1+$0x0] =	vst.idx.msk vm1, v8  }
0x54: {  	[tilespmem:v5+s3+$0x0] =	vst.idx.msk vm1, v4  }
0x55: {  	v4 =	vadd.s32 $0xFFFFEC78, v4;
	[tilespmem:v6+s4+$0x0] =	vst.idx.msk vm0, v8  }
0x56: {  	s10 =	sshra.s32 s14, $0x2;
	[tilespmem:v6+s5+$0x0] =	vst.idx.msk vm0, v4  }
0x57: {  	v4 =	vld [tilespmem:s10+$0x2780];
	_ =	sdelay $0x1  }
.Ltmp2:
0x58: {  	(pc) =	sbr.rel @p0 .LBB2_6-.Ltmp2, $3  }
0x59: {  	_ =	sdelay $0x1  }
0x5a: {  	vm0 =	vge.s32 v4, $0x1388;
	vm1 =	vlt.s32 v4, $0x1388  }
0x5b: {  	s11 =	smov.u32 s15;
	v6 =	vsel vm1, $0x1, v2;
	v5 =	vsel vm0, $0x1, v2;
	s13 =	spop (v2sf)  }
0x5c: {  	(xrf0) =	vadd.scan.msk.s32 $0xffff, v6;
	_ =	sdelay $0x5  }
0x5d: {  	v6, _, _ =	vpop (xrf0)  }
0x5e: {  	(v2sf) =	vpush v6, $0xF;
	_ =	sdelay $0xb  }
0x5f: {  	s8 =	sadd.s32 s8, s13;
	s11 =	spop (v2sf);
	(xrf0) =	vadd.scan.msk.s32 $0xffff, v5  }
0x60: {  	s9 =	sadd.s32 s9, s11;
	v5 =	vmov s8  }
0x61: {  	v7 =	vmov s9;
	v5 =	vadd.s32 $0xFFFFFFFF, v5  }
0x62: {  	v7 =	vadd.s32 $0xFFFFFFFF, v7;
	v5 =	vbroadcast v5, $0x0;
	s15 =	spop (v2sf)  }
0x63: {  	s8 =	sadd.s32 s8, s15  }
0x64: {  	v8 =	vld [tilespmem:s10+$0x0];
	v5 =	vadd.s32 v6, v5;
	v6 =	vbroadcast v7, $0x0;
	s11 =	ssub.s32 $0x0, s8  }
0x65: {  	v7, _, _ =	vpop (xrf0);
	s10 =	sand.u32 $0x7F, s11  }
0x66: {  	v6 =	vadd.s32 v7, v6;
	v9 =	vadd.s32 s8, v3;
	s10 =	sadd.s32 s8, s10  }
0x67: {  	s11 =	sadd.s32 $0x10, s8;
	vm2 =	vlt.s32 v9, s10  }
0x68: {  	v10 =	vadd.s32 s11, v3  }
0x69: {  	[tilespmem:v5+s1+$0x0] =	vst.idx.msk vm1, v8;
	s13 =	sadd.s32 $0x20, s8;
	vm3 =	vlt.s32 v10, s10  }
0x6a: {  	[tilespmem:v5+s3+$0x0] =	vst.idx.msk vm1, v4;
	v5 =	vadd.s32 s13, v3  }
0x6b: {  	v4 =	vadd.s32 $0xFFFFEC78, v4;
	[tilespmem:v6+s4+$0x0] =	vst.idx.msk vm0, v8;
	s14 =	sadd.s32 $0x30, s8;
	vm12 =	vlt.s32 v5, s10  }
0x6c: {  	[tilespmem:v6+s5+$0x0] =	vst.idx.msk vm0, v4;
	v4 =	vand.u32 $0x1FF, v9;
	v6 =	vadd.s32 s14, v3  }
0x6d: {  	(v2sf) =	vpush v7, $0xF;
	s15 =	sadd.s32 $0x40, s8;
	vm13 =	vlt.s32 v6, s10;
	[tilespmem:v9+s1+$0x0] =	vst.idx.msk vm2, v4;
	v4 =	vadd.s32 $0x1388, v4  }
0x6e: {  	v7 =	vadd.s32 s15, v3;
	[tilespmem:v9+s3+$0x0] =	vst.idx.msk vm2, v4;
	v4 =	vand.u32 $0x1FF, v10  }
0x6f: {  	s13 =	sadd.s32 $0x50, s8;
	vm14 =	vlt.s32 v7, s10;
	[tilespmem:v10+s1+$0x0] =	vst.idx.msk vm3, v4;
	v4 =	vadd.s32 $0x1388, v4  }
0x70: {  	v61 =	vadd.s32 s13, v3;
	[tilespmem:v10+s3+$0x0] =	vst.idx.msk vm3, v4;
	v4 =	vand.u32 $0x1FF, v5  }
0x71: {  	s14 =	sadd.s32 $0x60, s8;
	vm15 =	vlt.s32 v61, s10;
	[tilespmem:v5+s1+$0x0] =	vst.idx.msk vm12, v4;
	v4 =	vadd.s32 $0x1388, v4  }
0x72: {  	[tilespmem:v5+s3+$0x0] =	vst.idx.msk vm12, v4;
	v4 =	vand.u32 $0x1FF, v6;
	v5 =	vadd.s32 s14, v3  }
0x73: {  	s8 =	sadd.s32 $0x70, s8;
	[tilespmem:v6+s1+$0x0] =	vst.idx.msk vm13, v4;
	v4 =	vadd.s32 $0x1388, v4;
	vm6 =	vlt.s32 v5, s10  }
0x74: {  	[tilespmem:v6+s3+$0x0] =	vst.idx.msk vm13, v4;
	v4 =	vand.u32 $0x1FF, v7;
	v6 =	vadd.s32 s8, v3  }
0x75: {  	[tilespmem:v7+s1+$0x0] =	vst.idx.msk vm14, v4;
	v4 =	vadd.s32 $0x1388, v4;
	vm7 =	vlt.s32 v6, s10  }
0x76: {  	[tilespmem:v7+s3+$0x0] =	vst.idx.msk vm14, v4;
	v4 =	vand.u32 $0x1FF, v61  }
0x77: {  	[tilespmem:v61+s1+$0x0] =	vst.idx.msk vm15, v4;
	v4 =	vadd.s32 $0x1388, v4  }
0x78: {  	[tilespmem:v61+s3+$0x0] =	vst.idx.msk vm15, v4;
	v4 =	vand.u32 $0x1FF, v5  }
0x79: {  	[tilespmem:v5+s1+$0x0] =	vst.idx.msk vm6, v4;
	v4 =	vadd.s32 $0x1388, v4  }
0x7a: {  	[tilespmem:v5+s3+$0x0] =	vst.idx.msk vm6, v4;
	v4 =	vand.u32 $0x1FF, v6  }
0x7b: {  	[tilespmem:v6+s1+$0x0] =	vst.idx.msk vm7, v4;
	v4 =	vadd.s32 $0x1388, v4  }
0x7c: {  	s15 =	spop (v2sf);
	s14 =	rddreg [dreg:$0x7];
	s8 =	simm.s32 $0x0;
	[tilespmem:v6+s3+$0x0] =	vst.idx.msk vm7, v4  }
0x7d: {  	[hbm4b:s14+s8] =	stream.linear.scatter [tilespmem:s1], [sflag:$0x1], $0x2780, $0x38;
	[tilespmem:$0x14000] =	vst v63  }
0x7e: {  	_ =	swait.ge [sflag:s31], $0x2780  }
0x7f: {  	s11 =	sadd.s32 s9, s15;
	[sflag:s31] =	ssyncset.done $0x0  }
0x80: {  	s13 =	ssub.s32 $0x0, s11;
	s15 =	rddreg [dreg:$0x8];
	[sflag:s31] =	ssyncadd.s32 $0xFFFFD880  }
0x81: {  	[hbm4b:s15+s8] =	stream.linear.scatter [tilespmem:s3], [sflag:$0x1], $0x2780, $0x38;
	[tilespmem:$0x14000] =	vst v63  }
0x82: {  	s9 =	sand.u32 $0x7F, s13;
	_ =	swait.ge [sflag:s31], $0x2780  }
0x83: {  	s9 =	sadd.s32 s11, s9;
	v5 =	vadd.s32 s11, v3;
	[sflag:s31] =	ssyncset.done $0x0  }
0x84: {  	vm8 =	vlt.s32 v5, s9;
	v4 =	vmov s10;
	s14 =	sadd.s32 $0x10, s11;
	[sflag:s31] =	ssyncadd.s32 $0xFFFFD880  }
0x85: {  	s15 =	rddreg [dreg:$0x9];
	[tilespmem:$0x11500] =	vst v4;
	v4 =	vadd.s32 s14, v3;
	s14 =	sadd.s32 $0x20, s11  }
0x86: {  	[hbm4b:s15+s8] =	stream.linear.scatter [tilespmem:s6], [sflag:$0x1], $0x10, $0x38;
	vm9 =	vlt.s32 v4, s9;
	[tilespmem:$0x14000] =	vst v63  }
0x87: {  	v6 =	vadd.s32 s14, v3;
	_ =	swait.ge [sflag:s31], $0x10  }
0x88: {  	s15 =	sadd.s32 $0x30, s11;
	vm10 =	vlt.s32 v6, s9;
	[sflag:s31] =	ssyncset.done $0x0  }
0x89: {  	v7 =	vand.u32 $0x1FF, v5;
	v62 =	vadd.s32 s15, v3;
	[sflag:s31] =	ssyncadd.s32 $0xFFFFFFF0  }
0x8a: {  	s13 =	sadd.s32 $0x40, s11;
	vm11 =	vlt.s32 v62, s9;
	[tilespmem:v5+s4+$0x0] =	vst.idx.msk vm8, v7;
	v7 =	vadd.s32 $0x1388, v7  }
0x8b: {  	[tilespmem:v5+s5+$0x0] =	vst.idx.msk vm8, v7;
	v5 =	vand.u32 $0x1FF, v4;
	v7 =	vadd.s32 s13, v3  }
0x8c: {  	s14 =	sadd.s32 $0x50, s11;
	[tilespmem:v4+s4+$0x0] =	vst.idx.msk vm9, v5;
	v5 =	vadd.s32 $0x1388, v5;
	vm12 =	vlt.s32 v7, s9  }
0x8d: {  	[tilespmem:v4+s5+$0x0] =	vst.idx.msk vm9, v5;
	v4 =	vand.u32 $0x1FF, v6;
	v5 =	vadd.s32 s14, v3  }
0x8e: {  	s15 =	sadd.s32 $0x60, s11;
	[tilespmem:v6+s4+$0x0] =	vst.idx.msk vm10, v4;
	v4 =	vadd.s32 $0x1388, v4;
	vm13 =	vlt.s32 v5, s9  }
0x8f: {  	[tilespmem:v6+s5+$0x0] =	vst.idx.msk vm10, v4;
	v4 =	vand.u32 $0x1FF, v62;
	v6 =	vadd.s32 s15, v3  }
0x90: {  	s13 =	sadd.s32 $0x70, s11;
	[tilespmem:v62+s4+$0x0] =	vst.idx.msk vm11, v4;
	v4 =	vadd.s32 $0x1388, v4;
	vm14 =	vlt.s32 v6, s9  }
0x91: {  	v63 =	vadd.s32 s13, v3;
	[tilespmem:v62+s5+$0x0] =	vst.idx.msk vm11, v4;
	v4 =	vand.u32 $0x1FF, v7  }
0x92: {  	vm15 =	vlt.s32 v63, s9;
	[tilespmem:v7+s4+$0x0] =	vst.idx.msk vm12, v4;
	v4 =	vadd.s32 $0x1388, v4  }
0x93: {  	[tilespmem:v7+s5+$0x0] =	vst.idx.msk vm12, v4;
	v4 =	vand.u32 $0x1FF, v5  }
0x94: {  	[tilespmem:v5+s4+$0x0] =	vst.idx.msk vm13, v4;
	v4 =	vadd.s32 $0x1388, v4  }
0x95: {  	[tilespmem:v5+s5+$0x0] =	vst.idx.msk vm13, v4;
	v4 =	vand.u32 $0x1FF, v6  }
0x96: {  	[tilespmem:v6+s4+$0x0] =	vst.idx.msk vm14, v4;
	v4 =	vadd.s32 $0x1388, v4  }
0x97: {  	[tilespmem:v6+s5+$0x0] =	vst.idx.msk vm14, v4;
	v4 =	vand.u32 $0x1FF, v63  }
0x98: {  	[tilespmem:v63+s4+$0x0] =	vst.idx.msk vm15, v4;
	v4 =	vadd.s32 $0x1388, v4  }
0x99: {  	s14 =	rddreg [dreg:$0xa];
	[tilespmem:v63+s5+$0x0] =	vst.idx.msk vm15, v4  }
0x9a: {  	[hbm4b:s14+s8] =	stream.linear.scatter [tilespmem:s4], [sflag:$0x1], $0x2780, $0x38;
	[tilespmem:$0x14000] =	vst v63  }
0x9b: {  	_ =	swait.ge [sflag:s31], $0x2780  }
0x9c: {  	[sflag:s31] =	ssyncset.done $0x0  }
0x9d: {  	s15 =	rddreg [dreg:$0xb];
	[sflag:s31] =	ssyncadd.s32 $0xFFFFD880  }
0x9e: {  	[hbm4b:s15+s8] =	stream.linear.scatter [tilespmem:s5], [sflag:$0x1], $0x2780, $0x38;
	[tilespmem:$0x14000] =	vst v63  }
0x9f: {  	_ =	swait.ge [sflag:s31], $0x2780  }
0xa0: {  	[sflag:s31] =	ssyncset.done $0x0  }
0xa1: {  	v4 =	vmov s9;
	[sflag:s31] =	ssyncadd.s32 $0xFFFFD880  }
0xa2: {  	s10 =	rddreg [dreg:$0xc];
	[tilespmem:$0x11500] =	vst v4  }
0xa3: {  	[hbm4b:s10+s8] =	stream.linear.scatter [tilespmem:s6], [sflag:$0x1], $0x10, $0x38;
	[tilespmem:$0x14000] =	vst v63  }
0xa4: {  	_ =	swait.ge [sflag:s31], $0x10  }
0xa5: {  	[sflag:s31] =	ssyncset.done $0x0  }
0xa6: {  	[sflag:s31] =	ssyncadd.s32 $0xFFFFFFF0  }
0xa7: {  	s9 =	simm.s32 $0x4F00;
	[bflag:$0x0] =	sbarrier.arrive $0xFFFF  }
0xa8: {  	[tilespmem:s9], [sflag:$0x1] =	stream.linear.gather [spmem:s12], $0x280, $0x38;
	[tilespmem:$0x14000] =	vst v63  }
0xa9: {  	_ =	swait.ge [sflag:s31], $0x280  }
0xaa: {  	[sflag:s31] =	ssyncset.done $0x0  }
0xab: {  	s13 =	simm.s32 $0x5180;
	s11 =	rddreg [dreg:$0xd];
	[sflag:s31] =	ssyncadd.s32 $0xFFFFFD80  }
0xac: {  	[tilespmem:s13], [sflag:$0x1] =	stream.linear.gather [spmem:s11], $0x280, $0x38;
	[tilespmem:$0x14000] =	vst v63  }
0xad: {  	_ =	swait.ge [sflag:s31], $0x280  }
0xae: {  	[sflag:s31] =	ssyncset.done $0x0  }
0xaf: {  	s15 =	simm.s32 $0x5400;
	s14 =	rddreg [dreg:$0xe];
	[sflag:s31] =	ssyncadd.s32 $0xFFFFFD80  }
0xb0: {  	[tilespmem:s15], [sflag:$0x1] =	stream.linear.gather [spmem:s14], $0x280, $0x38;
	[tilespmem:$0x14000] =	vst v63  }
0xb1: {  	_ =	swait.ge [sflag:s31], $0x280  }
0xb2: {  	[sflag:s31] =	ssyncset.done $0x0  }
0xb3: {  	s14 =	simm.s32 $0x5680;
	s13 =	rddreg [dreg:$0xf];
	[sflag:s31] =	ssyncadd.s32 $0xFFFFFD80  }
0xb4: {  	[tilespmem:s14], [sflag:$0x1] =	stream.linear.gather [spmem:s13], $0x280, $0x38;
	[tilespmem:$0x14000] =	vst v63  }
0xb5: {  	_ =	swait.ge [sflag:s31], $0x280  }
0xb6: {  	[sflag:s31] =	ssyncset.done $0x0  }
0xb7: {  	s15 =	simm.s32 $0x5900;
	[sflag:s31] =	ssyncadd.s32 $0xFFFFFD80  }
0xb8: {  	[tilespmem:s15], [sflag:$0x1] =	stream.linear.gather [spmem:s16], $0x280, $0x38;
	[tilespmem:$0x14000] =	vst v63  }
0xb9: {  	_ =	swait.ge [sflag:s31], $0x280  }
0xba: {  	[sflag:s31] =	ssyncset.done $0x0  }
0xbb: {  	s11 =	simm.s32 $0x5B80;
	[sflag:s31] =	ssyncadd.s32 $0xFFFFFD80  }
0xbc: {  	[tilespmem:s11], [sflag:$0x1] =	stream.linear.gather [spmem:s17], $0x280, $0x38;
	[tilespmem:$0x14000] =	vst v63  }
0xbd: {  	_ =	swait.ge [sflag:s31], $0x280  }
0xbe: {  	[sflag:s31] =	ssyncset.done $0x0  }
0xbf: {  	s13 =	simm.s32 $0x5E00;
	[sflag:s31] =	ssyncadd.s32 $0xFFFFFD80  }
0xc0: {  	[tilespmem:s13], [sflag:$0x1] =	stream.linear.gather [spmem:s18], $0x280, $0x38;
	[tilespmem:$0x14000] =	vst v63  }
0xc1: {  	_ =	swait.ge [sflag:s31], $0x280  }
0xc2: {  	[sflag:s31] =	ssyncset.done $0x0  }
0xc3: {  	s14 =	simm.s32 $0x6080;
	[sflag:s31] =	ssyncadd.s32 $0xFFFFFD80  }
0xc4: {  	[tilespmem:s14], [sflag:$0x1] =	stream.linear.gather [spmem:s19], $0x280, $0x38;
	[tilespmem:$0x14000] =	vst v63  }
0xc5: {  	_ =	swait.ge [sflag:s31], $0x280  }
0xc6: {  	[sflag:s31] =	ssyncset.done $0x0  }
0xc7: {  	s15 =	simm.s32 $0x6300;
	[sflag:s31] =	ssyncadd.s32 $0xFFFFFD80  }
0xc8: {  	[tilespmem:s15], [sflag:$0x1] =	stream.linear.gather [spmem:s20], $0x280, $0x38;
	[tilespmem:$0x14000] =	vst v63  }
0xc9: {  	_ =	swait.ge [sflag:s31], $0x280  }
0xca: {  	[sflag:s31] =	ssyncset.done $0x0  }
0xcb: {  	s11 =	simm.s32 $0x6580;
	[sflag:s31] =	ssyncadd.s32 $0xFFFFFD80  }
0xcc: {  	[tilespmem:s11], [sflag:$0x1] =	stream.linear.gather [spmem:s21], $0x280, $0x38;
	[tilespmem:$0x14000] =	vst v63  }
0xcd: {  	_ =	swait.ge [sflag:s31], $0x280  }
0xce: {  	[sflag:s31] =	ssyncset.done $0x0  }
0xcf: {  	s13 =	simm.s32 $0x6800;
	[sflag:s31] =	ssyncadd.s32 $0xFFFFFD80  }
0xd0: {  	[tilespmem:s13], [sflag:$0x1] =	stream.linear.gather [spmem:s22], $0x280, $0x38;
	[tilespmem:$0x14000] =	vst v63  }
0xd1: {  	_ =	swait.ge [sflag:s31], $0x280  }
0xd2: {  	[sflag:s31] =	ssyncset.done $0x0  }
0xd3: {  	s14 =	simm.s32 $0x6A80;
	[sflag:s31] =	ssyncadd.s32 $0xFFFFFD80  }
0xd4: {  	[tilespmem:s14], [sflag:$0x1] =	stream.linear.gather [spmem:s23], $0x280, $0x38;
	[tilespmem:$0x14000] =	vst v63  }
0xd5: {  	_ =	swait.ge [sflag:s31], $0x280  }
0xd6: {  	[sflag:s31] =	ssyncset.done $0x0  }
0xd7: {  	s15 =	simm.s32 $0x6D00;
	[sflag:s31] =	ssyncadd.s32 $0xFFFFFD80  }
0xd8: {  	[tilespmem:s15], [sflag:$0x1] =	stream.linear.gather [spmem:s26], $0x280, $0x38;
	[tilespmem:$0x14000] =	vst v63  }
0xd9: {  	_ =	swait.ge [sflag:s31], $0x280  }
0xda: {  	[sflag:s31] =	ssyncset.done $0x0  }
0xdb: {  	s11 =	simm.s32 $0x6F80;
	[sflag:s31] =	ssyncadd.s32 $0xFFFFFD80  }
0xdc: {  	[tilespmem:s11], [sflag:$0x1] =	stream.linear.gather [spmem:s28], $0x280, $0x38;
	[tilespmem:$0x14000] =	vst v63  }
0xdd: {  	_ =	swait.ge [sflag:s31], $0x280  }
0xde: {  	[sflag:s31] =	ssyncset.done $0x0  }
0xdf: {  	s13 =	simm.s32 $0x7200;
	[sflag:s31] =	ssyncadd.s32 $0xFFFFFD80  }
0xe0: {  	[tilespmem:s13], [sflag:$0x1] =	stream.linear.gather [spmem:s29], $0x280, $0x38;
	[tilespmem:$0x14000] =	vst v63  }
0xe1: {  	_ =	swait.ge [sflag:s31], $0x280  }
0xe2: {  	[sflag:s31] =	ssyncset.done $0x0  }
0xe3: {  	s14 =	simm.s32 $0x7480;
	[sflag:s31] =	ssyncadd.s32 $0xFFFFFD80  }
0xe4: {  	[tilespmem:s14], [sflag:$0x1] =	stream.linear.gather [spmem:s30], $0x280, $0x38;
	[tilespmem:$0x14000] =	vst v63  }
0xe5: {  	_ =	swait.ge [sflag:s31], $0x280  }
0xe6: {  	[sflag:s31] =	ssyncset.done $0x0  }
0xe7: {  	s8 =	sand.u32 $0x3F0, s8;
	[sflag:s31] =	ssyncadd.s32 $0xFFFFFD80  }
0xe8: {  	v4 =	vld [tilespmem:s8+$0x5180]  }
0xe9: {  	v5 =	vld [tilespmem:s9+$0x0];
	_ =	sdelay $0x1  }
0xea: {  	v6 =	vld [tilespmem:s8+$0x5400];
	_ =	sdelay $0x1  }
0xeb: {  	v7 =	vld [tilespmem:s8+$0x5680]  }
0xec: {  	v4 =	vadd.f32 v4, v5  }
0xed: {  	v5 =	vld [tilespmem:s8+$0x5900]  }
0xee: {  	v4 =	vadd.f32 v6, v4  }
0xef: {  	v6 =	vld [tilespmem:s8+$0x5B80]  }
0xf0: {  	v4 =	vadd.f32 v7, v4  }
0xf1: {  	v7 =	vld [tilespmem:s8+$0x5E00]  }
0xf2: {  	v4 =	vadd.f32 v5, v4  }
0xf3: {  	v5 =	vld [tilespmem:s8+$0x6080]  }
0xf4: {  	v4 =	vadd.f32 v6, v4  }
0xf5: {  	v6 =	vld [tilespmem:s8+$0x6300]  }
0xf6: {  	v4 =	vadd.f32 v7, v4  }
0xf7: {  	v7 =	vld [tilespmem:s8+$0x6580]  }
0xf8: {  	v4 =	vadd.f32 v5, v4  }
0xf9: {  	v5 =	vld [tilespmem:s8+$0x6800]  }
0xfa: {  	v4 =	vadd.f32 v6, v4  }
0xfb: {  	v6 =	vld [tilespmem:s8+$0x6A80]  }
0xfc: {  	v4 =	vadd.f32 v7, v4  }
0xfd: {  	v7 =	vld [tilespmem:s8+$0x6D00]  }
0xfe: {  	v4 =	vadd.f32 v5, v4  }
0xff: {  	v5 =	vld [tilespmem:s8+$0x6F80]  }
0x100: {  	v4 =	vadd.f32 v6, v4  }
0x101: {  	v6 =	vld [tilespmem:s8+$0x7200]  }
0x102: {  	v4 =	vadd.f32 v7, v4  }
0x103: {  	v7 =	vld [tilespmem:s8+$0x7480]  }
0x104: {  	v4 =	vadd.f32 v5, v4;
	_ =	sdelay $0x1  }
0x105: {  	v4 =	vadd.f32 v6, v4;
	_ =	sdelay $0x1  }
0x106: {  	v4 =	vadd.f32 v7, v4  }
0x107: {  	s15 =	simm.s32 $0x10;
	s8 =	simm.s32 $0x11580  }
0x108: {  	s9 =	sand.u32 $0x3F0, s15;
	[tilespmem:s8+$0x0] =	vst v4  }
0x109: {  	s10 =	simm.s32 $0x4F10;
	s11 =	simm.s32 $0x20;
	v4 =	vld [tilespmem:s9+$0x5180]  }
.LBB2_8:
0x10a: {  	p0 =	sne.s32 s11, $0x270;
	v5 =	vld [tilespmem:s10+$0x0];
	_ =	sdelay $0x1  }
0x10b: {  	v6 =	vld [tilespmem:s9+$0x5400];
	_ =	sdelay $0x1  }
0x10c: {  	v7 =	vld [tilespmem:s9+$0x5680]  }
0x10d: {  	v4 =	vadd.f32 v4, v5  }
0x10e: {  	v5 =	vld [tilespmem:s9+$0x5900]  }
0x10f: {  	v4 =	vadd.f32 v6, v4  }
0x110: {  	v6 =	vld [tilespmem:s9+$0x5B80]  }
0x111: {  	v4 =	vadd.f32 v7, v4  }
0x112: {  	v7 =	vld [tilespmem:s9+$0x5E00]  }
0x113: {  	v4 =	vadd.f32 v5, v4  }
0x114: {  	v5 =	vld [tilespmem:s9+$0x6080]  }
0x115: {  	v4 =	vadd.f32 v6, v4  }
0x116: {  	v6 =	vld [tilespmem:s9+$0x6300]  }
0x117: {  	v4 =	vadd.f32 v7, v4  }
0x118: {  	v7 =	vld [tilespmem:s9+$0x6580]  }
0x119: {  	v4 =	vadd.f32 v5, v4  }
0x11a: {  	v5 =	vld [tilespmem:s9+$0x6800]  }
0x11b: {  	v4 =	vadd.f32 v6, v4  }
0x11c: {  	v6 =	vld [tilespmem:s9+$0x6A80]  }
0x11d: {  	v4 =	vadd.f32 v7, v4  }
0x11e: {  	v7 =	vld [tilespmem:s9+$0x6D00]  }
0x11f: {  	v4 =	vadd.f32 v5, v4  }
0x120: {  	v5 =	vld [tilespmem:s9+$0x6F80]  }
0x121: {  	v4 =	vadd.f32 v6, v4  }
0x122: {  	v6 =	vld [tilespmem:s9+$0x7200]  }
0x123: {  	v4 =	vadd.f32 v7, v4  }
0x124: {  	v7 =	vld [tilespmem:s9+$0x7480]  }
0x125: {  	v4 =	vadd.f32 v5, v4;
	_ =	sdelay $0x1  }
0x126: {  	v4 =	vadd.f32 v6, v4  }
.Ltmp3:
0x127: {  	(pc) =	sbr.rel @p0 .LBB2_8-.Ltmp3, $4  }
0x128: {  	v4 =	vadd.f32 v7, v4  }
0x129: {  	s8 =	sadd.s32 $0x10, s8  }
0x12a: {  	s9 =	sand.u32 $0x3F0, s11;
	[tilespmem:s8+$0x0] =	vst v4  }
0x12b: {  	s10 =	sadd.s32 $0x10, s10;
	s11 =	sadd.s32 $0x10, s11;
	v4 =	vld [tilespmem:s9+$0x5180]  }
0x12c: {  	v5 =	vld [tilespmem:s10+$0x0];
	_ =	sdelay $0x1  }
0x12d: {  	v6 =	vld [tilespmem:s9+$0x5400];
	_ =	sdelay $0x1  }
0x12e: {  	v7 =	vld [tilespmem:s9+$0x5680]  }
0x12f: {  	v4 =	vadd.f32 v4, v5  }
0x130: {  	v5 =	vld [tilespmem:s9+$0x5900]  }
0x131: {  	v4 =	vadd.f32 v6, v4  }
0x132: {  	v56 =	vld [tilespmem:s9+$0x5B80]  }
0x133: {  	v4 =	vadd.f32 v7, v4  }
0x134: {  	v57 =	vld [tilespmem:s9+$0x5E00]  }
0x135: {  	v4 =	vadd.f32 v5, v4  }
0x136: {  	v5 =	vld [tilespmem:s9+$0x6080]  }
0x137: {  	v4 =	vadd.f32 v56, v4  }
0x138: {  	v58 =	vld [tilespmem:s9+$0x6300]  }
0x139: {  	v4 =	vadd.f32 v57, v4  }
0x13a: {  	v59 =	vld [tilespmem:s9+$0x6580]  }
0x13b: {  	v4 =	vadd.f32 v5, v4  }
0x13c: {  	v5 =	vld [tilespmem:s9+$0x6800]  }
0x13d: {  	v4 =	vadd.f32 v58, v4  }
0x13e: {  	v60 =	vld [tilespmem:s9+$0x6A80]  }
0x13f: {  	v4 =	vadd.f32 v59, v4  }
0x140: {  	v61 =	vld [tilespmem:s9+$0x6D00]  }
0x141: {  	v4 =	vadd.f32 v5, v4  }
0x142: {  	v5 =	vld [tilespmem:s9+$0x6F80]  }
0x143: {  	v4 =	vadd.f32 v60, v4  }
0x144: {  	v62 =	vld [tilespmem:s9+$0x7200]  }
0x145: {  	v4 =	vadd.f32 v61, v4  }
0x146: {  	v63 =	vld [tilespmem:s9+$0x7480]  }
0x147: {  	v4 =	vadd.f32 v5, v4;
	_ =	sdelay $0x1  }
0x148: {  	v4 =	vadd.f32 v62, v4;
	_ =	sdelay $0x1  }
0x149: {  	s7 =	sadd.s32 $0x1, s7;
	v4 =	vadd.f32 v63, v4  }
0x14a: {  	s8 =	sadd.s32 $0x10, s8;
	p0 =	sne.s32 s7, s25  }
.Ltmp4:
0x14b: {  	s15 =	simm.s32 $0x11580;
	[tilespmem:s8+$0x0] =	vst v4;
	(pc) =	sbr.rel @p0 .LBB2_1-.Ltmp4, $4  }
0x14c: {  	[hbm4b:s24+s2] =	stream.linear.scatter [tilespmem:s15], [sflag:$0x1], $0x280, $0x38;
	[tilespmem:$0x14000] =	vst v63  }
0x14d: {  	_ =	swait.ge [sflag:s31], $0x280  }
0x14e: {  	[sflag:s31] =	ssyncset.done $0x0  }
0x14f: {  	[sflag:s31] =	ssyncadd.s32 $0xFFFFFD80  }
0x150: {  	_ =	sfence.sel $0x180000  }
0x151: {  	[bflag:$0x0] =	sbarrier.arrive $0xFFFF  }
0x152: {  	_ =	strace $0x90000047  }
0x153: {  	s0 =	stileid.u32;
	[bflag:$0x2] =	sbarrier.arrive $0xFFFF  }
0x154: {  	p0 =	sne.s32 s0, $0x0;
	s0 =	rddreg [dreg:$0x3]  }
0x155: {  	s0 =	sadd.s32 @!p0 $0x100000, s0  }
0x156: {  	[sflag:s0] =	ssyncadd.tile.s32 @!p0 $0x1;
	_ =	shalt  }
.Lfunc_end2:
_tile_overlayer_lowered:
.L_overlay_start_2:
0x157: {  	(tag) =	ssettag $0x2  }
0x158: {  	s0 =	rddreg [dreg:$0x0];
	s2 =	stileid.u32  }
0x159: {  	s1 =	rddreg [dreg:$0x1];
	p0 =	sne.s32 s2, $0x0  }
0x15a: {  	s3 =	rddreg [dreg:$0x2];
	[bflag:$0x3] =	sbarrier.arrive $0xFFFF;
	s2 =	simm.s32 @!p0 $0x1C01  }
0x15b: {  	[timem:s3], [sflag:s2] =	dma.local @!p0 [hbm:s0], s1  }
0x15c: {  	s0 =	simm.s32 @!p0 $0x1  }
0x15d: {  	_ =	swait.ge @!p0 [sflag:s0], s1  }
0x15e: {  	s1 =	ssub.s32 @!p0 $0x0, s1;
	[sflag:s0] =	ssyncset.done @!p0 $0x0  }
0x15f: {  	[sflag:s0] =	ssyncadd.s32 @!p0 s1  }
0x160: {  	[bflag:$0x3] =	sbarrier.arrive $0xFFFF  }
0x161: {  	_ =	shalt  }

// kernel: kernel.9.cloned.1.call-start
scs
__scs_entry_jumppad:
0x0: {  	(pc) =	sbr.rel $0x88, $3  }
0x1: {  	(tag) =	ssettag $0x0;
	lr =	simm.s32 $0x1  }
0x2: {  	[smem:$0x3F9D] =	sst lr;
	_ =	strace $0xD0000000  }
0x3: {  	_ = 	snop  }
0x4: {  	_ = 	snop  }
0x5: {  	_ = 	snop  }
0x6: {  	_ = 	snop  }
0x7: {  	_ = 	snop  }
__scs_overlays_trampoline_lowered:
0x8: {  	[smem:$0x3FAC] =	sst s0  }
0x9: {  	[smem:$0x3FAD] =	sst s1  }
0xa: {  	[smem:$0x3FAE] =	sst s2  }
0xb: {  	[smem:$0x3FAF] =	sst s3  }
0xc: {  	[smem:$0x3FB0] =	sst s4  }
0xd: {  	[smem:$0x3FB1] =	sst s5  }
0xe: {  	[smem:$0x3FB2] =	sst s6  }
0xf: {  	[smem:$0x3FB3] =	sst s7  }
0x10: {  	[smem:$0x3FB4] =	sst s8  }
0x11: {  	[smem:$0x3FB5] =	sst s9;
	s0 =	simm.s32 @!p0 $0x0  }
0x12: {  	s1 =	sld [smem:$0x3F9B];
	s0 =	simm.s32 @p0 $0x1  }
0x13: {  	[smem:$0x3FB6] =	sst s0;
	s0 =	simm.s32 @!p1 $0x0  }
0x14: {  	s2 =	sld [smem:$0x3F9A];
	s0 =	simm.s32 @p1 $0x1  }
0x15: {  	[smem:$0x3FB7] =	sst s0;
	s0 =	simm.s32 @!p2 $0x0  }
0x16: {  	s3 =	sld [smem:$0x3FDB];
	s0 =	simm.s32 @p2 $0x1  }
0x17: {  	s4 =	simm.s32 $0x1BF5;
	[smem:$0x3FB9] =	sst s0  }
0x18: {  	s0 =	sld [smem:$0x3F9C];
	_ =	swait.ge [sflag:s4], $0x0  }
0x19: {  	s7 =	sld [smem:$0x3F9D]  }
0x1a: {  	s8 =	sadd.s32 $0xFFFFE003, lr  }
0x1b: {  	s9 =	sadd.s32 $0xFFFFFEF7, lr;
	s5 =	simm.s32 $0xFFFFFFFF;
	p2 =	slt.u32 s8, $0xFFFFF086  }
0x1c: {  	p1 =	slt.u32 s9, $0xF7A;
	s5 =	simm.s32 @!p2 $0x0  }
0x1d: {  	s5 =	simm.s32 @p1 $0x1;
	p0 =	seq.s32 s7, s2  }
0x1e: {  	s7 =	smul.u32 @!p0 $0xF7A, s2;
	p2 =	seq.s32 @!p0 s5, $0x0  }
0x1f: {  	s9 =	smul.u32 $0xF7A, s1;
	s8 =	simm.s32 @!p0 $0x1BF5;
	p2 =	por !p2, p0  }
0x20: {  	[sflag:s8] =	ssyncset.s32 @!p0 $0xFFFFF086;
	s6 =	sadd.s32 @!p0 s3, s7;
	s7 =	simm.s32 @!p0 $0x108  }
0x21: {  	s3 =	sadd.s32 s3, s9;
	s6 =	sadd.s32 @!p0 $0x88, s6;
	s7 =	simm.s32 @p2 $0x1082  }
0x22: {  	[simem:s7], [sflag:s8] =	dma.local @!p0 [hbm:s6], $0xF7A  }
0x23: {  	s9 =	sor.u32 $0xD0000000, s2;
	s6 =	simm.s32 $0x108;
	_ =	swait.ge @!p0 [sflag:s8], $0x0  }
0x24: {  	s3 =	sadd.s32 $0x88, s3;
	s6 =	simm.s32 @!p1 $0x1082;
	[sflag:s4] =	ssyncset.s32 $0xFFFFF086  }
0x25: {  	[simem:s6], [sflag:s4] =	dma.local [hbm:s3], $0xF7A  }
0x26: {  	[smem:$0x3F9D] =	sst s1;
	(tag) =	ssettag s2;
	_ =	strace s9  }
0x27: {  	s1 =	sld [smem:$0x3FAD]  }
0x28: {  	s2 =	sld [smem:$0x3FAE]  }
0x29: {  	s4 =	sld [smem:$0x3FB0]  }
0x2a: {  	p0 =	seq.s32 s5, $0x0;
	s5 =	sld [smem:$0x3FB1]  }
0x2b: {  	s6 =	sld [smem:$0x3FB2]  }
0x2c: {  	s7 =	sld [smem:$0x3FB3]  }
0x2d: {  	s3 =	simm.s32 $0x108;
	s8 =	sld [smem:$0x3FB4]  }
0x2e: {  	s3 =	simm.s32 @!p0 $0x1082;
	s9 =	sld [smem:$0x3FB5]  }
0x2f: {  	lr =	sadd.s32 s0, s3;
	s0 =	sld [smem:$0x3FAC]  }
0x30: {  	s3 =	sld [smem:$0x3FAF]  }
0x31: {  	[smem:$0x3FB8] =	sst s10  }
0x32: {  	s10 =	sld [smem:$0x3FB6];
	_ =	sdelay $0x3  }
0x33: {  	p0 =	seq.s32 s10, $0x1;
	s10 =	sld [smem:$0x3FB8];
	_ =	sdelay $0x3  }
0x34: {  	[smem:$0x3FB8] =	sst s10  }
0x35: {  	s10 =	sld [smem:$0x3FB7];
	_ =	sdelay $0x3  }
0x36: {  	p1 =	seq.s32 s10, $0x1;
	s10 =	sld [smem:$0x3FB8];
	_ =	sdelay $0x3  }
0x37: {  	[smem:$0x3FB8] =	sst s10  }
0x38: {  	s10 =	sld [smem:$0x3FB9]  }
0x39: {  	_ = 	snop;
	(pc) =	sbr.ind lr, $3  }
0x3a: {  	_ = 	snop  }
0x3b: {  	_ = 	snop  }
0x3c: {  	p2 =	seq.s32 s10, $0x1;
	s10 =	sld [smem:$0x3FB8]  }
0x3d: {  	_ =	shalt  }
0x3e: {  	_ =	shalt  }
0x3f: {  	_ =	shalt  }
0x40: {  	_ =	shalt  }
0x41: {  	_ =	shalt  }
0x42: {  	_ =	shalt  }
0x43: {  	_ =	shalt  }
0x44: {  	_ =	shalt  }
0x45: {  	_ =	shalt  }
0x46: {  	_ =	shalt  }
0x47: {  	_ =	shalt  }
0x48: {  	_ =	shalt  }
0x49: {  	_ =	shalt  }
0x4a: {  	_ =	shalt  }
0x4b: {  	_ =	shalt  }
0x4c: {  	_ =	shalt  }
0x4d: {  	_ =	shalt  }
0x4e: {  	_ =	shalt  }
0x4f: {  	_ =	shalt  }
0x50: {  	_ =	shalt  }
0x51: {  	_ =	shalt  }
0x52: {  	_ =	shalt  }
0x53: {  	_ =	shalt  }
0x54: {  	_ =	shalt  }
0x55: {  	_ =	shalt  }
0x56: {  	_ =	shalt  }
0x57: {  	_ =	shalt  }
0x58: {  	_ =	shalt  }
0x59: {  	_ =	shalt  }
0x5a: {  	_ =	shalt  }
0x5b: {  	_ =	shalt  }
0x5c: {  	_ =	shalt  }
0x5d: {  	_ =	shalt  }
0x5e: {  	_ =	shalt  }
0x5f: {  	_ =	shalt  }
0x60: {  	_ =	shalt  }
0x61: {  	_ =	shalt  }
0x62: {  	_ =	shalt  }
0x63: {  	_ =	shalt  }
0x64: {  	_ =	shalt  }
0x65: {  	_ =	shalt  }
0x66: {  	_ =	shalt  }
0x67: {  	_ =	shalt  }
0x68: {  	_ =	shalt  }
0x69: {  	_ =	shalt  }
0x6a: {  	_ =	shalt  }
0x6b: {  	_ =	shalt  }
0x6c: {  	_ =	shalt  }
0x6d: {  	_ =	shalt  }
0x6e: {  	_ =	shalt  }
0x6f: {  	_ =	shalt  }
0x70: {  	_ =	shalt  }
0x71: {  	_ =	shalt  }
0x72: {  	_ =	shalt  }
0x73: {  	_ =	shalt  }
0x74: {  	_ =	shalt  }
0x75: {  	_ =	shalt  }
0x76: {  	_ =	shalt  }
0x77: {  	_ =	shalt  }
0x78: {  	_ =	shalt  }
0x79: {  	_ =	shalt  }
0x7a: {  	_ =	shalt  }
0x7b: {  	_ =	shalt  }
0x7c: {  	_ =	shalt  }
0x7d: {  	_ =	shalt  }
0x7e: {  	_ =	shalt  }
0x7f: {  	_ =	shalt  }
0x80: {  	_ =	shalt  }
0x81: {  	_ =	shalt  }
0x82: {  	_ =	shalt  }
0x83: {  	_ =	shalt  }
0x84: {  	_ =	shalt  }
0x85: {  	_ =	shalt  }
0x86: {  	_ =	shalt  }
0x87: {  	_ =	shalt  }
.Lfunc_end0:
.L_simem_size_0:
called_computation.1_lowered:
.L_overlay_start_0:
0x88: {  	s2 =	sld [smem:$0x3FD9]  }
0x89: {  	s3 =	sld [smem:$0x3FFE];
	_ =	sdelay $0x1  }
0x8a: {  	s1 =	srdreg.scid  }
0x8b: {  	s0 =	sand.u32 $0x1, s1  }
0x8c: {  	s17 =	sshll.u32 s0, $0xA;
	s2 =	sadd.s32 s3, s2  }
0x8d: {  	s2 =	sadd.s32 s2, s17  }
0x8e: {  	[smem:$0x3FC4] =	sst s2  }
0x8f: {  	_ = 	snop  }
0x90: {  	s2 =	sld [smem:$0x3FD0];
	(tm) =	ssettm $0x1  }
0x91: {  	s18 =	sld [smem:$0x3FFB];
	_ =	sdelay $0x3  }
0x92: {  	_ =	strace s18  }
0x93: {  	s3 =	sld [smem:$0x3FFC];
	_ =	sdelay $0x3  }
0x94: {  	_ =	strace s3  }
0x95: {  	s3 =	sld [smem:$0x3FFD];
	_ =	sdelay $0x3  }
0x96: {  	_ =	strace s3  }
0x97: {  	_ =	strace $0x8FFFFFFF  }
0x98: {  	s19 =	sld [smem:$0x3FDB];
	_ =	sdelay $0x1  }
0x99: {  	s4 =	simm.s32 $_scs_section_size  }
0x9a: {  	s5 =	simm.s32 $_size__tile_overlayer_lowered;
	s6 =	simm.s32 $_tile_overlayer_lowered  }
0x9b: {  	s22 =	simm.s32 $0x1BFF;
	s21 =	sshll.u32 s6, $0x1;
	s3 =	sadd.s32 s4, s19  }
0x9c: {  	s7 =	simm.s32 $0x0;
	s20 =	sshll.u32 s5, $0x1;
	s5 =	sadd.s32 s21, s3  }
0x9d: {  	[timem:s7], [sflag:s22] =	dma.local [hbm:s5], s20  }
0x9e: {  	_ =	swait.ge [sflag:s22], s20  }
0x9f: {  	s4 =	ssub.s32 $0x0, s20;
	[sflag:s22] =	ssyncset.done $0x0  }
0xa0: {  	[sflag:s22] =	ssyncadd.s32 s4;
	_ =	sdelay $0x1  }
0xa1: {  	s23 =	simm.s32 $0x1B8B  }
0xa2: {  	_ =	swait.ge [sflag:s23], $0x1  }
0xa3: {  	[sflag:s23] =	ssyncset.done $0x0  }
0xa4: {  	s25 =	simm.s32 $0x1B8E;
	s24 =	sld [smem:$0x3FFE];
	[sflag:s23] =	ssyncadd.s32 $0xFFFFFFFF  }
0xa5: {  	s26 =	simm.s32 $execute0_lowered;
	[smem:$0x3FD2] =	sst s25  }
0xa6: {  	s5 =	sshll.u32 s26, $0x1;
	_ =	strace $0x80000049;
	[dreg:$0x1] =	wrdreg $0xFFFFFFFF  }
0xa7: {  	s28 =	simm.s32 $_size_execute0_lowered;
	s3 =	sadd.s32 s3, s5;
	[dreg:$0x0] =	wrdreg $0x0  }
0xa8: {  	s5 =	sshll.u32 s28, $0x1;
	[dreg:$0x2] =	wrdreg s3  }
0xa9: {  	[dreg:$0x3] =	wrdreg s5  }
0xaa: {  	[dreg:$0x4] =	wrdreg $0xC0  }
0xab: {  	_ =	task [dreg:s7], $0x5FFFF  }
0xac: {  	[dreg:$0x1] =	wrdreg $0xFFFFFFFF  }
0xad: {  	[dreg:$0x0] =	wrdreg $0x60  }
0xae: {  	[dreg:$0x2] =	wrdreg s2  }
0xaf: {  	[dreg:$0x3] =	wrdreg s24  }
0xb0: {  	[dreg:$0x4] =	wrdreg $0x104800  }
0xb1: {  	[dreg:$0x5] =	wrdreg $0x9  }
0xb2: {  	_ =	task.clear_ibuf [dreg:s7], $0x6FFFF;
	_ =	strace $0x90000049  }
0xb3: {  	s29 =	simm.s32 $0x9;
	_ =	strace $0x8000004B  }
0xb4: {  	_ =	swait.ge [sflag:s29], $0x1  }
0xb5: {  	[sflag:s29] =	ssyncadd.s32 $0xFFFFFFFF  }
0xb6: {  	_ =	strace $0x9000004B  }
0xb7: {  	_ =	sfence  }
0xb8: {  	s30 =	sld [smem:$0x0];
	_ =	sdelay $0x2  }
0xb9: {  	s31 =	sshll.u32 s1, $0xD;
	s1 =	sshrl.u32 s1, $0x2  }
0xba: {  	s3 =	sand.u32 $0x4000, s31;
	s1 =	sadd.s32 s1, s30  }
0xbb: {  	s0 =	sor.u32 s3, s0;
	s1 =	sshll.u32 s1, $0x11  }
0xbc: {  	s0 =	sor.u32 s1, s0  }
0xbd: {  	s0 =	sadd.s32 $0x8F2B, s0  }
0xbe: {  	[sflag:s0] =	ssyncadd.remote.s32 $0x1  }
0xbf: {  	_ =	sfence.sel $0xFFFF  }
0xc0: {  	[dreg:$0x0] =	wrdreg $0xFFFFFFFF;
	(pc) =	sbr.abs _section_cstart, $3  }
0xc1: {  	[dreg:$0x1] =	wrdreg $0xFFFFFFFF  }
0xc2: {  	_ =	task.clear_ibuf [dreg:s7], $0x2FFFF;
	_ =	strace $0x9FFFFFFF  }
0xc3: {  	(tm) =	ssettm $0x7FFFFFFF  }
tec
execute0_lowered:
.L_overlay_start_1:
0x0: {  	(tag) =	ssettag $0x1  }
0x1: {  	s1 =	rddreg [dreg:$0x0]  }
0x2: {  	s0 =	rddreg [dreg:$0x1]  }
0x3: {  	s2 =	rddreg [dreg:$0x2]  }
0x4: {  	s3 =	srdreg.scid;
	s4 =	simm.s32 $0x0;
	s17 =	stileid.u32  }
0x5: {  	s3 =	sand.u32 $0x1, s3;
	[smem:$0x7FF] =	sst s4;
	s8 =	smul.u32 $0xB000, s17  }
0x6: {  	s5 =	sadd.s32 $0xC400, s0;
	s6 =	sadd.s32 $0x20000, s0;
	s11 =	sadd.s32 $0x33C00, s0  }
0x7: {  	s9 =	smul.u32 $0x2C000, s17;
	s10 =	sshll.u32 s17, $0x1;
	s22 =	sshll.u32 s17, $0x6  }
0x8: {  	s7 =	smul.u32 $0xB0000, s3;
	_ =	strace $0x8000004A;
	s12 =	sshll.u32 s3, $0x5  }
0x9: {  	s20 =	ssub.s32 $0x2, s3;
	s3 =	smul.u32 $0x4F000, s3;
	s12 =	sor.u32 s10, s12  }
0xa: {  	s21 =	sshrl.u32 s20, $0x1;
	s9 =	sshrl.u32 s9, $0x2;
	s8 =	sadd.s32 s8, s7  }
0xb: {  	s7 =	sadd.s32 $0x1C00, s0;
	s13 =	smul.u32 $0x2780, s12;
	s14 =	ssub.s32 s20, s21  }
0xc: {  	s23 =	sshll.u32 s12, $0x1;
	s12 =	sor.u32 $0x1, s12;
	s20 =	smul.u32 $0x4F00, s17  }
0xd: {  	s8 =	sshrl.u32 s8, $0x3;
	s10 =	sadd.s32 s11, s23;
	s31 =	smul.u32 $0x2780, s12  }
0xe: {  	s12 =	sshll.u32 s12, $0x1;
	s30 =	smax.u32 s14, $0x1;
	s0 =	sadd.s32 s8, s0  }
0xf: {  	s8 =	sadd.s32 s9, s2;
	s9 =	sor.u32 $0x1C09, s22;
	s13 =	sshrl.u32 s13, $0x3  }
0x10: {  	s3 =	sadd.s32 s20, s3;
	s15 =	sadd.s32 s5, s13;
	s24 =	sor.u32 $0x10, s13  }
0x11: {  	s16 =	sadd.s32 s6, s13;
	s26 =	sadd.s32 $0x20, s13;
	s13 =	sadd.s32 $0x30, s13  }
0x12: {  	s21 =	sshrl.u32 s31, $0x3;
	s29 =	sadd.s32 $0x33E00, s0;
	[dreg:$0x4] =	wrdreg s15  }
0x13: {  	s0 =	sadd.s32 $0x2980, s3;
	[dreg:$0x5] =	wrdreg s16;
	s25 =	sadd.s32 s5, s24  }
0x14: {  	s15 =	sadd.s32 s6, s24;
	s18 =	sadd.s32 s5, s26;
	[dreg:$0x6] =	wrdreg s25  }
0x15: {  	s19 =	sadd.s32 s5, s13;
	s13 =	sadd.s32 s6, s13;
	[dreg:$0x7] =	wrdreg s15  }
0x16: {  	s22 =	sadd.s32 $0x10, s21;
	s24 =	sadd.s32 s5, s21;
	[dreg:$0x8] =	wrdreg s18  }
0x17: {  	s31 =	sadd.s32 $0x30, s21;
	s16 =	simm.s32 $0x0;
	[dreg:$0xa] =	wrdreg s19  }
0x18: {  	s15 =	sadd.s32 s6, s26;
	[dreg:$0xb] =	wrdreg s13;
	s19 =	sadd.s32 s11, s12  }
0x19: {  	s23 =	sadd.s32 s5, s22;
	s11 =	sadd.s32 s6, s22;
	[dreg:$0xe] =	wrdreg s24  }
.Ltmp0:
0x1a: {  	s25 =	sadd.s32 s6, s21;
	[dreg:$0x9] =	wrdreg s15;
	(pc) =	sbr.rel .LBB2_1-.Ltmp0, $4  }
0x1b: {  	s26 =	sadd.s32 $0x20, s21;
	s28 =	sadd.s32 s6, s31;
	[dreg:$0xc] =	wrdreg s23  }
0x1c: {  	s21 =	sadd.s32 $0x200, s3;
	s3 =	simm.s32 $0x9;
	[dreg:$0xd] =	wrdreg s11  }
0x1d: {  	s13 =	simm.s32 $0x1;
	[dreg:$0xf] =	wrdreg s25;
	s24 =	sadd.s32 s5, s26  }
0x1e: {  	s25 =	sadd.s32 s6, s26;
	s26 =	sadd.s32 s5, s31;
	s11 =	simm.s32 $0x10400  }
.LBB2_13:
0x1f: {  	s16 =	sadd.s32 $0x1, s16  }
0x20: {  	p0 =	sne.s32 s16, s30  }
.Ltmp1:
0x21: {  	[bflag:$0x0] =	sbarrier.arrive $0xFFFF;
	(pc) =	sbr.rel @!p0 .LBB2_14-.Ltmp1, $4  }
0x22: {  	[hbm:s29], [sflag:s9] =	dma.local [spmem:s17], $0x1600  }
0x23: {  	_ =	swait.ge [sflag:s3], $0x1600  }
0x24: {  	[sflag:s3] =	ssyncset.done $0x0  }
0x25: {  	[sflag:s3] =	ssyncadd.s32 $0xFFFFEA00  }
.LBB2_1:
0x26: {  	s17 =	sshrl.u32 s8, $0x3  }
0x27: {  	[spmem:s17], [sflag:s9] =	dma.local [hbm:s7], $0x1600  }
0x28: {  	_ =	swait.ge [sflag:s3], $0x1600  }
0x29: {  	[sflag:s3] =	ssyncset.done $0x0  }
0x2a: {  	[sflag:s3] =	ssyncadd.s32 $0xFFFFEA00  }
0x2b: {  	[bflag:$0x0] =	sbarrier.arrive $0xFFFF  }
0x2c: {  	[tilespmem:s11], [sflag:$0x9] =	stream.linear.gather [hbm4b:s10+s4], $0x10, $0x38;
	[tilespmem:$0x1B480] =	vst v63  }
0x2d: {  	_ =	swait.ge [sflag:s3], $0x10  }
0x2e: {  	[sflag:s3] =	ssyncset.done $0x0  }
0x2f: {  	[sflag:s3] =	ssyncadd.s32 $0xFFFFFFF0  }
0x30: {  	v0 =	vld [tilespmem:$0x10400];
	_ =	sdelay $0x4  }
0x31: {  	(v2sf) =	vpush v0, $0x0;
	_ =	sdelay $0xe  }
0x32: {  	s12 =	spop (v2sf)  }
0x33: {  	p0 =	slt.s32 s12, $0x80  }
.Ltmp2:
0x34: {  	_ = 	snop;
	(pc) =	sbr.rel @p0 .LBB2_7-.Ltmp2, $1  }
0x35: {  	_ =	sdelay $0x3  }
0x36: {  	s14 =	rddreg [dreg:$0x4]  }
0x37: {  	[tilespmem:s4], [sflag:$0x1] =	stream.linear.gather [hbm4b:s14+s4], $0x80, $0x38;
	[tilespmem:$0x1B480] =	vst v63  }
0x38: {  	s23 =	rddreg [dreg:$0x5];
	s15 =	simm.s32 $0x200  }
0x39: {  	[tilespmem:s15], [sflag:$0x1] =	stream.linear.gather [hbm4b:s23+s4], $0x80, $0x38;
	[tilespmem:$0x1B480] =	vst v63  }
0x3a: {  	_ =	swait.ge [sflag:s13], $0x80  }
0x3b: {  	[sflag:s13] =	ssyncset.done $0x0  }
0x3c: {  	[sflag:s13] =	ssyncadd.s32 $0xFFFFFF80  }
0x3d: {  	_ =	swait.ge [sflag:s13], $0x80  }
0x3e: {  	s18 =	simm.s32 $0x80;
	[sflag:s13] =	ssyncset.done $0x0  }
0x3f: {  	s20 =	simm.s32 $0x400;
	p0 =	slt.u32 s12, $0x100;
	[sflag:s13] =	ssyncadd.s32 $0xFFFFFF80  }
0x40: {  	[tilespmem:s20], [sflag:$0x5] =	stream.indirect.gather [hbm4b:s1+s18], $0x80, s4, s18, $0xb8;
	[tilespmem:$0x1B480] =	vst v63  }
0x41: {  	s14 =	rddreg [dreg:$0x6];
	s18 =	simm.s32 @!p0 $0x0;
	s20 =	simm.s32 @!p0 $0x80  }
0x42: {  	[tilespmem:s20], [sflag:$0x2] =	stream.linear.gather @!p0 [hbm4b:s14+s18], $0x80, $0x38;
	[tilespmem:$0x1B480] =	vst v63  }
0x43: {  	s22 =	simm.s32 @!p0 $0x280;
	s14 =	rddreg [dreg:$0x7]  }
0x44: {  	[tilespmem:s22], [sflag:$0x2] =	stream.linear.gather @!p0 [hbm4b:s14+s18], $0x80, $0x38;
	[tilespmem:$0x1B480] =	vst v63  }
0x45: {  	s18 =	simm.s32 @!p0 $0x2  }
0x46: {  	_ =	swait.ge @!p0 [sflag:s18], $0x80  }
0x47: {  	[sflag:s18] =	ssyncset.done @!p0 $0x0  }
0x48: {  	[sflag:s18] =	ssyncadd.s32 @!p0 $0xFFFFFF80  }
0x49: {  	_ =	swait.ge @!p0 [sflag:s18], $0x80  }
0x4a: {  	p1 =	slt.u32 @!p0 s12, $0x180;
	[sflag:s18] =	ssyncset.done @!p0 $0x0  }
0x4b: {  	p2 =	por p1, p0;
	[sflag:s18] =	ssyncadd.s32 @!p0 $0xFFFFFF80;
	s18 =	simm.s32 @!p0 $0x4400  }
0x4c: {  	[tilespmem:s18], [sflag:$0x6] =	stream.indirect.gather @!p0 [hbm4b:s1+s20], $0x80, s20, s20, $0xb8;
	[tilespmem:$0x1B480] =	vst v63  }
0x4d: {  	s14 =	rddreg [dreg:$0x8];
	s18 =	simm.s32 @!p2 $0x0;
	s20 =	simm.s32 @!p2 $0x100  }
0x4e: {  	[tilespmem:s20], [sflag:$0x3] =	stream.linear.gather @!p2 [hbm4b:s14+s18], $0x80, $0x38;
	[tilespmem:$0x1B480] =	vst v63  }
0x4f: {  	s22 =	simm.s32 @!p2 $0x300;
	s14 =	rddreg [dreg:$0x9]  }
0x50: {  	[tilespmem:s22], [sflag:$0x3] =	stream.linear.gather @!p2 [hbm4b:s14+s18], $0x80, $0x38;
	[tilespmem:$0x1B480] =	vst v63  }
0x51: {  	s18 =	simm.s32 @!p2 $0x3  }
0x52: {  	_ =	swait.ge @!p2 [sflag:s18], $0x80  }
0x53: {  	[sflag:s18] =	ssyncset.done @!p2 $0x0  }
0x54: {  	[sflag:s18] =	ssyncadd.s32 @!p2 $0xFFFFFF80  }
0x55: {  	_ =	swait.ge @!p2 [sflag:s18], $0x80  }
0x56: {  	[sflag:s18] =	ssyncset.done @!p2 $0x0  }
0x57: {  	s22 =	simm.s32 @!p2 $0x8400;
	[sflag:s18] =	ssyncadd.s32 @!p2 $0xFFFFFF80;
	s18 =	simm.s32 @!p2 $0x80  }
0x58: {  	[tilespmem:s22], [sflag:$0x7] =	stream.indirect.gather @!p2 [hbm4b:s1+s18], $0x80, s20, s18, $0xb8;
	[tilespmem:$0x1B480] =	vst v63  }
0x59: {  	p2 =	slt.u32 @!p2 s12, $0x200  }
0x5a: {  	p1 =	por @!p0 p2, p1  }
0x5b: {  	s14 =	rddreg [dreg:$0xa];
	s22 =	sshra.s32 s12, $0x1F;
	p0 =	por p1, p0  }
0x5c: {  	s18 =	sshrl.u32 s22, $0x19;
	s20 =	simm.s32 @!p0 $0x0;
	s22 =	simm.s32 @!p0 $0x180  }
0x5d: {  	[tilespmem:s22], [sflag:$0x4] =	stream.linear.gather @!p0 [hbm4b:s14+s20], $0x80, $0x38;
	[tilespmem:$0x1B480] =	vst v63  }
.Ltmp3:
0x5e: {  	_ = 	snop;
	(pc) =	sbr.rel .LBB2_3-.Ltmp3, $4  }
0x5f: {  	s23 =	sadd.s32 s18, s12;
	s18 =	simm.s32 @!p0 $0x380;
	s14 =	rddreg [dreg:$0xb]  }
0x60: {  	[tilespmem:s18], [sflag:$0x4] =	stream.linear.gather @!p0 [hbm4b:s14+s20], $0x80, $0x38;
	[tilespmem:$0x1B480] =	vst v63  }
0x61: {  	s18 =	sshra.s32 s23, $0x7  }
0x62: {  	s31 =	smov.u32 s21;
	s12 =	simm.s32 $0x0;
	s20 =	sadd.s32 $0xFFFFFFFD, s18  }
.LBB2_5:
0x63: {  	p0 =	seq.s32 s22, $0x2  }
0x64: {  	p1 =	sge.s32 @p0 s12, s20  }
0x65: {  	p1 =	por p1, !p0  }
0x66: {  	s14 =	simm.s32 @!p1 $0x2  }
0x67: {  	_ =	swait.ge @!p1 [sflag:s14], $0x80  }
0x68: {  	[sflag:s14] =	ssyncset.done @!p1 $0x0  }
0x69: {  	[sflag:s14] =	ssyncadd.s32 @!p1 $0xFFFFFF80  }
0x6a: {  	_ =	swait.ge @!p1 [sflag:s14], $0x80  }
0x6b: {  	[sflag:s14] =	ssyncset.done @!p1 $0x0  }
0x6c: {  	s15 =	simm.s32 @!p1 $0x4400;
	[sflag:s14] =	ssyncadd.s32 @!p1 $0xFFFFFF80;
	s14 =	simm.s32 @!p1 $0x80  }
0x6d: {  	[tilespmem:s15], [sflag:$0x6] =	stream.indirect.gather @!p1 [hbm4b:s1+s14], $0x80, s14, s14, $0xb8;
	[tilespmem:$0x1B480] =	vst v63  }
0x6e: {  	s14 =	simm.s32 @p0 $0x7  }
0x6f: {  	_ =	swait.ge @p0 [sflag:s14], $0x4000  }
0x70: {  	s22 =	simm.s32 @p0 $0x8400;
	[sflag:s14] =	ssyncset.done @p0 $0x0  }
0x71: {  	s15 =	simm.s32 @p0 $0x300;
	[sflag:s14] =	ssyncadd.s32 @p0 $0xFFFFC000;
	s14 =	simm.s32 @p0 $0x80  }
0x72: {  	[spmem:s2] =	stream.indirect.scatter.add.f32 @p0 [tilespmem:s22], [sflag:$0x9], $0x80, s15, s14, $0xb8;
	[tilespmem:$0x1B480] =	vst v63  }
0x73: {  	s14 =	simm.s32 @p0 $0x9;
	s15 =	sadd.s32 @p0 $0x4, s12  }
0x74: {  	_ =	swait.ge @p0 [sflag:s14], $0x4000;
	p1 =	sge.s32 @p0 s15, s18  }
0x75: {  	[sflag:s14] =	ssyncset.done @p0 $0x0;
	p1 =	por p1, !p0  }
0x76: {  	[sflag:s14] =	ssyncadd.s32 @p0 $0xFFFFC000;
	s14 =	sshrl.u32 @!p1 s31, $0x3  }
0x77: {  	s22 =	simm.s32 @!p1 $0x0;
	s23 =	simm.s32 @!p1 $0x100;
	s15 =	sadd.s32 @!p1 s5, s14  }
0x78: {  	[tilespmem:s23], [sflag:$0x3] =	stream.linear.gather @!p1 [hbm4b:s15+s22], $0x80, $0x38;
	[tilespmem:$0x1B480] =	vst v63  }
0x79: {  	s14 =	sadd.s32 @!p1 s6, s14;
	s15 =	simm.s32 @!p1 $0x300  }
0x7a: {  	[tilespmem:s15], [sflag:$0x3] =	stream.linear.gather @!p1 [hbm4b:s14+s22], $0x80, $0x38;
	[tilespmem:$0x1B480] =	vst v63  }
0x7b: {  	p1 =	sge.s32 @!p0 s12, s20  }
0x7c: {  	p1 =	por p1, p0  }
0x7d: {  	s14 =	simm.s32 @!p1 $0x3  }
0x7e: {  	_ =	swait.ge @!p1 [sflag:s14], $0x80  }
0x7f: {  	[sflag:s14] =	ssyncset.done @!p1 $0x0  }
0x80: {  	[sflag:s14] =	ssyncadd.s32 @!p1 $0xFFFFFF80  }
0x81: {  	_ =	swait.ge @!p1 [sflag:s14], $0x80  }
0x82: {  	s15 =	simm.s32 @!p1 $0x100;
	[sflag:s14] =	ssyncset.done @!p1 $0x0  }
0x83: {  	s22 =	simm.s32 @!p1 $0x8400;
	[sflag:s14] =	ssyncadd.s32 @!p1 $0xFFFFFF80;
	s14 =	simm.s32 @!p1 $0x80  }
0x84: {  	[tilespmem:s22], [sflag:$0x7] =	stream.indirect.gather @!p1 [hbm4b:s1+s14], $0x80, s15, s14, $0xb8;
	[tilespmem:$0x1B480] =	vst v63  }
0x85: {  	s14 =	simm.s32 @!p0 $0x8  }
0x86: {  	_ =	swait.ge @!p0 [sflag:s14], $0x4000  }
0x87: {  	s15 =	simm.s32 @!p0 $0x380;
	[sflag:s14] =	ssyncset.done @!p0 $0x0  }
0x88: {  	s22 =	simm.s32 @!p0 $0xC400;
	[sflag:s14] =	ssyncadd.s32 @!p0 $0xFFFFC000;
	s14 =	simm.s32 @!p0 $0x80  }
0x89: {  	[spmem:s2] =	stream.indirect.scatter.add.f32 @!p0 [tilespmem:s22], [sflag:$0x9], $0x80, s15, s14, $0xb8;
	[tilespmem:$0x1B480] =	vst v63  }
0x8a: {  	s14 =	simm.s32 @!p0 $0x9;
	s15 =	sadd.s32 @!p0 $0x4, s12  }
0x8b: {  	_ =	swait.ge @!p0 [sflag:s14], $0x4000;
	p1 =	sge.s32 @!p0 s15, s18  }
0x8c: {  	[sflag:s14] =	ssyncset.done @!p0 $0x0;
	p1 =	por p1, p0  }
0x8d: {  	[sflag:s14] =	ssyncadd.s32 @!p0 $0xFFFFC000;
	s14 =	sshrl.u32 @!p1 s31, $0x3  }
0x8e: {  	s22 =	simm.s32 @!p1 $0x0;
	s23 =	simm.s32 @!p1 $0x180;
	s15 =	sadd.s32 @!p1 s5, s14  }
0x8f: {  	[tilespmem:s23], [sflag:$0x4] =	stream.linear.gather @!p1 [hbm4b:s15+s22], $0x80, $0x38;
	[tilespmem:$0x1B480] =	vst v63  }
0x90: {  	s14 =	sadd.s32 @!p1 s6, s14;
	s15 =	simm.s32 @!p1 $0x380  }
0x91: {  	[tilespmem:s15], [sflag:$0x4] =	stream.linear.gather @!p1 [hbm4b:s14+s22], $0x80, $0x38;
	[tilespmem:$0x1B480] =	vst v63  }
.LBB2_6:
0x92: {  	s12 =	sadd.s32 $0x1, s12  }
0x93: {  	p0 =	sne.s32 s18, s12  }
.Ltmp4:
0x94: {  	_ = 	snop;
	(pc) =	sbr.rel @!p0 .LBB2_7-.Ltmp4, $2  }
0x95: {  	_ =	sdelay $0x2  }
0x96: {  	s31 =	sadd.s32 $0x80, s31  }
.LBB2_3:
0x97: {  	s22 =	sand.u32 $0x3, s12  }
0x98: {  	p0 =	sgt.s32 s22, $0x1  }
.Ltmp5:
0x99: {  	_ = 	snop;
	(pc) =	sbr.rel @p0 .LBB2_5-.Ltmp5, $1  }
0x9a: {  	_ =	sdelay $0x3  }
0x9b: {  	p0 =	seq.s32 s22, $0x0  }
0x9c: {  	p1 =	sge.s32 @p0 s12, s20  }
0x9d: {  	p1 =	por p1, !p0  }
0x9e: {  	s22 =	simm.s32 @!p1 $0x4  }
0x9f: {  	_ =	swait.ge @!p1 [sflag:s22], $0x80  }
0xa0: {  	[sflag:s22] =	ssyncset.done @!p1 $0x0  }
0xa1: {  	[sflag:s22] =	ssyncadd.s32 @!p1 $0xFFFFFF80  }
0xa2: {  	_ =	swait.ge @!p1 [sflag:s22], $0x80  }
0xa3: {  	s14 =	simm.s32 @!p1 $0x180;
	[sflag:s22] =	ssyncset.done @!p1 $0x0  }
0xa4: {  	s23 =	simm.s32 @!p1 $0xC400;
	[sflag:s22] =	ssyncadd.s32 @!p1 $0xFFFFFF80;
	s22 =	simm.s32 @!p1 $0x80  }
0xa5: {  	[tilespmem:s23], [sflag:$0x8] =	stream.indirect.gather @!p1 [hbm4b:s1+s22], $0x80, s14, s22, $0xb8;
	[tilespmem:$0x1B480] =	vst v63  }
0xa6: {  	s14 =	simm.s32 @p0 $0x5  }
0xa7: {  	_ =	swait.ge @p0 [sflag:s14], $0x4000  }
0xa8: {  	s22 =	simm.s32 @p0 $0x200;
	[sflag:s14] =	ssyncset.done @p0 $0x0  }
0xa9: {  	s23 =	simm.s32 @p0 $0x400;
	[sflag:s14] =	ssyncadd.s32 @p0 $0xFFFFC000;
	s14 =	simm.s32 @p0 $0x80  }
0xaa: {  	[spmem:s2] =	stream.indirect.scatter.add.f32 @p0 [tilespmem:s23], [sflag:$0x9], $0x80, s22, s14, $0xb8;
	[tilespmem:$0x1B480] =	vst v63  }
0xab: {  	s14 =	sadd.s32 @p0 $0x4, s12  }
0xac: {  	s22 =	simm.s32 @p0 $0x9;
	p1 =	sge.s32 @p0 s14, s18  }
0xad: {  	_ =	swait.ge @p0 [sflag:s22], $0x4000;
	p1 =	por p1, !p0  }
0xae: {  	[sflag:s22] =	ssyncset.done @p0 $0x0;
	s14 =	sshrl.u32 @!p1 s31, $0x3  }
0xaf: {  	[sflag:s22] =	ssyncadd.s32 @p0 $0xFFFFC000;
	s23 =	simm.s32 @!p1 $0x0;
	s22 =	sadd.s32 @!p1 s5, s14  }
0xb0: {  	[tilespmem:s23], [sflag:$0x1] =	stream.linear.gather @!p1 [hbm4b:s22+s23], $0x80, $0x38;
	[tilespmem:$0x1B480] =	vst v63  }
0xb1: {  	s14 =	sadd.s32 @!p1 s6, s14;
	s22 =	simm.s32 @!p1 $0x200  }
0xb2: {  	[tilespmem:s22], [sflag:$0x1] =	stream.linear.gather @!p1 [hbm4b:s14+s23], $0x80, $0x38;
	[tilespmem:$0x1B480] =	vst v63  }
0xb3: {  	p1 =	sge.s32 @!p0 s12, s20  }
0xb4: {  	p1 =	por p1, p0  }
0xb5: {  	s14 =	simm.s32 @!p1 $0x1  }
0xb6: {  	_ =	swait.ge @!p1 [sflag:s14], $0x80  }
0xb7: {  	[sflag:s14] =	ssyncset.done @!p1 $0x0  }
0xb8: {  	[sflag:s14] =	ssyncadd.s32 @!p1 $0xFFFFFF80  }
0xb9: {  	_ =	swait.ge @!p1 [sflag:s14], $0x80  }
0xba: {  	s22 =	simm.s32 @!p1 $0x0;
	[sflag:s14] =	ssyncset.done @!p1 $0x0  }
0xbb: {  	s23 =	simm.s32 @!p1 $0x400;
	[sflag:s14] =	ssyncadd.s32 @!p1 $0xFFFFFF80;
	s14 =	simm.s32 @!p1 $0x80  }
0xbc: {  	[tilespmem:s23], [sflag:$0x5] =	stream.indirect.gather @!p1 [hbm4b:s1+s14], $0x80, s22, s14, $0xb8;
	[tilespmem:$0x1B480] =	vst v63  }
0xbd: {  	s14 =	simm.s32 @!p0 $0x6  }
0xbe: {  	_ =	swait.ge @!p0 [sflag:s14], $0x4000  }
0xbf: {  	s22 =	simm.s32 @!p0 $0x280;
	[sflag:s14] =	ssyncset.done @!p0 $0x0  }
0xc0: {  	s23 =	simm.s32 @!p0 $0x4400;
	[sflag:s14] =	ssyncadd.s32 @!p0 $0xFFFFC000;
	s14 =	simm.s32 @!p0 $0x80  }
0xc1: {  	[spmem:s2] =	stream.indirect.scatter.add.f32 @!p0 [tilespmem:s23], [sflag:$0x9], $0x80, s22, s14, $0xb8;
	[tilespmem:$0x1B480] =	vst v63  }
0xc2: {  	s14 =	simm.s32 @!p0 $0x9;
	s22 =	sadd.s32 @!p0 $0x4, s12  }
0xc3: {  	_ =	swait.ge @!p0 [sflag:s14], $0x4000;
	p1 =	sge.s32 @!p0 s22, s18  }
0xc4: {  	[sflag:s14] =	ssyncset.done @!p0 $0x0;
	p1 =	por p1, p0  }
.Ltmp6:
0xc5: {  	[sflag:s14] =	ssyncadd.s32 @!p0 $0xFFFFC000;
	s14 =	sshrl.u32 @!p1 s31, $0x3;
	(pc) =	sbr.rel .LBB2_6-.Ltmp6, $4  }
0xc6: {  	s23 =	simm.s32 @!p1 $0x0;
	s15 =	simm.s32 @!p1 $0x80;
	s22 =	sadd.s32 @!p1 s5, s14  }
0xc7: {  	[tilespmem:s15], [sflag:$0x2] =	stream.linear.gather @!p1 [hbm4b:s22+s23], $0x80, $0x38;
	[tilespmem:$0x1B480] =	vst v63  }
0xc8: {  	s14 =	sadd.s32 @!p1 s6, s14;
	s15 =	simm.s32 @!p1 $0x280  }
0xc9: {  	[tilespmem:s15], [sflag:$0x2] =	stream.linear.gather @!p1 [hbm4b:s14+s23], $0x80, $0x38;
	[tilespmem:$0x1B480] =	vst v63  }
.LBB2_7:
0xca: {  	[tilespmem:s11], [sflag:$0x9] =	stream.linear.gather [hbm4b:s19+s4], $0x10, $0x38;
	[tilespmem:$0x1B480] =	vst v63  }
0xcb: {  	_ =	swait.ge [sflag:s3], $0x10  }
0xcc: {  	[sflag:s3] =	ssyncset.done $0x0  }
0xcd: {  	[sflag:s3] =	ssyncadd.s32 $0xFFFFFFF0  }
0xce: {  	v0 =	vld [tilespmem:$0x10400];
	_ =	sdelay $0x4  }
0xcf: {  	(v2sf) =	vpush v0, $0x0;
	_ =	sdelay $0xe  }
0xd0: {  	s12 =	spop (v2sf)  }
0xd1: {  	p0 =	slt.s32 s12, $0x80  }
.Ltmp7:
0xd2: {  	_ = 	snop;
	(pc) =	sbr.rel @p0 .LBB2_13-.Ltmp7, $1  }
0xd3: {  	_ =	sdelay $0x3  }
0xd4: {  	s14 =	rddreg [dreg:$0xe]  }
0xd5: {  	[tilespmem:s4], [sflag:$0x1] =	stream.linear.gather [hbm4b:s14+s4], $0x80, $0x38;
	[tilespmem:$0x1B480] =	vst v63  }
0xd6: {  	s23 =	rddreg [dreg:$0xf];
	s15 =	simm.s32 $0x200  }
0xd7: {  	[tilespmem:s15], [sflag:$0x1] =	stream.linear.gather [hbm4b:s23+s4], $0x80, $0x38;
	[tilespmem:$0x1B480] =	vst v63  }
0xd8: {  	_ =	swait.ge [sflag:s13], $0x80  }
0xd9: {  	[sflag:s13] =	ssyncset.done $0x0  }
0xda: {  	[sflag:s13] =	ssyncadd.s32 $0xFFFFFF80  }
0xdb: {  	_ =	swait.ge [sflag:s13], $0x80  }
0xdc: {  	s18 =	simm.s32 $0x80;
	[sflag:s13] =	ssyncset.done $0x0  }
0xdd: {  	s20 =	simm.s32 $0x400;
	p0 =	slt.u32 s12, $0x100;
	[sflag:s13] =	ssyncadd.s32 $0xFFFFFF80  }
0xde: {  	[tilespmem:s20], [sflag:$0x5] =	stream.indirect.gather [hbm4b:s1+s18], $0x80, s4, s18, $0xb8;
	[tilespmem:$0x1B480] =	vst v63  }
0xdf: {  	s14 =	simm.s32 @!p0 $0x0;
	s15 =	simm.s32 @!p0 $0x80;
	s18 =	rddreg [dreg:$0xc]  }
0xe0: {  	[tilespmem:s15], [sflag:$0x2] =	stream.linear.gather @!p0 [hbm4b:s18+s14], $0x80, $0x38;
	[tilespmem:$0x1B480] =	vst v63  }
0xe1: {  	s20 =	rddreg [dreg:$0xd];
	s18 =	simm.s32 @!p0 $0x280  }
0xe2: {  	[tilespmem:s18], [sflag:$0x2] =	stream.linear.gather @!p0 [hbm4b:s20+s14], $0x80, $0x38;
	[tilespmem:$0x1B480] =	vst v63  }
0xe3: {  	s14 =	simm.s32 @!p0 $0x2  }
0xe4: {  	_ =	swait.ge @!p0 [sflag:s14], $0x80  }
0xe5: {  	[sflag:s14] =	ssyncset.done @!p0 $0x0  }
0xe6: {  	[sflag:s14] =	ssyncadd.s32 @!p0 $0xFFFFFF80  }
0xe7: {  	_ =	swait.ge @!p0 [sflag:s14], $0x80  }
0xe8: {  	p1 =	slt.u32 @!p0 s12, $0x180;
	[sflag:s14] =	ssyncset.done @!p0 $0x0  }
0xe9: {  	p2 =	por p1, p0;
	[sflag:s14] =	ssyncadd.s32 @!p0 $0xFFFFFF80;
	s14 =	simm.s32 @!p0 $0x4400  }
0xea: {  	[tilespmem:s14], [sflag:$0x6] =	stream.indirect.gather @!p0 [hbm4b:s1+s15], $0x80, s15, s15, $0xb8;
	[tilespmem:$0x1B480] =	vst v63  }
0xeb: {  	s14 =	simm.s32 @!p2 $0x0;
	s15 =	simm.s32 @!p2 $0x100  }
0xec: {  	[tilespmem:s15], [sflag:$0x3] =	stream.linear.gather @!p2 [hbm4b:s24+s14], $0x80, $0x38;
	[tilespmem:$0x1B480] =	vst v63  }
0xed: {  	s18 =	simm.s32 @!p2 $0x300  }
0xee: {  	[tilespmem:s18], [sflag:$0x3] =	stream.linear.gather @!p2 [hbm4b:s25+s14], $0x80, $0x38;
	[tilespmem:$0x1B480] =	vst v63  }
0xef: {  	s14 =	simm.s32 @!p2 $0x3  }
0xf0: {  	_ =	swait.ge @!p2 [sflag:s14], $0x80  }
0xf1: {  	[sflag:s14] =	ssyncset.done @!p2 $0x0  }
0xf2: {  	[sflag:s14] =	ssyncadd.s32 @!p2 $0xFFFFFF80  }
0xf3: {  	_ =	swait.ge @!p2 [sflag:s14], $0x80  }
0xf4: {  	[sflag:s14] =	ssyncset.done @!p2 $0x0  }
0xf5: {  	s18 =	simm.s32 @!p2 $0x8400;
	[sflag:s14] =	ssyncadd.s32 @!p2 $0xFFFFFF80;
	s14 =	simm.s32 @!p2 $0x80  }
0xf6: {  	[tilespmem:s18], [sflag:$0x7] =	stream.indirect.gather @!p2 [hbm4b:s1+s14], $0x80, s15, s14, $0xb8;
	[tilespmem:$0x1B480] =	vst v63  }
0xf7: {  	s22 =	sshra.s32 s12, $0x1F;
	p2 =	slt.u32 @!p2 s12, $0x200  }
0xf8: {  	s14 =	sshrl.u32 s22, $0x19;
	p1 =	por @!p0 p2, p1  }
0xf9: {  	s23 =	sadd.s32 s14, s12;
	p0 =	por p1, p0  }
.Ltmp8:
0xfa: {  	s15 =	simm.s32 @!p0 $0x0;
	s18 =	simm.s32 @!p0 $0x180;
	(pc) =	sbr.rel .LBB2_9-.Ltmp8, $4  }
0xfb: {  	[tilespmem:s18], [sflag:$0x4] =	stream.linear.gather @!p0 [hbm4b:s26+s15], $0x80, $0x38;
	[tilespmem:$0x1B480] =	vst v63  }
0xfc: {  	s31 =	smov.u32 s0;
	s18 =	sshra.s32 s23, $0x7  }
0xfd: {  	s12 =	simm.s32 $0x0;
	s14 =	simm.s32 @!p0 $0x380;
	s20 =	sadd.s32 $0xFFFFFFFD, s18  }
0xfe: {  	[tilespmem:s14], [sflag:$0x4] =	stream.linear.gather @!p0 [hbm4b:s28+s15], $0x80, $0x38;
	[tilespmem:$0x1B480] =	vst v63  }
.LBB2_11:
0xff: {  	p0 =	seq.s32 s22, $0x2  }
0x100: {  	p1 =	sge.s32 @p0 s12, s20  }
0x101: {  	p1 =	por p1, !p0  }
0x102: {  	s14 =	simm.s32 @!p1 $0x2  }
0x103: {  	_ =	swait.ge @!p1 [sflag:s14], $0x80  }
0x104: {  	[sflag:s14] =	ssyncset.done @!p1 $0x0  }
0x105: {  	[sflag:s14] =	ssyncadd.s32 @!p1 $0xFFFFFF80  }
0x106: {  	_ =	swait.ge @!p1 [sflag:s14], $0x80  }
0x107: {  	[sflag:s14] =	ssyncset.done @!p1 $0x0  }
0x108: {  	s15 =	simm.s32 @!p1 $0x4400;
	[sflag:s14] =	ssyncadd.s32 @!p1 $0xFFFFFF80;
	s14 =	simm.s32 @!p1 $0x80  }
0x109: {  	[tilespmem:s15], [sflag:$0x6] =	stream.indirect.gather @!p1 [hbm4b:s1+s14], $0x80, s14, s14, $0xb8;
	[tilespmem:$0x1B480] =	vst v63  }
0x10a: {  	s14 =	simm.s32 @p0 $0x7  }
0x10b: {  	_ =	swait.ge @p0 [sflag:s14], $0x4000  }
0x10c: {  	s22 =	simm.s32 @p0 $0x8400;
	[sflag:s14] =	ssyncset.done @p0 $0x0  }
0x10d: {  	s15 =	simm.s32 @p0 $0x300;
	[sflag:s14] =	ssyncadd.s32 @p0 $0xFFFFC000;
	s14 =	simm.s32 @p0 $0x80  }
0x10e: {  	[spmem:s2] =	stream.indirect.scatter.add.f32 @p0 [tilespmem:s22], [sflag:$0x9], $0x80, s15, s14, $0xb8;
	[tilespmem:$0x1B480] =	vst v63  }
0x10f: {  	s14 =	simm.s32 @p0 $0x9;
	s15 =	sadd.s32 @p0 $0x4, s12  }
0x110: {  	_ =	swait.ge @p0 [sflag:s14], $0x4000;
	p1 =	sge.s32 @p0 s15, s18  }
0x111: {  	[sflag:s14] =	ssyncset.done @p0 $0x0;
	p1 =	por p1, !p0  }
0x112: {  	[sflag:s14] =	ssyncadd.s32 @p0 $0xFFFFC000;
	s14 =	sshrl.u32 @!p1 s31, $0x3  }
0x113: {  	s22 =	simm.s32 @!p1 $0x0;
	s23 =	simm.s32 @!p1 $0x100;
	s15 =	sadd.s32 @!p1 s5, s14  }
0x114: {  	[tilespmem:s23], [sflag:$0x3] =	stream.linear.gather @!p1 [hbm4b:s15+s22], $0x80, $0x38;
	[tilespmem:$0x1B480] =	vst v63  }
0x115: {  	s14 =	sadd.s32 @!p1 s6, s14;
	s15 =	simm.s32 @!p1 $0x300  }
0x116: {  	[tilespmem:s15], [sflag:$0x3] =	stream.linear.gather @!p1 [hbm4b:s14+s22], $0x80, $0x38;
	[tilespmem:$0x1B480] =	vst v63  }
0x117: {  	p1 =	sge.s32 @!p0 s12, s20  }
0x118: {  	p1 =	por p1, p0  }
0x119: {  	s14 =	simm.s32 @!p1 $0x3  }
0x11a: {  	_ =	swait.ge @!p1 [sflag:s14], $0x80  }
0x11b: {  	[sflag:s14] =	ssyncset.done @!p1 $0x0  }
0x11c: {  	[sflag:s14] =	ssyncadd.s32 @!p1 $0xFFFFFF80  }
0x11d: {  	_ =	swait.ge @!p1 [sflag:s14], $0x80  }
0x11e: {  	s15 =	simm.s32 @!p1 $0x100;
	[sflag:s14] =	ssyncset.done @!p1 $0x0  }
0x11f: {  	s22 =	simm.s32 @!p1 $0x8400;
	[sflag:s14] =	ssyncadd.s32 @!p1 $0xFFFFFF80;
	s14 =	simm.s32 @!p1 $0x80  }
0x120: {  	[tilespmem:s22], [sflag:$0x7] =	stream.indirect.gather @!p1 [hbm4b:s1+s14], $0x80, s15, s14, $0xb8;
	[tilespmem:$0x1B480] =	vst v63  }
0x121: {  	s14 =	simm.s32 @!p0 $0x8  }
0x122: {  	_ =	swait.ge @!p0 [sflag:s14], $0x4000  }
0x123: {  	s15 =	simm.s32 @!p0 $0x380;
	[sflag:s14] =	ssyncset.done @!p0 $0x0  }
0x124: {  	s22 =	simm.s32 @!p0 $0xC400;
	[sflag:s14] =	ssyncadd.s32 @!p0 $0xFFFFC000;
	s14 =	simm.s32 @!p0 $0x80  }
0x125: {  	[spmem:s2] =	stream.indirect.scatter.add.f32 @!p0 [tilespmem:s22], [sflag:$0x9], $0x80, s15, s14, $0xb8;
	[tilespmem:$0x1B480] =	vst v63  }
0x126: {  	s14 =	simm.s32 @!p0 $0x9;
	s15 =	sadd.s32 @!p0 $0x4, s12  }
0x127: {  	_ =	swait.ge @!p0 [sflag:s14], $0x4000;
	p1 =	sge.s32 @!p0 s15, s18  }
0x128: {  	[sflag:s14] =	ssyncset.done @!p0 $0x0;
	p1 =	por p1, p0  }
0x129: {  	[sflag:s14] =	ssyncadd.s32 @!p0 $0xFFFFC000;
	s14 =	sshrl.u32 @!p1 s31, $0x3  }
0x12a: {  	s22 =	simm.s32 @!p1 $0x0;
	s23 =	simm.s32 @!p1 $0x180;
	s15 =	sadd.s32 @!p1 s5, s14  }
0x12b: {  	[tilespmem:s23], [sflag:$0x4] =	stream.linear.gather @!p1 [hbm4b:s15+s22], $0x80, $0x38;
	[tilespmem:$0x1B480] =	vst v63  }
0x12c: {  	s14 =	sadd.s32 @!p1 s6, s14;
	s15 =	simm.s32 @!p1 $0x380  }
0x12d: {  	[tilespmem:s15], [sflag:$0x4] =	stream.linear.gather @!p1 [hbm4b:s14+s22], $0x80, $0x38;
	[tilespmem:$0x1B480] =	vst v63  }
.LBB2_12:
0x12e: {  	s12 =	sadd.s32 $0x1, s12  }
0x12f: {  	p0 =	sne.s32 s18, s12  }
.Ltmp9:
0x130: {  	_ = 	snop;
	(pc) =	sbr.rel @!p0 .LBB2_13-.Ltmp9, $2  }
0x131: {  	_ =	sdelay $0x2  }
0x132: {  	s31 =	sadd.s32 $0x80, s31  }
.LBB2_9:
0x133: {  	s22 =	sand.u32 $0x3, s12  }
0x134: {  	p0 =	sgt.s32 s22, $0x1  }
.Ltmp10:
0x135: {  	_ = 	snop;
	(pc) =	sbr.rel @p0 .LBB2_11-.Ltmp10, $1  }
0x136: {  	_ =	sdelay $0x3  }
0x137: {  	p0 =	seq.s32 s22, $0x0  }
0x138: {  	p1 =	sge.s32 @p0 s12, s20  }
0x139: {  	p1 =	por p1, !p0  }
0x13a: {  	s14 =	simm.s32 @!p1 $0x4  }
0x13b: {  	_ =	swait.ge @!p1 [sflag:s14], $0x80  }
0x13c: {  	[sflag:s14] =	ssyncset.done @!p1 $0x0  }
0x13d: {  	[sflag:s14] =	ssyncadd.s32 @!p1 $0xFFFFFF80  }
0x13e: {  	_ =	swait.ge @!p1 [sflag:s14], $0x80  }
0x13f: {  	s15 =	simm.s32 @!p1 $0x180;
	[sflag:s14] =	ssyncset.done @!p1 $0x0  }
0x140: {  	s22 =	simm.s32 @!p1 $0xC400;
	[sflag:s14] =	ssyncadd.s32 @!p1 $0xFFFFFF80;
	s14 =	simm.s32 @!p1 $0x80  }
0x141: {  	[tilespmem:s22], [sflag:$0x8] =	stream.indirect.gather @!p1 [hbm4b:s1+s14], $0x80, s15, s14, $0xb8;
	[tilespmem:$0x1B480] =	vst v63  }
0x142: {  	s14 =	simm.s32 @p0 $0x5  }
0x143: {  	_ =	swait.ge @p0 [sflag:s14], $0x4000  }
0x144: {  	s15 =	simm.s32 @p0 $0x200;
	[sflag:s14] =	ssyncset.done @p0 $0x0  }
0x145: {  	s22 =	simm.s32 @p0 $0x400;
	[sflag:s14] =	ssyncadd.s32 @p0 $0xFFFFC000;
	s14 =	simm.s32 @p0 $0x80  }
0x146: {  	[spmem:s2] =	stream.indirect.scatter.add.f32 @p0 [tilespmem:s22], [sflag:$0x9], $0x80, s15, s14, $0xb8;
	[tilespmem:$0x1B480] =	vst v63  }
0x147: {  	s14 =	sadd.s32 @p0 $0x4, s12  }
0x148: {  	s15 =	simm.s32 @p0 $0x9;
	p1 =	sge.s32 @p0 s14, s18  }
0x149: {  	_ =	swait.ge @p0 [sflag:s15], $0x4000;
	p1 =	por p1, !p0  }
0x14a: {  	[sflag:s15] =	ssyncset.done @p0 $0x0;
	s14 =	sshrl.u32 @!p1 s31, $0x3  }
0x14b: {  	[sflag:s15] =	ssyncadd.s32 @p0 $0xFFFFC000;
	s22 =	simm.s32 @!p1 $0x0;
	s15 =	sadd.s32 @!p1 s5, s14  }
0x14c: {  	[tilespmem:s22], [sflag:$0x1] =	stream.linear.gather @!p1 [hbm4b:s15+s22], $0x80, $0x38;
	[tilespmem:$0x1B480] =	vst v63  }
0x14d: {  	s14 =	sadd.s32 @!p1 s6, s14;
	s15 =	simm.s32 @!p1 $0x200  }
0x14e: {  	[tilespmem:s15], [sflag:$0x1] =	stream.linear.gather @!p1 [hbm4b:s14+s22], $0x80, $0x38;
	[tilespmem:$0x1B480] =	vst v63  }
0x14f: {  	p1 =	sge.s32 @!p0 s12, s20  }
0x150: {  	p1 =	por p1, p0  }
0x151: {  	s14 =	simm.s32 @!p1 $0x1  }
0x152: {  	_ =	swait.ge @!p1 [sflag:s14], $0x80  }
0x153: {  	[sflag:s14] =	ssyncset.done @!p1 $0x0  }
0x154: {  	[sflag:s14] =	ssyncadd.s32 @!p1 $0xFFFFFF80  }
0x155: {  	_ =	swait.ge @!p1 [sflag:s14], $0x80  }
0x156: {  	s15 =	simm.s32 @!p1 $0x0;
	[sflag:s14] =	ssyncset.done @!p1 $0x0  }
0x157: {  	s22 =	simm.s32 @!p1 $0x400;
	[sflag:s14] =	ssyncadd.s32 @!p1 $0xFFFFFF80;
	s14 =	simm.s32 @!p1 $0x80  }
0x158: {  	[tilespmem:s22], [sflag:$0x5] =	stream.indirect.gather @!p1 [hbm4b:s1+s14], $0x80, s15, s14, $0xb8;
	[tilespmem:$0x1B480] =	vst v63  }
0x159: {  	s14 =	simm.s32 @!p0 $0x6  }
0x15a: {  	_ =	swait.ge @!p0 [sflag:s14], $0x4000  }
0x15b: {  	s15 =	simm.s32 @!p0 $0x280;
	[sflag:s14] =	ssyncset.done @!p0 $0x0  }
0x15c: {  	s22 =	simm.s32 @!p0 $0x4400;
	[sflag:s14] =	ssyncadd.s32 @!p0 $0xFFFFC000;
	s14 =	simm.s32 @!p0 $0x80  }
0x15d: {  	[spmem:s2] =	stream.indirect.scatter.add.f32 @!p0 [tilespmem:s22], [sflag:$0x9], $0x80, s15, s14, $0xb8;
	[tilespmem:$0x1B480] =	vst v63  }
0x15e: {  	s14 =	simm.s32 @!p0 $0x9;
	s15 =	sadd.s32 @!p0 $0x4, s12  }
0x15f: {  	_ =	swait.ge @!p0 [sflag:s14], $0x4000;
	p1 =	sge.s32 @!p0 s15, s18  }
0x160: {  	[sflag:s14] =	ssyncset.done @!p0 $0x0;
	p1 =	por p1, p0  }
.Ltmp11:
0x161: {  	[sflag:s14] =	ssyncadd.s32 @!p0 $0xFFFFC000;
	s14 =	sshrl.u32 @!p1 s31, $0x3;
	(pc) =	sbr.rel .LBB2_12-.Ltmp11, $4  }
0x162: {  	s22 =	simm.s32 @!p1 $0x0;
	s23 =	simm.s32 @!p1 $0x80;
	s15 =	sadd.s32 @!p1 s5, s14  }
0x163: {  	[tilespmem:s23], [sflag:$0x2] =	stream.linear.gather @!p1 [hbm4b:s15+s22], $0x80, $0x38;
	[tilespmem:$0x1B480] =	vst v63  }
0x164: {  	s14 =	sadd.s32 @!p1 s6, s14;
	s15 =	simm.s32 @!p1 $0x280  }
0x165: {  	[tilespmem:s15], [sflag:$0x2] =	stream.linear.gather @!p1 [hbm4b:s14+s22], $0x80, $0x38;
	[tilespmem:$0x1B480] =	vst v63  }
.LBB2_14:
0x166: {  	_ =	sfence.sel $0x180000  }
0x167: {  	[bflag:$0x0] =	sbarrier.arrive $0xFFFF  }
0x168: {  	_ =	strace $0x9000004A  }
0x169: {  	s0 =	stileid.u32;
	[bflag:$0x2] =	sbarrier.arrive $0xFFFF  }
0x16a: {  	p0 =	sne.s32 s0, $0x0;
	s0 =	rddreg [dreg:$0x3]  }
0x16b: {  	s0 =	sadd.s32 @!p0 $0x100000, s0  }
0x16c: {  	[sflag:s0] =	ssyncadd.tile.s32 @!p0 $0x1;
	_ =	shalt  }
.Lfunc_end2:
_tile_overlayer_lowered:
.L_overlay_start_2:
0x16d: {  	(tag) =	ssettag $0x2  }
0x16e: {  	s0 =	rddreg [dreg:$0x0];
	s2 =	stileid.u32  }
0x16f: {  	s1 =	rddreg [dreg:$0x1];
	p0 =	sne.s32 s2, $0x0  }
0x170: {  	s3 =	rddreg [dreg:$0x2];
	[bflag:$0x3] =	sbarrier.arrive $0xFFFF;
	s2 =	simm.s32 @!p0 $0x1C09  }
0x171: {  	[timem:s3], [sflag:s2] =	dma.local @!p0 [hbm:s0], s1  }
0x172: {  	s0 =	simm.s32 @!p0 $0x9  }
0x173: {  	_ =	swait.ge @!p0 [sflag:s0], s1  }
0x174: {  	s1 =	ssub.s32 @!p0 $0x0, s1;
	[sflag:s0] =	ssyncset.done @!p0 $0x0  }
0x175: {  	[sflag:s0] =	ssyncadd.s32 @!p0 s1  }
0x176: {  	[bflag:$0x3] =	sbarrier.arrive $0xFFFF  }
0x177: {  	_ =	shalt  }

</sc_bundles>
